<compile_context>
chip_gen: v7x
topology: tpu7x:2x2x1
jax: 0.10.2.dev20260603
libtpu: 0.0.44.dev20260713+nightly
codegen_flags: <defaults>
</compile_context>

<pallas_src>
import functools

import jax
import jax.numpy as jnp
from jax import lax
from jax.experimental import pallas as pl
from jax.experimental.pallas import tpu as pltpu
from jax.experimental.pallas import tpu_sc as plsc

BATCH = 16384
D = 32
NC = 2
NS = 16
L = 16
NW = NC * NS
BPW = BATCH // NW
NG = BPW // L
RING = 8
WID = 128


_mesh = plsc.VectorSubcoreMesh(
    core_axis_name="c", subcore_axis_name="s", num_cores=NC, num_subcores=NS
)


@functools.partial(
    pl.kernel,
    out_type=jax.ShapeDtypeStruct((BATCH,), jnp.float32),
    mesh=_mesh,
    compiler_params=pltpu.CompilerParams(
        needs_layout_passes=False, use_tc_tiling_on_sc=True
    ),
    scratch_types=[
        pltpu.VMEM((BPW,), jnp.int32),
        pltpu.VMEM((BPW,), jnp.int32),
        pltpu.VMEM((RING, D, WID), jnp.float32),
        pltpu.VMEM((RING, D, WID), jnp.float32),
        pltpu.VMEM((BPW,), jnp.float32),
        pltpu.SemaphoreType.DMA((RING,)),
    ],
)
def _mf_kernel(user_hbm, item_hbm, utT_hbm, itT_hbm, out_hbm,
               uidx, iidx, ubuf, ibuf, outv, sem):
    wid = lax.axis_index("s") * NC + lax.axis_index("c")
    base = wid * BPW

    pltpu.sync_copy(user_hbm.at[pl.ds(base, BPW)], uidx)
    pltpu.sync_copy(item_hbm.at[pl.ds(base, BPW)], iidx)

    lane = lax.iota(jnp.int32, L)
    dlo = lane
    dhi = lane + L

    def fire(uv, iv, k, slot):
        ru = jnp.bitwise_and(uv[k], ~127)
        ri = jnp.bitwise_and(iv[k], ~127)
        pltpu.async_copy(utT_hbm.at[:, pl.ds(pl.multiple_of(ru, WID), WID)],
                         ubuf.at[slot], sem.at[slot])
        pltpu.async_copy(itT_hbm.at[:, pl.ds(pl.multiple_of(ri, WID), WID)],
                         ibuf.at[slot], sem.at[slot])

    def drain_compute(uv, iv, k, slot, acc):
        ru = jnp.bitwise_and(uv[k], ~127)
        ri = jnp.bitwise_and(iv[k], ~127)
        pltpu.make_async_copy(
            utT_hbm.at[:, pl.ds(pl.multiple_of(ru, WID), WID)],
            ubuf.at[slot], sem.at[slot]).wait()
        pltpu.make_async_copy(
            itT_hbm.at[:, pl.ds(pl.multiple_of(ri, WID), WID)],
            ibuf.at[slot], sem.at[slot]).wait()
        sv = jnp.full((L,), slot, jnp.int32)
        lu = jnp.full((L,), jnp.bitwise_and(uv[k], 127), jnp.int32)
        li = jnp.full((L,), jnp.bitwise_and(iv[k], 127), jnp.int32)
        p = (plsc.load_gather(ubuf, [sv, dlo, lu])
             * plsc.load_gather(ibuf, [sv, dlo, li])
             + plsc.load_gather(ubuf, [sv, dhi, lu])
             * plsc.load_gather(ibuf, [sv, dhi, li]))
        s = jnp.sum(p)
        return jnp.where(lane == k, s, acc)

    uv0 = uidx[pl.ds(0, L)]
    iv0 = iidx[pl.ds(0, L)]
    for e in range(RING):
        fire(uv0, iv0, e, e)

    def group_body(g, carry):
        uvp, ivp, acc = carry
        uv = uidx[pl.ds(g * L, L)]
        iv = iidx[pl.ds(g * L, L)]

        @pl.when(g > 0)
        def _():
            a = acc
            for e in range(RING):
                a = drain_compute(uvp, ivp, RING + e, e, a)
            outv[pl.ds((g - 1) * L, L)] = a

        @pl.when(g > 0)
        def _():
            for e in range(RING):
                fire(uv, iv, e, e)

        acc2 = jnp.zeros((L,), jnp.float32)
        for e in range(RING):
            acc2 = drain_compute(uv, iv, e, e, acc2)
            fire(uv, iv, RING + e, e)

        return uv, iv, acc2

    uvl, ivl, accl = lax.fori_loop(
        0, NG, group_body,
        (uv0, iv0, jnp.zeros((L,), jnp.float32)))

    for e in range(RING):
        accl = drain_compute(uvl, ivl, RING + e, e, accl)
    outv[pl.ds((NG - 1) * L, L)] = accl

    pltpu.sync_copy(outv, out_hbm.at[pl.ds(base, BPW)])


def kernel(user, item, user_table, item_table):
    return _mf_kernel(user, item, user_table.T, item_table.T)

# --- scband reference (transcript-rebuilt; emitter-appended) ---
"""Pipeline reference for scband-matrix-factorization-80461917323598 (READ-ONLY COPY).

The authoritative reference and input builder live on the scoring server;
editing this copy changes nothing except your own understanding.
"""

import jax, jax.numpy as jnp
import numpy as np

NUM_USERS = 1000000
NUM_ITEMS = 1000000
EMBED_DIM = 32
BATCH = 16384

def setup_inputs(seed: int = 0) -> dict:
    key = jax.random.key(seed)
    k1, k2, k3, k4 = jax.random.split(key, 4)
    user = jax.random.randint(k1, (BATCH,), 0, NUM_USERS, dtype=jnp.int64 if jax.config.jax_enable_x64 else jnp.int32).astype(jnp.int32)
    item = jax.random.randint(k2, (BATCH,), 0, NUM_ITEMS, dtype=jnp.int64 if jax.config.jax_enable_x64 else jnp.int32).astype(jnp.int32)
    user_table = jax.random.normal(k3, (NUM_USERS, EMBED_DIM), dtype=jnp.float32)
    item_table = jax.random.normal(k4, (NUM_ITEMS, EMBED_DIM), dtype=jnp.float32)
    return {"user": user, "item": item, "user_table": user_table, "item_table": item_table}

def reference(user, item, user_table, item_table):
    user_emb = jnp.take(user_table, user, axis=0)
    item_emb = jnp.take(item_table, item, axis=0)
    output = jnp.sum(user_emb * item_emb, axis=-1)
    return output

if __name__ == "__main__":
    import jax
    _d = setup_inputs()
    print(jax.jit(kernel)(*tuple(_d.values())))

</pallas_src>

<mosaic_0001>
#map = affine_map<(d0, d1) -> (0)>
#map1 = affine_map<(d0, d1) -> (0, 0)>
module attributes {stable_mosaic.version = 14 : i64} {
  func.func @_mf_kernel(%arg0: i32, %arg1: i32, %arg2: memref<16384xi32, #tpu.memory_space<hbm>>, %arg3: memref<16384xi32, #tpu.memory_space<hbm>>, %arg4: memref<32x1000000xf32, #tpu.memory_space<hbm>>, %arg5: memref<32x1000000xf32, #tpu.memory_space<hbm>>, %arg6: memref<16384xf32, #tpu.memory_space<hbm>>, %arg7: memref<512xi32, #tpu.memory_space<vmem>>, %arg8: memref<512xi32, #tpu.memory_space<vmem>>, %arg9: memref<8x32x128xf32, #tpu.memory_space<vmem>>, %arg10: memref<8x32x128xf32, #tpu.memory_space<vmem>>, %arg11: memref<512xf32, #tpu.memory_space<vmem>>, %arg12: memref<8x!tpu.dma_semaphore, #tpu.memory_space<semaphore_mem>>) attributes {dimension_semantics = [#tpu.dimension_semantics<core_parallel>, #tpu.dimension_semantics<subcore_parallel>], iteration_bounds = array<i64: 2, 16>, scalar_prefetch = 0 : i64, scratch_operands = 6 : i64, tpu.core_type = #tpu.core_type<sc_vector_subcore>, window_params = [{transform_indices = #map}, {transform_indices = #map}, {transform_indices = #map1}, {transform_indices = #map1}, {transform_indices = #map}]} {
    %mul3A = arith.constant 2 : i32
    %mul3A_0 = arith.muli %arg1, %mul3A : i32
    %add3A = arith.addi %mul3A_0, %arg0 : i32
    %mul3A_1 = arith.constant 512 : i32
    %mul3A_2 = arith.muli %add3A, %mul3A_1 : i32
    "tpu.region"() ({
      %run_scoped3A = tpu.sem_alloc : memref<!tpu.dma_semaphore, #tpu.memory_space<semaphore_mem>>
      %dma_start3A_902 = tpu.memref_slice %arg2[%mul3A_2] : memref<16384xi32, #tpu.memory_space<hbm>> -> memref<512xi32, #tpu.memory_space<hbm>>
      %dma_start3A_903 = tpu.memref_slice %arg2[%mul3A_2] : memref<16384xi32, #tpu.memory_space<hbm>> -> memref<512xi32, #tpu.memory_space<hbm>>
      tpu.enqueue_dma source(%dma_start3A_903 : memref<512xi32, #tpu.memory_space<hbm>>) target(%arg7 : memref<512xi32, #tpu.memory_space<vmem>>) target_semaphore(%run_scoped3A : memref<!tpu.dma_semaphore, #tpu.memory_space<semaphore_mem>>)
      %dma_wait3A_904 = tpu.memref_slice %arg2[%mul3A_2] : memref<16384xi32, #tpu.memory_space<hbm>> -> memref<512xi32, #tpu.memory_space<hbm>>
      %dma_wait3A_905 = tpu.memref_slice %arg2[%mul3A_2] : memref<16384xi32, #tpu.memory_space<hbm>> -> memref<512xi32, #tpu.memory_space<hbm>>
      tpu.wait_dma2 semaphore(%run_scoped3A : memref<!tpu.dma_semaphore, #tpu.memory_space<semaphore_mem>>) src(%dma_wait3A_905 : memref<512xi32, #tpu.memory_space<hbm>>) dst(%arg7 : memref<512xi32, #tpu.memory_space<vmem>>)
      tpu.yield
    }) : () -> ()
    "tpu.region"() ({
      %run_scoped3A = tpu.sem_alloc : memref<!tpu.dma_semaphore, #tpu.memory_space<semaphore_mem>>
      %dma_start3A_902 = tpu.memref_slice %arg3[%mul3A_2] : memref<16384xi32, #tpu.memory_space<hbm>> -> memref<512xi32, #tpu.memory_space<hbm>>
      %dma_start3A_903 = tpu.memref_slice %arg3[%mul3A_2] : memref<16384xi32, #tpu.memory_space<hbm>> -> memref<512xi32, #tpu.memory_space<hbm>>
      tpu.enqueue_dma source(%dma_start3A_903 : memref<512xi32, #tpu.memory_space<hbm>>) target(%arg8 : memref<512xi32, #tpu.memory_space<vmem>>) target_semaphore(%run_scoped3A : memref<!tpu.dma_semaphore, #tpu.memory_space<semaphore_mem>>)
      %dma_wait3A_904 = tpu.memref_slice %arg3[%mul3A_2] : memref<16384xi32, #tpu.memory_space<hbm>> -> memref<512xi32, #tpu.memory_space<hbm>>
      %dma_wait3A_905 = tpu.memref_slice %arg3[%mul3A_2] : memref<16384xi32, #tpu.memory_space<hbm>> -> memref<512xi32, #tpu.memory_space<hbm>>
      tpu.wait_dma2 semaphore(%run_scoped3A : memref<!tpu.dma_semaphore, #tpu.memory_space<semaphore_mem>>) src(%dma_wait3A_905 : memref<512xi32, #tpu.memory_space<hbm>>) dst(%arg8 : memref<512xi32, #tpu.memory_space<vmem>>)
      tpu.yield
    }) : () -> ()
    %iota3A = tpu.iota {dimensions = array<i32: 0>} : vector<16xi32>
    %add3A_3 = arith.constant 16 : i32
    %add3A_4 = vector.broadcast %add3A_3 : i32 to vector<16xi32>
    %add3A_5 = arith.addi %iota3A, %add3A_4 : vector<16xi32>
    %get3A = arith.constant 0 : index
    %get3A_6 = tpu.vector_load %arg7[%get3A] {strides = array<i32>} : memref<512xi32, #tpu.memory_space<vmem>>, vector<16xi32>,
    %get3A_7 = arith.constant 0 : index
    %get3A_8 = tpu.vector_load %arg8[%get3A_7] {strides = array<i32>} : memref<512xi32, #tpu.memory_space<vmem>>, vector<16xi32>,
    %slice3A = vector.extract_strided_slice %get3A_6 {offsets = [0], sizes = [1], strides = [1]} : vector<16xi32> to vector<1xi32>
    %squeeze3A = vector.extract %slice3A[0] : i32 from vector<1xi32>
    %and3A = arith.constant -128 : i32
    %and3A_9 = arith.andi %squeeze3A, %and3A : i32
    %slice3A_10 = vector.extract_strided_slice %get3A_8 {offsets = [0], sizes = [1], strides = [1]} : vector<16xi32> to vector<1xi32>
    %squeeze3A_11 = vector.extract %slice3A_10[0] : i32 from vector<1xi32>
    %and3A_12 = arith.constant -128 : i32
    %and3A_13 = arith.andi %squeeze3A_11, %and3A_12 : i32
    %multiple_of3A = tpu.assume_multiple %and3A_9, 128 : i32
    %dma_start3A = arith.constant 0 : i32
    %dma_start3A_14 = arith.constant 0 : i32
    %dma_start3A_15 = arith.constant 0 : i32
    %dma_start3A_16 = arith.constant 0 : i32
    %dma_start3A_17 = tpu.memref_slice %arg9[%dma_start3A, %dma_start3A_15, %dma_start3A_16] : memref<8x32x128xf32, #tpu.memory_space<vmem>> -> memref<1x32x128xf32, #tpu.memory_space<vmem>>
    %dma_start3A_18 = tpu.memref_squeeze %dma_start3A_17 : memref<1x32x128xf32, #tpu.memory_space<vmem>> -> memref<32x128xf32, #tpu.memory_space<vmem>>
    %dma_start3A_19 = arith.constant 0 : i32
    %dma_start3A_20 = tpu.memref_slice %arg4[%dma_start3A_19, %multiple_of3A] : memref<32x1000000xf32, #tpu.memory_space<hbm>> -> memref<32x128xf32, #tpu.memory_space<hbm>>
    %dma_start3A_21 = tpu.memref_slice %arg12[%dma_start3A_14] : memref<8x!tpu.dma_semaphore, #tpu.memory_space<semaphore_mem>> -> memref<1x!tpu.dma_semaphore, #tpu.memory_space<semaphore_mem>>
    %dma_start3A_22 = tpu.memref_squeeze %dma_start3A_21 : memref<1x!tpu.dma_semaphore, #tpu.memory_space<semaphore_mem>> -> memref<!tpu.dma_semaphore, #tpu.memory_space<semaphore_mem>>
    %dma_start3A_23 = arith.constant 0 : i32
    %dma_start3A_24 = arith.constant 0 : i32
    %dma_start3A_25 = tpu.memref_slice %arg9[%dma_start3A, %dma_start3A_23, %dma_start3A_24] : memref<8x32x128xf32, #tpu.memory_space<vmem>> -> memref<1x32x128xf32, #tpu.memory_space<vmem>>
    %dma_start3A_26 = tpu.memref_squeeze %dma_start3A_25 : memref<1x32x128xf32, #tpu.memory_space<vmem>> -> memref<32x128xf32, #tpu.memory_space<vmem>>
    %dma_start3A_27 = arith.constant 0 : i32
    %dma_start3A_28 = tpu.memref_slice %arg4[%dma_start3A_27, %multiple_of3A] : memref<32x1000000xf32, #tpu.memory_space<hbm>> -> memref<32x128xf32, #tpu.memory_space<hbm>>
    tpu.enqueue_dma source(%dma_start3A_28 : memref<32x128xf32, #tpu.memory_space<hbm>>) target(%dma_start3A_26 : memref<32x128xf32, #tpu.memory_space<vmem>>) target_semaphore(%dma_start3A_22 : memref<!tpu.dma_semaphore, #tpu.memory_space<semaphore_mem>>)
    %multiple_of3A_29 = tpu.assume_multiple %and3A_13, 128 : i32
    %dma_start3A_30 = arith.constant 0 : i32
    %dma_start3A_31 = arith.constant 0 : i32
    %dma_start3A_32 = arith.constant 0 : i32
    %dma_start3A_33 = arith.constant 0 : i32
    %dma_start3A_34 = tpu.memref_slice %arg10[%dma_start3A_30, %dma_start3A_32, %dma_start3A_33] : memref<8x32x128xf32, #tpu.memory_space<vmem>> -> memref<1x32x128xf32, #tpu.memory_space<vmem>>
    %dma_start3A_35 = tpu.memref_squeeze %dma_start3A_34 : memref<1x32x128xf32, #tpu.memory_space<vmem>> -> memref<32x128xf32, #tpu.memory_space<vmem>>
    %dma_start3A_36 = arith.constant 0 : i32
    %dma_start3A_37 = tpu.memref_slice %arg5[%dma_start3A_36, %multiple_of3A_29] : memref<32x1000000xf32, #tpu.memory_space<hbm>> -> memref<32x128xf32, #tpu.memory_space<hbm>>
    %dma_start3A_38 = tpu.memref_slice %arg12[%dma_start3A_31] : memref<8x!tpu.dma_semaphore, #tpu.memory_space<semaphore_mem>> -> memref<1x!tpu.dma_semaphore, #tpu.memory_space<semaphore_mem>>
    %dma_start3A_39 = tpu.memref_squeeze %dma_start3A_38 : memref<1x!tpu.dma_semaphore, #tpu.memory_space<semaphore_mem>> -> memref<!tpu.dma_semaphore, #tpu.memory_space<semaphore_mem>>
    %dma_start3A_40 = arith.constant 0 : i32
    %dma_start3A_41 = arith.constant 0 : i32
    %dma_start3A_42 = tpu.memref_slice %arg10[%dma_start3A_30, %dma_start3A_40, %dma_start3A_41] : memref<8x32x128xf32, #tpu.memory_space<vmem>> -> memref<1x32x128xf32, #tpu.memory_space<vmem>>
    %dma_start3A_43 = tpu.memref_squeeze %dma_start3A_42 : memref<1x32x128xf32, #tpu.memory_space<vmem>> -> memref<32x128xf32, #tpu.memory_space<vmem>>
    %dma_start3A_44 = arith.constant 0 : i32
    %dma_start3A_45 = tpu.memref_slice %arg5[%dma_start3A_44, %multiple_of3A_29] : memref<32x1000000xf32, #tpu.memory_space<hbm>> -> memref<32x128xf32, #tpu.memory_space<hbm>>
    tpu.enqueue_dma source(%dma_start3A_45 : memref<32x128xf32, #tpu.memory_space<hbm>>) target(%dma_start3A_43 : memref<32x128xf32, #tpu.memory_space<vmem>>) target_semaphore(%dma_start3A_39 : memref<!tpu.dma_semaphore, #tpu.memory_space<semaphore_mem>>)
    %slice3A_46 = vector.extract_strided_slice %get3A_6 {offsets = [1], sizes = [1], strides = [1]} : vector<16xi32> to vector<1xi32>
    %squeeze3A_47 = vector.extract %slice3A_46[0] : i32 from vector<1xi32>
    %and3A_48 = arith.constant -128 : i32
    %and3A_49 = arith.andi %squeeze3A_47, %and3A_48 : i32
    %slice3A_50 = vector.extract_strided_slice %get3A_8 {offsets = [1], sizes = [1], strides = [1]} : vector<16xi32> to vector<1xi32>
    %squeeze3A_51 = vector.extract %slice3A_50[0] : i32 from vector<1xi32>
    %and3A_52 = arith.constant -128 : i32
    %and3A_53 = arith.andi %squeeze3A_51, %and3A_52 : i32
    %multiple_of3A_54 = tpu.assume_multiple %and3A_49, 128 : i32
    %dma_start3A_55 = arith.constant 1 : i32
    %dma_start3A_56 = arith.constant 1 : i32
    %dma_start3A_57 = arith.constant 0 : i32
    %dma_start3A_58 = arith.constant 0 : i32
    %dma_start3A_59 = tpu.memref_slice %arg9[%dma_start3A_55, %dma_start3A_57, %dma_start3A_58] : memref<8x32x128xf32, #tpu.memory_space<vmem>> -> memref<1x32x128xf32, #tpu.memory_space<vmem>>
    %dma_start3A_60 = tpu.memref_squeeze %dma_start3A_59 : memref<1x32x128xf32, #tpu.memory_space<vmem>> -> memref<32x128xf32, #tpu.memory_space<vmem>>
    %dma_start3A_61 = arith.constant 0 : i32
    %dma_start3A_62 = tpu.memref_slice %arg4[%dma_start3A_61, %multiple_of3A_54] : memref<32x1000000xf32, #tpu.memory_space<hbm>> -> memref<32x128xf32, #tpu.memory_space<hbm>>
    %dma_start3A_63 = tpu.memref_slice %arg12[%dma_start3A_56] : memref<8x!tpu.dma_semaphore, #tpu.memory_space<semaphore_mem>> -> memref<1x!tpu.dma_semaphore, #tpu.memory_space<semaphore_mem>>
    %dma_start3A_64 = tpu.memref_squeeze %dma_start3A_63 : memref<1x!tpu.dma_semaphore, #tpu.memory_space<semaphore_mem>> -> memref<!tpu.dma_semaphore, #tpu.memory_space<semaphore_mem>>
    %dma_start3A_65 = arith.constant 0 : i32
    %dma_start3A_66 = arith.constant 0 : i32
    %dma_start3A_67 = tpu.memref_slice %arg9[%dma_start3A_55, %dma_start3A_65, %dma_start3A_66] : memref<8x32x128xf32, #tpu.memory_space<vmem>> -> memref<1x32x128xf32, #tpu.memory_space<vmem>>
    %dma_start3A_68 = tpu.memref_squeeze %dma_start3A_67 : memref<1x32x128xf32, #tpu.memory_space<vmem>> -> memref<32x128xf32, #tpu.memory_space<vmem>>
    %dma_start3A_69 = arith.constant 0 : i32
    %dma_start3A_70 = tpu.memref_slice %arg4[%dma_start3A_69, %multiple_of3A_54] : memref<32x1000000xf32, #tpu.memory_space<hbm>> -> memref<32x128xf32, #tpu.memory_space<hbm>>
    tpu.enqueue_dma source(%dma_start3A_70 : memref<32x128xf32, #tpu.memory_space<hbm>>) target(%dma_start3A_68 : memref<32x128xf32, #tpu.memory_space<vmem>>) target_semaphore(%dma_start3A_64 : memref<!tpu.dma_semaphore, #tpu.memory_space<semaphore_mem>>)
    %multiple_of3A_71 = tpu.assume_multiple %and3A_53, 128 : i32
    %dma_start3A_72 = arith.constant 1 : i32
    %dma_start3A_73 = arith.constant 1 : i32
    %dma_start3A_74 = arith.constant 0 : i32
    %dma_start3A_75 = arith.constant 0 : i32
    %dma_start3A_76 = tpu.memref_slice %arg10[%dma_start3A_72, %dma_start3A_74, %dma_start3A_75] : memref<8x32x128xf32, #tpu.memory_space<vmem>> -> memref<1x32x128xf32, #tpu.memory_space<vmem>>
    %dma_start3A_77 = tpu.memref_squeeze %dma_start3A_76 : memref<1x32x128xf32, #tpu.memory_space<vmem>> -> memref<32x128xf32, #tpu.memory_space<vmem>>
    %dma_start3A_78 = arith.constant 0 : i32
    %dma_start3A_79 = tpu.memref_slice %arg5[%dma_start3A_78, %multiple_of3A_71] : memref<32x1000000xf32, #tpu.memory_space<hbm>> -> memref<32x128xf32, #tpu.memory_space<hbm>>
    %dma_start3A_80 = tpu.memref_slice %arg12[%dma_start3A_73] : memref<8x!tpu.dma_semaphore, #tpu.memory_space<semaphore_mem>> -> memref<1x!tpu.dma_semaphore, #tpu.memory_space<semaphore_mem>>
    %dma_start3A_81 = tpu.memref_squeeze %dma_start3A_80 : memref<1x!tpu.dma_semaphore, #tpu.memory_space<semaphore_mem>> -> memref<!tpu.dma_semaphore, #tpu.memory_space<semaphore_mem>>
    %dma_start3A_82 = arith.constant 0 : i32
    %dma_start3A_83 = arith.constant 0 : i32
    %dma_start3A_84 = tpu.memref_slice %arg10[%dma_start3A_72, %dma_start3A_82, %dma_start3A_83] : memref<8x32x128xf32, #tpu.memory_space<vmem>> -> memref<1x32x128xf32, #tpu.memory_space<vmem>>
    %dma_start3A_85 = tpu.memref_squeeze %dma_start3A_84 : memref<1x32x128xf32, #tpu.memory_space<vmem>> -> memref<32x128xf32, #tpu.memory_space<vmem>>
    %dma_start3A_86 = arith.constant 0 : i32
    %dma_start3A_87 = tpu.memref_slice %arg5[%dma_start3A_86, %multiple_of3A_71] : memref<32x1000000xf32, #tpu.memory_space<hbm>> -> memref<32x128xf32, #tpu.memory_space<hbm>>
    tpu.enqueue_dma source(%dma_start3A_87 : memref<32x128xf32, #tpu.memory_space<hbm>>) target(%dma_start3A_85 : memref<32x128xf32, #tpu.memory_space<vmem>>) target_semaphore(%dma_start3A_81 : memref<!tpu.dma_semaphore, #tpu.memory_space<semaphore_mem>>)
    %slice3A_88 = vector.extract_strided_slice %get3A_6 {offsets = [2], sizes = [1], strides = [1]} : vector<16xi32> to vector<1xi32>
    %squeeze3A_89 = vector.extract %slice3A_88[0] : i32 from vector<1xi32>
    %and3A_90 = arith.constant -128 : i32
    %and3A_91 = arith.andi %squeeze3A_89, %and3A_90 : i32
    %slice3A_92 = vector.extract_strided_slice %get3A_8 {offsets = [2], sizes = [1], strides = [1]} : vector<16xi32> to vector<1xi32>
    %squeeze3A_93 = vector.extract %slice3A_92[0] : i32 from vector<1xi32>
    %and3A_94 = arith.constant -128 : i32
    %and3A_95 = arith.andi %squeeze3A_93, %and3A_94 : i32
    %multiple_of3A_96 = tpu.assume_multiple %and3A_91, 128 : i32
    %dma_start3A_97 = arith.constant 2 : i32
    %dma_start3A_98 = arith.constant 2 : i32
    %dma_start3A_99 = arith.constant 0 : i32
    %dma_start3A_100 = arith.constant 0 : i32
    %dma_start3A_101 = tpu.memref_slice %arg9[%dma_start3A_97, %dma_start3A_99, %dma_start3A_100] : memref<8x32x128xf32, #tpu.memory_space<vmem>> -> memref<1x32x128xf32, #tpu.memory_space<vmem>>
    %dma_start3A_102 = tpu.memref_squeeze %dma_start3A_101 : memref<1x32x128xf32, #tpu.memory_space<vmem>> -> memref<32x128xf32, #tpu.memory_space<vmem>>
    %dma_start3A_103 = arith.constant 0 : i32
    %dma_start3A_104 = tpu.memref_slice %arg4[%dma_start3A_103, %multiple_of3A_96] : memref<32x1000000xf32, #tpu.memory_space<hbm>> -> memref<32x128xf32, #tpu.memory_space<hbm>>
    %dma_start3A_105 = tpu.memref_slice %arg12[%dma_start3A_98] : memref<8x!tpu.dma_semaphore, #tpu.memory_space<semaphore_mem>> -> memref<1x!tpu.dma_semaphore, #tpu.memory_space<semaphore_mem>>
    %dma_start3A_106 = tpu.memref_squeeze %dma_start3A_105 : memref<1x!tpu.dma_semaphore, #tpu.memory_space<semaphore_mem>> -> memref<!tpu.dma_semaphore, #tpu.memory_space<semaphore_mem>>
    %dma_start3A_107 = arith.constant 0 : i32
    %dma_start3A_108 = arith.constant 0 : i32
    %dma_start3A_109 = tpu.memref_slice %arg9[%dma_start3A_97, %dma_start3A_107, %dma_start3A_108] : memref<8x32x128xf32, #tpu.memory_space<vmem>> -> memref<1x32x128xf32, #tpu.memory_space<vmem>>
    %dma_start3A_110 = tpu.memref_squeeze %dma_start3A_109 : memref<1x32x128xf32, #tpu.memory_space<vmem>> -> memref<32x128xf32, #tpu.memory_space<vmem>>
    %dma_start3A_111 = arith.constant 0 : i32
    %dma_start3A_112 = tpu.memref_slice %arg4[%dma_start3A_111, %multiple_of3A_96] : memref<32x1000000xf32, #tpu.memory_space<hbm>> -> memref<32x128xf32, #tpu.memory_space<hbm>>
    tpu.enqueue_dma source(%dma_start3A_112 : memref<32x128xf32, #tpu.memory_space<hbm>>) target(%dma_start3A_110 : memref<32x128xf32, #tpu.memory_space<vmem>>) target_semaphore(%dma_start3A_106 : memref<!tpu.dma_semaphore, #tpu.memory_space<semaphore_mem>>)
    %multiple_of3A_113 = tpu.assume_multiple %and3A_95, 128 : i32
    %dma_start3A_114 = arith.constant 2 : i32
    %dma_start3A_115 = arith.constant 2 : i32
    %dma_start3A_116 = arith.constant 0 : i32
    %dma_start3A_117 = arith.constant 0 : i32
    %dma_start3A_118 = tpu.memref_slice %arg10[%dma_start3A_114, %dma_start3A_116, %dma_start3A_117] : memref<8x32x128xf32, #tpu.memory_space<vmem>> -> memref<1x32x128xf32, #tpu.memory_space<vmem>>
    %dma_start3A_119 = tpu.memref_squeeze %dma_start3A_118 : memref<1x32x128xf32, #tpu.memory_space<vmem>> -> memref<32x128xf32, #tpu.memory_space<vmem>>
    %dma_start3A_120 = arith.constant 0 : i32
    %dma_start3A_121 = tpu.memref_slice %arg5[%dma_start3A_120, %multiple_of3A_113] : memref<32x1000000xf32, #tpu.memory_space<hbm>> -> memref<32x128xf32, #tpu.memory_space<hbm>>
    %dma_start3A_122 = tpu.memref_slice %arg12[%dma_start3A_115] : memref<8x!tpu.dma_semaphore, #tpu.memory_space<semaphore_mem>> -> memref<1x!tpu.dma_semaphore, #tpu.memory_space<semaphore_mem>>
    %dma_start3A_123 = tpu.memref_squeeze %dma_start3A_122 : memref<1x!tpu.dma_semaphore, #tpu.memory_space<semaphore_mem>> -> memref<!tpu.dma_semaphore, #tpu.memory_space<semaphore_mem>>
    %dma_start3A_124 = arith.constant 0 : i32
    %dma_start3A_125 = arith.constant 0 : i32
    %dma_start3A_126 = tpu.memref_slice %arg10[%dma_start3A_114, %dma_start3A_124, %dma_start3A_125] : memref<8x32x128xf32, #tpu.memory_space<vmem>> -> memref<1x32x128xf32, #tpu.memory_space<vmem>>
    %dma_start3A_127 = tpu.memref_squeeze %dma_start3A_126 : memref<1x32x128xf32, #tpu.memory_space<vmem>> -> memref<32x128xf32, #tpu.memory_space<vmem>>
    %dma_start3A_128 = arith.constant 0 : i32
    %dma_start3A_129 = tpu.memref_slice %arg5[%dma_start3A_128, %multiple_of3A_113] : memref<32x1000000xf32, #tpu.memory_space<hbm>> -> memref<32x128xf32, #tpu.memory_space<hbm>>
    tpu.enqueue_dma source(%dma_start3A_129 : memref<32x128xf32, #tpu.memory_space<hbm>>) target(%dma_start3A_127 : memref<32x128xf32, #tpu.memory_space<vmem>>) target_semaphore(%dma_start3A_123 : memref<!tpu.dma_semaphore, #tpu.memory_space<semaphore_mem>>)
    %slice3A_130 = vector.extract_strided_slice %get3A_6 {offsets = [3], sizes = [1], strides = [1]} : vector<16xi32> to vector<1xi32>
    %squeeze3A_131 = vector.extract %slice3A_130[0] : i32 from vector<1xi32>
    %and3A_132 = arith.constant -128 : i32
    %and3A_133 = arith.andi %squeeze3A_131, %and3A_132 : i32
    %slice3A_134 = vector.extract_strided_slice %get3A_8 {offsets = [3], sizes = [1], strides = [1]} : vector<16xi32> to vector<1xi32>
    %squeeze3A_135 = vector.extract %slice3A_134[0] : i32 from vector<1xi32>
    %and3A_136 = arith.constant -128 : i32
    %and3A_137 = arith.andi %squeeze3A_135, %and3A_136 : i32
    %multiple_of3A_138 = tpu.assume_multiple %and3A_133, 128 : i32
    %dma_start3A_139 = arith.constant 3 : i32
    %dma_start3A_140 = arith.constant 3 : i32
    %dma_start3A_141 = arith.constant 0 : i32
    %dma_start3A_142 = arith.constant 0 : i32
    %dma_start3A_143 = tpu.memref_slice %arg9[%dma_start3A_139, %dma_start3A_141, %dma_start3A_142] : memref<8x32x128xf32, #tpu.memory_space<vmem>> -> memref<1x32x128xf32, #tpu.memory_space<vmem>>
    %dma_start3A_144 = tpu.memref_squeeze %dma_start3A_143 : memref<1x32x128xf32, #tpu.memory_space<vmem>> -> memref<32x128xf32, #tpu.memory_space<vmem>>
    %dma_start3A_145 = arith.constant 0 : i32
    %dma_start3A_146 = tpu.memref_slice %arg4[%dma_start3A_145, %multiple_of3A_138] : memref<32x1000000xf32, #tpu.memory_space<hbm>> -> memref<32x128xf32, #tpu.memory_space<hbm>>
    %dma_start3A_147 = tpu.memref_slice %arg12[%dma_start3A_140] : memref<8x!tpu.dma_semaphore, #tpu.memory_space<semaphore_mem>> -> memref<1x!tpu.dma_semaphore, #tpu.memory_space<semaphore_mem>>
    %dma_start3A_148 = tpu.memref_squeeze %dma_start3A_147 : memref<1x!tpu.dma_semaphore, #tpu.memory_space<semaphore_mem>> -> memref<!tpu.dma_semaphore, #tpu.memory_space<semaphore_mem>>
    %dma_start3A_149 = arith.constant 0 : i32
    %dma_start3A_150 = arith.constant 0 : i32
    %dma_start3A_151 = tpu.memref_slice %arg9[%dma_start3A_139, %dma_start3A_149, %dma_start3A_150] : memref<8x32x128xf32, #tpu.memory_space<vmem>> -> memref<1x32x128xf32, #tpu.memory_space<vmem>>
    %dma_start3A_152 = tpu.memref_squeeze %dma_start3A_151 : memref<1x32x128xf32, #tpu.memory_space<vmem>> -> memref<32x128xf32, #tpu.memory_space<vmem>>
    %dma_start3A_153 = arith.constant 0 : i32
    %dma_start3A_154 = tpu.memref_slice %arg4[%dma_start3A_153, %multiple_of3A_138] : memref<32x1000000xf32, #tpu.memory_space<hbm>> -> memref<32x128xf32, #tpu.memory_space<hbm>>
    tpu.enqueue_dma source(%dma_start3A_154 : memref<32x128xf32, #tpu.memory_space<hbm>>) target(%dma_start3A_152 : memref<32x128xf32, #tpu.memory_space<vmem>>) target_semaphore(%dma_start3A_148 : memref<!tpu.dma_semaphore, #tpu.memory_space<semaphore_mem>>)
    %multiple_of3A_155 = tpu.assume_multiple %and3A_137, 128 : i32
    %dma_start3A_156 = arith.constant 3 : i32
    %dma_start3A_157 = arith.constant 3 : i32
    %dma_start3A_158 = arith.constant 0 : i32
    %dma_start3A_159 = arith.constant 0 : i32
    %dma_start3A_160 = tpu.memref_slice %arg10[%dma_start3A_156, %dma_start3A_158, %dma_start3A_159] : memref<8x32x128xf32, #tpu.memory_space<vmem>> -> memref<1x32x128xf32, #tpu.memory_space<vmem>>
    %dma_start3A_161 = tpu.memref_squeeze %dma_start3A_160 : memref<1x32x128xf32, #tpu.memory_space<vmem>> -> memref<32x128xf32, #tpu.memory_space<vmem>>
    %dma_start3A_162 = arith.constant 0 : i32
    %dma_start3A_163 = tpu.memref_slice %arg5[%dma_start3A_162, %multiple_of3A_155] : memref<32x1000000xf32, #tpu.memory_space<hbm>> -> memref<32x128xf32, #tpu.memory_space<hbm>>
    %dma_start3A_164 = tpu.memref_slice %arg12[%dma_start3A_157] : memref<8x!tpu.dma_semaphore, #tpu.memory_space<semaphore_mem>> -> memref<1x!tpu.dma_semaphore, #tpu.memory_space<semaphore_mem>>
    %dma_start3A_165 = tpu.memref_squeeze %dma_start3A_164 : memref<1x!tpu.dma_semaphore, #tpu.memory_space<semaphore_mem>> -> memref<!tpu.dma_semaphore, #tpu.memory_space<semaphore_mem>>
    %dma_start3A_166 = arith.constant 0 : i32
    %dma_start3A_167 = arith.constant 0 : i32
    %dma_start3A_168 = tpu.memref_slice %arg10[%dma_start3A_156, %dma_start3A_166, %dma_start3A_167] : memref<8x32x128xf32, #tpu.memory_space<vmem>> -> memref<1x32x128xf32, #tpu.memory_space<vmem>>
    %dma_start3A_169 = tpu.memref_squeeze %dma_start3A_168 : memref<1x32x128xf32, #tpu.memory_space<vmem>> -> memref<32x128xf32, #tpu.memory_space<vmem>>
    %dma_start3A_170 = arith.constant 0 : i32
    %dma_start3A_171 = tpu.memref_slice %arg5[%dma_start3A_170, %multiple_of3A_155] : memref<32x1000000xf32, #tpu.memory_space<hbm>> -> memref<32x128xf32, #tpu.memory_space<hbm>>
    tpu.enqueue_dma source(%dma_start3A_171 : memref<32x128xf32, #tpu.memory_space<hbm>>) target(%dma_start3A_169 : memref<32x128xf32, #tpu.memory_space<vmem>>) target_semaphore(%dma_start3A_165 : memref<!tpu.dma_semaphore, #tpu.memory_space<semaphore_mem>>)
    %slice3A_172 = vector.extract_strided_slice %get3A_6 {offsets = [4], sizes = [1], strides = [1]} : vector<16xi32> to vector<1xi32>
    %squeeze3A_173 = vector.extract %slice3A_172[0] : i32 from vector<1xi32>
    %and3A_174 = arith.constant -128 : i32
    %and3A_175 = arith.andi %squeeze3A_173, %and3A_174 : i32
    %slice3A_176 = vector.extract_strided_slice %get3A_8 {offsets = [4], sizes = [1], strides = [1]} : vector<16xi32> to vector<1xi32>
    %squeeze3A_177 = vector.extract %slice3A_176[0] : i32 from vector<1xi32>
    %and3A_178 = arith.constant -128 : i32
    %and3A_179 = arith.andi %squeeze3A_177, %and3A_178 : i32
    %multiple_of3A_180 = tpu.assume_multiple %and3A_175, 128 : i32
    %dma_start3A_181 = arith.constant 4 : i32
    %dma_start3A_182 = arith.constant 4 : i32
    %dma_start3A_183 = arith.constant 0 : i32
    %dma_start3A_184 = arith.constant 0 : i32
    %dma_start3A_185 = tpu.memref_slice %arg9[%dma_start3A_181, %dma_start3A_183, %dma_start3A_184] : memref<8x32x128xf32, #tpu.memory_space<vmem>> -> memref<1x32x128xf32, #tpu.memory_space<vmem>>
    %dma_start3A_186 = tpu.memref_squeeze %dma_start3A_185 : memref<1x32x128xf32, #tpu.memory_space<vmem>> -> memref<32x128xf32, #tpu.memory_space<vmem>>
    %dma_start3A_187 = arith.constant 0 : i32
    %dma_start3A_188 = tpu.memref_slice %arg4[%dma_start3A_187, %multiple_of3A_180] : memref<32x1000000xf32, #tpu.memory_space<hbm>> -> memref<32x128xf32, #tpu.memory_space<hbm>>
    %dma_start3A_189 = tpu.memref_slice %arg12[%dma_start3A_182] : memref<8x!tpu.dma_semaphore, #tpu.memory_space<semaphore_mem>> -> memref<1x!tpu.dma_semaphore, #tpu.memory_space<semaphore_mem>>
    %dma_start3A_190 = tpu.memref_squeeze %dma_start3A_189 : memref<1x!tpu.dma_semaphore, #tpu.memory_space<semaphore_mem>> -> memref<!tpu.dma_semaphore, #tpu.memory_space<semaphore_mem>>
    %dma_start3A_191 = arith.constant 0 : i32
    %dma_start3A_192 = arith.constant 0 : i32
    %dma_start3A_193 = tpu.memref_slice %arg9[%dma_start3A_181, %dma_start3A_191, %dma_start3A_192] : memref<8x32x128xf32, #tpu.memory_space<vmem>> -> memref<1x32x128xf32, #tpu.memory_space<vmem>>
    %dma_start3A_194 = tpu.memref_squeeze %dma_start3A_193 : memref<1x32x128xf32, #tpu.memory_space<vmem>> -> memref<32x128xf32, #tpu.memory_space<vmem>>
    %dma_start3A_195 = arith.constant 0 : i32
    %dma_start3A_196 = tpu.memref_slice %arg4[%dma_start3A_195, %multiple_of3A_180] : memref<32x1000000xf32, #tpu.memory_space<hbm>> -> memref<32x128xf32, #tpu.memory_space<hbm>>
    tpu.enqueue_dma source(%dma_start3A_196 : memref<32x128xf32, #tpu.memory_space<hbm>>) target(%dma_start3A_194 : memref<32x128xf32, #tpu.memory_space<vmem>>) target_semaphore(%dma_start3A_190 : memref<!tpu.dma_semaphore, #tpu.memory_space<semaphore_mem>>)
    %multiple_of3A_197 = tpu.assume_multiple %and3A_179, 128 : i32
    %dma_start3A_198 = arith.constant 4 : i32
    %dma_start3A_199 = arith.constant 4 : i32
    %dma_start3A_200 = arith.constant 0 : i32
    %dma_start3A_201 = arith.constant 0 : i32
    %dma_start3A_202 = tpu.memref_slice %arg10[%dma_start3A_198, %dma_start3A_200, %dma_start3A_201] : memref<8x32x128xf32, #tpu.memory_space<vmem>> -> memref<1x32x128xf32, #tpu.memory_space<vmem>>
    %dma_start3A_203 = tpu.memref_squeeze %dma_start3A_202 : memref<1x32x128xf32, #tpu.memory_space<vmem>> -> memref<32x128xf32, #tpu.memory_space<vmem>>
    %dma_start3A_204 = arith.constant 0 : i32
    %dma_start3A_205 = tpu.memref_slice %arg5[%dma_start3A_204, %multiple_of3A_197] : memref<32x1000000xf32, #tpu.memory_space<hbm>> -> memref<32x128xf32, #tpu.memory_space<hbm>>
    %dma_start3A_206 = tpu.memref_slice %arg12[%dma_start3A_199] : memref<8x!tpu.dma_semaphore, #tpu.memory_space<semaphore_mem>> -> memref<1x!tpu.dma_semaphore, #tpu.memory_space<semaphore_mem>>
    %dma_start3A_207 = tpu.memref_squeeze %dma_start3A_206 : memref<1x!tpu.dma_semaphore, #tpu.memory_space<semaphore_mem>> -> memref<!tpu.dma_semaphore, #tpu.memory_space<semaphore_mem>>
    %dma_start3A_208 = arith.constant 0 : i32
    %dma_start3A_209 = arith.constant 0 : i32
    %dma_start3A_210 = tpu.memref_slice %arg10[%dma_start3A_198, %dma_start3A_208, %dma_start3A_209] : memref<8x32x128xf32, #tpu.memory_space<vmem>> -> memref<1x32x128xf32, #tpu.memory_space<vmem>>
    %dma_start3A_211 = tpu.memref_squeeze %dma_start3A_210 : memref<1x32x128xf32, #tpu.memory_space<vmem>> -> memref<32x128xf32, #tpu.memory_space<vmem>>
    %dma_start3A_212 = arith.constant 0 : i32
    %dma_start3A_213 = tpu.memref_slice %arg5[%dma_start3A_212, %multiple_of3A_197] : memref<32x1000000xf32, #tpu.memory_space<hbm>> -> memref<32x128xf32, #tpu.memory_space<hbm>>
    tpu.enqueue_dma source(%dma_start3A_213 : memref<32x128xf32, #tpu.memory_space<hbm>>) target(%dma_start3A_211 : memref<32x128xf32, #tpu.memory_space<vmem>>) target_semaphore(%dma_start3A_207 : memref<!tpu.dma_semaphore, #tpu.memory_space<semaphore_mem>>)
    %slice3A_214 = vector.extract_strided_slice %get3A_6 {offsets = [5], sizes = [1], strides = [1]} : vector<16xi32> to vector<1xi32>
    %squeeze3A_215 = vector.extract %slice3A_214[0] : i32 from vector<1xi32>
    %and3A_216 = arith.constant -128 : i32
    %and3A_217 = arith.andi %squeeze3A_215, %and3A_216 : i32
    %slice3A_218 = vector.extract_strided_slice %get3A_8 {offsets = [5], sizes = [1], strides = [1]} : vector<16xi32> to vector<1xi32>
    %squeeze3A_219 = vector.extract %slice3A_218[0] : i32 from vector<1xi32>
    %and3A_220 = arith.constant -128 : i32
    %and3A_221 = arith.andi %squeeze3A_219, %and3A_220 : i32
    %multiple_of3A_222 = tpu.assume_multiple %and3A_217, 128 : i32
    %dma_start3A_223 = arith.constant 5 : i32
    %dma_start3A_224 = arith.constant 5 : i32
    %dma_start3A_225 = arith.constant 0 : i32
    %dma_start3A_226 = arith.constant 0 : i32
    %dma_start3A_227 = tpu.memref_slice %arg9[%dma_start3A_223, %dma_start3A_225, %dma_start3A_226] : memref<8x32x128xf32, #tpu.memory_space<vmem>> -> memref<1x32x128xf32, #tpu.memory_space<vmem>>
    %dma_start3A_228 = tpu.memref_squeeze %dma_start3A_227 : memref<1x32x128xf32, #tpu.memory_space<vmem>> -> memref<32x128xf32, #tpu.memory_space<vmem>>
    %dma_start3A_229 = arith.constant 0 : i32
    %dma_start3A_230 = tpu.memref_slice %arg4[%dma_start3A_229, %multiple_of3A_222] : memref<32x1000000xf32, #tpu.memory_space<hbm>> -> memref<32x128xf32, #tpu.memory_space<hbm>>
    %dma_start3A_231 = tpu.memref_slice %arg12[%dma_start3A_224] : memref<8x!tpu.dma_semaphore, #tpu.memory_space<semaphore_mem>> -> memref<1x!tpu.dma_semaphore, #tpu.memory_space<semaphore_mem>>
    %dma_start3A_232 = tpu.memref_squeeze %dma_start3A_231 : memref<1x!tpu.dma_semaphore, #tpu.memory_space<semaphore_mem>> -> memref<!tpu.dma_semaphore, #tpu.memory_space<semaphore_mem>>
    %dma_start3A_233 = arith.constant 0 : i32
    %dma_start3A_234 = arith.constant 0 : i32
    %dma_start3A_235 = tpu.memref_slice %arg9[%dma_start3A_223, %dma_start3A_233, %dma_start3A_234] : memref<8x32x128xf32, #tpu.memory_space<vmem>> -> memref<1x32x128xf32, #tpu.memory_space<vmem>>
    %dma_start3A_236 = tpu.memref_squeeze %dma_start3A_235 : memref<1x32x128xf32, #tpu.memory_space<vmem>> -> memref<32x128xf32, #tpu.memory_space<vmem>>
    %dma_start3A_237 = arith.constant 0 : i32
    %dma_start3A_238 = tpu.memref_slice %arg4[%dma_start3A_237, %multiple_of3A_222] : memref<32x1000000xf32, #tpu.memory_space<hbm>> -> memref<32x128xf32, #tpu.memory_space<hbm>>
    tpu.enqueue_dma source(%dma_start3A_238 : memref<32x128xf32, #tpu.memory_space<hbm>>) target(%dma_start3A_236 : memref<32x128xf32, #tpu.memory_space<vmem>>) target_semaphore(%dma_start3A_232 : memref<!tpu.dma_semaphore, #tpu.memory_space<semaphore_mem>>)
    %multiple_of3A_239 = tpu.assume_multiple %and3A_221, 128 : i32
    %dma_start3A_240 = arith.constant 5 : i32
    %dma_start3A_241 = arith.constant 5 : i32
    %dma_start3A_242 = arith.constant 0 : i32
    %dma_start3A_243 = arith.constant 0 : i32
    %dma_start3A_244 = tpu.memref_slice %arg10[%dma_start3A_240, %dma_start3A_242, %dma_start3A_243] : memref<8x32x128xf32, #tpu.memory_space<vmem>> -> memref<1x32x128xf32, #tpu.memory_space<vmem>>
    %dma_start3A_245 = tpu.memref_squeeze %dma_start3A_244 : memref<1x32x128xf32, #tpu.memory_space<vmem>> -> memref<32x128xf32, #tpu.memory_space<vmem>>
    %dma_start3A_246 = arith.constant 0 : i32
    %dma_start3A_247 = tpu.memref_slice %arg5[%dma_start3A_246, %multiple_of3A_239] : memref<32x1000000xf32, #tpu.memory_space<hbm>> -> memref<32x128xf32, #tpu.memory_space<hbm>>
    %dma_start3A_248 = tpu.memref_slice %arg12[%dma_start3A_241] : memref<8x!tpu.dma_semaphore, #tpu.memory_space<semaphore_mem>> -> memref<1x!tpu.dma_semaphore, #tpu.memory_space<semaphore_mem>>
    %dma_start3A_249 = tpu.memref_squeeze %dma_start3A_248 : memref<1x!tpu.dma_semaphore, #tpu.memory_space<semaphore_mem>> -> memref<!tpu.dma_semaphore, #tpu.memory_space<semaphore_mem>>
    %dma_start3A_250 = arith.constant 0 : i32
    %dma_start3A_251 = arith.constant 0 : i32
    %dma_start3A_252 = tpu.memref_slice %arg10[%dma_start3A_240, %dma_start3A_250, %dma_start3A_251] : memref<8x32x128xf32, #tpu.memory_space<vmem>> -> memref<1x32x128xf32, #tpu.memory_space<vmem>>
    %dma_start3A_253 = tpu.memref_squeeze %dma_start3A_252 : memref<1x32x128xf32, #tpu.memory_space<vmem>> -> memref<32x128xf32, #tpu.memory_space<vmem>>
    %dma_start3A_254 = arith.constant 0 : i32
    %dma_start3A_255 = tpu.memref_slice %arg5[%dma_start3A_254, %multiple_of3A_239] : memref<32x1000000xf32, #tpu.memory_space<hbm>> -> memref<32x128xf32, #tpu.memory_space<hbm>>
    tpu.enqueue_dma source(%dma_start3A_255 : memref<32x128xf32, #tpu.memory_space<hbm>>) target(%dma_start3A_253 : memref<32x128xf32, #tpu.memory_space<vmem>>) target_semaphore(%dma_start3A_249 : memref<!tpu.dma_semaphore, #tpu.memory_space<semaphore_mem>>)
    %slice3A_256 = vector.extract_strided_slice %get3A_6 {offsets = [6], sizes = [1], strides = [1]} : vector<16xi32> to vector<1xi32>
    %squeeze3A_257 = vector.extract %slice3A_256[0] : i32 from vector<1xi32>
    %and3A_258 = arith.constant -128 : i32
    %and3A_259 = arith.andi %squeeze3A_257, %and3A_258 : i32
    %slice3A_260 = vector.extract_strided_slice %get3A_8 {offsets = [6], sizes = [1], strides = [1]} : vector<16xi32> to vector<1xi32>
    %squeeze3A_261 = vector.extract %slice3A_260[0] : i32 from vector<1xi32>
    %and3A_262 = arith.constant -128 : i32
    %and3A_263 = arith.andi %squeeze3A_261, %and3A_262 : i32
    %multiple_of3A_264 = tpu.assume_multiple %and3A_259, 128 : i32
    %dma_start3A_265 = arith.constant 6 : i32
    %dma_start3A_266 = arith.constant 6 : i32
    %dma_start3A_267 = arith.constant 0 : i32
    %dma_start3A_268 = arith.constant 0 : i32
    %dma_start3A_269 = tpu.memref_slice %arg9[%dma_start3A_265, %dma_start3A_267, %dma_start3A_268] : memref<8x32x128xf32, #tpu.memory_space<vmem>> -> memref<1x32x128xf32, #tpu.memory_space<vmem>>
    %dma_start3A_270 = tpu.memref_squeeze %dma_start3A_269 : memref<1x32x128xf32, #tpu.memory_space<vmem>> -> memref<32x128xf32, #tpu.memory_space<vmem>>
    %dma_start3A_271 = arith.constant 0 : i32
    %dma_start3A_272 = tpu.memref_slice %arg4[%dma_start3A_271, %multiple_of3A_264] : memref<32x1000000xf32, #tpu.memory_space<hbm>> -> memref<32x128xf32, #tpu.memory_space<hbm>>
    %dma_start3A_273 = tpu.memref_slice %arg12[%dma_start3A_266] : memref<8x!tpu.dma_semaphore, #tpu.memory_space<semaphore_mem>> -> memref<1x!tpu.dma_semaphore, #tpu.memory_space<semaphore_mem>>
    %dma_start3A_274 = tpu.memref_squeeze %dma_start3A_273 : memref<1x!tpu.dma_semaphore, #tpu.memory_space<semaphore_mem>> -> memref<!tpu.dma_semaphore, #tpu.memory_space<semaphore_mem>>
    %dma_start3A_275 = arith.constant 0 : i32
    %dma_start3A_276 = arith.constant 0 : i32
    %dma_start3A_277 = tpu.memref_slice %arg9[%dma_start3A_265, %dma_start3A_275, %dma_start3A_276] : memref<8x32x128xf32, #tpu.memory_space<vmem>> -> memref<1x32x128xf32, #tpu.memory_space<vmem>>
    %dma_start3A_278 = tpu.memref_squeeze %dma_start3A_277 : memref<1x32x128xf32, #tpu.memory_space<vmem>> -> memref<32x128xf32, #tpu.memory_space<vmem>>
    %dma_start3A_279 = arith.constant 0 : i32
    %dma_start3A_280 = tpu.memref_slice %arg4[%dma_start3A_279, %multiple_of3A_264] : memref<32x1000000xf32, #tpu.memory_space<hbm>> -> memref<32x128xf32, #tpu.memory_space<hbm>>
    tpu.enqueue_dma source(%dma_start3A_280 : memref<32x128xf32, #tpu.memory_space<hbm>>) target(%dma_start3A_278 : memref<32x128xf32, #tpu.memory_space<vmem>>) target_semaphore(%dma_start3A_274 : memref<!tpu.dma_semaphore, #tpu.memory_space<semaphore_mem>>)
    %multiple_of3A_281 = tpu.assume_multiple %and3A_263, 128 : i32
    %dma_start3A_282 = arith.constant 6 : i32
    %dma_start3A_283 = arith.constant 6 : i32
    %dma_start3A_284 = arith.constant 0 : i32
    %dma_start3A_285 = arith.constant 0 : i32
    %dma_start3A_286 = tpu.memref_slice %arg10[%dma_start3A_282, %dma_start3A_284, %dma_start3A_285] : memref<8x32x128xf32, #tpu.memory_space<vmem>> -> memref<1x32x128xf32, #tpu.memory_space<vmem>>
    %dma_start3A_287 = tpu.memref_squeeze %dma_start3A_286 : memref<1x32x128xf32, #tpu.memory_space<vmem>> -> memref<32x128xf32, #tpu.memory_space<vmem>>
    %dma_start3A_288 = arith.constant 0 : i32
    %dma_start3A_289 = tpu.memref_slice %arg5[%dma_start3A_288, %multiple_of3A_281] : memref<32x1000000xf32, #tpu.memory_space<hbm>> -> memref<32x128xf32, #tpu.memory_space<hbm>>
    %dma_start3A_290 = tpu.memref_slice %arg12[%dma_start3A_283] : memref<8x!tpu.dma_semaphore, #tpu.memory_space<semaphore_mem>> -> memref<1x!tpu.dma_semaphore, #tpu.memory_space<semaphore_mem>>
    %dma_start3A_291 = tpu.memref_squeeze %dma_start3A_290 : memref<1x!tpu.dma_semaphore, #tpu.memory_space<semaphore_mem>> -> memref<!tpu.dma_semaphore, #tpu.memory_space<semaphore_mem>>
    %dma_start3A_292 = arith.constant 0 : i32
    %dma_start3A_293 = arith.constant 0 : i32
    %dma_start3A_294 = tpu.memref_slice %arg10[%dma_start3A_282, %dma_start3A_292, %dma_start3A_293] : memref<8x32x128xf32, #tpu.memory_space<vmem>> -> memref<1x32x128xf32, #tpu.memory_space<vmem>>
    %dma_start3A_295 = tpu.memref_squeeze %dma_start3A_294 : memref<1x32x128xf32, #tpu.memory_space<vmem>> -> memref<32x128xf32, #tpu.memory_space<vmem>>
    %dma_start3A_296 = arith.constant 0 : i32
    %dma_start3A_297 = tpu.memref_slice %arg5[%dma_start3A_296, %multiple_of3A_281] : memref<32x1000000xf32, #tpu.memory_space<hbm>> -> memref<32x128xf32, #tpu.memory_space<hbm>>
    tpu.enqueue_dma source(%dma_start3A_297 : memref<32x128xf32, #tpu.memory_space<hbm>>) target(%dma_start3A_295 : memref<32x128xf32, #tpu.memory_space<vmem>>) target_semaphore(%dma_start3A_291 : memref<!tpu.dma_semaphore, #tpu.memory_space<semaphore_mem>>)
    %slice3A_298 = vector.extract_strided_slice %get3A_6 {offsets = [7], sizes = [1], strides = [1]} : vector<16xi32> to vector<1xi32>
    %squeeze3A_299 = vector.extract %slice3A_298[0] : i32 from vector<1xi32>
    %and3A_300 = arith.constant -128 : i32
    %and3A_301 = arith.andi %squeeze3A_299, %and3A_300 : i32
    %slice3A_302 = vector.extract_strided_slice %get3A_8 {offsets = [7], sizes = [1], strides = [1]} : vector<16xi32> to vector<1xi32>
    %squeeze3A_303 = vector.extract %slice3A_302[0] : i32 from vector<1xi32>
    %and3A_304 = arith.constant -128 : i32
    %and3A_305 = arith.andi %squeeze3A_303, %and3A_304 : i32
    %multiple_of3A_306 = tpu.assume_multiple %and3A_301, 128 : i32
    %dma_start3A_307 = arith.constant 7 : i32
    %dma_start3A_308 = arith.constant 7 : i32
    %dma_start3A_309 = arith.constant 0 : i32
    %dma_start3A_310 = arith.constant 0 : i32
    %dma_start3A_311 = tpu.memref_slice %arg9[%dma_start3A_307, %dma_start3A_309, %dma_start3A_310] : memref<8x32x128xf32, #tpu.memory_space<vmem>> -> memref<1x32x128xf32, #tpu.memory_space<vmem>>
    %dma_start3A_312 = tpu.memref_squeeze %dma_start3A_311 : memref<1x32x128xf32, #tpu.memory_space<vmem>> -> memref<32x128xf32, #tpu.memory_space<vmem>>
    %dma_start3A_313 = arith.constant 0 : i32
    %dma_start3A_314 = tpu.memref_slice %arg4[%dma_start3A_313, %multiple_of3A_306] : memref<32x1000000xf32, #tpu.memory_space<hbm>> -> memref<32x128xf32, #tpu.memory_space<hbm>>
    %dma_start3A_315 = tpu.memref_slice %arg12[%dma_start3A_308] : memref<8x!tpu.dma_semaphore, #tpu.memory_space<semaphore_mem>> -> memref<1x!tpu.dma_semaphore, #tpu.memory_space<semaphore_mem>>
    %dma_start3A_316 = tpu.memref_squeeze %dma_start3A_315 : memref<1x!tpu.dma_semaphore, #tpu.memory_space<semaphore_mem>> -> memref<!tpu.dma_semaphore, #tpu.memory_space<semaphore_mem>>
    %dma_start3A_317 = arith.constant 0 : i32
    %dma_start3A_318 = arith.constant 0 : i32
    %dma_start3A_319 = tpu.memref_slice %arg9[%dma_start3A_307, %dma_start3A_317, %dma_start3A_318] : memref<8x32x128xf32, #tpu.memory_space<vmem>> -> memref<1x32x128xf32, #tpu.memory_space<vmem>>
    %dma_start3A_320 = tpu.memref_squeeze %dma_start3A_319 : memref<1x32x128xf32, #tpu.memory_space<vmem>> -> memref<32x128xf32, #tpu.memory_space<vmem>>
    %dma_start3A_321 = arith.constant 0 : i32
    %dma_start3A_322 = tpu.memref_slice %arg4[%dma_start3A_321, %multiple_of3A_306] : memref<32x1000000xf32, #tpu.memory_space<hbm>> -> memref<32x128xf32, #tpu.memory_space<hbm>>
    tpu.enqueue_dma source(%dma_start3A_322 : memref<32x128xf32, #tpu.memory_space<hbm>>) target(%dma_start3A_320 : memref<32x128xf32, #tpu.memory_space<vmem>>) target_semaphore(%dma_start3A_316 : memref<!tpu.dma_semaphore, #tpu.memory_space<semaphore_mem>>)
    %multiple_of3A_323 = tpu.assume_multiple %and3A_305, 128 : i32
    %dma_start3A_324 = arith.constant 7 : i32
    %dma_start3A_325 = arith.constant 7 : i32
    %dma_start3A_326 = arith.constant 0 : i32
    %dma_start3A_327 = arith.constant 0 : i32
    %dma_start3A_328 = tpu.memref_slice %arg10[%dma_start3A_324, %dma_start3A_326, %dma_start3A_327] : memref<8x32x128xf32, #tpu.memory_space<vmem>> -> memref<1x32x128xf32, #tpu.memory_space<vmem>>
    %dma_start3A_329 = tpu.memref_squeeze %dma_start3A_328 : memref<1x32x128xf32, #tpu.memory_space<vmem>> -> memref<32x128xf32, #tpu.memory_space<vmem>>
    %dma_start3A_330 = arith.constant 0 : i32
    %dma_start3A_331 = tpu.memref_slice %arg5[%dma_start3A_330, %multiple_of3A_323] : memref<32x1000000xf32, #tpu.memory_space<hbm>> -> memref<32x128xf32, #tpu.memory_space<hbm>>
    %dma_start3A_332 = tpu.memref_slice %arg12[%dma_start3A_325] : memref<8x!tpu.dma_semaphore, #tpu.memory_space<semaphore_mem>> -> memref<1x!tpu.dma_semaphore, #tpu.memory_space<semaphore_mem>>
    %dma_start3A_333 = tpu.memref_squeeze %dma_start3A_332 : memref<1x!tpu.dma_semaphore, #tpu.memory_space<semaphore_mem>> -> memref<!tpu.dma_semaphore, #tpu.memory_space<semaphore_mem>>
    %dma_start3A_334 = arith.constant 0 : i32
    %dma_start3A_335 = arith.constant 0 : i32
    %dma_start3A_336 = tpu.memref_slice %arg10[%dma_start3A_324, %dma_start3A_334, %dma_start3A_335] : memref<8x32x128xf32, #tpu.memory_space<vmem>> -> memref<1x32x128xf32, #tpu.memory_space<vmem>>
    %dma_start3A_337 = tpu.memref_squeeze %dma_start3A_336 : memref<1x32x128xf32, #tpu.memory_space<vmem>> -> memref<32x128xf32, #tpu.memory_space<vmem>>
    %dma_start3A_338 = arith.constant 0 : i32
    %dma_start3A_339 = tpu.memref_slice %arg5[%dma_start3A_338, %multiple_of3A_323] : memref<32x1000000xf32, #tpu.memory_space<hbm>> -> memref<32x128xf32, #tpu.memory_space<hbm>>
    tpu.enqueue_dma source(%dma_start3A_339 : memref<32x128xf32, #tpu.memory_space<hbm>>) target(%dma_start3A_337 : memref<32x128xf32, #tpu.memory_space<vmem>>) target_semaphore(%dma_start3A_333 : memref<!tpu.dma_semaphore, #tpu.memory_space<semaphore_mem>>)
    %broadcast_in_dim3A = arith.constant 0.000000e+00 : f32
    %broadcast_in_dim3A_340 = vector.broadcast %broadcast_in_dim3A : f32 to vector<16xf32>
    %scan3A = arith.constant 0 : i32
    %scan3A_341 = arith.constant 32 : i32
    %scan3A_342 = arith.addi %scan3A, %scan3A_341 : i32
    %scan3A_343 = arith.constant 1 : i32
    %scan3A_344:3 = scf.for %scan3A_902 = %scan3A to %scan3A_342 step %scan3A_343 iter_args(%scan3A_903 = %get3A_6, %scan3A_904 = %get3A_8, %scan3A_905 = %broadcast_in_dim3A_340) -> (vector<16xi32>, vector<16xi32>, vector<16xf32>)  : i32 {
      %mul3A_906 = arith.constant 16 : i32
      %mul3A_907 = arith.muli %scan3A_902, %mul3A_906 : i32
      %get3A_908 = arith.index_cast %mul3A_907 : i32 to index
      %get3A_909 = tpu.vector_load %arg7[%get3A_908] {strides = array<i32>} : memref<512xi32, #tpu.memory_space<vmem>>, vector<16xi32>,
      %mul3A_910 = arith.constant 16 : i32
      %mul3A_911 = arith.muli %scan3A_902, %mul3A_910 : i32
      %get3A_912 = arith.index_cast %mul3A_911 : i32 to index
      %get3A_913 = tpu.vector_load %arg8[%get3A_912] {strides = array<i32>} : memref<512xi32, #tpu.memory_space<vmem>>, vector<16xi32>,
      %gt3A = arith.constant 0 : i32
      %gt3A_914 = arith.cmpi sgt, %scan3A_902, %gt3A : i32
      %convert_element_type3A = arith.extui %gt3A_914 : i1 to i32
      %cond3A = arith.constant 0 : i32
      %cond3A_915 = arith.cmpi ne, %convert_element_type3A, %cond3A : i32
      scf.if %cond3A_915 {
        %slice3A_1819 = vector.extract_strided_slice %scan3A_903 {offsets = [8], sizes = [1], strides = [1]} : vector<16xi32> to vector<1xi32>
        %squeeze3A_1820 = vector.extract %slice3A_1819[0] : i32 from vector<1xi32>
        %and3A_1821 = arith.constant -128 : i32
        %and3A_1822 = arith.andi %squeeze3A_1820, %and3A_1821 : i32
        %slice3A_1823 = vector.extract_strided_slice %scan3A_904 {offsets = [8], sizes = [1], strides = [1]} : vector<16xi32> to vector<1xi32>
        %squeeze3A_1824 = vector.extract %slice3A_1823[0] : i32 from vector<1xi32>
        %and3A_1825 = arith.constant -128 : i32
        %and3A_1826 = arith.andi %squeeze3A_1824, %and3A_1825 : i32
        %multiple_of3A_1827 = tpu.assume_multiple %and3A_1822, 128 : i32
        %dma_wait3A_1828 = arith.constant 0 : i32
        %dma_wait3A_1829 = arith.constant 0 : i32
        %dma_wait3A_1830 = arith.constant 0 : i32
        %dma_wait3A_1831 = arith.constant 0 : i32
        %dma_wait3A_1832 = tpu.memref_slice %arg9[%dma_wait3A_1828, %dma_wait3A_1830, %dma_wait3A_1831] : memref<8x32x128xf32, #tpu.memory_space<vmem>> -> memref<1x32x128xf32, #tpu.memory_space<vmem>>
        %dma_wait3A_1833 = tpu.memref_squeeze %dma_wait3A_1832 : memref<1x32x128xf32, #tpu.memory_space<vmem>> -> memref<32x128xf32, #tpu.memory_space<vmem>>
        %dma_wait3A_1834 = arith.constant 0 : i32
        %dma_wait3A_1835 = tpu.memref_slice %arg4[%dma_wait3A_1834, %multiple_of3A_1827] : memref<32x1000000xf32, #tpu.memory_space<hbm>> -> memref<32x128xf32, #tpu.memory_space<hbm>>
        %dma_wait3A_1836 = tpu.memref_slice %arg12[%dma_wait3A_1829] : memref<8x!tpu.dma_semaphore, #tpu.memory_space<semaphore_mem>> -> memref<1x!tpu.dma_semaphore, #tpu.memory_space<semaphore_mem>>
        %dma_wait3A_1837 = tpu.memref_squeeze %dma_wait3A_1836 : memref<1x!tpu.dma_semaphore, #tpu.memory_space<semaphore_mem>> -> memref<!tpu.dma_semaphore, #tpu.memory_space<semaphore_mem>>
        %dma_wait3A_1838 = arith.constant 0 : i32
        %dma_wait3A_1839 = arith.constant 0 : i32
        %dma_wait3A_1840 = tpu.memref_slice %arg9[%dma_wait3A_1828, %dma_wait3A_1838, %dma_wait3A_1839] : memref<8x32x128xf32, #tpu.memory_space<vmem>> -> memref<1x32x128xf32, #tpu.memory_space<vmem>>
        %dma_wait3A_1841 = tpu.memref_squeeze %dma_wait3A_1840 : memref<1x32x128xf32, #tpu.memory_space<vmem>> -> memref<32x128xf32, #tpu.memory_space<vmem>>
        %dma_wait3A_1842 = arith.constant 0 : i32
        %dma_wait3A_1843 = tpu.memref_slice %arg4[%dma_wait3A_1842, %multiple_of3A_1827] : memref<32x1000000xf32, #tpu.memory_space<hbm>> -> memref<32x128xf32, #tpu.memory_space<hbm>>
        tpu.wait_dma2 semaphore(%dma_wait3A_1837 : memref<!tpu.dma_semaphore, #tpu.memory_space<semaphore_mem>>) src(%dma_wait3A_1843 : memref<32x128xf32, #tpu.memory_space<hbm>>) dst(%dma_wait3A_1841 : memref<32x128xf32, #tpu.memory_space<vmem>>)
        %multiple_of3A_1844 = tpu.assume_multiple %and3A_1826, 128 : i32
        %dma_wait3A_1845 = arith.constant 0 : i32
        %dma_wait3A_1846 = arith.constant 0 : i32
        %dma_wait3A_1847 = arith.constant 0 : i32
        %dma_wait3A_1848 = arith.constant 0 : i32
        %dma_wait3A_1849 = tpu.memref_slice %arg10[%dma_wait3A_1845, %dma_wait3A_1847, %dma_wait3A_1848] : memref<8x32x128xf32, #tpu.memory_space<vmem>> -> memref<1x32x128xf32, #tpu.memory_space<vmem>>
        %dma_wait3A_1850 = tpu.memref_squeeze %dma_wait3A_1849 : memref<1x32x128xf32, #tpu.memory_space<vmem>> -> memref<32x128xf32, #tpu.memory_space<vmem>>
        %dma_wait3A_1851 = arith.constant 0 : i32
        %dma_wait3A_1852 = tpu.memref_slice %arg5[%dma_wait3A_1851, %multiple_of3A_1844] : memref<32x1000000xf32, #tpu.memory_space<hbm>> -> memref<32x128xf32, #tpu.memory_space<hbm>>
        %dma_wait3A_1853 = tpu.memref_slice %arg12[%dma_wait3A_1846] : memref<8x!tpu.dma_semaphore, #tpu.memory_space<semaphore_mem>> -> memref<1x!tpu.dma_semaphore, #tpu.memory_space<semaphore_mem>>
        %dma_wait3A_1854 = tpu.memref_squeeze %dma_wait3A_1853 : memref<1x!tpu.dma_semaphore, #tpu.memory_space<semaphore_mem>> -> memref<!tpu.dma_semaphore, #tpu.memory_space<semaphore_mem>>
        %dma_wait3A_1855 = arith.constant 0 : i32
        %dma_wait3A_1856 = arith.constant 0 : i32
        %dma_wait3A_1857 = tpu.memref_slice %arg10[%dma_wait3A_1845, %dma_wait3A_1855, %dma_wait3A_1856] : memref<8x32x128xf32, #tpu.memory_space<vmem>> -> memref<1x32x128xf32, #tpu.memory_space<vmem>>
        %dma_wait3A_1858 = tpu.memref_squeeze %dma_wait3A_1857 : memref<1x32x128xf32, #tpu.memory_space<vmem>> -> memref<32x128xf32, #tpu.memory_space<vmem>>
        %dma_wait3A_1859 = arith.constant 0 : i32
        %dma_wait3A_1860 = tpu.memref_slice %arg5[%dma_wait3A_1859, %multiple_of3A_1844] : memref<32x1000000xf32, #tpu.memory_space<hbm>> -> memref<32x128xf32, #tpu.memory_space<hbm>>
        tpu.wait_dma2 semaphore(%dma_wait3A_1854 : memref<!tpu.dma_semaphore, #tpu.memory_space<semaphore_mem>>) src(%dma_wait3A_1860 : memref<32x128xf32, #tpu.memory_space<hbm>>) dst(%dma_wait3A_1858 : memref<32x128xf32, #tpu.memory_space<vmem>>)
        %broadcast_in_dim3A_1861 = arith.constant 0 : i32
        %broadcast_in_dim3A_1862 = vector.broadcast %broadcast_in_dim3A_1861 : i32 to vector<16xi32>
        %slice3A_1863 = vector.extract_strided_slice %scan3A_903 {offsets = [8], sizes = [1], strides = [1]} : vector<16xi32> to vector<1xi32>
        %squeeze3A_1864 = vector.extract %slice3A_1863[0] : i32 from vector<1xi32>
        %and3A_1865 = arith.constant 127 : i32
        %and3A_1866 = arith.andi %squeeze3A_1864, %and3A_1865 : i32
        %broadcast_in_dim3A_1867 = vector.broadcast %and3A_1866 : i32 to vector<16xi32>
        %slice3A_1868 = vector.extract_strided_slice %scan3A_904 {offsets = [8], sizes = [1], strides = [1]} : vector<16xi32> to vector<1xi32>
        %squeeze3A_1869 = vector.extract %slice3A_1868[0] : i32 from vector<1xi32>
        %and3A_1870 = arith.constant 127 : i32
        %and3A_1871 = arith.andi %squeeze3A_1869, %and3A_1870 : i32
        %broadcast_in_dim3A_1872 = vector.broadcast %and3A_1871 : i32 to vector<16xi32>
        %gather3A_1873 = tpu.vector_load_idx %arg9[%broadcast_in_dim3A_1862, %iota3A, %broadcast_in_dim3A_1867] : memref<8x32x128xf32, #tpu.memory_space<vmem>>[vector<16xi32>, vector<16xi32>, vector<16xi32>], vector<16xf32>,
        %gather3A_1874 = tpu.vector_load_idx %arg10[%broadcast_in_dim3A_1862, %iota3A, %broadcast_in_dim3A_1872] : memref<8x32x128xf32, #tpu.memory_space<vmem>>[vector<16xi32>, vector<16xi32>, vector<16xi32>], vector<16xf32>,
        %mul3A_1875 = arith.mulf %gather3A_1873, %gather3A_1874 : vector<16xf32>
        %gather3A_1876 = tpu.vector_load_idx %arg9[%broadcast_in_dim3A_1862, %add3A_5, %broadcast_in_dim3A_1867] : memref<8x32x128xf32, #tpu.memory_space<vmem>>[vector<16xi32>, vector<16xi32>, vector<16xi32>], vector<16xf32>,
        %gather3A_1877 = tpu.vector_load_idx %arg10[%broadcast_in_dim3A_1862, %add3A_5, %broadcast_in_dim3A_1872] : memref<8x32x128xf32, #tpu.memory_space<vmem>>[vector<16xi32>, vector<16xi32>, vector<16xi32>], vector<16xf32>,
        %mul3A_1878 = arith.mulf %gather3A_1876, %gather3A_1877 : vector<16xf32>
        %add3A_1879 = arith.addf %mul3A_1875, %mul3A_1878 : vector<16xf32>
        %reduce_sum3A_1880 = arith.constant true
        %reduce_sum3A_1881 = vector.broadcast %reduce_sum3A_1880 : i1 to vector<16xi1>
        %reduce_sum3A_1882 = tpu.scan <sum>, %add3A_1879 masked %reduce_sum3A_1881 : vector<16xf32>, vector<16xi1> -> vector<16xf32>
        %reduce_sum3A_1883 = vector.extract %reduce_sum3A_1882[15] : f32 from vector<16xf32>
        %eq3A_1884 = arith.constant 8 : i32
        %eq3A_1885 = vector.broadcast %eq3A_1884 : i32 to vector<16xi32>
        %eq3A_1886 = arith.cmpi eq, %iota3A, %eq3A_1885 : vector<16xi32>
        %broadcast_in_dim3A_1887 = vector.broadcast %reduce_sum3A_1883 : f32 to vector<16xf32>
        %select_n3A_1888 = arith.select %eq3A_1886, %broadcast_in_dim3A_1887, %scan3A_905 : vector<16xi1>, vector<16xf32>
        %slice3A_1889 = vector.extract_strided_slice %scan3A_903 {offsets = [9], sizes = [1], strides = [1]} : vector<16xi32> to vector<1xi32>
        %squeeze3A_1890 = vector.extract %slice3A_1889[0] : i32 from vector<1xi32>
        %and3A_1891 = arith.constant -128 : i32
        %and3A_1892 = arith.andi %squeeze3A_1890, %and3A_1891 : i32
        %slice3A_1893 = vector.extract_strided_slice %scan3A_904 {offsets = [9], sizes = [1], strides = [1]} : vector<16xi32> to vector<1xi32>
        %squeeze3A_1894 = vector.extract %slice3A_1893[0] : i32 from vector<1xi32>
        %and3A_1895 = arith.constant -128 : i32
        %and3A_1896 = arith.andi %squeeze3A_1894, %and3A_1895 : i32
        %multiple_of3A_1897 = tpu.assume_multiple %and3A_1892, 128 : i32
        %dma_wait3A_1898 = arith.constant 1 : i32
        %dma_wait3A_1899 = arith.constant 1 : i32
        %dma_wait3A_1900 = arith.constant 0 : i32
        %dma_wait3A_1901 = arith.constant 0 : i32
        %dma_wait3A_1902 = tpu.memref_slice %arg9[%dma_wait3A_1898, %dma_wait3A_1900, %dma_wait3A_1901] : memref<8x32x128xf32, #tpu.memory_space<vmem>> -> memref<1x32x128xf32, #tpu.memory_space<vmem>>
        %dma_wait3A_1903 = tpu.memref_squeeze %dma_wait3A_1902 : memref<1x32x128xf32, #tpu.memory_space<vmem>> -> memref<32x128xf32, #tpu.memory_space<vmem>>
        %dma_wait3A_1904 = arith.constant 0 : i32
        %dma_wait3A_1905 = tpu.memref_slice %arg4[%dma_wait3A_1904, %multiple_of3A_1897] : memref<32x1000000xf32, #tpu.memory_space<hbm>> -> memref<32x128xf32, #tpu.memory_space<hbm>>
        %dma_wait3A_1906 = tpu.memref_slice %arg12[%dma_wait3A_1899] : memref<8x!tpu.dma_semaphore, #tpu.memory_space<semaphore_mem>> -> memref<1x!tpu.dma_semaphore, #tpu.memory_space<semaphore_mem>>
        %dma_wait3A_1907 = tpu.memref_squeeze %dma_wait3A_1906 : memref<1x!tpu.dma_semaphore, #tpu.memory_space<semaphore_mem>> -> memref<!tpu.dma_semaphore, #tpu.memory_space<semaphore_mem>>
        %dma_wait3A_1908 = arith.constant 0 : i32
        %dma_wait3A_1909 = arith.constant 0 : i32
        %dma_wait3A_1910 = tpu.memref_slice %arg9[%dma_wait3A_1898, %dma_wait3A_1908, %dma_wait3A_1909] : memref<8x32x128xf32, #tpu.memory_space<vmem>> -> memref<1x32x128xf32, #tpu.memory_space<vmem>>
        %dma_wait3A_1911 = tpu.memref_squeeze %dma_wait3A_1910 : memref<1x32x128xf32, #tpu.memory_space<vmem>> -> memref<32x128xf32, #tpu.memory_space<vmem>>
        %dma_wait3A_1912 = arith.constant 0 : i32
        %dma_wait3A_1913 = tpu.memref_slice %arg4[%dma_wait3A_1912, %multiple_of3A_1897] : memref<32x1000000xf32, #tpu.memory_space<hbm>> -> memref<32x128xf32, #tpu.memory_space<hbm>>
        tpu.wait_dma2 semaphore(%dma_wait3A_1907 : memref<!tpu.dma_semaphore, #tpu.memory_space<semaphore_mem>>) src(%dma_wait3A_1913 : memref<32x128xf32, #tpu.memory_space<hbm>>) dst(%dma_wait3A_1911 : memref<32x128xf32, #tpu.memory_space<vmem>>)
        %multiple_of3A_1914 = tpu.assume_multiple %and3A_1896, 128 : i32
        %dma_wait3A_1915 = arith.constant 1 : i32
        %dma_wait3A_1916 = arith.constant 1 : i32
        %dma_wait3A_1917 = arith.constant 0 : i32
        %dma_wait3A_1918 = arith.constant 0 : i32
        %dma_wait3A_1919 = tpu.memref_slice %arg10[%dma_wait3A_1915, %dma_wait3A_1917, %dma_wait3A_1918] : memref<8x32x128xf32, #tpu.memory_space<vmem>> -> memref<1x32x128xf32, #tpu.memory_space<vmem>>
        %dma_wait3A_1920 = tpu.memref_squeeze %dma_wait3A_1919 : memref<1x32x128xf32, #tpu.memory_space<vmem>> -> memref<32x128xf32, #tpu.memory_space<vmem>>
        %dma_wait3A_1921 = arith.constant 0 : i32
        %dma_wait3A_1922 = tpu.memref_slice %arg5[%dma_wait3A_1921, %multiple_of3A_1914] : memref<32x1000000xf32, #tpu.memory_space<hbm>> -> memref<32x128xf32, #tpu.memory_space<hbm>>
        %dma_wait3A_1923 = tpu.memref_slice %arg12[%dma_wait3A_1916] : memref<8x!tpu.dma_semaphore, #tpu.memory_space<semaphore_mem>> -> memref<1x!tpu.dma_semaphore, #tpu.memory_space<semaphore_mem>>
        %dma_wait3A_1924 = tpu.memref_squeeze %dma_wait3A_1923 : memref<1x!tpu.dma_semaphore, #tpu.memory_space<semaphore_mem>> -> memref<!tpu.dma_semaphore, #tpu.memory_space<semaphore_mem>>
        %dma_wait3A_1925 = arith.constant 0 : i32
        %dma_wait3A_1926 = arith.constant 0 : i32
        %dma_wait3A_1927 = tpu.memref_slice %arg10[%dma_wait3A_1915, %dma_wait3A_1925, %dma_wait3A_1926] : memref<8x32x128xf32, #tpu.memory_space<vmem>> -> memref<1x32x128xf32, #tpu.memory_space<vmem>>
        %dma_wait3A_1928 = tpu.memref_squeeze %dma_wait3A_1927 : memref<1x32x128xf32, #tpu.memory_space<vmem>> -> memref<32x128xf32, #tpu.memory_space<vmem>>
        %dma_wait3A_1929 = arith.constant 0 : i32
        %dma_wait3A_1930 = tpu.memref_slice %arg5[%dma_wait3A_1929, %multiple_of3A_1914] : memref<32x1000000xf32, #tpu.memory_space<hbm>> -> memref<32x128xf32, #tpu.memory_space<hbm>>
        tpu.wait_dma2 semaphore(%dma_wait3A_1924 : memref<!tpu.dma_semaphore, #tpu.memory_space<semaphore_mem>>) src(%dma_wait3A_1930 : memref<32x128xf32, #tpu.memory_space<hbm>>) dst(%dma_wait3A_1928 : memref<32x128xf32, #tpu.memory_space<vmem>>)
        %broadcast_in_dim3A_1931 = arith.constant 1 : i32
        %broadcast_in_dim3A_1932 = vector.broadcast %broadcast_in_dim3A_1931 : i32 to vector<16xi32>
        %slice3A_1933 = vector.extract_strided_slice %scan3A_903 {offsets = [9], sizes = [1], strides = [1]} : vector<16xi32> to vector<1xi32>
        %squeeze3A_1934 = vector.extract %slice3A_1933[0] : i32 from vector<1xi32>
        %and3A_1935 = arith.constant 127 : i32
        %and3A_1936 = arith.andi %squeeze3A_1934, %and3A_1935 : i32
        %broadcast_in_dim3A_1937 = vector.broadcast %and3A_1936 : i32 to vector<16xi32>
        %slice3A_1938 = vector.extract_strided_slice %scan3A_904 {offsets = [9], sizes = [1], strides = [1]} : vector<16xi32> to vector<1xi32>
        %squeeze3A_1939 = vector.extract %slice3A_1938[0] : i32 from vector<1xi32>
        %and3A_1940 = arith.constant 127 : i32
        %and3A_1941 = arith.andi %squeeze3A_1939, %and3A_1940 : i32
        %broadcast_in_dim3A_1942 = vector.broadcast %and3A_1941 : i32 to vector<16xi32>
        %gather3A_1943 = tpu.vector_load_idx %arg9[%broadcast_in_dim3A_1932, %iota3A, %broadcast_in_dim3A_1937] : memref<8x32x128xf32, #tpu.memory_space<vmem>>[vector<16xi32>, vector<16xi32>, vector<16xi32>], vector<16xf32>,
        %gather3A_1944 = tpu.vector_load_idx %arg10[%broadcast_in_dim3A_1932, %iota3A, %broadcast_in_dim3A_1942] : memref<8x32x128xf32, #tpu.memory_space<vmem>>[vector<16xi32>, vector<16xi32>, vector<16xi32>], vector<16xf32>,
        %mul3A_1945 = arith.mulf %gather3A_1943, %gather3A_1944 : vector<16xf32>
        %gather3A_1946 = tpu.vector_load_idx %arg9[%broadcast_in_dim3A_1932, %add3A_5, %broadcast_in_dim3A_1937] : memref<8x32x128xf32, #tpu.memory_space<vmem>>[vector<16xi32>, vector<16xi32>, vector<16xi32>], vector<16xf32>,
        %gather3A_1947 = tpu.vector_load_idx %arg10[%broadcast_in_dim3A_1932, %add3A_5, %broadcast_in_dim3A_1942] : memref<8x32x128xf32, #tpu.memory_space<vmem>>[vector<16xi32>, vector<16xi32>, vector<16xi32>], vector<16xf32>,
        %mul3A_1948 = arith.mulf %gather3A_1946, %gather3A_1947 : vector<16xf32>
        %add3A_1949 = arith.addf %mul3A_1945, %mul3A_1948 : vector<16xf32>
        %reduce_sum3A_1950 = arith.constant true
        %reduce_sum3A_1951 = vector.broadcast %reduce_sum3A_1950 : i1 to vector<16xi1>
        %reduce_sum3A_1952 = tpu.scan <sum>, %add3A_1949 masked %reduce_sum3A_1951 : vector<16xf32>, vector<16xi1> -> vector<16xf32>
        %reduce_sum3A_1953 = vector.extract %reduce_sum3A_1952[15] : f32 from vector<16xf32>
        %eq3A_1954 = arith.constant 9 : i32
        %eq3A_1955 = vector.broadcast %eq3A_1954 : i32 to vector<16xi32>
        %eq3A_1956 = arith.cmpi eq, %iota3A, %eq3A_1955 : vector<16xi32>
        %broadcast_in_dim3A_1957 = vector.broadcast %reduce_sum3A_1953 : f32 to vector<16xf32>
        %select_n3A_1958 = arith.select %eq3A_1956, %broadcast_in_dim3A_1957, %select_n3A_1888 : vector<16xi1>, vector<16xf32>
        %slice3A_1959 = vector.extract_strided_slice %scan3A_903 {offsets = [10], sizes = [1], strides = [1]} : vector<16xi32> to vector<1xi32>
        %squeeze3A_1960 = vector.extract %slice3A_1959[0] : i32 from vector<1xi32>
        %and3A_1961 = arith.constant -128 : i32
        %and3A_1962 = arith.andi %squeeze3A_1960, %and3A_1961 : i32
        %slice3A_1963 = vector.extract_strided_slice %scan3A_904 {offsets = [10], sizes = [1], strides = [1]} : vector<16xi32> to vector<1xi32>
        %squeeze3A_1964 = vector.extract %slice3A_1963[0] : i32 from vector<1xi32>
        %and3A_1965 = arith.constant -128 : i32
        %and3A_1966 = arith.andi %squeeze3A_1964, %and3A_1965 : i32
        %multiple_of3A_1967 = tpu.assume_multiple %and3A_1962, 128 : i32
        %dma_wait3A_1968 = arith.constant 2 : i32
        %dma_wait3A_1969 = arith.constant 2 : i32
        %dma_wait3A_1970 = arith.constant 0 : i32
        %dma_wait3A_1971 = arith.constant 0 : i32
        %dma_wait3A_1972 = tpu.memref_slice %arg9[%dma_wait3A_1968, %dma_wait3A_1970, %dma_wait3A_1971] : memref<8x32x128xf32, #tpu.memory_space<vmem>> -> memref<1x32x128xf32, #tpu.memory_space<vmem>>
        %dma_wait3A_1973 = tpu.memref_squeeze %dma_wait3A_1972 : memref<1x32x128xf32, #tpu.memory_space<vmem>> -> memref<32x128xf32, #tpu.memory_space<vmem>>
        %dma_wait3A_1974 = arith.constant 0 : i32
        %dma_wait3A_1975 = tpu.memref_slice %arg4[%dma_wait3A_1974, %multiple_of3A_1967] : memref<32x1000000xf32, #tpu.memory_space<hbm>> -> memref<32x128xf32, #tpu.memory_space<hbm>>
        %dma_wait3A_1976 = tpu.memref_slice %arg12[%dma_wait3A_1969] : memref<8x!tpu.dma_semaphore, #tpu.memory_space<semaphore_mem>> -> memref<1x!tpu.dma_semaphore, #tpu.memory_space<semaphore_mem>>
        %dma_wait3A_1977 = tpu.memref_squeeze %dma_wait3A_1976 : memref<1x!tpu.dma_semaphore, #tpu.memory_space<semaphore_mem>> -> memref<!tpu.dma_semaphore, #tpu.memory_space<semaphore_mem>>
        %dma_wait3A_1978 = arith.constant 0 : i32
        %dma_wait3A_1979 = arith.constant 0 : i32
        %dma_wait3A_1980 = tpu.memref_slice %arg9[%dma_wait3A_1968, %dma_wait3A_1978, %dma_wait3A_1979] : memref<8x32x128xf32, #tpu.memory_space<vmem>> -> memref<1x32x128xf32, #tpu.memory_space<vmem>>
        %dma_wait3A_1981 = tpu.memref_squeeze %dma_wait3A_1980 : memref<1x32x128xf32, #tpu.memory_space<vmem>> -> memref<32x128xf32, #tpu.memory_space<vmem>>
        %dma_wait3A_1982 = arith.constant 0 : i32
        %dma_wait3A_1983 = tpu.memref_slice %arg4[%dma_wait3A_1982, %multiple_of3A_1967] : memref<32x1000000xf32, #tpu.memory_space<hbm>> -> memref<32x128xf32, #tpu.memory_space<hbm>>
        tpu.wait_dma2 semaphore(%dma_wait3A_1977 : memref<!tpu.dma_semaphore, #tpu.memory_space<semaphore_mem>>) src(%dma_wait3A_1983 : memref<32x128xf32, #tpu.memory_space<hbm>>) dst(%dma_wait3A_1981 : memref<32x128xf32, #tpu.memory_space<vmem>>)
        %multiple_of3A_1984 = tpu.assume_multiple %and3A_1966, 128 : i32
        %dma_wait3A_1985 = arith.constant 2 : i32
        %dma_wait3A_1986 = arith.constant 2 : i32
        %dma_wait3A_1987 = arith.constant 0 : i32
        %dma_wait3A_1988 = arith.constant 0 : i32
        %dma_wait3A_1989 = tpu.memref_slice %arg10[%dma_wait3A_1985, %dma_wait3A_1987, %dma_wait3A_1988] : memref<8x32x128xf32, #tpu.memory_space<vmem>> -> memref<1x32x128xf32, #tpu.memory_space<vmem>>
        %dma_wait3A_1990 = tpu.memref_squeeze %dma_wait3A_1989 : memref<1x32x128xf32, #tpu.memory_space<vmem>> -> memref<32x128xf32, #tpu.memory_space<vmem>>
        %dma_wait3A_1991 = arith.constant 0 : i32
        %dma_wait3A_1992 = tpu.memref_slice %arg5[%dma_wait3A_1991, %multiple_of3A_1984] : memref<32x1000000xf32, #tpu.memory_space<hbm>> -> memref<32x128xf32, #tpu.memory_space<hbm>>
        %dma_wait3A_1993 = tpu.memref_slice %arg12[%dma_wait3A_1986] : memref<8x!tpu.dma_semaphore, #tpu.memory_space<semaphore_mem>> -> memref<1x!tpu.dma_semaphore, #tpu.memory_space<semaphore_mem>>
        %dma_wait3A_1994 = tpu.memref_squeeze %dma_wait3A_1993 : memref<1x!tpu.dma_semaphore, #tpu.memory_space<semaphore_mem>> -> memref<!tpu.dma_semaphore, #tpu.memory_space<semaphore_mem>>
        %dma_wait3A_1995 = arith.constant 0 : i32
        %dma_wait3A_1996 = arith.constant 0 : i32
        %dma_wait3A_1997 = tpu.memref_slice %arg10[%dma_wait3A_1985, %dma_wait3A_1995, %dma_wait3A_1996] : memref<8x32x128xf32, #tpu.memory_space<vmem>> -> memref<1x32x128xf32, #tpu.memory_space<vmem>>
        %dma_wait3A_1998 = tpu.memref_squeeze %dma_wait3A_1997 : memref<1x32x128xf32, #tpu.memory_space<vmem>> -> memref<32x128xf32, #tpu.memory_space<vmem>>
        %dma_wait3A_1999 = arith.constant 0 : i32
        %dma_wait3A_2000 = tpu.memref_slice %arg5[%dma_wait3A_1999, %multiple_of3A_1984] : memref<32x1000000xf32, #tpu.memory_space<hbm>> -> memref<32x128xf32, #tpu.memory_space<hbm>>
        tpu.wait_dma2 semaphore(%dma_wait3A_1994 : memref<!tpu.dma_semaphore, #tpu.memory_space<semaphore_mem>>) src(%dma_wait3A_2000 : memref<32x128xf32, #tpu.memory_space<hbm>>) dst(%dma_wait3A_1998 : memref<32x128xf32, #tpu.memory_space<vmem>>)
        %broadcast_in_dim3A_2001 = arith.constant 2 : i32
        %broadcast_in_dim3A_2002 = vector.broadcast %broadcast_in_dim3A_2001 : i32 to vector<16xi32>
        %slice3A_2003 = vector.extract_strided_slice %scan3A_903 {offsets = [10], sizes = [1], strides = [1]} : vector<16xi32> to vector<1xi32>
        %squeeze3A_2004 = vector.extract %slice3A_2003[0] : i32 from vector<1xi32>
        %and3A_2005 = arith.constant 127 : i32
        %and3A_2006 = arith.andi %squeeze3A_2004, %and3A_2005 : i32
        %broadcast_in_dim3A_2007 = vector.broadcast %and3A_2006 : i32 to vector<16xi32>
        %slice3A_2008 = vector.extract_strided_slice %scan3A_904 {offsets = [10], sizes = [1], strides = [1]} : vector<16xi32> to vector<1xi32>
        %squeeze3A_2009 = vector.extract %slice3A_2008[0] : i32 from vector<1xi32>
        %and3A_2010 = arith.constant 127 : i32
        %and3A_2011 = arith.andi %squeeze3A_2009, %and3A_2010 : i32
        %broadcast_in_dim3A_2012 = vector.broadcast %and3A_2011 : i32 to vector<16xi32>
        %gather3A_2013 = tpu.vector_load_idx %arg9[%broadcast_in_dim3A_2002, %iota3A, %broadcast_in_dim3A_2007] : memref<8x32x128xf32, #tpu.memory_space<vmem>>[vector<16xi32>, vector<16xi32>, vector<16xi32>], vector<16xf32>,
        %gather3A_2014 = tpu.vector_load_idx %arg10[%broadcast_in_dim3A_2002, %iota3A, %broadcast_in_dim3A_2012] : memref<8x32x128xf32, #tpu.memory_space<vmem>>[vector<16xi32>, vector<16xi32>, vector<16xi32>], vector<16xf32>,
        %mul3A_2015 = arith.mulf %gather3A_2013, %gather3A_2014 : vector<16xf32>
        %gather3A_2016 = tpu.vector_load_idx %arg9[%broadcast_in_dim3A_2002, %add3A_5, %broadcast_in_dim3A_2007] : memref<8x32x128xf32, #tpu.memory_space<vmem>>[vector<16xi32>, vector<16xi32>, vector<16xi32>], vector<16xf32>,
        %gather3A_2017 = tpu.vector_load_idx %arg10[%broadcast_in_dim3A_2002, %add3A_5, %broadcast_in_dim3A_2012] : memref<8x32x128xf32, #tpu.memory_space<vmem>>[vector<16xi32>, vector<16xi32>, vector<16xi32>], vector<16xf32>,
        %mul3A_2018 = arith.mulf %gather3A_2016, %gather3A_2017 : vector<16xf32>
        %add3A_2019 = arith.addf %mul3A_2015, %mul3A_2018 : vector<16xf32>
        %reduce_sum3A_2020 = arith.constant true
        %reduce_sum3A_2021 = vector.broadcast %reduce_sum3A_2020 : i1 to vector<16xi1>
        %reduce_sum3A_2022 = tpu.scan <sum>, %add3A_2019 masked %reduce_sum3A_2021 : vector<16xf32>, vector<16xi1> -> vector<16xf32>
        %reduce_sum3A_2023 = vector.extract %reduce_sum3A_2022[15] : f32 from vector<16xf32>
        %eq3A_2024 = arith.constant 10 : i32
        %eq3A_2025 = vector.broadcast %eq3A_2024 : i32 to vector<16xi32>
        %eq3A_2026 = arith.cmpi eq, %iota3A, %eq3A_2025 : vector<16xi32>
        %broadcast_in_dim3A_2027 = vector.broadcast %reduce_sum3A_2023 : f32 to vector<16xf32>
        %select_n3A_2028 = arith.select %eq3A_2026, %broadcast_in_dim3A_2027, %select_n3A_1958 : vector<16xi1>, vector<16xf32>
        %slice3A_2029 = vector.extract_strided_slice %scan3A_903 {offsets = [11], sizes = [1], strides = [1]} : vector<16xi32> to vector<1xi32>
        %squeeze3A_2030 = vector.extract %slice3A_2029[0] : i32 from vector<1xi32>
        %and3A_2031 = arith.constant -128 : i32
        %and3A_2032 = arith.andi %squeeze3A_2030, %and3A_2031 : i32
        %slice3A_2033 = vector.extract_strided_slice %scan3A_904 {offsets = [11], sizes = [1], strides = [1]} : vector<16xi32> to vector<1xi32>
        %squeeze3A_2034 = vector.extract %slice3A_2033[0] : i32 from vector<1xi32>
        %and3A_2035 = arith.constant -128 : i32
        %and3A_2036 = arith.andi %squeeze3A_2034, %and3A_2035 : i32
        %multiple_of3A_2037 = tpu.assume_multiple %and3A_2032, 128 : i32
        %dma_wait3A_2038 = arith.constant 3 : i32
        %dma_wait3A_2039 = arith.constant 3 : i32
        %dma_wait3A_2040 = arith.constant 0 : i32
        %dma_wait3A_2041 = arith.constant 0 : i32
        %dma_wait3A_2042 = tpu.memref_slice %arg9[%dma_wait3A_2038, %dma_wait3A_2040, %dma_wait3A_2041] : memref<8x32x128xf32, #tpu.memory_space<vmem>> -> memref<1x32x128xf32, #tpu.memory_space<vmem>>
        %dma_wait3A_2043 = tpu.memref_squeeze %dma_wait3A_2042 : memref<1x32x128xf32, #tpu.memory_space<vmem>> -> memref<32x128xf32, #tpu.memory_space<vmem>>
        %dma_wait3A_2044 = arith.constant 0 : i32
        %dma_wait3A_2045 = tpu.memref_slice %arg4[%dma_wait3A_2044, %multiple_of3A_2037] : memref<32x1000000xf32, #tpu.memory_space<hbm>> -> memref<32x128xf32, #tpu.memory_space<hbm>>
        %dma_wait3A_2046 = tpu.memref_slice %arg12[%dma_wait3A_2039] : memref<8x!tpu.dma_semaphore, #tpu.memory_space<semaphore_mem>> -> memref<1x!tpu.dma_semaphore, #tpu.memory_space<semaphore_mem>>
        %dma_wait3A_2047 = tpu.memref_squeeze %dma_wait3A_2046 : memref<1x!tpu.dma_semaphore, #tpu.memory_space<semaphore_mem>> -> memref<!tpu.dma_semaphore, #tpu.memory_space<semaphore_mem>>
        %dma_wait3A_2048 = arith.constant 0 : i32
        %dma_wait3A_2049 = arith.constant 0 : i32
        %dma_wait3A_2050 = tpu.memref_slice %arg9[%dma_wait3A_2038, %dma_wait3A_2048, %dma_wait3A_2049] : memref<8x32x128xf32, #tpu.memory_space<vmem>> -> memref<1x32x128xf32, #tpu.memory_space<vmem>>
        %dma_wait3A_2051 = tpu.memref_squeeze %dma_wait3A_2050 : memref<1x32x128xf32, #tpu.memory_space<vmem>> -> memref<32x128xf32, #tpu.memory_space<vmem>>
        %dma_wait3A_2052 = arith.constant 0 : i32
        %dma_wait3A_2053 = tpu.memref_slice %arg4[%dma_wait3A_2052, %multiple_of3A_2037] : memref<32x1000000xf32, #tpu.memory_space<hbm>> -> memref<32x128xf32, #tpu.memory_space<hbm>>
        tpu.wait_dma2 semaphore(%dma_wait3A_2047 : memref<!tpu.dma_semaphore, #tpu.memory_space<semaphore_mem>>) src(%dma_wait3A_2053 : memref<32x128xf32, #tpu.memory_space<hbm>>) dst(%dma_wait3A_2051 : memref<32x128xf32, #tpu.memory_space<vmem>>)
        %multiple_of3A_2054 = tpu.assume_multiple %and3A_2036, 128 : i32
        %dma_wait3A_2055 = arith.constant 3 : i32
        %dma_wait3A_2056 = arith.constant 3 : i32
        %dma_wait3A_2057 = arith.constant 0 : i32
        %dma_wait3A_2058 = arith.constant 0 : i32
        %dma_wait3A_2059 = tpu.memref_slice %arg10[%dma_wait3A_2055, %dma_wait3A_2057, %dma_wait3A_2058] : memref<8x32x128xf32, #tpu.memory_space<vmem>> -> memref<1x32x128xf32, #tpu.memory_space<vmem>>
        %dma_wait3A_2060 = tpu.memref_squeeze %dma_wait3A_2059 : memref<1x32x128xf32, #tpu.memory_space<vmem>> -> memref<32x128xf32, #tpu.memory_space<vmem>>
        %dma_wait3A_2061 = arith.constant 0 : i32
        %dma_wait3A_2062 = tpu.memref_slice %arg5[%dma_wait3A_2061, %multiple_of3A_2054] : memref<32x1000000xf32, #tpu.memory_space<hbm>> -> memref<32x128xf32, #tpu.memory_space<hbm>>
        %dma_wait3A_2063 = tpu.memref_slice %arg12[%dma_wait3A_2056] : memref<8x!tpu.dma_semaphore, #tpu.memory_space<semaphore_mem>> -> memref<1x!tpu.dma_semaphore, #tpu.memory_space<semaphore_mem>>
        %dma_wait3A_2064 = tpu.memref_squeeze %dma_wait3A_2063 : memref<1x!tpu.dma_semaphore, #tpu.memory_space<semaphore_mem>> -> memref<!tpu.dma_semaphore, #tpu.memory_space<semaphore_mem>>
        %dma_wait3A_2065 = arith.constant 0 : i32
        %dma_wait3A_2066 = arith.constant 0 : i32
        %dma_wait3A_2067 = tpu.memref_slice %arg10[%dma_wait3A_2055, %dma_wait3A_2065, %dma_wait3A_2066] : memref<8x32x128xf32, #tpu.memory_space<vmem>> -> memref<1x32x128xf32, #tpu.memory_space<vmem>>
        %dma_wait3A_2068 = tpu.memref_squeeze %dma_wait3A_2067 : memref<1x32x128xf32, #tpu.memory_space<vmem>> -> memref<32x128xf32, #tpu.memory_space<vmem>>
        %dma_wait3A_2069 = arith.constant 0 : i32
        %dma_wait3A_2070 = tpu.memref_slice %arg5[%dma_wait3A_2069, %multiple_of3A_2054] : memref<32x1000000xf32, #tpu.memory_space<hbm>> -> memref<32x128xf32, #tpu.memory_space<hbm>>
        tpu.wait_dma2 semaphore(%dma_wait3A_2064 : memref<!tpu.dma_semaphore, #tpu.memory_space<semaphore_mem>>) src(%dma_wait3A_2070 : memref<32x128xf32, #tpu.memory_space<hbm>>) dst(%dma_wait3A_2068 : memref<32x128xf32, #tpu.memory_space<vmem>>)
        %broadcast_in_dim3A_2071 = arith.constant 3 : i32
        %broadcast_in_dim3A_2072 = vector.broadcast %broadcast_in_dim3A_2071 : i32 to vector<16xi32>
        %slice3A_2073 = vector.extract_strided_slice %scan3A_903 {offsets = [11], sizes = [1], strides = [1]} : vector<16xi32> to vector<1xi32>
        %squeeze3A_2074 = vector.extract %slice3A_2073[0] : i32 from vector<1xi32>
        %and3A_2075 = arith.constant 127 : i32
        %and3A_2076 = arith.andi %squeeze3A_2074, %and3A_2075 : i32
        %broadcast_in_dim3A_2077 = vector.broadcast %and3A_2076 : i32 to vector<16xi32>
        %slice3A_2078 = vector.extract_strided_slice %scan3A_904 {offsets = [11], sizes = [1], strides = [1]} : vector<16xi32> to vector<1xi32>
        %squeeze3A_2079 = vector.extract %slice3A_2078[0] : i32 from vector<1xi32>
        %and3A_2080 = arith.constant 127 : i32
        %and3A_2081 = arith.andi %squeeze3A_2079, %and3A_2080 : i32
        %broadcast_in_dim3A_2082 = vector.broadcast %and3A_2081 : i32 to vector<16xi32>
        %gather3A_2083 = tpu.vector_load_idx %arg9[%broadcast_in_dim3A_2072, %iota3A, %broadcast_in_dim3A_2077] : memref<8x32x128xf32, #tpu.memory_space<vmem>>[vector<16xi32>, vector<16xi32>, vector<16xi32>], vector<16xf32>,
        %gather3A_2084 = tpu.vector_load_idx %arg10[%broadcast_in_dim3A_2072, %iota3A, %broadcast_in_dim3A_2082] : memref<8x32x128xf32, #tpu.memory_space<vmem>>[vector<16xi32>, vector<16xi32>, vector<16xi32>], vector<16xf32>,
        %mul3A_2085 = arith.mulf %gather3A_2083, %gather3A_2084 : vector<16xf32>
        %gather3A_2086 = tpu.vector_load_idx %arg9[%broadcast_in_dim3A_2072, %add3A_5, %broadcast_in_dim3A_2077] : memref<8x32x128xf32, #tpu.memory_space<vmem>>[vector<16xi32>, vector<16xi32>, vector<16xi32>], vector<16xf32>,
        %gather3A_2087 = tpu.vector_load_idx %arg10[%broadcast_in_dim3A_2072, %add3A_5, %broadcast_in_dim3A_2082] : memref<8x32x128xf32, #tpu.memory_space<vmem>>[vector<16xi32>, vector<16xi32>, vector<16xi32>], vector<16xf32>,
        %mul3A_2088 = arith.mulf %gather3A_2086, %gather3A_2087 : vector<16xf32>
        %add3A_2089 = arith.addf %mul3A_2085, %mul3A_2088 : vector<16xf32>
        %reduce_sum3A_2090 = arith.constant true
        %reduce_sum3A_2091 = vector.broadcast %reduce_sum3A_2090 : i1 to vector<16xi1>
        %reduce_sum3A_2092 = tpu.scan <sum>, %add3A_2089 masked %reduce_sum3A_2091 : vector<16xf32>, vector<16xi1> -> vector<16xf32>
        %reduce_sum3A_2093 = vector.extract %reduce_sum3A_2092[15] : f32 from vector<16xf32>
        %eq3A_2094 = arith.constant 11 : i32
        %eq3A_2095 = vector.broadcast %eq3A_2094 : i32 to vector<16xi32>
        %eq3A_2096 = arith.cmpi eq, %iota3A, %eq3A_2095 : vector<16xi32>
        %broadcast_in_dim3A_2097 = vector.broadcast %reduce_sum3A_2093 : f32 to vector<16xf32>
        %select_n3A_2098 = arith.select %eq3A_2096, %broadcast_in_dim3A_2097, %select_n3A_2028 : vector<16xi1>, vector<16xf32>
        %slice3A_2099 = vector.extract_strided_slice %scan3A_903 {offsets = [12], sizes = [1], strides = [1]} : vector<16xi32> to vector<1xi32>
        %squeeze3A_2100 = vector.extract %slice3A_2099[0] : i32 from vector<1xi32>
        %and3A_2101 = arith.constant -128 : i32
        %and3A_2102 = arith.andi %squeeze3A_2100, %and3A_2101 : i32
        %slice3A_2103 = vector.extract_strided_slice %scan3A_904 {offsets = [12], sizes = [1], strides = [1]} : vector<16xi32> to vector<1xi32>
        %squeeze3A_2104 = vector.extract %slice3A_2103[0] : i32 from vector<1xi32>
        %and3A_2105 = arith.constant -128 : i32
        %and3A_2106 = arith.andi %squeeze3A_2104, %and3A_2105 : i32
        %multiple_of3A_2107 = tpu.assume_multiple %and3A_2102, 128 : i32
        %dma_wait3A_2108 = arith.constant 4 : i32
        %dma_wait3A_2109 = arith.constant 4 : i32
        %dma_wait3A_2110 = arith.constant 0 : i32
        %dma_wait3A_2111 = arith.constant 0 : i32
        %dma_wait3A_2112 = tpu.memref_slice %arg9[%dma_wait3A_2108, %dma_wait3A_2110, %dma_wait3A_2111] : memref<8x32x128xf32, #tpu.memory_space<vmem>> -> memref<1x32x128xf32, #tpu.memory_space<vmem>>
        %dma_wait3A_2113 = tpu.memref_squeeze %dma_wait3A_2112 : memref<1x32x128xf32, #tpu.memory_space<vmem>> -> memref<32x128xf32, #tpu.memory_space<vmem>>
        %dma_wait3A_2114 = arith.constant 0 : i32
        %dma_wait3A_2115 = tpu.memref_slice %arg4[%dma_wait3A_2114, %multiple_of3A_2107] : memref<32x1000000xf32, #tpu.memory_space<hbm>> -> memref<32x128xf32, #tpu.memory_space<hbm>>
        %dma_wait3A_2116 = tpu.memref_slice %arg12[%dma_wait3A_2109] : memref<8x!tpu.dma_semaphore, #tpu.memory_space<semaphore_mem>> -> memref<1x!tpu.dma_semaphore, #tpu.memory_space<semaphore_mem>>
        %dma_wait3A_2117 = tpu.memref_squeeze %dma_wait3A_2116 : memref<1x!tpu.dma_semaphore, #tpu.memory_space<semaphore_mem>> -> memref<!tpu.dma_semaphore, #tpu.memory_space<semaphore_mem>>
        %dma_wait3A_2118 = arith.constant 0 : i32
        %dma_wait3A_2119 = arith.constant 0 : i32
        %dma_wait3A_2120 = tpu.memref_slice %arg9[%dma_wait3A_2108, %dma_wait3A_2118, %dma_wait3A_2119] : memref<8x32x128xf32, #tpu.memory_space<vmem>> -> memref<1x32x128xf32, #tpu.memory_space<vmem>>
        %dma_wait3A_2121 = tpu.memref_squeeze %dma_wait3A_2120 : memref<1x32x128xf32, #tpu.memory_space<vmem>> -> memref<32x128xf32, #tpu.memory_space<vmem>>
        %dma_wait3A_2122 = arith.constant 0 : i32
        %dma_wait3A_2123 = tpu.memref_slice %arg4[%dma_wait3A_2122, %multiple_of3A_2107] : memref<32x1000000xf32, #tpu.memory_space<hbm>> -> memref<32x128xf32, #tpu.memory_space<hbm>>
        tpu.wait_dma2 semaphore(%dma_wait3A_2117 : memref<!tpu.dma_semaphore, #tpu.memory_space<semaphore_mem>>) src(%dma_wait3A_2123 : memref<32x128xf32, #tpu.memory_space<hbm>>) dst(%dma_wait3A_2121 : memref<32x128xf32, #tpu.memory_space<vmem>>)
        %multiple_of3A_2124 = tpu.assume_multiple %and3A_2106, 128 : i32
        %dma_wait3A_2125 = arith.constant 4 : i32
        %dma_wait3A_2126 = arith.constant 4 : i32
        %dma_wait3A_2127 = arith.constant 0 : i32
        %dma_wait3A_2128 = arith.constant 0 : i32
        %dma_wait3A_2129 = tpu.memref_slice %arg10[%dma_wait3A_2125, %dma_wait3A_2127, %dma_wait3A_2128] : memref<8x32x128xf32, #tpu.memory_space<vmem>> -> memref<1x32x128xf32, #tpu.memory_space<vmem>>
        %dma_wait3A_2130 = tpu.memref_squeeze %dma_wait3A_2129 : memref<1x32x128xf32, #tpu.memory_space<vmem>> -> memref<32x128xf32, #tpu.memory_space<vmem>>
        %dma_wait3A_2131 = arith.constant 0 : i32
        %dma_wait3A_2132 = tpu.memref_slice %arg5[%dma_wait3A_2131, %multiple_of3A_2124] : memref<32x1000000xf32, #tpu.memory_space<hbm>> -> memref<32x128xf32, #tpu.memory_space<hbm>>
        %dma_wait3A_2133 = tpu.memref_slice %arg12[%dma_wait3A_2126] : memref<8x!tpu.dma_semaphore, #tpu.memory_space<semaphore_mem>> -> memref<1x!tpu.dma_semaphore, #tpu.memory_space<semaphore_mem>>
        %dma_wait3A_2134 = tpu.memref_squeeze %dma_wait3A_2133 : memref<1x!tpu.dma_semaphore, #tpu.memory_space<semaphore_mem>> -> memref<!tpu.dma_semaphore, #tpu.memory_space<semaphore_mem>>
        %dma_wait3A_2135 = arith.constant 0 : i32
        %dma_wait3A_2136 = arith.constant 0 : i32
        %dma_wait3A_2137 = tpu.memref_slice %arg10[%dma_wait3A_2125, %dma_wait3A_2135, %dma_wait3A_2136] : memref<8x32x128xf32, #tpu.memory_space<vmem>> -> memref<1x32x128xf32, #tpu.memory_space<vmem>>
        %dma_wait3A_2138 = tpu.memref_squeeze %dma_wait3A_2137 : memref<1x32x128xf32, #tpu.memory_space<vmem>> -> memref<32x128xf32, #tpu.memory_space<vmem>>
        %dma_wait3A_2139 = arith.constant 0 : i32
        %dma_wait3A_2140 = tpu.memref_slice %arg5[%dma_wait3A_2139, %multiple_of3A_2124] : memref<32x1000000xf32, #tpu.memory_space<hbm>> -> memref<32x128xf32, #tpu.memory_space<hbm>>
        tpu.wait_dma2 semaphore(%dma_wait3A_2134 : memref<!tpu.dma_semaphore, #tpu.memory_space<semaphore_mem>>) src(%dma_wait3A_2140 : memref<32x128xf32, #tpu.memory_space<hbm>>) dst(%dma_wait3A_2138 : memref<32x128xf32, #tpu.memory_space<vmem>>)
        %broadcast_in_dim3A_2141 = arith.constant 4 : i32
        %broadcast_in_dim3A_2142 = vector.broadcast %broadcast_in_dim3A_2141 : i32 to vector<16xi32>
        %slice3A_2143 = vector.extract_strided_slice %scan3A_903 {offsets = [12], sizes = [1], strides = [1]} : vector<16xi32> to vector<1xi32>
        %squeeze3A_2144 = vector.extract %slice3A_2143[0] : i32 from vector<1xi32>
        %and3A_2145 = arith.constant 127 : i32
        %and3A_2146 = arith.andi %squeeze3A_2144, %and3A_2145 : i32
        %broadcast_in_dim3A_2147 = vector.broadcast %and3A_2146 : i32 to vector<16xi32>
        %slice3A_2148 = vector.extract_strided_slice %scan3A_904 {offsets = [12], sizes = [1], strides = [1]} : vector<16xi32> to vector<1xi32>
        %squeeze3A_2149 = vector.extract %slice3A_2148[0] : i32 from vector<1xi32>
        %and3A_2150 = arith.constant 127 : i32
        %and3A_2151 = arith.andi %squeeze3A_2149, %and3A_2150 : i32
        %broadcast_in_dim3A_2152 = vector.broadcast %and3A_2151 : i32 to vector<16xi32>
        %gather3A_2153 = tpu.vector_load_idx %arg9[%broadcast_in_dim3A_2142, %iota3A, %broadcast_in_dim3A_2147] : memref<8x32x128xf32, #tpu.memory_space<vmem>>[vector<16xi32>, vector<16xi32>, vector<16xi32>], vector<16xf32>,
        %gather3A_2154 = tpu.vector_load_idx %arg10[%broadcast_in_dim3A_2142, %iota3A, %broadcast_in_dim3A_2152] : memref<8x32x128xf32, #tpu.memory_space<vmem>>[vector<16xi32>, vector<16xi32>, vector<16xi32>], vector<16xf32>,
        %mul3A_2155 = arith.mulf %gather3A_2153, %gather3A_2154 : vector<16xf32>
        %gather3A_2156 = tpu.vector_load_idx %arg9[%broadcast_in_dim3A_2142, %add3A_5, %broadcast_in_dim3A_2147] : memref<8x32x128xf32, #tpu.memory_space<vmem>>[vector<16xi32>, vector<16xi32>, vector<16xi32>], vector<16xf32>,
        %gather3A_2157 = tpu.vector_load_idx %arg10[%broadcast_in_dim3A_2142, %add3A_5, %broadcast_in_dim3A_2152] : memref<8x32x128xf32, #tpu.memory_space<vmem>>[vector<16xi32>, vector<16xi32>, vector<16xi32>], vector<16xf32>,
        %mul3A_2158 = arith.mulf %gather3A_2156, %gather3A_2157 : vector<16xf32>
        %add3A_2159 = arith.addf %mul3A_2155, %mul3A_2158 : vector<16xf32>
        %reduce_sum3A_2160 = arith.constant true
        %reduce_sum3A_2161 = vector.broadcast %reduce_sum3A_2160 : i1 to vector<16xi1>
        %reduce_sum3A_2162 = tpu.scan <sum>, %add3A_2159 masked %reduce_sum3A_2161 : vector<16xf32>, vector<16xi1> -> vector<16xf32>
        %reduce_sum3A_2163 = vector.extract %reduce_sum3A_2162[15] : f32 from vector<16xf32>
        %eq3A_2164 = arith.constant 12 : i32
        %eq3A_2165 = vector.broadcast %eq3A_2164 : i32 to vector<16xi32>
        %eq3A_2166 = arith.cmpi eq, %iota3A, %eq3A_2165 : vector<16xi32>
        %broadcast_in_dim3A_2167 = vector.broadcast %reduce_sum3A_2163 : f32 to vector<16xf32>
        %select_n3A_2168 = arith.select %eq3A_2166, %broadcast_in_dim3A_2167, %select_n3A_2098 : vector<16xi1>, vector<16xf32>
        %slice3A_2169 = vector.extract_strided_slice %scan3A_903 {offsets = [13], sizes = [1], strides = [1]} : vector<16xi32> to vector<1xi32>
        %squeeze3A_2170 = vector.extract %slice3A_2169[0] : i32 from vector<1xi32>
        %and3A_2171 = arith.constant -128 : i32
        %and3A_2172 = arith.andi %squeeze3A_2170, %and3A_2171 : i32
        %slice3A_2173 = vector.extract_strided_slice %scan3A_904 {offsets = [13], sizes = [1], strides = [1]} : vector<16xi32> to vector<1xi32>
        %squeeze3A_2174 = vector.extract %slice3A_2173[0] : i32 from vector<1xi32>
        %and3A_2175 = arith.constant -128 : i32
        %and3A_2176 = arith.andi %squeeze3A_2174, %and3A_2175 : i32
        %multiple_of3A_2177 = tpu.assume_multiple %and3A_2172, 128 : i32
        %dma_wait3A_2178 = arith.constant 5 : i32
        %dma_wait3A_2179 = arith.constant 5 : i32
        %dma_wait3A_2180 = arith.constant 0 : i32
        %dma_wait3A_2181 = arith.constant 0 : i32
        %dma_wait3A_2182 = tpu.memref_slice %arg9[%dma_wait3A_2178, %dma_wait3A_2180, %dma_wait3A_2181] : memref<8x32x128xf32, #tpu.memory_space<vmem>> -> memref<1x32x128xf32, #tpu.memory_space<vmem>>
        %dma_wait3A_2183 = tpu.memref_squeeze %dma_wait3A_2182 : memref<1x32x128xf32, #tpu.memory_space<vmem>> -> memref<32x128xf32, #tpu.memory_space<vmem>>
        %dma_wait3A_2184 = arith.constant 0 : i32
        %dma_wait3A_2185 = tpu.memref_slice %arg4[%dma_wait3A_2184, %multiple_of3A_2177] : memref<32x1000000xf32, #tpu.memory_space<hbm>> -> memref<32x128xf32, #tpu.memory_space<hbm>>
        %dma_wait3A_2186 = tpu.memref_slice %arg12[%dma_wait3A_2179] : memref<8x!tpu.dma_semaphore, #tpu.memory_space<semaphore_mem>> -> memref<1x!tpu.dma_semaphore, #tpu.memory_space<semaphore_mem>>
        %dma_wait3A_2187 = tpu.memref_squeeze %dma_wait3A_2186 : memref<1x!tpu.dma_semaphore, #tpu.memory_space<semaphore_mem>> -> memref<!tpu.dma_semaphore, #tpu.memory_space<semaphore_mem>>
        %dma_wait3A_2188 = arith.constant 0 : i32
        %dma_wait3A_2189 = arith.constant 0 : i32
        %dma_wait3A_2190 = tpu.memref_slice %arg9[%dma_wait3A_2178, %dma_wait3A_2188, %dma_wait3A_2189] : memref<8x32x128xf32, #tpu.memory_space<vmem>> -> memref<1x32x128xf32, #tpu.memory_space<vmem>>
        %dma_wait3A_2191 = tpu.memref_squeeze %dma_wait3A_2190 : memref<1x32x128xf32, #tpu.memory_space<vmem>> -> memref<32x128xf32, #tpu.memory_space<vmem>>
        %dma_wait3A_2192 = arith.constant 0 : i32
        %dma_wait3A_2193 = tpu.memref_slice %arg4[%dma_wait3A_2192, %multiple_of3A_2177] : memref<32x1000000xf32, #tpu.memory_space<hbm>> -> memref<32x128xf32, #tpu.memory_space<hbm>>
        tpu.wait_dma2 semaphore(%dma_wait3A_2187 : memref<!tpu.dma_semaphore, #tpu.memory_space<semaphore_mem>>) src(%dma_wait3A_2193 : memref<32x128xf32, #tpu.memory_space<hbm>>) dst(%dma_wait3A_2191 : memref<32x128xf32, #tpu.memory_space<vmem>>)
        %multiple_of3A_2194 = tpu.assume_multiple %and3A_2176, 128 : i32
        %dma_wait3A_2195 = arith.constant 5 : i32
        %dma_wait3A_2196 = arith.constant 5 : i32
        %dma_wait3A_2197 = arith.constant 0 : i32
        %dma_wait3A_2198 = arith.constant 0 : i32
        %dma_wait3A_2199 = tpu.memref_slice %arg10[%dma_wait3A_2195, %dma_wait3A_2197, %dma_wait3A_2198] : memref<8x32x128xf32, #tpu.memory_space<vmem>> -> memref<1x32x128xf32, #tpu.memory_space<vmem>>
        %dma_wait3A_2200 = tpu.memref_squeeze %dma_wait3A_2199 : memref<1x32x128xf32, #tpu.memory_space<vmem>> -> memref<32x128xf32, #tpu.memory_space<vmem>>
        %dma_wait3A_2201 = arith.constant 0 : i32
        %dma_wait3A_2202 = tpu.memref_slice %arg5[%dma_wait3A_2201, %multiple_of3A_2194] : memref<32x1000000xf32, #tpu.memory_space<hbm>> -> memref<32x128xf32, #tpu.memory_space<hbm>>
        %dma_wait3A_2203 = tpu.memref_slice %arg12[%dma_wait3A_2196] : memref<8x!tpu.dma_semaphore, #tpu.memory_space<semaphore_mem>> -> memref<1x!tpu.dma_semaphore, #tpu.memory_space<semaphore_mem>>
        %dma_wait3A_2204 = tpu.memref_squeeze %dma_wait3A_2203 : memref<1x!tpu.dma_semaphore, #tpu.memory_space<semaphore_mem>> -> memref<!tpu.dma_semaphore, #tpu.memory_space<semaphore_mem>>
        %dma_wait3A_2205 = arith.constant 0 : i32
        %dma_wait3A_2206 = arith.constant 0 : i32
        %dma_wait3A_2207 = tpu.memref_slice %arg10[%dma_wait3A_2195, %dma_wait3A_2205, %dma_wait3A_2206] : memref<8x32x128xf32, #tpu.memory_space<vmem>> -> memref<1x32x128xf32, #tpu.memory_space<vmem>>
        %dma_wait3A_2208 = tpu.memref_squeeze %dma_wait3A_2207 : memref<1x32x128xf32, #tpu.memory_space<vmem>> -> memref<32x128xf32, #tpu.memory_space<vmem>>
        %dma_wait3A_2209 = arith.constant 0 : i32
        %dma_wait3A_2210 = tpu.memref_slice %arg5[%dma_wait3A_2209, %multiple_of3A_2194] : memref<32x1000000xf32, #tpu.memory_space<hbm>> -> memref<32x128xf32, #tpu.memory_space<hbm>>
        tpu.wait_dma2 semaphore(%dma_wait3A_2204 : memref<!tpu.dma_semaphore, #tpu.memory_space<semaphore_mem>>) src(%dma_wait3A_2210 : memref<32x128xf32, #tpu.memory_space<hbm>>) dst(%dma_wait3A_2208 : memref<32x128xf32, #tpu.memory_space<vmem>>)
        %broadcast_in_dim3A_2211 = arith.constant 5 : i32
        %broadcast_in_dim3A_2212 = vector.broadcast %broadcast_in_dim3A_2211 : i32 to vector<16xi32>
        %slice3A_2213 = vector.extract_strided_slice %scan3A_903 {offsets = [13], sizes = [1], strides = [1]} : vector<16xi32> to vector<1xi32>
        %squeeze3A_2214 = vector.extract %slice3A_2213[0] : i32 from vector<1xi32>
        %and3A_2215 = arith.constant 127 : i32
        %and3A_2216 = arith.andi %squeeze3A_2214, %and3A_2215 : i32
        %broadcast_in_dim3A_2217 = vector.broadcast %and3A_2216 : i32 to vector<16xi32>
        %slice3A_2218 = vector.extract_strided_slice %scan3A_904 {offsets = [13], sizes = [1], strides = [1]} : vector<16xi32> to vector<1xi32>
        %squeeze3A_2219 = vector.extract %slice3A_2218[0] : i32 from vector<1xi32>
        %and3A_2220 = arith.constant 127 : i32
        %and3A_2221 = arith.andi %squeeze3A_2219, %and3A_2220 : i32
        %broadcast_in_dim3A_2222 = vector.broadcast %and3A_2221 : i32 to vector<16xi32>
        %gather3A_2223 = tpu.vector_load_idx %arg9[%broadcast_in_dim3A_2212, %iota3A, %broadcast_in_dim3A_2217] : memref<8x32x128xf32, #tpu.memory_space<vmem>>[vector<16xi32>, vector<16xi32>, vector<16xi32>], vector<16xf32>,
        %gather3A_2224 = tpu.vector_load_idx %arg10[%broadcast_in_dim3A_2212, %iota3A, %broadcast_in_dim3A_2222] : memref<8x32x128xf32, #tpu.memory_space<vmem>>[vector<16xi32>, vector<16xi32>, vector<16xi32>], vector<16xf32>,
        %mul3A_2225 = arith.mulf %gather3A_2223, %gather3A_2224 : vector<16xf32>
        %gather3A_2226 = tpu.vector_load_idx %arg9[%broadcast_in_dim3A_2212, %add3A_5, %broadcast_in_dim3A_2217] : memref<8x32x128xf32, #tpu.memory_space<vmem>>[vector<16xi32>, vector<16xi32>, vector<16xi32>], vector<16xf32>,
        %gather3A_2227 = tpu.vector_load_idx %arg10[%broadcast_in_dim3A_2212, %add3A_5, %broadcast_in_dim3A_2222] : memref<8x32x128xf32, #tpu.memory_space<vmem>>[vector<16xi32>, vector<16xi32>, vector<16xi32>], vector<16xf32>,
        %mul3A_2228 = arith.mulf %gather3A_2226, %gather3A_2227 : vector<16xf32>
        %add3A_2229 = arith.addf %mul3A_2225, %mul3A_2228 : vector<16xf32>
        %reduce_sum3A_2230 = arith.constant true
        %reduce_sum3A_2231 = vector.broadcast %reduce_sum3A_2230 : i1 to vector<16xi1>
        %reduce_sum3A_2232 = tpu.scan <sum>, %add3A_2229 masked %reduce_sum3A_2231 : vector<16xf32>, vector<16xi1> -> vector<16xf32>
        %reduce_sum3A_2233 = vector.extract %reduce_sum3A_2232[15] : f32 from vector<16xf32>
        %eq3A_2234 = arith.constant 13 : i32
        %eq3A_2235 = vector.broadcast %eq3A_2234 : i32 to vector<16xi32>
        %eq3A_2236 = arith.cmpi eq, %iota3A, %eq3A_2235 : vector<16xi32>
        %broadcast_in_dim3A_2237 = vector.broadcast %reduce_sum3A_2233 : f32 to vector<16xf32>
        %select_n3A_2238 = arith.select %eq3A_2236, %broadcast_in_dim3A_2237, %select_n3A_2168 : vector<16xi1>, vector<16xf32>
        %slice3A_2239 = vector.extract_strided_slice %scan3A_903 {offsets = [14], sizes = [1], strides = [1]} : vector<16xi32> to vector<1xi32>
        %squeeze3A_2240 = vector.extract %slice3A_2239[0] : i32 from vector<1xi32>
        %and3A_2241 = arith.constant -128 : i32
        %and3A_2242 = arith.andi %squeeze3A_2240, %and3A_2241 : i32
        %slice3A_2243 = vector.extract_strided_slice %scan3A_904 {offsets = [14], sizes = [1], strides = [1]} : vector<16xi32> to vector<1xi32>
        %squeeze3A_2244 = vector.extract %slice3A_2243[0] : i32 from vector<1xi32>
        %and3A_2245 = arith.constant -128 : i32
        %and3A_2246 = arith.andi %squeeze3A_2244, %and3A_2245 : i32
        %multiple_of3A_2247 = tpu.assume_multiple %and3A_2242, 128 : i32
        %dma_wait3A_2248 = arith.constant 6 : i32
        %dma_wait3A_2249 = arith.constant 6 : i32
        %dma_wait3A_2250 = arith.constant 0 : i32
        %dma_wait3A_2251 = arith.constant 0 : i32
        %dma_wait3A_2252 = tpu.memref_slice %arg9[%dma_wait3A_2248, %dma_wait3A_2250, %dma_wait3A_2251] : memref<8x32x128xf32, #tpu.memory_space<vmem>> -> memref<1x32x128xf32, #tpu.memory_space<vmem>>
        %dma_wait3A_2253 = tpu.memref_squeeze %dma_wait3A_2252 : memref<1x32x128xf32, #tpu.memory_space<vmem>> -> memref<32x128xf32, #tpu.memory_space<vmem>>
        %dma_wait3A_2254 = arith.constant 0 : i32
        %dma_wait3A_2255 = tpu.memref_slice %arg4[%dma_wait3A_2254, %multiple_of3A_2247] : memref<32x1000000xf32, #tpu.memory_space<hbm>> -> memref<32x128xf32, #tpu.memory_space<hbm>>
        %dma_wait3A_2256 = tpu.memref_slice %arg12[%dma_wait3A_2249] : memref<8x!tpu.dma_semaphore, #tpu.memory_space<semaphore_mem>> -> memref<1x!tpu.dma_semaphore, #tpu.memory_space<semaphore_mem>>
        %dma_wait3A_2257 = tpu.memref_squeeze %dma_wait3A_2256 : memref<1x!tpu.dma_semaphore, #tpu.memory_space<semaphore_mem>> -> memref<!tpu.dma_semaphore, #tpu.memory_space<semaphore_mem>>
        %dma_wait3A_2258 = arith.constant 0 : i32
        %dma_wait3A_2259 = arith.constant 0 : i32
        %dma_wait3A_2260 = tpu.memref_slice %arg9[%dma_wait3A_2248, %dma_wait3A_2258, %dma_wait3A_2259] : memref<8x32x128xf32, #tpu.memory_space<vmem>> -> memref<1x32x128xf32, #tpu.memory_space<vmem>>
        %dma_wait3A_2261 = tpu.memref_squeeze %dma_wait3A_2260 : memref<1x32x128xf32, #tpu.memory_space<vmem>> -> memref<32x128xf32, #tpu.memory_space<vmem>>
        %dma_wait3A_2262 = arith.constant 0 : i32
        %dma_wait3A_2263 = tpu.memref_slice %arg4[%dma_wait3A_2262, %multiple_of3A_2247] : memref<32x1000000xf32, #tpu.memory_space<hbm>> -> memref<32x128xf32, #tpu.memory_space<hbm>>
        tpu.wait_dma2 semaphore(%dma_wait3A_2257 : memref<!tpu.dma_semaphore, #tpu.memory_space<semaphore_mem>>) src(%dma_wait3A_2263 : memref<32x128xf32, #tpu.memory_space<hbm>>) dst(%dma_wait3A_2261 : memref<32x128xf32, #tpu.memory_space<vmem>>)
        %multiple_of3A_2264 = tpu.assume_multiple %and3A_2246, 128 : i32
        %dma_wait3A_2265 = arith.constant 6 : i32
        %dma_wait3A_2266 = arith.constant 6 : i32
        %dma_wait3A_2267 = arith.constant 0 : i32
        %dma_wait3A_2268 = arith.constant 0 : i32
        %dma_wait3A_2269 = tpu.memref_slice %arg10[%dma_wait3A_2265, %dma_wait3A_2267, %dma_wait3A_2268] : memref<8x32x128xf32, #tpu.memory_space<vmem>> -> memref<1x32x128xf32, #tpu.memory_space<vmem>>
        %dma_wait3A_2270 = tpu.memref_squeeze %dma_wait3A_2269 : memref<1x32x128xf32, #tpu.memory_space<vmem>> -> memref<32x128xf32, #tpu.memory_space<vmem>>
        %dma_wait3A_2271 = arith.constant 0 : i32
        %dma_wait3A_2272 = tpu.memref_slice %arg5[%dma_wait3A_2271, %multiple_of3A_2264] : memref<32x1000000xf32, #tpu.memory_space<hbm>> -> memref<32x128xf32, #tpu.memory_space<hbm>>
        %dma_wait3A_2273 = tpu.memref_slice %arg12[%dma_wait3A_2266] : memref<8x!tpu.dma_semaphore, #tpu.memory_space<semaphore_mem>> -> memref<1x!tpu.dma_semaphore, #tpu.memory_space<semaphore_mem>>
        %dma_wait3A_2274 = tpu.memref_squeeze %dma_wait3A_2273 : memref<1x!tpu.dma_semaphore, #tpu.memory_space<semaphore_mem>> -> memref<!tpu.dma_semaphore, #tpu.memory_space<semaphore_mem>>
        %dma_wait3A_2275 = arith.constant 0 : i32
        %dma_wait3A_2276 = arith.constant 0 : i32
        %dma_wait3A_2277 = tpu.memref_slice %arg10[%dma_wait3A_2265, %dma_wait3A_2275, %dma_wait3A_2276] : memref<8x32x128xf32, #tpu.memory_space<vmem>> -> memref<1x32x128xf32, #tpu.memory_space<vmem>>
        %dma_wait3A_2278 = tpu.memref_squeeze %dma_wait3A_2277 : memref<1x32x128xf32, #tpu.memory_space<vmem>> -> memref<32x128xf32, #tpu.memory_space<vmem>>
        %dma_wait3A_2279 = arith.constant 0 : i32
        %dma_wait3A_2280 = tpu.memref_slice %arg5[%dma_wait3A_2279, %multiple_of3A_2264] : memref<32x1000000xf32, #tpu.memory_space<hbm>> -> memref<32x128xf32, #tpu.memory_space<hbm>>
        tpu.wait_dma2 semaphore(%dma_wait3A_2274 : memref<!tpu.dma_semaphore, #tpu.memory_space<semaphore_mem>>) src(%dma_wait3A_2280 : memref<32x128xf32, #tpu.memory_space<hbm>>) dst(%dma_wait3A_2278 : memref<32x128xf32, #tpu.memory_space<vmem>>)
        %broadcast_in_dim3A_2281 = arith.constant 6 : i32
        %broadcast_in_dim3A_2282 = vector.broadcast %broadcast_in_dim3A_2281 : i32 to vector<16xi32>
        %slice3A_2283 = vector.extract_strided_slice %scan3A_903 {offsets = [14], sizes = [1], strides = [1]} : vector<16xi32> to vector<1xi32>
        %squeeze3A_2284 = vector.extract %slice3A_2283[0] : i32 from vector<1xi32>
        %and3A_2285 = arith.constant 127 : i32
        %and3A_2286 = arith.andi %squeeze3A_2284, %and3A_2285 : i32
        %broadcast_in_dim3A_2287 = vector.broadcast %and3A_2286 : i32 to vector<16xi32>
        %slice3A_2288 = vector.extract_strided_slice %scan3A_904 {offsets = [14], sizes = [1], strides = [1]} : vector<16xi32> to vector<1xi32>
        %squeeze3A_2289 = vector.extract %slice3A_2288[0] : i32 from vector<1xi32>
        %and3A_2290 = arith.constant 127 : i32
        %and3A_2291 = arith.andi %squeeze3A_2289, %and3A_2290 : i32
        %broadcast_in_dim3A_2292 = vector.broadcast %and3A_2291 : i32 to vector<16xi32>
        %gather3A_2293 = tpu.vector_load_idx %arg9[%broadcast_in_dim3A_2282, %iota3A, %broadcast_in_dim3A_2287] : memref<8x32x128xf32, #tpu.memory_space<vmem>>[vector<16xi32>, vector<16xi32>, vector<16xi32>], vector<16xf32>,
        %gather3A_2294 = tpu.vector_load_idx %arg10[%broadcast_in_dim3A_2282, %iota3A, %broadcast_in_dim3A_2292] : memref<8x32x128xf32, #tpu.memory_space<vmem>>[vector<16xi32>, vector<16xi32>, vector<16xi32>], vector<16xf32>,
        %mul3A_2295 = arith.mulf %gather3A_2293, %gather3A_2294 : vector<16xf32>
        %gather3A_2296 = tpu.vector_load_idx %arg9[%broadcast_in_dim3A_2282, %add3A_5, %broadcast_in_dim3A_2287] : memref<8x32x128xf32, #tpu.memory_space<vmem>>[vector<16xi32>, vector<16xi32>, vector<16xi32>], vector<16xf32>,
        %gather3A_2297 = tpu.vector_load_idx %arg10[%broadcast_in_dim3A_2282, %add3A_5, %broadcast_in_dim3A_2292] : memref<8x32x128xf32, #tpu.memory_space<vmem>>[vector<16xi32>, vector<16xi32>, vector<16xi32>], vector<16xf32>,
        %mul3A_2298 = arith.mulf %gather3A_2296, %gather3A_2297 : vector<16xf32>
        %add3A_2299 = arith.addf %mul3A_2295, %mul3A_2298 : vector<16xf32>
        %reduce_sum3A_2300 = arith.constant true
        %reduce_sum3A_2301 = vector.broadcast %reduce_sum3A_2300 : i1 to vector<16xi1>
        %reduce_sum3A_2302 = tpu.scan <sum>, %add3A_2299 masked %reduce_sum3A_2301 : vector<16xf32>, vector<16xi1> -> vector<16xf32>
        %reduce_sum3A_2303 = vector.extract %reduce_sum3A_2302[15] : f32 from vector<16xf32>
        %eq3A_2304 = arith.constant 14 : i32
        %eq3A_2305 = vector.broadcast %eq3A_2304 : i32 to vector<16xi32>
        %eq3A_2306 = arith.cmpi eq, %iota3A, %eq3A_2305 : vector<16xi32>
        %broadcast_in_dim3A_2307 = vector.broadcast %reduce_sum3A_2303 : f32 to vector<16xf32>
        %select_n3A_2308 = arith.select %eq3A_2306, %broadcast_in_dim3A_2307, %select_n3A_2238 : vector<16xi1>, vector<16xf32>
        %slice3A_2309 = vector.extract_strided_slice %scan3A_903 {offsets = [15], sizes = [1], strides = [1]} : vector<16xi32> to vector<1xi32>
        %squeeze3A_2310 = vector.extract %slice3A_2309[0] : i32 from vector<1xi32>
        %and3A_2311 = arith.constant -128 : i32
        %and3A_2312 = arith.andi %squeeze3A_2310, %and3A_2311 : i32
        %slice3A_2313 = vector.extract_strided_slice %scan3A_904 {offsets = [15], sizes = [1], strides = [1]} : vector<16xi32> to vector<1xi32>
        %squeeze3A_2314 = vector.extract %slice3A_2313[0] : i32 from vector<1xi32>
        %and3A_2315 = arith.constant -128 : i32
        %and3A_2316 = arith.andi %squeeze3A_2314, %and3A_2315 : i32
        %multiple_of3A_2317 = tpu.assume_multiple %and3A_2312, 128 : i32
        %dma_wait3A_2318 = arith.constant 7 : i32
        %dma_wait3A_2319 = arith.constant 7 : i32
        %dma_wait3A_2320 = arith.constant 0 : i32
        %dma_wait3A_2321 = arith.constant 0 : i32
        %dma_wait3A_2322 = tpu.memref_slice %arg9[%dma_wait3A_2318, %dma_wait3A_2320, %dma_wait3A_2321] : memref<8x32x128xf32, #tpu.memory_space<vmem>> -> memref<1x32x128xf32, #tpu.memory_space<vmem>>
        %dma_wait3A_2323 = tpu.memref_squeeze %dma_wait3A_2322 : memref<1x32x128xf32, #tpu.memory_space<vmem>> -> memref<32x128xf32, #tpu.memory_space<vmem>>
        %dma_wait3A_2324 = arith.constant 0 : i32
        %dma_wait3A_2325 = tpu.memref_slice %arg4[%dma_wait3A_2324, %multiple_of3A_2317] : memref<32x1000000xf32, #tpu.memory_space<hbm>> -> memref<32x128xf32, #tpu.memory_space<hbm>>
        %dma_wait3A_2326 = tpu.memref_slice %arg12[%dma_wait3A_2319] : memref<8x!tpu.dma_semaphore, #tpu.memory_space<semaphore_mem>> -> memref<1x!tpu.dma_semaphore, #tpu.memory_space<semaphore_mem>>
        %dma_wait3A_2327 = tpu.memref_squeeze %dma_wait3A_2326 : memref<1x!tpu.dma_semaphore, #tpu.memory_space<semaphore_mem>> -> memref<!tpu.dma_semaphore, #tpu.memory_space<semaphore_mem>>
        %dma_wait3A_2328 = arith.constant 0 : i32
        %dma_wait3A_2329 = arith.constant 0 : i32
        %dma_wait3A_2330 = tpu.memref_slice %arg9[%dma_wait3A_2318, %dma_wait3A_2328, %dma_wait3A_2329] : memref<8x32x128xf32, #tpu.memory_space<vmem>> -> memref<1x32x128xf32, #tpu.memory_space<vmem>>
        %dma_wait3A_2331 = tpu.memref_squeeze %dma_wait3A_2330 : memref<1x32x128xf32, #tpu.memory_space<vmem>> -> memref<32x128xf32, #tpu.memory_space<vmem>>
        %dma_wait3A_2332 = arith.constant 0 : i32
        %dma_wait3A_2333 = tpu.memref_slice %arg4[%dma_wait3A_2332, %multiple_of3A_2317] : memref<32x1000000xf32, #tpu.memory_space<hbm>> -> memref<32x128xf32, #tpu.memory_space<hbm>>
        tpu.wait_dma2 semaphore(%dma_wait3A_2327 : memref<!tpu.dma_semaphore, #tpu.memory_space<semaphore_mem>>) src(%dma_wait3A_2333 : memref<32x128xf32, #tpu.memory_space<hbm>>) dst(%dma_wait3A_2331 : memref<32x128xf32, #tpu.memory_space<vmem>>)
        %multiple_of3A_2334 = tpu.assume_multiple %and3A_2316, 128 : i32
        %dma_wait3A_2335 = arith.constant 7 : i32
        %dma_wait3A_2336 = arith.constant 7 : i32
        %dma_wait3A_2337 = arith.constant 0 : i32
        %dma_wait3A_2338 = arith.constant 0 : i32
        %dma_wait3A_2339 = tpu.memref_slice %arg10[%dma_wait3A_2335, %dma_wait3A_2337, %dma_wait3A_2338] : memref<8x32x128xf32, #tpu.memory_space<vmem>> -> memref<1x32x128xf32, #tpu.memory_space<vmem>>
        %dma_wait3A_2340 = tpu.memref_squeeze %dma_wait3A_2339 : memref<1x32x128xf32, #tpu.memory_space<vmem>> -> memref<32x128xf32, #tpu.memory_space<vmem>>
        %dma_wait3A_2341 = arith.constant 0 : i32
        %dma_wait3A_2342 = tpu.memref_slice %arg5[%dma_wait3A_2341, %multiple_of3A_2334] : memref<32x1000000xf32, #tpu.memory_space<hbm>> -> memref<32x128xf32, #tpu.memory_space<hbm>>
        %dma_wait3A_2343 = tpu.memref_slice %arg12[%dma_wait3A_2336] : memref<8x!tpu.dma_semaphore, #tpu.memory_space<semaphore_mem>> -> memref<1x!tpu.dma_semaphore, #tpu.memory_space<semaphore_mem>>
        %dma_wait3A_2344 = tpu.memref_squeeze %dma_wait3A_2343 : memref<1x!tpu.dma_semaphore, #tpu.memory_space<semaphore_mem>> -> memref<!tpu.dma_semaphore, #tpu.memory_space<semaphore_mem>>
        %dma_wait3A_2345 = arith.constant 0 : i32
        %dma_wait3A_2346 = arith.constant 0 : i32
        %dma_wait3A_2347 = tpu.memref_slice %arg10[%dma_wait3A_2335, %dma_wait3A_2345, %dma_wait3A_2346] : memref<8x32x128xf32, #tpu.memory_space<vmem>> -> memref<1x32x128xf32, #tpu.memory_space<vmem>>
        %dma_wait3A_2348 = tpu.memref_squeeze %dma_wait3A_2347 : memref<1x32x128xf32, #tpu.memory_space<vmem>> -> memref<32x128xf32, #tpu.memory_space<vmem>>
        %dma_wait3A_2349 = arith.constant 0 : i32
        %dma_wait3A_2350 = tpu.memref_slice %arg5[%dma_wait3A_2349, %multiple_of3A_2334] : memref<32x1000000xf32, #tpu.memory_space<hbm>> -> memref<32x128xf32, #tpu.memory_space<hbm>>
        tpu.wait_dma2 semaphore(%dma_wait3A_2344 : memref<!tpu.dma_semaphore, #tpu.memory_space<semaphore_mem>>) src(%dma_wait3A_2350 : memref<32x128xf32, #tpu.memory_space<hbm>>) dst(%dma_wait3A_2348 : memref<32x128xf32, #tpu.memory_space<vmem>>)
        %broadcast_in_dim3A_2351 = arith.constant 7 : i32
        %broadcast_in_dim3A_2352 = vector.broadcast %broadcast_in_dim3A_2351 : i32 to vector<16xi32>
        %slice3A_2353 = vector.extract_strided_slice %scan3A_903 {offsets = [15], sizes = [1], strides = [1]} : vector<16xi32> to vector<1xi32>
        %squeeze3A_2354 = vector.extract %slice3A_2353[0] : i32 from vector<1xi32>
        %and3A_2355 = arith.constant 127 : i32
        %and3A_2356 = arith.andi %squeeze3A_2354, %and3A_2355 : i32
        %broadcast_in_dim3A_2357 = vector.broadcast %and3A_2356 : i32 to vector<16xi32>
        %slice3A_2358 = vector.extract_strided_slice %scan3A_904 {offsets = [15], sizes = [1], strides = [1]} : vector<16xi32> to vector<1xi32>
        %squeeze3A_2359 = vector.extract %slice3A_2358[0] : i32 from vector<1xi32>
        %and3A_2360 = arith.constant 127 : i32
        %and3A_2361 = arith.andi %squeeze3A_2359, %and3A_2360 : i32
        %broadcast_in_dim3A_2362 = vector.broadcast %and3A_2361 : i32 to vector<16xi32>
        %gather3A_2363 = tpu.vector_load_idx %arg9[%broadcast_in_dim3A_2352, %iota3A, %broadcast_in_dim3A_2357] : memref<8x32x128xf32, #tpu.memory_space<vmem>>[vector<16xi32>, vector<16xi32>, vector<16xi32>], vector<16xf32>,
        %gather3A_2364 = tpu.vector_load_idx %arg10[%broadcast_in_dim3A_2352, %iota3A, %broadcast_in_dim3A_2362] : memref<8x32x128xf32, #tpu.memory_space<vmem>>[vector<16xi32>, vector<16xi32>, vector<16xi32>], vector<16xf32>,
        %mul3A_2365 = arith.mulf %gather3A_2363, %gather3A_2364 : vector<16xf32>
        %gather3A_2366 = tpu.vector_load_idx %arg9[%broadcast_in_dim3A_2352, %add3A_5, %broadcast_in_dim3A_2357] : memref<8x32x128xf32, #tpu.memory_space<vmem>>[vector<16xi32>, vector<16xi32>, vector<16xi32>], vector<16xf32>,
        %gather3A_2367 = tpu.vector_load_idx %arg10[%broadcast_in_dim3A_2352, %add3A_5, %broadcast_in_dim3A_2362] : memref<8x32x128xf32, #tpu.memory_space<vmem>>[vector<16xi32>, vector<16xi32>, vector<16xi32>], vector<16xf32>,
        %mul3A_2368 = arith.mulf %gather3A_2366, %gather3A_2367 : vector<16xf32>
        %add3A_2369 = arith.addf %mul3A_2365, %mul3A_2368 : vector<16xf32>
        %reduce_sum3A_2370 = arith.constant true
        %reduce_sum3A_2371 = vector.broadcast %reduce_sum3A_2370 : i1 to vector<16xi1>
        %reduce_sum3A_2372 = tpu.scan <sum>, %add3A_2369 masked %reduce_sum3A_2371 : vector<16xf32>, vector<16xi1> -> vector<16xf32>
        %reduce_sum3A_2373 = vector.extract %reduce_sum3A_2372[15] : f32 from vector<16xf32>
        %eq3A_2374 = arith.constant 15 : i32
        %eq3A_2375 = vector.broadcast %eq3A_2374 : i32 to vector<16xi32>
        %eq3A_2376 = arith.cmpi eq, %iota3A, %eq3A_2375 : vector<16xi32>
        %broadcast_in_dim3A_2377 = vector.broadcast %reduce_sum3A_2373 : f32 to vector<16xf32>
        %select_n3A_2378 = arith.select %eq3A_2376, %broadcast_in_dim3A_2377, %select_n3A_2308 : vector<16xi1>, vector<16xf32>
        %sub3A = arith.constant 1 : i32
        %sub3A_2379 = arith.subi %scan3A_902, %sub3A : i32
        %mul3A_2380 = arith.constant 16 : i32
        %mul3A_2381 = arith.muli %sub3A_2379, %mul3A_2380 : i32
        %swap3A_2382 = arith.index_cast %mul3A_2381 : i32 to index
        %swap3A_2383 = tpu.vector_load %arg11[%swap3A_2382] {strides = array<i32>} : memref<512xf32, #tpu.memory_space<vmem>>, vector<16xf32>,
        tpu.vector_store %arg11[%swap3A_2382], %select_n3A_2378 {strides = array<i32>} : memref<512xf32, #tpu.memory_space<vmem>>, vector<16xf32>,
      } else {
      }
      %gt3A_916 = arith.constant 0 : i32
      %gt3A_917 = arith.cmpi sgt, %scan3A_902, %gt3A_916 : i32
      %convert_element_type3A_918 = arith.extui %gt3A_917 : i1 to i32
      %cond3A_919 = arith.constant 0 : i32
      %cond3A_920 = arith.cmpi ne, %convert_element_type3A_918, %cond3A_919 : i32
      scf.if %cond3A_920 {
        %slice3A_1819 = vector.extract_strided_slice %get3A_909 {offsets = [0], sizes = [1], strides = [1]} : vector<16xi32> to vector<1xi32>
        %squeeze3A_1820 = vector.extract %slice3A_1819[0] : i32 from vector<1xi32>
        %and3A_1821 = arith.constant -128 : i32
        %and3A_1822 = arith.andi %squeeze3A_1820, %and3A_1821 : i32
        %slice3A_1823 = vector.extract_strided_slice %get3A_913 {offsets = [0], sizes = [1], strides = [1]} : vector<16xi32> to vector<1xi32>
        %squeeze3A_1824 = vector.extract %slice3A_1823[0] : i32 from vector<1xi32>
        %and3A_1825 = arith.constant -128 : i32
        %and3A_1826 = arith.andi %squeeze3A_1824, %and3A_1825 : i32
        %multiple_of3A_1827 = tpu.assume_multiple %and3A_1822, 128 : i32
        %dma_start3A_1828 = arith.constant 0 : i32
        %dma_start3A_1829 = arith.constant 0 : i32
        %dma_start3A_1830 = arith.constant 0 : i32
        %dma_start3A_1831 = arith.constant 0 : i32
        %dma_start3A_1832 = tpu.memref_slice %arg9[%dma_start3A_1828, %dma_start3A_1830, %dma_start3A_1831] : memref<8x32x128xf32, #tpu.memory_space<vmem>> -> memref<1x32x128xf32, #tpu.memory_space<vmem>>
        %dma_start3A_1833 = tpu.memref_squeeze %dma_start3A_1832 : memref<1x32x128xf32, #tpu.memory_space<vmem>> -> memref<32x128xf32, #tpu.memory_space<vmem>>
        %dma_start3A_1834 = arith.constant 0 : i32
        %dma_start3A_1835 = tpu.memref_slice %arg4[%dma_start3A_1834, %multiple_of3A_1827] : memref<32x1000000xf32, #tpu.memory_space<hbm>> -> memref<32x128xf32, #tpu.memory_space<hbm>>
        %dma_start3A_1836 = tpu.memref_slice %arg12[%dma_start3A_1829] : memref<8x!tpu.dma_semaphore, #tpu.memory_space<semaphore_mem>> -> memref<1x!tpu.dma_semaphore, #tpu.memory_space<semaphore_mem>>
        %dma_start3A_1837 = tpu.memref_squeeze %dma_start3A_1836 : memref<1x!tpu.dma_semaphore, #tpu.memory_space<semaphore_mem>> -> memref<!tpu.dma_semaphore, #tpu.memory_space<semaphore_mem>>
        %dma_start3A_1838 = arith.constant 0 : i32
        %dma_start3A_1839 = arith.constant 0 : i32
        %dma_start3A_1840 = tpu.memref_slice %arg9[%dma_start3A_1828, %dma_start3A_1838, %dma_start3A_1839] : memref<8x32x128xf32, #tpu.memory_space<vmem>> -> memref<1x32x128xf32, #tpu.memory_space<vmem>>
        %dma_start3A_1841 = tpu.memref_squeeze %dma_start3A_1840 : memref<1x32x128xf32, #tpu.memory_space<vmem>> -> memref<32x128xf32, #tpu.memory_space<vmem>>
        %dma_start3A_1842 = arith.constant 0 : i32
        %dma_start3A_1843 = tpu.memref_slice %arg4[%dma_start3A_1842, %multiple_of3A_1827] : memref<32x1000000xf32, #tpu.memory_space<hbm>> -> memref<32x128xf32, #tpu.memory_space<hbm>>
        tpu.enqueue_dma source(%dma_start3A_1843 : memref<32x128xf32, #tpu.memory_space<hbm>>) target(%dma_start3A_1841 : memref<32x128xf32, #tpu.memory_space<vmem>>) target_semaphore(%dma_start3A_1837 : memref<!tpu.dma_semaphore, #tpu.memory_space<semaphore_mem>>)
        %multiple_of3A_1844 = tpu.assume_multiple %and3A_1826, 128 : i32
        %dma_start3A_1845 = arith.constant 0 : i32
        %dma_start3A_1846 = arith.constant 0 : i32
        %dma_start3A_1847 = arith.constant 0 : i32
        %dma_start3A_1848 = arith.constant 0 : i32
        %dma_start3A_1849 = tpu.memref_slice %arg10[%dma_start3A_1845, %dma_start3A_1847, %dma_start3A_1848] : memref<8x32x128xf32, #tpu.memory_space<vmem>> -> memref<1x32x128xf32, #tpu.memory_space<vmem>>
        %dma_start3A_1850 = tpu.memref_squeeze %dma_start3A_1849 : memref<1x32x128xf32, #tpu.memory_space<vmem>> -> memref<32x128xf32, #tpu.memory_space<vmem>>
        %dma_start3A_1851 = arith.constant 0 : i32
        %dma_start3A_1852 = tpu.memref_slice %arg5[%dma_start3A_1851, %multiple_of3A_1844] : memref<32x1000000xf32, #tpu.memory_space<hbm>> -> memref<32x128xf32, #tpu.memory_space<hbm>>
        %dma_start3A_1853 = tpu.memref_slice %arg12[%dma_start3A_1846] : memref<8x!tpu.dma_semaphore, #tpu.memory_space<semaphore_mem>> -> memref<1x!tpu.dma_semaphore, #tpu.memory_space<semaphore_mem>>
        %dma_start3A_1854 = tpu.memref_squeeze %dma_start3A_1853 : memref<1x!tpu.dma_semaphore, #tpu.memory_space<semaphore_mem>> -> memref<!tpu.dma_semaphore, #tpu.memory_space<semaphore_mem>>
        %dma_start3A_1855 = arith.constant 0 : i32
        %dma_start3A_1856 = arith.constant 0 : i32
        %dma_start3A_1857 = tpu.memref_slice %arg10[%dma_start3A_1845, %dma_start3A_1855, %dma_start3A_1856] : memref<8x32x128xf32, #tpu.memory_space<vmem>> -> memref<1x32x128xf32, #tpu.memory_space<vmem>>
        %dma_start3A_1858 = tpu.memref_squeeze %dma_start3A_1857 : memref<1x32x128xf32, #tpu.memory_space<vmem>> -> memref<32x128xf32, #tpu.memory_space<vmem>>
        %dma_start3A_1859 = arith.constant 0 : i32
        %dma_start3A_1860 = tpu.memref_slice %arg5[%dma_start3A_1859, %multiple_of3A_1844] : memref<32x1000000xf32, #tpu.memory_space<hbm>> -> memref<32x128xf32, #tpu.memory_space<hbm>>
        tpu.enqueue_dma source(%dma_start3A_1860 : memref<32x128xf32, #tpu.memory_space<hbm>>) target(%dma_start3A_1858 : memref<32x128xf32, #tpu.memory_space<vmem>>) target_semaphore(%dma_start3A_1854 : memref<!tpu.dma_semaphore, #tpu.memory_space<semaphore_mem>>)
        %slice3A_1861 = vector.extract_strided_slice %get3A_909 {offsets = [1], sizes = [1], strides = [1]} : vector<16xi32> to vector<1xi32>
        %squeeze3A_1862 = vector.extract %slice3A_1861[0] : i32 from vector<1xi32>
        %and3A_1863 = arith.constant -128 : i32
        %and3A_1864 = arith.andi %squeeze3A_1862, %and3A_1863 : i32
        %slice3A_1865 = vector.extract_strided_slice %get3A_913 {offsets = [1], sizes = [1], strides = [1]} : vector<16xi32> to vector<1xi32>
        %squeeze3A_1866 = vector.extract %slice3A_1865[0] : i32 from vector<1xi32>
        %and3A_1867 = arith.constant -128 : i32
        %and3A_1868 = arith.andi %squeeze3A_1866, %and3A_1867 : i32
        %multiple_of3A_1869 = tpu.assume_multiple %and3A_1864, 128 : i32
        %dma_start3A_1870 = arith.constant 1 : i32
        %dma_start3A_1871 = arith.constant 1 : i32
        %dma_start3A_1872 = arith.constant 0 : i32
        %dma_start3A_1873 = arith.constant 0 : i32
        %dma_start3A_1874 = tpu.memref_slice %arg9[%dma_start3A_1870, %dma_start3A_1872, %dma_start3A_1873] : memref<8x32x128xf32, #tpu.memory_space<vmem>> -> memref<1x32x128xf32, #tpu.memory_space<vmem>>
        %dma_start3A_1875 = tpu.memref_squeeze %dma_start3A_1874 : memref<1x32x128xf32, #tpu.memory_space<vmem>> -> memref<32x128xf32, #tpu.memory_space<vmem>>
        %dma_start3A_1876 = arith.constant 0 : i32
        %dma_start3A_1877 = tpu.memref_slice %arg4[%dma_start3A_1876, %multiple_of3A_1869] : memref<32x1000000xf32, #tpu.memory_space<hbm>> -> memref<32x128xf32, #tpu.memory_space<hbm>>
        %dma_start3A_1878 = tpu.memref_slice %arg12[%dma_start3A_1871] : memref<8x!tpu.dma_semaphore, #tpu.memory_space<semaphore_mem>> -> memref<1x!tpu.dma_semaphore, #tpu.memory_space<semaphore_mem>>
        %dma_start3A_1879 = tpu.memref_squeeze %dma_start3A_1878 : memref<1x!tpu.dma_semaphore, #tpu.memory_space<semaphore_mem>> -> memref<!tpu.dma_semaphore, #tpu.memory_space<semaphore_mem>>
        %dma_start3A_1880 = arith.constant 0 : i32
        %dma_start3A_1881 = arith.constant 0 : i32
        %dma_start3A_1882 = tpu.memref_slice %arg9[%dma_start3A_1870, %dma_start3A_1880, %dma_start3A_1881] : memref<8x32x128xf32, #tpu.memory_space<vmem>> -> memref<1x32x128xf32, #tpu.memory_space<vmem>>
        %dma_start3A_1883 = tpu.memref_squeeze %dma_start3A_1882 : memref<1x32x128xf32, #tpu.memory_space<vmem>> -> memref<32x128xf32, #tpu.memory_space<vmem>>
        %dma_start3A_1884 = arith.constant 0 : i32
        %dma_start3A_1885 = tpu.memref_slice %arg4[%dma_start3A_1884, %multiple_of3A_1869] : memref<32x1000000xf32, #tpu.memory_space<hbm>> -> memref<32x128xf32, #tpu.memory_space<hbm>>
        tpu.enqueue_dma source(%dma_start3A_1885 : memref<32x128xf32, #tpu.memory_space<hbm>>) target(%dma_start3A_1883 : memref<32x128xf32, #tpu.memory_space<vmem>>) target_semaphore(%dma_start3A_1879 : memref<!tpu.dma_semaphore, #tpu.memory_space<semaphore_mem>>)
        %multiple_of3A_1886 = tpu.assume_multiple %and3A_1868, 128 : i32
        %dma_start3A_1887 = arith.constant 1 : i32
        %dma_start3A_1888 = arith.constant 1 : i32
        %dma_start3A_1889 = arith.constant 0 : i32
        %dma_start3A_1890 = arith.constant 0 : i32
        %dma_start3A_1891 = tpu.memref_slice %arg10[%dma_start3A_1887, %dma_start3A_1889, %dma_start3A_1890] : memref<8x32x128xf32, #tpu.memory_space<vmem>> -> memref<1x32x128xf32, #tpu.memory_space<vmem>>
        %dma_start3A_1892 = tpu.memref_squeeze %dma_start3A_1891 : memref<1x32x128xf32, #tpu.memory_space<vmem>> -> memref<32x128xf32, #tpu.memory_space<vmem>>
        %dma_start3A_1893 = arith.constant 0 : i32
        %dma_start3A_1894 = tpu.memref_slice %arg5[%dma_start3A_1893, %multiple_of3A_1886] : memref<32x1000000xf32, #tpu.memory_space<hbm>> -> memref<32x128xf32, #tpu.memory_space<hbm>>
        %dma_start3A_1895 = tpu.memref_slice %arg12[%dma_start3A_1888] : memref<8x!tpu.dma_semaphore, #tpu.memory_space<semaphore_mem>> -> memref<1x!tpu.dma_semaphore, #tpu.memory_space<semaphore_mem>>
        %dma_start3A_1896 = tpu.memref_squeeze %dma_start3A_1895 : memref<1x!tpu.dma_semaphore, #tpu.memory_space<semaphore_mem>> -> memref<!tpu.dma_semaphore, #tpu.memory_space<semaphore_mem>>
        %dma_start3A_1897 = arith.constant 0 : i32
        %dma_start3A_1898 = arith.constant 0 : i32
        %dma_start3A_1899 = tpu.memref_slice %arg10[%dma_start3A_1887, %dma_start3A_1897, %dma_start3A_1898] : memref<8x32x128xf32, #tpu.memory_space<vmem>> -> memref<1x32x128xf32, #tpu.memory_space<vmem>>
        %dma_start3A_1900 = tpu.memref_squeeze %dma_start3A_1899 : memref<1x32x128xf32, #tpu.memory_space<vmem>> -> memref<32x128xf32, #tpu.memory_space<vmem>>
        %dma_start3A_1901 = arith.constant 0 : i32
        %dma_start3A_1902 = tpu.memref_slice %arg5[%dma_start3A_1901, %multiple_of3A_1886] : memref<32x1000000xf32, #tpu.memory_space<hbm>> -> memref<32x128xf32, #tpu.memory_space<hbm>>
        tpu.enqueue_dma source(%dma_start3A_1902 : memref<32x128xf32, #tpu.memory_space<hbm>>) target(%dma_start3A_1900 : memref<32x128xf32, #tpu.memory_space<vmem>>) target_semaphore(%dma_start3A_1896 : memref<!tpu.dma_semaphore, #tpu.memory_space<semaphore_mem>>)
        %slice3A_1903 = vector.extract_strided_slice %get3A_909 {offsets = [2], sizes = [1], strides = [1]} : vector<16xi32> to vector<1xi32>
        %squeeze3A_1904 = vector.extract %slice3A_1903[0] : i32 from vector<1xi32>
        %and3A_1905 = arith.constant -128 : i32
        %and3A_1906 = arith.andi %squeeze3A_1904, %and3A_1905 : i32
        %slice3A_1907 = vector.extract_strided_slice %get3A_913 {offsets = [2], sizes = [1], strides = [1]} : vector<16xi32> to vector<1xi32>
        %squeeze3A_1908 = vector.extract %slice3A_1907[0] : i32 from vector<1xi32>
        %and3A_1909 = arith.constant -128 : i32
        %and3A_1910 = arith.andi %squeeze3A_1908, %and3A_1909 : i32
        %multiple_of3A_1911 = tpu.assume_multiple %and3A_1906, 128 : i32
        %dma_start3A_1912 = arith.constant 2 : i32
        %dma_start3A_1913 = arith.constant 2 : i32
        %dma_start3A_1914 = arith.constant 0 : i32
        %dma_start3A_1915 = arith.constant 0 : i32
        %dma_start3A_1916 = tpu.memref_slice %arg9[%dma_start3A_1912, %dma_start3A_1914, %dma_start3A_1915] : memref<8x32x128xf32, #tpu.memory_space<vmem>> -> memref<1x32x128xf32, #tpu.memory_space<vmem>>
        %dma_start3A_1917 = tpu.memref_squeeze %dma_start3A_1916 : memref<1x32x128xf32, #tpu.memory_space<vmem>> -> memref<32x128xf32, #tpu.memory_space<vmem>>
        %dma_start3A_1918 = arith.constant 0 : i32
        %dma_start3A_1919 = tpu.memref_slice %arg4[%dma_start3A_1918, %multiple_of3A_1911] : memref<32x1000000xf32, #tpu.memory_space<hbm>> -> memref<32x128xf32, #tpu.memory_space<hbm>>
        %dma_start3A_1920 = tpu.memref_slice %arg12[%dma_start3A_1913] : memref<8x!tpu.dma_semaphore, #tpu.memory_space<semaphore_mem>> -> memref<1x!tpu.dma_semaphore, #tpu.memory_space<semaphore_mem>>
        %dma_start3A_1921 = tpu.memref_squeeze %dma_start3A_1920 : memref<1x!tpu.dma_semaphore, #tpu.memory_space<semaphore_mem>> -> memref<!tpu.dma_semaphore, #tpu.memory_space<semaphore_mem>>
        %dma_start3A_1922 = arith.constant 0 : i32
        %dma_start3A_1923 = arith.constant 0 : i32
        %dma_start3A_1924 = tpu.memref_slice %arg9[%dma_start3A_1912, %dma_start3A_1922, %dma_start3A_1923] : memref<8x32x128xf32, #tpu.memory_space<vmem>> -> memref<1x32x128xf32, #tpu.memory_space<vmem>>
        %dma_start3A_1925 = tpu.memref_squeeze %dma_start3A_1924 : memref<1x32x128xf32, #tpu.memory_space<vmem>> -> memref<32x128xf32, #tpu.memory_space<vmem>>
        %dma_start3A_1926 = arith.constant 0 : i32
        %dma_start3A_1927 = tpu.memref_slice %arg4[%dma_start3A_1926, %multiple_of3A_1911] : memref<32x1000000xf32, #tpu.memory_space<hbm>> -> memref<32x128xf32, #tpu.memory_space<hbm>>
        tpu.enqueue_dma source(%dma_start3A_1927 : memref<32x128xf32, #tpu.memory_space<hbm>>) target(%dma_start3A_1925 : memref<32x128xf32, #tpu.memory_space<vmem>>) target_semaphore(%dma_start3A_1921 : memref<!tpu.dma_semaphore, #tpu.memory_space<semaphore_mem>>)
        %multiple_of3A_1928 = tpu.assume_multiple %and3A_1910, 128 : i32
        %dma_start3A_1929 = arith.constant 2 : i32
        %dma_start3A_1930 = arith.constant 2 : i32
        %dma_start3A_1931 = arith.constant 0 : i32
        %dma_start3A_1932 = arith.constant 0 : i32
        %dma_start3A_1933 = tpu.memref_slice %arg10[%dma_start3A_1929, %dma_start3A_1931, %dma_start3A_1932] : memref<8x32x128xf32, #tpu.memory_space<vmem>> -> memref<1x32x128xf32, #tpu.memory_space<vmem>>
        %dma_start3A_1934 = tpu.memref_squeeze %dma_start3A_1933 : memref<1x32x128xf32, #tpu.memory_space<vmem>> -> memref<32x128xf32, #tpu.memory_space<vmem>>
        %dma_start3A_1935 = arith.constant 0 : i32
        %dma_start3A_1936 = tpu.memref_slice %arg5[%dma_start3A_1935, %multiple_of3A_1928] : memref<32x1000000xf32, #tpu.memory_space<hbm>> -> memref<32x128xf32, #tpu.memory_space<hbm>>
        %dma_start3A_1937 = tpu.memref_slice %arg12[%dma_start3A_1930] : memref<8x!tpu.dma_semaphore, #tpu.memory_space<semaphore_mem>> -> memref<1x!tpu.dma_semaphore, #tpu.memory_space<semaphore_mem>>
        %dma_start3A_1938 = tpu.memref_squeeze %dma_start3A_1937 : memref<1x!tpu.dma_semaphore, #tpu.memory_space<semaphore_mem>> -> memref<!tpu.dma_semaphore, #tpu.memory_space<semaphore_mem>>
        %dma_start3A_1939 = arith.constant 0 : i32
        %dma_start3A_1940 = arith.constant 0 : i32
        %dma_start3A_1941 = tpu.memref_slice %arg10[%dma_start3A_1929, %dma_start3A_1939, %dma_start3A_1940] : memref<8x32x128xf32, #tpu.memory_space<vmem>> -> memref<1x32x128xf32, #tpu.memory_space<vmem>>
        %dma_start3A_1942 = tpu.memref_squeeze %dma_start3A_1941 : memref<1x32x128xf32, #tpu.memory_space<vmem>> -> memref<32x128xf32, #tpu.memory_space<vmem>>
        %dma_start3A_1943 = arith.constant 0 : i32
        %dma_start3A_1944 = tpu.memref_slice %arg5[%dma_start3A_1943, %multiple_of3A_1928] : memref<32x1000000xf32, #tpu.memory_space<hbm>> -> memref<32x128xf32, #tpu.memory_space<hbm>>
        tpu.enqueue_dma source(%dma_start3A_1944 : memref<32x128xf32, #tpu.memory_space<hbm>>) target(%dma_start3A_1942 : memref<32x128xf32, #tpu.memory_space<vmem>>) target_semaphore(%dma_start3A_1938 : memref<!tpu.dma_semaphore, #tpu.memory_space<semaphore_mem>>)
        %slice3A_1945 = vector.extract_strided_slice %get3A_909 {offsets = [3], sizes = [1], strides = [1]} : vector<16xi32> to vector<1xi32>
        %squeeze3A_1946 = vector.extract %slice3A_1945[0] : i32 from vector<1xi32>
        %and3A_1947 = arith.constant -128 : i32
        %and3A_1948 = arith.andi %squeeze3A_1946, %and3A_1947 : i32
        %slice3A_1949 = vector.extract_strided_slice %get3A_913 {offsets = [3], sizes = [1], strides = [1]} : vector<16xi32> to vector<1xi32>
        %squeeze3A_1950 = vector.extract %slice3A_1949[0] : i32 from vector<1xi32>
        %and3A_1951 = arith.constant -128 : i32
        %and3A_1952 = arith.andi %squeeze3A_1950, %and3A_1951 : i32
        %multiple_of3A_1953 = tpu.assume_multiple %and3A_1948, 128 : i32
        %dma_start3A_1954 = arith.constant 3 : i32
        %dma_start3A_1955 = arith.constant 3 : i32
        %dma_start3A_1956 = arith.constant 0 : i32
        %dma_start3A_1957 = arith.constant 0 : i32
        %dma_start3A_1958 = tpu.memref_slice %arg9[%dma_start3A_1954, %dma_start3A_1956, %dma_start3A_1957] : memref<8x32x128xf32, #tpu.memory_space<vmem>> -> memref<1x32x128xf32, #tpu.memory_space<vmem>>
        %dma_start3A_1959 = tpu.memref_squeeze %dma_start3A_1958 : memref<1x32x128xf32, #tpu.memory_space<vmem>> -> memref<32x128xf32, #tpu.memory_space<vmem>>
        %dma_start3A_1960 = arith.constant 0 : i32
        %dma_start3A_1961 = tpu.memref_slice %arg4[%dma_start3A_1960, %multiple_of3A_1953] : memref<32x1000000xf32, #tpu.memory_space<hbm>> -> memref<32x128xf32, #tpu.memory_space<hbm>>
        %dma_start3A_1962 = tpu.memref_slice %arg12[%dma_start3A_1955] : memref<8x!tpu.dma_semaphore, #tpu.memory_space<semaphore_mem>> -> memref<1x!tpu.dma_semaphore, #tpu.memory_space<semaphore_mem>>
        %dma_start3A_1963 = tpu.memref_squeeze %dma_start3A_1962 : memref<1x!tpu.dma_semaphore, #tpu.memory_space<semaphore_mem>> -> memref<!tpu.dma_semaphore, #tpu.memory_space<semaphore_mem>>
        %dma_start3A_1964 = arith.constant 0 : i32
        %dma_start3A_1965 = arith.constant 0 : i32
        %dma_start3A_1966 = tpu.memref_slice %arg9[%dma_start3A_1954, %dma_start3A_1964, %dma_start3A_1965] : memref<8x32x128xf32, #tpu.memory_space<vmem>> -> memref<1x32x128xf32, #tpu.memory_space<vmem>>
        %dma_start3A_1967 = tpu.memref_squeeze %dma_start3A_1966 : memref<1x32x128xf32, #tpu.memory_space<vmem>> -> memref<32x128xf32, #tpu.memory_space<vmem>>
        %dma_start3A_1968 = arith.constant 0 : i32
        %dma_start3A_1969 = tpu.memref_slice %arg4[%dma_start3A_1968, %multiple_of3A_1953] : memref<32x1000000xf32, #tpu.memory_space<hbm>> -> memref<32x128xf32, #tpu.memory_space<hbm>>
        tpu.enqueue_dma source(%dma_start3A_1969 : memref<32x128xf32, #tpu.memory_space<hbm>>) target(%dma_start3A_1967 : memref<32x128xf32, #tpu.memory_space<vmem>>) target_semaphore(%dma_start3A_1963 : memref<!tpu.dma_semaphore, #tpu.memory_space<semaphore_mem>>)
        %multiple_of3A_1970 = tpu.assume_multiple %and3A_1952, 128 : i32
        %dma_start3A_1971 = arith.constant 3 : i32
        %dma_start3A_1972 = arith.constant 3 : i32
        %dma_start3A_1973 = arith.constant 0 : i32
        %dma_start3A_1974 = arith.constant 0 : i32
        %dma_start3A_1975 = tpu.memref_slice %arg10[%dma_start3A_1971, %dma_start3A_1973, %dma_start3A_1974] : memref<8x32x128xf32, #tpu.memory_space<vmem>> -> memref<1x32x128xf32, #tpu.memory_space<vmem>>
        %dma_start3A_1976 = tpu.memref_squeeze %dma_start3A_1975 : memref<1x32x128xf32, #tpu.memory_space<vmem>> -> memref<32x128xf32, #tpu.memory_space<vmem>>
        %dma_start3A_1977 = arith.constant 0 : i32
        %dma_start3A_1978 = tpu.memref_slice %arg5[%dma_start3A_1977, %multiple_of3A_1970] : memref<32x1000000xf32, #tpu.memory_space<hbm>> -> memref<32x128xf32, #tpu.memory_space<hbm>>
        %dma_start3A_1979 = tpu.memref_slice %arg12[%dma_start3A_1972] : memref<8x!tpu.dma_semaphore, #tpu.memory_space<semaphore_mem>> -> memref<1x!tpu.dma_semaphore, #tpu.memory_space<semaphore_mem>>
        %dma_start3A_1980 = tpu.memref_squeeze %dma_start3A_1979 : memref<1x!tpu.dma_semaphore, #tpu.memory_space<semaphore_mem>> -> memref<!tpu.dma_semaphore, #tpu.memory_space<semaphore_mem>>
        %dma_start3A_1981 = arith.constant 0 : i32
        %dma_start3A_1982 = arith.constant 0 : i32
        %dma_start3A_1983 = tpu.memref_slice %arg10[%dma_start3A_1971, %dma_start3A_1981, %dma_start3A_1982] : memref<8x32x128xf32, #tpu.memory_space<vmem>> -> memref<1x32x128xf32, #tpu.memory_space<vmem>>
        %dma_start3A_1984 = tpu.memref_squeeze %dma_start3A_1983 : memref<1x32x128xf32, #tpu.memory_space<vmem>> -> memref<32x128xf32, #tpu.memory_space<vmem>>
        %dma_start3A_1985 = arith.constant 0 : i32
        %dma_start3A_1986 = tpu.memref_slice %arg5[%dma_start3A_1985, %multiple_of3A_1970] : memref<32x1000000xf32, #tpu.memory_space<hbm>> -> memref<32x128xf32, #tpu.memory_space<hbm>>
        tpu.enqueue_dma source(%dma_start3A_1986 : memref<32x128xf32, #tpu.memory_space<hbm>>) target(%dma_start3A_1984 : memref<32x128xf32, #tpu.memory_space<vmem>>) target_semaphore(%dma_start3A_1980 : memref<!tpu.dma_semaphore, #tpu.memory_space<semaphore_mem>>)
        %slice3A_1987 = vector.extract_strided_slice %get3A_909 {offsets = [4], sizes = [1], strides = [1]} : vector<16xi32> to vector<1xi32>
        %squeeze3A_1988 = vector.extract %slice3A_1987[0] : i32 from vector<1xi32>
        %and3A_1989 = arith.constant -128 : i32
        %and3A_1990 = arith.andi %squeeze3A_1988, %and3A_1989 : i32
        %slice3A_1991 = vector.extract_strided_slice %get3A_913 {offsets = [4], sizes = [1], strides = [1]} : vector<16xi32> to vector<1xi32>
        %squeeze3A_1992 = vector.extract %slice3A_1991[0] : i32 from vector<1xi32>
        %and3A_1993 = arith.constant -128 : i32
        %and3A_1994 = arith.andi %squeeze3A_1992, %and3A_1993 : i32
        %multiple_of3A_1995 = tpu.assume_multiple %and3A_1990, 128 : i32
        %dma_start3A_1996 = arith.constant 4 : i32
        %dma_start3A_1997 = arith.constant 4 : i32
        %dma_start3A_1998 = arith.constant 0 : i32
        %dma_start3A_1999 = arith.constant 0 : i32
        %dma_start3A_2000 = tpu.memref_slice %arg9[%dma_start3A_1996, %dma_start3A_1998, %dma_start3A_1999] : memref<8x32x128xf32, #tpu.memory_space<vmem>> -> memref<1x32x128xf32, #tpu.memory_space<vmem>>
        %dma_start3A_2001 = tpu.memref_squeeze %dma_start3A_2000 : memref<1x32x128xf32, #tpu.memory_space<vmem>> -> memref<32x128xf32, #tpu.memory_space<vmem>>
        %dma_start3A_2002 = arith.constant 0 : i32
        %dma_start3A_2003 = tpu.memref_slice %arg4[%dma_start3A_2002, %multiple_of3A_1995] : memref<32x1000000xf32, #tpu.memory_space<hbm>> -> memref<32x128xf32, #tpu.memory_space<hbm>>
        %dma_start3A_2004 = tpu.memref_slice %arg12[%dma_start3A_1997] : memref<8x!tpu.dma_semaphore, #tpu.memory_space<semaphore_mem>> -> memref<1x!tpu.dma_semaphore, #tpu.memory_space<semaphore_mem>>
        %dma_start3A_2005 = tpu.memref_squeeze %dma_start3A_2004 : memref<1x!tpu.dma_semaphore, #tpu.memory_space<semaphore_mem>> -> memref<!tpu.dma_semaphore, #tpu.memory_space<semaphore_mem>>
        %dma_start3A_2006 = arith.constant 0 : i32
        %dma_start3A_2007 = arith.constant 0 : i32
        %dma_start3A_2008 = tpu.memref_slice %arg9[%dma_start3A_1996, %dma_start3A_2006, %dma_start3A_2007] : memref<8x32x128xf32, #tpu.memory_space<vmem>> -> memref<1x32x128xf32, #tpu.memory_space<vmem>>
        %dma_start3A_2009 = tpu.memref_squeeze %dma_start3A_2008 : memref<1x32x128xf32, #tpu.memory_space<vmem>> -> memref<32x128xf32, #tpu.memory_space<vmem>>
        %dma_start3A_2010 = arith.constant 0 : i32
        %dma_start3A_2011 = tpu.memref_slice %arg4[%dma_start3A_2010, %multiple_of3A_1995] : memref<32x1000000xf32, #tpu.memory_space<hbm>> -> memref<32x128xf32, #tpu.memory_space<hbm>>
        tpu.enqueue_dma source(%dma_start3A_2011 : memref<32x128xf32, #tpu.memory_space<hbm>>) target(%dma_start3A_2009 : memref<32x128xf32, #tpu.memory_space<vmem>>) target_semaphore(%dma_start3A_2005 : memref<!tpu.dma_semaphore, #tpu.memory_space<semaphore_mem>>)
        %multiple_of3A_2012 = tpu.assume_multiple %and3A_1994, 128 : i32
        %dma_start3A_2013 = arith.constant 4 : i32
        %dma_start3A_2014 = arith.constant 4 : i32
        %dma_start3A_2015 = arith.constant 0 : i32
        %dma_start3A_2016 = arith.constant 0 : i32
        %dma_start3A_2017 = tpu.memref_slice %arg10[%dma_start3A_2013, %dma_start3A_2015, %dma_start3A_2016] : memref<8x32x128xf32, #tpu.memory_space<vmem>> -> memref<1x32x128xf32, #tpu.memory_space<vmem>>
        %dma_start3A_2018 = tpu.memref_squeeze %dma_start3A_2017 : memref<1x32x128xf32, #tpu.memory_space<vmem>> -> memref<32x128xf32, #tpu.memory_space<vmem>>
        %dma_start3A_2019 = arith.constant 0 : i32
        %dma_start3A_2020 = tpu.memref_slice %arg5[%dma_start3A_2019, %multiple_of3A_2012] : memref<32x1000000xf32, #tpu.memory_space<hbm>> -> memref<32x128xf32, #tpu.memory_space<hbm>>
        %dma_start3A_2021 = tpu.memref_slice %arg12[%dma_start3A_2014] : memref<8x!tpu.dma_semaphore, #tpu.memory_space<semaphore_mem>> -> memref<1x!tpu.dma_semaphore, #tpu.memory_space<semaphore_mem>>
        %dma_start3A_2022 = tpu.memref_squeeze %dma_start3A_2021 : memref<1x!tpu.dma_semaphore, #tpu.memory_space<semaphore_mem>> -> memref<!tpu.dma_semaphore, #tpu.memory_space<semaphore_mem>>
        %dma_start3A_2023 = arith.constant 0 : i32
        %dma_start3A_2024 = arith.constant 0 : i32
        %dma_start3A_2025 = tpu.memref_slice %arg10[%dma_start3A_2013, %dma_start3A_2023, %dma_start3A_2024] : memref<8x32x128xf32, #tpu.memory_space<vmem>> -> memref<1x32x128xf32, #tpu.memory_space<vmem>>
        %dma_start3A_2026 = tpu.memref_squeeze %dma_start3A_2025 : memref<1x32x128xf32, #tpu.memory_space<vmem>> -> memref<32x128xf32, #tpu.memory_space<vmem>>
        %dma_start3A_2027 = arith.constant 0 : i32
        %dma_start3A_2028 = tpu.memref_slice %arg5[%dma_start3A_2027, %multiple_of3A_2012] : memref<32x1000000xf32, #tpu.memory_space<hbm>> -> memref<32x128xf32, #tpu.memory_space<hbm>>
        tpu.enqueue_dma source(%dma_start3A_2028 : memref<32x128xf32, #tpu.memory_space<hbm>>) target(%dma_start3A_2026 : memref<32x128xf32, #tpu.memory_space<vmem>>) target_semaphore(%dma_start3A_2022 : memref<!tpu.dma_semaphore, #tpu.memory_space<semaphore_mem>>)
        %slice3A_2029 = vector.extract_strided_slice %get3A_909 {offsets = [5], sizes = [1], strides = [1]} : vector<16xi32> to vector<1xi32>
        %squeeze3A_2030 = vector.extract %slice3A_2029[0] : i32 from vector<1xi32>
        %and3A_2031 = arith.constant -128 : i32
        %and3A_2032 = arith.andi %squeeze3A_2030, %and3A_2031 : i32
        %slice3A_2033 = vector.extract_strided_slice %get3A_913 {offsets = [5], sizes = [1], strides = [1]} : vector<16xi32> to vector<1xi32>
        %squeeze3A_2034 = vector.extract %slice3A_2033[0] : i32 from vector<1xi32>
        %and3A_2035 = arith.constant -128 : i32
        %and3A_2036 = arith.andi %squeeze3A_2034, %and3A_2035 : i32
        %multiple_of3A_2037 = tpu.assume_multiple %and3A_2032, 128 : i32
        %dma_start3A_2038 = arith.constant 5 : i32
        %dma_start3A_2039 = arith.constant 5 : i32
        %dma_start3A_2040 = arith.constant 0 : i32
        %dma_start3A_2041 = arith.constant 0 : i32
        %dma_start3A_2042 = tpu.memref_slice %arg9[%dma_start3A_2038, %dma_start3A_2040, %dma_start3A_2041] : memref<8x32x128xf32, #tpu.memory_space<vmem>> -> memref<1x32x128xf32, #tpu.memory_space<vmem>>
        %dma_start3A_2043 = tpu.memref_squeeze %dma_start3A_2042 : memref<1x32x128xf32, #tpu.memory_space<vmem>> -> memref<32x128xf32, #tpu.memory_space<vmem>>
        %dma_start3A_2044 = arith.constant 0 : i32
        %dma_start3A_2045 = tpu.memref_slice %arg4[%dma_start3A_2044, %multiple_of3A_2037] : memref<32x1000000xf32, #tpu.memory_space<hbm>> -> memref<32x128xf32, #tpu.memory_space<hbm>>
        %dma_start3A_2046 = tpu.memref_slice %arg12[%dma_start3A_2039] : memref<8x!tpu.dma_semaphore, #tpu.memory_space<semaphore_mem>> -> memref<1x!tpu.dma_semaphore, #tpu.memory_space<semaphore_mem>>
        %dma_start3A_2047 = tpu.memref_squeeze %dma_start3A_2046 : memref<1x!tpu.dma_semaphore, #tpu.memory_space<semaphore_mem>> -> memref<!tpu.dma_semaphore, #tpu.memory_space<semaphore_mem>>
        %dma_start3A_2048 = arith.constant 0 : i32
        %dma_start3A_2049 = arith.constant 0 : i32
        %dma_start3A_2050 = tpu.memref_slice %arg9[%dma_start3A_2038, %dma_start3A_2048, %dma_start3A_2049] : memref<8x32x128xf32, #tpu.memory_space<vmem>> -> memref<1x32x128xf32, #tpu.memory_space<vmem>>
        %dma_start3A_2051 = tpu.memref_squeeze %dma_start3A_2050 : memref<1x32x128xf32, #tpu.memory_space<vmem>> -> memref<32x128xf32, #tpu.memory_space<vmem>>
        %dma_start3A_2052 = arith.constant 0 : i32
        %dma_start3A_2053 = tpu.memref_slice %arg4[%dma_start3A_2052, %multiple_of3A_2037] : memref<32x1000000xf32, #tpu.memory_space<hbm>> -> memref<32x128xf32, #tpu.memory_space<hbm>>
        tpu.enqueue_dma source(%dma_start3A_2053 : memref<32x128xf32, #tpu.memory_space<hbm>>) target(%dma_start3A_2051 : memref<32x128xf32, #tpu.memory_space<vmem>>) target_semaphore(%dma_start3A_2047 : memref<!tpu.dma_semaphore, #tpu.memory_space<semaphore_mem>>)
        %multiple_of3A_2054 = tpu.assume_multiple %and3A_2036, 128 : i32
        %dma_start3A_2055 = arith.constant 5 : i32
        %dma_start3A_2056 = arith.constant 5 : i32
        %dma_start3A_2057 = arith.constant 0 : i32
        %dma_start3A_2058 = arith.constant 0 : i32
        %dma_start3A_2059 = tpu.memref_slice %arg10[%dma_start3A_2055, %dma_start3A_2057, %dma_start3A_2058] : memref<8x32x128xf32, #tpu.memory_space<vmem>> -> memref<1x32x128xf32, #tpu.memory_space<vmem>>
        %dma_start3A_2060 = tpu.memref_squeeze %dma_start3A_2059 : memref<1x32x128xf32, #tpu.memory_space<vmem>> -> memref<32x128xf32, #tpu.memory_space<vmem>>
        %dma_start3A_2061 = arith.constant 0 : i32
        %dma_start3A_2062 = tpu.memref_slice %arg5[%dma_start3A_2061, %multiple_of3A_2054] : memref<32x1000000xf32, #tpu.memory_space<hbm>> -> memref<32x128xf32, #tpu.memory_space<hbm>>
        %dma_start3A_2063 = tpu.memref_slice %arg12[%dma_start3A_2056] : memref<8x!tpu.dma_semaphore, #tpu.memory_space<semaphore_mem>> -> memref<1x!tpu.dma_semaphore, #tpu.memory_space<semaphore_mem>>
        %dma_start3A_2064 = tpu.memref_squeeze %dma_start3A_2063 : memref<1x!tpu.dma_semaphore, #tpu.memory_space<semaphore_mem>> -> memref<!tpu.dma_semaphore, #tpu.memory_space<semaphore_mem>>
        %dma_start3A_2065 = arith.constant 0 : i32
        %dma_start3A_2066 = arith.constant 0 : i32
        %dma_start3A_2067 = tpu.memref_slice %arg10[%dma_start3A_2055, %dma_start3A_2065, %dma_start3A_2066] : memref<8x32x128xf32, #tpu.memory_space<vmem>> -> memref<1x32x128xf32, #tpu.memory_space<vmem>>
        %dma_start3A_2068 = tpu.memref_squeeze %dma_start3A_2067 : memref<1x32x128xf32, #tpu.memory_space<vmem>> -> memref<32x128xf32, #tpu.memory_space<vmem>>
        %dma_start3A_2069 = arith.constant 0 : i32
        %dma_start3A_2070 = tpu.memref_slice %arg5[%dma_start3A_2069, %multiple_of3A_2054] : memref<32x1000000xf32, #tpu.memory_space<hbm>> -> memref<32x128xf32, #tpu.memory_space<hbm>>
        tpu.enqueue_dma source(%dma_start3A_2070 : memref<32x128xf32, #tpu.memory_space<hbm>>) target(%dma_start3A_2068 : memref<32x128xf32, #tpu.memory_space<vmem>>) target_semaphore(%dma_start3A_2064 : memref<!tpu.dma_semaphore, #tpu.memory_space<semaphore_mem>>)
        %slice3A_2071 = vector.extract_strided_slice %get3A_909 {offsets = [6], sizes = [1], strides = [1]} : vector<16xi32> to vector<1xi32>
        %squeeze3A_2072 = vector.extract %slice3A_2071[0] : i32 from vector<1xi32>
        %and3A_2073 = arith.constant -128 : i32
        %and3A_2074 = arith.andi %squeeze3A_2072, %and3A_2073 : i32
        %slice3A_2075 = vector.extract_strided_slice %get3A_913 {offsets = [6], sizes = [1], strides = [1]} : vector<16xi32> to vector<1xi32>
        %squeeze3A_2076 = vector.extract %slice3A_2075[0] : i32 from vector<1xi32>
        %and3A_2077 = arith.constant -128 : i32
        %and3A_2078 = arith.andi %squeeze3A_2076, %and3A_2077 : i32
        %multiple_of3A_2079 = tpu.assume_multiple %and3A_2074, 128 : i32
        %dma_start3A_2080 = arith.constant 6 : i32
        %dma_start3A_2081 = arith.constant 6 : i32
        %dma_start3A_2082 = arith.constant 0 : i32
        %dma_start3A_2083 = arith.constant 0 : i32
        %dma_start3A_2084 = tpu.memref_slice %arg9[%dma_start3A_2080, %dma_start3A_2082, %dma_start3A_2083] : memref<8x32x128xf32, #tpu.memory_space<vmem>> -> memref<1x32x128xf32, #tpu.memory_space<vmem>>
        %dma_start3A_2085 = tpu.memref_squeeze %dma_start3A_2084 : memref<1x32x128xf32, #tpu.memory_space<vmem>> -> memref<32x128xf32, #tpu.memory_space<vmem>>
        %dma_start3A_2086 = arith.constant 0 : i32
        %dma_start3A_2087 = tpu.memref_slice %arg4[%dma_start3A_2086, %multiple_of3A_2079] : memref<32x1000000xf32, #tpu.memory_space<hbm>> -> memref<32x128xf32, #tpu.memory_space<hbm>>
        %dma_start3A_2088 = tpu.memref_slice %arg12[%dma_start3A_2081] : memref<8x!tpu.dma_semaphore, #tpu.memory_space<semaphore_mem>> -> memref<1x!tpu.dma_semaphore, #tpu.memory_space<semaphore_mem>>
        %dma_start3A_2089 = tpu.memref_squeeze %dma_start3A_2088 : memref<1x!tpu.dma_semaphore, #tpu.memory_space<semaphore_mem>> -> memref<!tpu.dma_semaphore, #tpu.memory_space<semaphore_mem>>
        %dma_start3A_2090 = arith.constant 0 : i32
        %dma_start3A_2091 = arith.constant 0 : i32
        %dma_start3A_2092 = tpu.memref_slice %arg9[%dma_start3A_2080, %dma_start3A_2090, %dma_start3A_2091] : memref<8x32x128xf32, #tpu.memory_space<vmem>> -> memref<1x32x128xf32, #tpu.memory_space<vmem>>
        %dma_start3A_2093 = tpu.memref_squeeze %dma_start3A_2092 : memref<1x32x128xf32, #tpu.memory_space<vmem>> -> memref<32x128xf32, #tpu.memory_space<vmem>>
        %dma_start3A_2094 = arith.constant 0 : i32
        %dma_start3A_2095 = tpu.memref_slice %arg4[%dma_start3A_2094, %multiple_of3A_2079] : memref<32x1000000xf32, #tpu.memory_space<hbm>> -> memref<32x128xf32, #tpu.memory_space<hbm>>
        tpu.enqueue_dma source(%dma_start3A_2095 : memref<32x128xf32, #tpu.memory_space<hbm>>) target(%dma_start3A_2093 : memref<32x128xf32, #tpu.memory_space<vmem>>) target_semaphore(%dma_start3A_2089 : memref<!tpu.dma_semaphore, #tpu.memory_space<semaphore_mem>>)
        %multiple_of3A_2096 = tpu.assume_multiple %and3A_2078, 128 : i32
        %dma_start3A_2097 = arith.constant 6 : i32
        %dma_start3A_2098 = arith.constant 6 : i32
        %dma_start3A_2099 = arith.constant 0 : i32
        %dma_start3A_2100 = arith.constant 0 : i32
        %dma_start3A_2101 = tpu.memref_slice %arg10[%dma_start3A_2097, %dma_start3A_2099, %dma_start3A_2100] : memref<8x32x128xf32, #tpu.memory_space<vmem>> -> memref<1x32x128xf32, #tpu.memory_space<vmem>>
        %dma_start3A_2102 = tpu.memref_squeeze %dma_start3A_2101 : memref<1x32x128xf32, #tpu.memory_space<vmem>> -> memref<32x128xf32, #tpu.memory_space<vmem>>
        %dma_start3A_2103 = arith.constant 0 : i32
        %dma_start3A_2104 = tpu.memref_slice %arg5[%dma_start3A_2103, %multiple_of3A_2096] : memref<32x1000000xf32, #tpu.memory_space<hbm>> -> memref<32x128xf32, #tpu.memory_space<hbm>>
        %dma_start3A_2105 = tpu.memref_slice %arg12[%dma_start3A_2098] : memref<8x!tpu.dma_semaphore, #tpu.memory_space<semaphore_mem>> -> memref<1x!tpu.dma_semaphore, #tpu.memory_space<semaphore_mem>>
        %dma_start3A_2106 = tpu.memref_squeeze %dma_start3A_2105 : memref<1x!tpu.dma_semaphore, #tpu.memory_space<semaphore_mem>> -> memref<!tpu.dma_semaphore, #tpu.memory_space<semaphore_mem>>
        %dma_start3A_2107 = arith.constant 0 : i32
        %dma_start3A_2108 = arith.constant 0 : i32
        %dma_start3A_2109 = tpu.memref_slice %arg10[%dma_start3A_2097, %dma_start3A_2107, %dma_start3A_2108] : memref<8x32x128xf32, #tpu.memory_space<vmem>> -> memref<1x32x128xf32, #tpu.memory_space<vmem>>
        %dma_start3A_2110 = tpu.memref_squeeze %dma_start3A_2109 : memref<1x32x128xf32, #tpu.memory_space<vmem>> -> memref<32x128xf32, #tpu.memory_space<vmem>>
        %dma_start3A_2111 = arith.constant 0 : i32
        %dma_start3A_2112 = tpu.memref_slice %arg5[%dma_start3A_2111, %multiple_of3A_2096] : memref<32x1000000xf32, #tpu.memory_space<hbm>> -> memref<32x128xf32, #tpu.memory_space<hbm>>
        tpu.enqueue_dma source(%dma_start3A_2112 : memref<32x128xf32, #tpu.memory_space<hbm>>) target(%dma_start3A_2110 : memref<32x128xf32, #tpu.memory_space<vmem>>) target_semaphore(%dma_start3A_2106 : memref<!tpu.dma_semaphore, #tpu.memory_space<semaphore_mem>>)
        %slice3A_2113 = vector.extract_strided_slice %get3A_909 {offsets = [7], sizes = [1], strides = [1]} : vector<16xi32> to vector<1xi32>
        %squeeze3A_2114 = vector.extract %slice3A_2113[0] : i32 from vector<1xi32>
        %and3A_2115 = arith.constant -128 : i32
        %and3A_2116 = arith.andi %squeeze3A_2114, %and3A_2115 : i32
        %slice3A_2117 = vector.extract_strided_slice %get3A_913 {offsets = [7], sizes = [1], strides = [1]} : vector<16xi32> to vector<1xi32>
        %squeeze3A_2118 = vector.extract %slice3A_2117[0] : i32 from vector<1xi32>
        %and3A_2119 = arith.constant -128 : i32
        %and3A_2120 = arith.andi %squeeze3A_2118, %and3A_2119 : i32
        %multiple_of3A_2121 = tpu.assume_multiple %and3A_2116, 128 : i32
        %dma_start3A_2122 = arith.constant 7 : i32
        %dma_start3A_2123 = arith.constant 7 : i32
        %dma_start3A_2124 = arith.constant 0 : i32
        %dma_start3A_2125 = arith.constant 0 : i32
        %dma_start3A_2126 = tpu.memref_slice %arg9[%dma_start3A_2122, %dma_start3A_2124, %dma_start3A_2125] : memref<8x32x128xf32, #tpu.memory_space<vmem>> -> memref<1x32x128xf32, #tpu.memory_space<vmem>>
        %dma_start3A_2127 = tpu.memref_squeeze %dma_start3A_2126 : memref<1x32x128xf32, #tpu.memory_space<vmem>> -> memref<32x128xf32, #tpu.memory_space<vmem>>
        %dma_start3A_2128 = arith.constant 0 : i32
        %dma_start3A_2129 = tpu.memref_slice %arg4[%dma_start3A_2128, %multiple_of3A_2121] : memref<32x1000000xf32, #tpu.memory_space<hbm>> -> memref<32x128xf32, #tpu.memory_space<hbm>>
        %dma_start3A_2130 = tpu.memref_slice %arg12[%dma_start3A_2123] : memref<8x!tpu.dma_semaphore, #tpu.memory_space<semaphore_mem>> -> memref<1x!tpu.dma_semaphore, #tpu.memory_space<semaphore_mem>>
        %dma_start3A_2131 = tpu.memref_squeeze %dma_start3A_2130 : memref<1x!tpu.dma_semaphore, #tpu.memory_space<semaphore_mem>> -> memref<!tpu.dma_semaphore, #tpu.memory_space<semaphore_mem>>
        %dma_start3A_2132 = arith.constant 0 : i32
        %dma_start3A_2133 = arith.constant 0 : i32
        %dma_start3A_2134 = tpu.memref_slice %arg9[%dma_start3A_2122, %dma_start3A_2132, %dma_start3A_2133] : memref<8x32x128xf32, #tpu.memory_space<vmem>> -> memref<1x32x128xf32, #tpu.memory_space<vmem>>
        %dma_start3A_2135 = tpu.memref_squeeze %dma_start3A_2134 : memref<1x32x128xf32, #tpu.memory_space<vmem>> -> memref<32x128xf32, #tpu.memory_space<vmem>>
        %dma_start3A_2136 = arith.constant 0 : i32
        %dma_start3A_2137 = tpu.memref_slice %arg4[%dma_start3A_2136, %multiple_of3A_2121] : memref<32x1000000xf32, #tpu.memory_space<hbm>> -> memref<32x128xf32, #tpu.memory_space<hbm>>
        tpu.enqueue_dma source(%dma_start3A_2137 : memref<32x128xf32, #tpu.memory_space<hbm>>) target(%dma_start3A_2135 : memref<32x128xf32, #tpu.memory_space<vmem>>) target_semaphore(%dma_start3A_2131 : memref<!tpu.dma_semaphore, #tpu.memory_space<semaphore_mem>>)
        %multiple_of3A_2138 = tpu.assume_multiple %and3A_2120, 128 : i32
        %dma_start3A_2139 = arith.constant 7 : i32
        %dma_start3A_2140 = arith.constant 7 : i32
        %dma_start3A_2141 = arith.constant 0 : i32
        %dma_start3A_2142 = arith.constant 0 : i32
        %dma_start3A_2143 = tpu.memref_slice %arg10[%dma_start3A_2139, %dma_start3A_2141, %dma_start3A_2142] : memref<8x32x128xf32, #tpu.memory_space<vmem>> -> memref<1x32x128xf32, #tpu.memory_space<vmem>>
        %dma_start3A_2144 = tpu.memref_squeeze %dma_start3A_2143 : memref<1x32x128xf32, #tpu.memory_space<vmem>> -> memref<32x128xf32, #tpu.memory_space<vmem>>
        %dma_start3A_2145 = arith.constant 0 : i32
        %dma_start3A_2146 = tpu.memref_slice %arg5[%dma_start3A_2145, %multiple_of3A_2138] : memref<32x1000000xf32, #tpu.memory_space<hbm>> -> memref<32x128xf32, #tpu.memory_space<hbm>>
        %dma_start3A_2147 = tpu.memref_slice %arg12[%dma_start3A_2140] : memref<8x!tpu.dma_semaphore, #tpu.memory_space<semaphore_mem>> -> memref<1x!tpu.dma_semaphore, #tpu.memory_space<semaphore_mem>>
        %dma_start3A_2148 = tpu.memref_squeeze %dma_start3A_2147 : memref<1x!tpu.dma_semaphore, #tpu.memory_space<semaphore_mem>> -> memref<!tpu.dma_semaphore, #tpu.memory_space<semaphore_mem>>
        %dma_start3A_2149 = arith.constant 0 : i32
        %dma_start3A_2150 = arith.constant 0 : i32
        %dma_start3A_2151 = tpu.memref_slice %arg10[%dma_start3A_2139, %dma_start3A_2149, %dma_start3A_2150] : memref<8x32x128xf32, #tpu.memory_space<vmem>> -> memref<1x32x128xf32, #tpu.memory_space<vmem>>
        %dma_start3A_2152 = tpu.memref_squeeze %dma_start3A_2151 : memref<1x32x128xf32, #tpu.memory_space<vmem>> -> memref<32x128xf32, #tpu.memory_space<vmem>>
        %dma_start3A_2153 = arith.constant 0 : i32
        %dma_start3A_2154 = tpu.memref_slice %arg5[%dma_start3A_2153, %multiple_of3A_2138] : memref<32x1000000xf32, #tpu.memory_space<hbm>> -> memref<32x128xf32, #tpu.memory_space<hbm>>
        tpu.enqueue_dma source(%dma_start3A_2154 : memref<32x128xf32, #tpu.memory_space<hbm>>) target(%dma_start3A_2152 : memref<32x128xf32, #tpu.memory_space<vmem>>) target_semaphore(%dma_start3A_2148 : memref<!tpu.dma_semaphore, #tpu.memory_space<semaphore_mem>>)
      } else {
      }
      %broadcast_in_dim3A_921 = arith.constant 0.000000e+00 : f32
      %broadcast_in_dim3A_922 = vector.broadcast %broadcast_in_dim3A_921 : f32 to vector<16xf32>
      %slice3A_923 = vector.extract_strided_slice %get3A_909 {offsets = [0], sizes = [1], strides = [1]} : vector<16xi32> to vector<1xi32>
      %squeeze3A_924 = vector.extract %slice3A_923[0] : i32 from vector<1xi32>
      %and3A_925 = arith.constant -128 : i32
      %and3A_926 = arith.andi %squeeze3A_924, %and3A_925 : i32
      %slice3A_927 = vector.extract_strided_slice %get3A_913 {offsets = [0], sizes = [1], strides = [1]} : vector<16xi32> to vector<1xi32>
      %squeeze3A_928 = vector.extract %slice3A_927[0] : i32 from vector<1xi32>
      %and3A_929 = arith.constant -128 : i32
      %and3A_930 = arith.andi %squeeze3A_928, %and3A_929 : i32
      %multiple_of3A_931 = tpu.assume_multiple %and3A_926, 128 : i32
      %dma_wait3A_932 = arith.constant 0 : i32
      %dma_wait3A_933 = arith.constant 0 : i32
      %dma_wait3A_934 = arith.constant 0 : i32
      %dma_wait3A_935 = arith.constant 0 : i32
      %dma_wait3A_936 = tpu.memref_slice %arg9[%dma_wait3A_932, %dma_wait3A_934, %dma_wait3A_935] : memref<8x32x128xf32, #tpu.memory_space<vmem>> -> memref<1x32x128xf32, #tpu.memory_space<vmem>>
      %dma_wait3A_937 = tpu.memref_squeeze %dma_wait3A_936 : memref<1x32x128xf32, #tpu.memory_space<vmem>> -> memref<32x128xf32, #tpu.memory_space<vmem>>
      %dma_wait3A_938 = arith.constant 0 : i32
      %dma_wait3A_939 = tpu.memref_slice %arg4[%dma_wait3A_938, %multiple_of3A_931] : memref<32x1000000xf32, #tpu.memory_space<hbm>> -> memref<32x128xf32, #tpu.memory_space<hbm>>
      %dma_wait3A_940 = tpu.memref_slice %arg12[%dma_wait3A_933] : memref<8x!tpu.dma_semaphore, #tpu.memory_space<semaphore_mem>> -> memref<1x!tpu.dma_semaphore, #tpu.memory_space<semaphore_mem>>
      %dma_wait3A_941 = tpu.memref_squeeze %dma_wait3A_940 : memref<1x!tpu.dma_semaphore, #tpu.memory_space<semaphore_mem>> -> memref<!tpu.dma_semaphore, #tpu.memory_space<semaphore_mem>>
      %dma_wait3A_942 = arith.constant 0 : i32
      %dma_wait3A_943 = arith.constant 0 : i32
      %dma_wait3A_944 = tpu.memref_slice %arg9[%dma_wait3A_932, %dma_wait3A_942, %dma_wait3A_943] : memref<8x32x128xf32, #tpu.memory_space<vmem>> -> memref<1x32x128xf32, #tpu.memory_space<vmem>>
      %dma_wait3A_945 = tpu.memref_squeeze %dma_wait3A_944 : memref<1x32x128xf32, #tpu.memory_space<vmem>> -> memref<32x128xf32, #tpu.memory_space<vmem>>
      %dma_wait3A_946 = arith.constant 0 : i32
      %dma_wait3A_947 = tpu.memref_slice %arg4[%dma_wait3A_946, %multiple_of3A_931] : memref<32x1000000xf32, #tpu.memory_space<hbm>> -> memref<32x128xf32, #tpu.memory_space<hbm>>
      tpu.wait_dma2 semaphore(%dma_wait3A_941 : memref<!tpu.dma_semaphore, #tpu.memory_space<semaphore_mem>>) src(%dma_wait3A_947 : memref<32x128xf32, #tpu.memory_space<hbm>>) dst(%dma_wait3A_945 : memref<32x128xf32, #tpu.memory_space<vmem>>)
      %multiple_of3A_948 = tpu.assume_multiple %and3A_930, 128 : i32
      %dma_wait3A_949 = arith.constant 0 : i32
      %dma_wait3A_950 = arith.constant 0 : i32
      %dma_wait3A_951 = arith.constant 0 : i32
      %dma_wait3A_952 = arith.constant 0 : i32
      %dma_wait3A_953 = tpu.memref_slice %arg10[%dma_wait3A_949, %dma_wait3A_951, %dma_wait3A_952] : memref<8x32x128xf32, #tpu.memory_space<vmem>> -> memref<1x32x128xf32, #tpu.memory_space<vmem>>
      %dma_wait3A_954 = tpu.memref_squeeze %dma_wait3A_953 : memref<1x32x128xf32, #tpu.memory_space<vmem>> -> memref<32x128xf32, #tpu.memory_space<vmem>>
      %dma_wait3A_955 = arith.constant 0 : i32
      %dma_wait3A_956 = tpu.memref_slice %arg5[%dma_wait3A_955, %multiple_of3A_948] : memref<32x1000000xf32, #tpu.memory_space<hbm>> -> memref<32x128xf32, #tpu.memory_space<hbm>>
      %dma_wait3A_957 = tpu.memref_slice %arg12[%dma_wait3A_950] : memref<8x!tpu.dma_semaphore, #tpu.memory_space<semaphore_mem>> -> memref<1x!tpu.dma_semaphore, #tpu.memory_space<semaphore_mem>>
      %dma_wait3A_958 = tpu.memref_squeeze %dma_wait3A_957 : memref<1x!tpu.dma_semaphore, #tpu.memory_space<semaphore_mem>> -> memref<!tpu.dma_semaphore, #tpu.memory_space<semaphore_mem>>
      %dma_wait3A_959 = arith.constant 0 : i32
      %dma_wait3A_960 = arith.constant 0 : i32
      %dma_wait3A_961 = tpu.memref_slice %arg10[%dma_wait3A_949, %dma_wait3A_959, %dma_wait3A_960] : memref<8x32x128xf32, #tpu.memory_space<vmem>> -> memref<1x32x128xf32, #tpu.memory_space<vmem>>
      %dma_wait3A_962 = tpu.memref_squeeze %dma_wait3A_961 : memref<1x32x128xf32, #tpu.memory_space<vmem>> -> memref<32x128xf32, #tpu.memory_space<vmem>>
      %dma_wait3A_963 = arith.constant 0 : i32
      %dma_wait3A_964 = tpu.memref_slice %arg5[%dma_wait3A_963, %multiple_of3A_948] : memref<32x1000000xf32, #tpu.memory_space<hbm>> -> memref<32x128xf32, #tpu.memory_space<hbm>>
      tpu.wait_dma2 semaphore(%dma_wait3A_958 : memref<!tpu.dma_semaphore, #tpu.memory_space<semaphore_mem>>) src(%dma_wait3A_964 : memref<32x128xf32, #tpu.memory_space<hbm>>) dst(%dma_wait3A_962 : memref<32x128xf32, #tpu.memory_space<vmem>>)
      %broadcast_in_dim3A_965 = arith.constant 0 : i32
      %broadcast_in_dim3A_966 = vector.broadcast %broadcast_in_dim3A_965 : i32 to vector<16xi32>
      %slice3A_967 = vector.extract_strided_slice %get3A_909 {offsets = [0], sizes = [1], strides = [1]} : vector<16xi32> to vector<1xi32>
      %squeeze3A_968 = vector.extract %slice3A_967[0] : i32 from vector<1xi32>
      %and3A_969 = arith.constant 127 : i32
      %and3A_970 = arith.andi %squeeze3A_968, %and3A_969 : i32
      %broadcast_in_dim3A_971 = vector.broadcast %and3A_970 : i32 to vector<16xi32>
      %slice3A_972 = vector.extract_strided_slice %get3A_913 {offsets = [0], sizes = [1], strides = [1]} : vector<16xi32> to vector<1xi32>
      %squeeze3A_973 = vector.extract %slice3A_972[0] : i32 from vector<1xi32>
      %and3A_974 = arith.constant 127 : i32
      %and3A_975 = arith.andi %squeeze3A_973, %and3A_974 : i32
      %broadcast_in_dim3A_976 = vector.broadcast %and3A_975 : i32 to vector<16xi32>
      %gather3A_977 = tpu.vector_load_idx %arg9[%broadcast_in_dim3A_966, %iota3A, %broadcast_in_dim3A_971] : memref<8x32x128xf32, #tpu.memory_space<vmem>>[vector<16xi32>, vector<16xi32>, vector<16xi32>], vector<16xf32>,
      %gather3A_978 = tpu.vector_load_idx %arg10[%broadcast_in_dim3A_966, %iota3A, %broadcast_in_dim3A_976] : memref<8x32x128xf32, #tpu.memory_space<vmem>>[vector<16xi32>, vector<16xi32>, vector<16xi32>], vector<16xf32>,
      %mul3A_979 = arith.mulf %gather3A_977, %gather3A_978 : vector<16xf32>
      %gather3A_980 = tpu.vector_load_idx %arg9[%broadcast_in_dim3A_966, %add3A_5, %broadcast_in_dim3A_971] : memref<8x32x128xf32, #tpu.memory_space<vmem>>[vector<16xi32>, vector<16xi32>, vector<16xi32>], vector<16xf32>,
      %gather3A_981 = tpu.vector_load_idx %arg10[%broadcast_in_dim3A_966, %add3A_5, %broadcast_in_dim3A_976] : memref<8x32x128xf32, #tpu.memory_space<vmem>>[vector<16xi32>, vector<16xi32>, vector<16xi32>], vector<16xf32>,
      %mul3A_982 = arith.mulf %gather3A_980, %gather3A_981 : vector<16xf32>
      %add3A_983 = arith.addf %mul3A_979, %mul3A_982 : vector<16xf32>
      %reduce_sum3A_984 = arith.constant true
      %reduce_sum3A_985 = vector.broadcast %reduce_sum3A_984 : i1 to vector<16xi1>
      %reduce_sum3A_986 = tpu.scan <sum>, %add3A_983 masked %reduce_sum3A_985 : vector<16xf32>, vector<16xi1> -> vector<16xf32>
      %reduce_sum3A_987 = vector.extract %reduce_sum3A_986[15] : f32 from vector<16xf32>
      %eq3A_988 = arith.constant 0 : i32
      %eq3A_989 = vector.broadcast %eq3A_988 : i32 to vector<16xi32>
      %eq3A_990 = arith.cmpi eq, %iota3A, %eq3A_989 : vector<16xi32>
      %broadcast_in_dim3A_991 = vector.broadcast %reduce_sum3A_987 : f32 to vector<16xf32>
      %select_n3A_992 = arith.select %eq3A_990, %broadcast_in_dim3A_991, %broadcast_in_dim3A_922 : vector<16xi1>, vector<16xf32>
      %slice3A_993 = vector.extract_strided_slice %get3A_909 {offsets = [8], sizes = [1], strides = [1]} : vector<16xi32> to vector<1xi32>
      %squeeze3A_994 = vector.extract %slice3A_993[0] : i32 from vector<1xi32>
      %and3A_995 = arith.constant -128 : i32
      %and3A_996 = arith.andi %squeeze3A_994, %and3A_995 : i32
      %slice3A_997 = vector.extract_strided_slice %get3A_913 {offsets = [8], sizes = [1], strides = [1]} : vector<16xi32> to vector<1xi32>
      %squeeze3A_998 = vector.extract %slice3A_997[0] : i32 from vector<1xi32>
      %and3A_999 = arith.constant -128 : i32
      %and3A_1000 = arith.andi %squeeze3A_998, %and3A_999 : i32
      %multiple_of3A_1001 = tpu.assume_multiple %and3A_996, 128 : i32
      %dma_start3A_1002 = arith.constant 0 : i32
      %dma_start3A_1003 = arith.constant 0 : i32
      %dma_start3A_1004 = arith.constant 0 : i32
      %dma_start3A_1005 = arith.constant 0 : i32
      %dma_start3A_1006 = tpu.memref_slice %arg9[%dma_start3A_1002, %dma_start3A_1004, %dma_start3A_1005] : memref<8x32x128xf32, #tpu.memory_space<vmem>> -> memref<1x32x128xf32, #tpu.memory_space<vmem>>
      %dma_start3A_1007 = tpu.memref_squeeze %dma_start3A_1006 : memref<1x32x128xf32, #tpu.memory_space<vmem>> -> memref<32x128xf32, #tpu.memory_space<vmem>>
      %dma_start3A_1008 = arith.constant 0 : i32
      %dma_start3A_1009 = tpu.memref_slice %arg4[%dma_start3A_1008, %multiple_of3A_1001] : memref<32x1000000xf32, #tpu.memory_space<hbm>> -> memref<32x128xf32, #tpu.memory_space<hbm>>
      %dma_start3A_1010 = tpu.memref_slice %arg12[%dma_start3A_1003] : memref<8x!tpu.dma_semaphore, #tpu.memory_space<semaphore_mem>> -> memref<1x!tpu.dma_semaphore, #tpu.memory_space<semaphore_mem>>
      %dma_start3A_1011 = tpu.memref_squeeze %dma_start3A_1010 : memref<1x!tpu.dma_semaphore, #tpu.memory_space<semaphore_mem>> -> memref<!tpu.dma_semaphore, #tpu.memory_space<semaphore_mem>>
      %dma_start3A_1012 = arith.constant 0 : i32
      %dma_start3A_1013 = arith.constant 0 : i32
      %dma_start3A_1014 = tpu.memref_slice %arg9[%dma_start3A_1002, %dma_start3A_1012, %dma_start3A_1013] : memref<8x32x128xf32, #tpu.memory_space<vmem>> -> memref<1x32x128xf32, #tpu.memory_space<vmem>>
      %dma_start3A_1015 = tpu.memref_squeeze %dma_start3A_1014 : memref<1x32x128xf32, #tpu.memory_space<vmem>> -> memref<32x128xf32, #tpu.memory_space<vmem>>
      %dma_start3A_1016 = arith.constant 0 : i32
      %dma_start3A_1017 = tpu.memref_slice %arg4[%dma_start3A_1016, %multiple_of3A_1001] : memref<32x1000000xf32, #tpu.memory_space<hbm>> -> memref<32x128xf32, #tpu.memory_space<hbm>>
      tpu.enqueue_dma source(%dma_start3A_1017 : memref<32x128xf32, #tpu.memory_space<hbm>>) target(%dma_start3A_1015 : memref<32x128xf32, #tpu.memory_space<vmem>>) target_semaphore(%dma_start3A_1011 : memref<!tpu.dma_semaphore, #tpu.memory_space<semaphore_mem>>)
      %multiple_of3A_1018 = tpu.assume_multiple %and3A_1000, 128 : i32
      %dma_start3A_1019 = arith.constant 0 : i32
      %dma_start3A_1020 = arith.constant 0 : i32
      %dma_start3A_1021 = arith.constant 0 : i32
      %dma_start3A_1022 = arith.constant 0 : i32
      %dma_start3A_1023 = tpu.memref_slice %arg10[%dma_start3A_1019, %dma_start3A_1021, %dma_start3A_1022] : memref<8x32x128xf32, #tpu.memory_space<vmem>> -> memref<1x32x128xf32, #tpu.memory_space<vmem>>
      %dma_start3A_1024 = tpu.memref_squeeze %dma_start3A_1023 : memref<1x32x128xf32, #tpu.memory_space<vmem>> -> memref<32x128xf32, #tpu.memory_space<vmem>>
      %dma_start3A_1025 = arith.constant 0 : i32
      %dma_start3A_1026 = tpu.memref_slice %arg5[%dma_start3A_1025, %multiple_of3A_1018] : memref<32x1000000xf32, #tpu.memory_space<hbm>> -> memref<32x128xf32, #tpu.memory_space<hbm>>
      %dma_start3A_1027 = tpu.memref_slice %arg12[%dma_start3A_1020] : memref<8x!tpu.dma_semaphore, #tpu.memory_space<semaphore_mem>> -> memref<1x!tpu.dma_semaphore, #tpu.memory_space<semaphore_mem>>
      %dma_start3A_1028 = tpu.memref_squeeze %dma_start3A_1027 : memref<1x!tpu.dma_semaphore, #tpu.memory_space<semaphore_mem>> -> memref<!tpu.dma_semaphore, #tpu.memory_space<semaphore_mem>>
      %dma_start3A_1029 = arith.constant 0 : i32
      %dma_start3A_1030 = arith.constant 0 : i32
      %dma_start3A_1031 = tpu.memref_slice %arg10[%dma_start3A_1019, %dma_start3A_1029, %dma_start3A_1030] : memref<8x32x128xf32, #tpu.memory_space<vmem>> -> memref<1x32x128xf32, #tpu.memory_space<vmem>>
      %dma_start3A_1032 = tpu.memref_squeeze %dma_start3A_1031 : memref<1x32x128xf32, #tpu.memory_space<vmem>> -> memref<32x128xf32, #tpu.memory_space<vmem>>
      %dma_start3A_1033 = arith.constant 0 : i32
      %dma_start3A_1034 = tpu.memref_slice %arg5[%dma_start3A_1033, %multiple_of3A_1018] : memref<32x1000000xf32, #tpu.memory_space<hbm>> -> memref<32x128xf32, #tpu.memory_space<hbm>>
      tpu.enqueue_dma source(%dma_start3A_1034 : memref<32x128xf32, #tpu.memory_space<hbm>>) target(%dma_start3A_1032 : memref<32x128xf32, #tpu.memory_space<vmem>>) target_semaphore(%dma_start3A_1028 : memref<!tpu.dma_semaphore, #tpu.memory_space<semaphore_mem>>)
      %slice3A_1035 = vector.extract_strided_slice %get3A_909 {offsets = [1], sizes = [1], strides = [1]} : vector<16xi32> to vector<1xi32>
      %squeeze3A_1036 = vector.extract %slice3A_1035[0] : i32 from vector<1xi32>
      %and3A_1037 = arith.constant -128 : i32
      %and3A_1038 = arith.andi %squeeze3A_1036, %and3A_1037 : i32
      %slice3A_1039 = vector.extract_strided_slice %get3A_913 {offsets = [1], sizes = [1], strides = [1]} : vector<16xi32> to vector<1xi32>
      %squeeze3A_1040 = vector.extract %slice3A_1039[0] : i32 from vector<1xi32>
      %and3A_1041 = arith.constant -128 : i32
      %and3A_1042 = arith.andi %squeeze3A_1040, %and3A_1041 : i32
      %multiple_of3A_1043 = tpu.assume_multiple %and3A_1038, 128 : i32
      %dma_wait3A_1044 = arith.constant 1 : i32
      %dma_wait3A_1045 = arith.constant 1 : i32
      %dma_wait3A_1046 = arith.constant 0 : i32
      %dma_wait3A_1047 = arith.constant 0 : i32
      %dma_wait3A_1048 = tpu.memref_slice %arg9[%dma_wait3A_1044, %dma_wait3A_1046, %dma_wait3A_1047] : memref<8x32x128xf32, #tpu.memory_space<vmem>> -> memref<1x32x128xf32, #tpu.memory_space<vmem>>
      %dma_wait3A_1049 = tpu.memref_squeeze %dma_wait3A_1048 : memref<1x32x128xf32, #tpu.memory_space<vmem>> -> memref<32x128xf32, #tpu.memory_space<vmem>>
      %dma_wait3A_1050 = arith.constant 0 : i32
      %dma_wait3A_1051 = tpu.memref_slice %arg4[%dma_wait3A_1050, %multiple_of3A_1043] : memref<32x1000000xf32, #tpu.memory_space<hbm>> -> memref<32x128xf32, #tpu.memory_space<hbm>>
      %dma_wait3A_1052 = tpu.memref_slice %arg12[%dma_wait3A_1045] : memref<8x!tpu.dma_semaphore, #tpu.memory_space<semaphore_mem>> -> memref<1x!tpu.dma_semaphore, #tpu.memory_space<semaphore_mem>>
      %dma_wait3A_1053 = tpu.memref_squeeze %dma_wait3A_1052 : memref<1x!tpu.dma_semaphore, #tpu.memory_space<semaphore_mem>> -> memref<!tpu.dma_semaphore, #tpu.memory_space<semaphore_mem>>
      %dma_wait3A_1054 = arith.constant 0 : i32
      %dma_wait3A_1055 = arith.constant 0 : i32
      %dma_wait3A_1056 = tpu.memref_slice %arg9[%dma_wait3A_1044, %dma_wait3A_1054, %dma_wait3A_1055] : memref<8x32x128xf32, #tpu.memory_space<vmem>> -> memref<1x32x128xf32, #tpu.memory_space<vmem>>
      %dma_wait3A_1057 = tpu.memref_squeeze %dma_wait3A_1056 : memref<1x32x128xf32, #tpu.memory_space<vmem>> -> memref<32x128xf32, #tpu.memory_space<vmem>>
      %dma_wait3A_1058 = arith.constant 0 : i32
      %dma_wait3A_1059 = tpu.memref_slice %arg4[%dma_wait3A_1058, %multiple_of3A_1043] : memref<32x1000000xf32, #tpu.memory_space<hbm>> -> memref<32x128xf32, #tpu.memory_space<hbm>>
      tpu.wait_dma2 semaphore(%dma_wait3A_1053 : memref<!tpu.dma_semaphore, #tpu.memory_space<semaphore_mem>>) src(%dma_wait3A_1059 : memref<32x128xf32, #tpu.memory_space<hbm>>) dst(%dma_wait3A_1057 : memref<32x128xf32, #tpu.memory_space<vmem>>)
      %multiple_of3A_1060 = tpu.assume_multiple %and3A_1042, 128 : i32
      %dma_wait3A_1061 = arith.constant 1 : i32
      %dma_wait3A_1062 = arith.constant 1 : i32
      %dma_wait3A_1063 = arith.constant 0 : i32
      %dma_wait3A_1064 = arith.constant 0 : i32
      %dma_wait3A_1065 = tpu.memref_slice %arg10[%dma_wait3A_1061, %dma_wait3A_1063, %dma_wait3A_1064] : memref<8x32x128xf32, #tpu.memory_space<vmem>> -> memref<1x32x128xf32, #tpu.memory_space<vmem>>
      %dma_wait3A_1066 = tpu.memref_squeeze %dma_wait3A_1065 : memref<1x32x128xf32, #tpu.memory_space<vmem>> -> memref<32x128xf32, #tpu.memory_space<vmem>>
      %dma_wait3A_1067 = arith.constant 0 : i32
      %dma_wait3A_1068 = tpu.memref_slice %arg5[%dma_wait3A_1067, %multiple_of3A_1060] : memref<32x1000000xf32, #tpu.memory_space<hbm>> -> memref<32x128xf32, #tpu.memory_space<hbm>>
      %dma_wait3A_1069 = tpu.memref_slice %arg12[%dma_wait3A_1062] : memref<8x!tpu.dma_semaphore, #tpu.memory_space<semaphore_mem>> -> memref<1x!tpu.dma_semaphore, #tpu.memory_space<semaphore_mem>>
      %dma_wait3A_1070 = tpu.memref_squeeze %dma_wait3A_1069 : memref<1x!tpu.dma_semaphore, #tpu.memory_space<semaphore_mem>> -> memref<!tpu.dma_semaphore, #tpu.memory_space<semaphore_mem>>
      %dma_wait3A_1071 = arith.constant 0 : i32
      %dma_wait3A_1072 = arith.constant 0 : i32
      %dma_wait3A_1073 = tpu.memref_slice %arg10[%dma_wait3A_1061, %dma_wait3A_1071, %dma_wait3A_1072] : memref<8x32x128xf32, #tpu.memory_space<vmem>> -> memref<1x32x128xf32, #tpu.memory_space<vmem>>
      %dma_wait3A_1074 = tpu.memref_squeeze %dma_wait3A_1073 : memref<1x32x128xf32, #tpu.memory_space<vmem>> -> memref<32x128xf32, #tpu.memory_space<vmem>>
      %dma_wait3A_1075 = arith.constant 0 : i32
      %dma_wait3A_1076 = tpu.memref_slice %arg5[%dma_wait3A_1075, %multiple_of3A_1060] : memref<32x1000000xf32, #tpu.memory_space<hbm>> -> memref<32x128xf32, #tpu.memory_space<hbm>>
      tpu.wait_dma2 semaphore(%dma_wait3A_1070 : memref<!tpu.dma_semaphore, #tpu.memory_space<semaphore_mem>>) src(%dma_wait3A_1076 : memref<32x128xf32, #tpu.memory_space<hbm>>) dst(%dma_wait3A_1074 : memref<32x128xf32, #tpu.memory_space<vmem>>)
      %broadcast_in_dim3A_1077 = arith.constant 1 : i32
      %broadcast_in_dim3A_1078 = vector.broadcast %broadcast_in_dim3A_1077 : i32 to vector<16xi32>
      %slice3A_1079 = vector.extract_strided_slice %get3A_909 {offsets = [1], sizes = [1], strides = [1]} : vector<16xi32> to vector<1xi32>
      %squeeze3A_1080 = vector.extract %slice3A_1079[0] : i32 from vector<1xi32>
      %and3A_1081 = arith.constant 127 : i32
      %and3A_1082 = arith.andi %squeeze3A_1080, %and3A_1081 : i32
      %broadcast_in_dim3A_1083 = vector.broadcast %and3A_1082 : i32 to vector<16xi32>
      %slice3A_1084 = vector.extract_strided_slice %get3A_913 {offsets = [1], sizes = [1], strides = [1]} : vector<16xi32> to vector<1xi32>
      %squeeze3A_1085 = vector.extract %slice3A_1084[0] : i32 from vector<1xi32>
      %and3A_1086 = arith.constant 127 : i32
      %and3A_1087 = arith.andi %squeeze3A_1085, %and3A_1086 : i32
      %broadcast_in_dim3A_1088 = vector.broadcast %and3A_1087 : i32 to vector<16xi32>
      %gather3A_1089 = tpu.vector_load_idx %arg9[%broadcast_in_dim3A_1078, %iota3A, %broadcast_in_dim3A_1083] : memref<8x32x128xf32, #tpu.memory_space<vmem>>[vector<16xi32>, vector<16xi32>, vector<16xi32>], vector<16xf32>,
      %gather3A_1090 = tpu.vector_load_idx %arg10[%broadcast_in_dim3A_1078, %iota3A, %broadcast_in_dim3A_1088] : memref<8x32x128xf32, #tpu.memory_space<vmem>>[vector<16xi32>, vector<16xi32>, vector<16xi32>], vector<16xf32>,
      %mul3A_1091 = arith.mulf %gather3A_1089, %gather3A_1090 : vector<16xf32>
      %gather3A_1092 = tpu.vector_load_idx %arg9[%broadcast_in_dim3A_1078, %add3A_5, %broadcast_in_dim3A_1083] : memref<8x32x128xf32, #tpu.memory_space<vmem>>[vector<16xi32>, vector<16xi32>, vector<16xi32>], vector<16xf32>,
      %gather3A_1093 = tpu.vector_load_idx %arg10[%broadcast_in_dim3A_1078, %add3A_5, %broadcast_in_dim3A_1088] : memref<8x32x128xf32, #tpu.memory_space<vmem>>[vector<16xi32>, vector<16xi32>, vector<16xi32>], vector<16xf32>,
      %mul3A_1094 = arith.mulf %gather3A_1092, %gather3A_1093 : vector<16xf32>
      %add3A_1095 = arith.addf %mul3A_1091, %mul3A_1094 : vector<16xf32>
      %reduce_sum3A_1096 = arith.constant true
      %reduce_sum3A_1097 = vector.broadcast %reduce_sum3A_1096 : i1 to vector<16xi1>
      %reduce_sum3A_1098 = tpu.scan <sum>, %add3A_1095 masked %reduce_sum3A_1097 : vector<16xf32>, vector<16xi1> -> vector<16xf32>
      %reduce_sum3A_1099 = vector.extract %reduce_sum3A_1098[15] : f32 from vector<16xf32>
      %eq3A_1100 = arith.constant 1 : i32
      %eq3A_1101 = vector.broadcast %eq3A_1100 : i32 to vector<16xi32>
      %eq3A_1102 = arith.cmpi eq, %iota3A, %eq3A_1101 : vector<16xi32>
      %broadcast_in_dim3A_1103 = vector.broadcast %reduce_sum3A_1099 : f32 to vector<16xf32>
      %select_n3A_1104 = arith.select %eq3A_1102, %broadcast_in_dim3A_1103, %select_n3A_992 : vector<16xi1>, vector<16xf32>
      %slice3A_1105 = vector.extract_strided_slice %get3A_909 {offsets = [9], sizes = [1], strides = [1]} : vector<16xi32> to vector<1xi32>
      %squeeze3A_1106 = vector.extract %slice3A_1105[0] : i32 from vector<1xi32>
      %and3A_1107 = arith.constant -128 : i32
      %and3A_1108 = arith.andi %squeeze3A_1106, %and3A_1107 : i32
      %slice3A_1109 = vector.extract_strided_slice %get3A_913 {offsets = [9], sizes = [1], strides = [1]} : vector<16xi32> to vector<1xi32>
      %squeeze3A_1110 = vector.extract %slice3A_1109[0] : i32 from vector<1xi32>
      %and3A_1111 = arith.constant -128 : i32
      %and3A_1112 = arith.andi %squeeze3A_1110, %and3A_1111 : i32
      %multiple_of3A_1113 = tpu.assume_multiple %and3A_1108, 128 : i32
      %dma_start3A_1114 = arith.constant 1 : i32
      %dma_start3A_1115 = arith.constant 1 : i32
      %dma_start3A_1116 = arith.constant 0 : i32
      %dma_start3A_1117 = arith.constant 0 : i32
      %dma_start3A_1118 = tpu.memref_slice %arg9[%dma_start3A_1114, %dma_start3A_1116, %dma_start3A_1117] : memref<8x32x128xf32, #tpu.memory_space<vmem>> -> memref<1x32x128xf32, #tpu.memory_space<vmem>>
      %dma_start3A_1119 = tpu.memref_squeeze %dma_start3A_1118 : memref<1x32x128xf32, #tpu.memory_space<vmem>> -> memref<32x128xf32, #tpu.memory_space<vmem>>
      %dma_start3A_1120 = arith.constant 0 : i32
      %dma_start3A_1121 = tpu.memref_slice %arg4[%dma_start3A_1120, %multiple_of3A_1113] : memref<32x1000000xf32, #tpu.memory_space<hbm>> -> memref<32x128xf32, #tpu.memory_space<hbm>>
      %dma_start3A_1122 = tpu.memref_slice %arg12[%dma_start3A_1115] : memref<8x!tpu.dma_semaphore, #tpu.memory_space<semaphore_mem>> -> memref<1x!tpu.dma_semaphore, #tpu.memory_space<semaphore_mem>>
      %dma_start3A_1123 = tpu.memref_squeeze %dma_start3A_1122 : memref<1x!tpu.dma_semaphore, #tpu.memory_space<semaphore_mem>> -> memref<!tpu.dma_semaphore, #tpu.memory_space<semaphore_mem>>
      %dma_start3A_1124 = arith.constant 0 : i32
      %dma_start3A_1125 = arith.constant 0 : i32
      %dma_start3A_1126 = tpu.memref_slice %arg9[%dma_start3A_1114, %dma_start3A_1124, %dma_start3A_1125] : memref<8x32x128xf32, #tpu.memory_space<vmem>> -> memref<1x32x128xf32, #tpu.memory_space<vmem>>
      %dma_start3A_1127 = tpu.memref_squeeze %dma_start3A_1126 : memref<1x32x128xf32, #tpu.memory_space<vmem>> -> memref<32x128xf32, #tpu.memory_space<vmem>>
      %dma_start3A_1128 = arith.constant 0 : i32
      %dma_start3A_1129 = tpu.memref_slice %arg4[%dma_start3A_1128, %multiple_of3A_1113] : memref<32x1000000xf32, #tpu.memory_space<hbm>> -> memref<32x128xf32, #tpu.memory_space<hbm>>
      tpu.enqueue_dma source(%dma_start3A_1129 : memref<32x128xf32, #tpu.memory_space<hbm>>) target(%dma_start3A_1127 : memref<32x128xf32, #tpu.memory_space<vmem>>) target_semaphore(%dma_start3A_1123 : memref<!tpu.dma_semaphore, #tpu.memory_space<semaphore_mem>>)
      %multiple_of3A_1130 = tpu.assume_multiple %and3A_1112, 128 : i32
      %dma_start3A_1131 = arith.constant 1 : i32
      %dma_start3A_1132 = arith.constant 1 : i32
      %dma_start3A_1133 = arith.constant 0 : i32
      %dma_start3A_1134 = arith.constant 0 : i32
      %dma_start3A_1135 = tpu.memref_slice %arg10[%dma_start3A_1131, %dma_start3A_1133, %dma_start3A_1134] : memref<8x32x128xf32, #tpu.memory_space<vmem>> -> memref<1x32x128xf32, #tpu.memory_space<vmem>>
      %dma_start3A_1136 = tpu.memref_squeeze %dma_start3A_1135 : memref<1x32x128xf32, #tpu.memory_space<vmem>> -> memref<32x128xf32, #tpu.memory_space<vmem>>
      %dma_start3A_1137 = arith.constant 0 : i32
      %dma_start3A_1138 = tpu.memref_slice %arg5[%dma_start3A_1137, %multiple_of3A_1130] : memref<32x1000000xf32, #tpu.memory_space<hbm>> -> memref<32x128xf32, #tpu.memory_space<hbm>>
      %dma_start3A_1139 = tpu.memref_slice %arg12[%dma_start3A_1132] : memref<8x!tpu.dma_semaphore, #tpu.memory_space<semaphore_mem>> -> memref<1x!tpu.dma_semaphore, #tpu.memory_space<semaphore_mem>>
      %dma_start3A_1140 = tpu.memref_squeeze %dma_start3A_1139 : memref<1x!tpu.dma_semaphore, #tpu.memory_space<semaphore_mem>> -> memref<!tpu.dma_semaphore, #tpu.memory_space<semaphore_mem>>
      %dma_start3A_1141 = arith.constant 0 : i32
      %dma_start3A_1142 = arith.constant 0 : i32
      %dma_start3A_1143 = tpu.memref_slice %arg10[%dma_start3A_1131, %dma_start3A_1141, %dma_start3A_1142] : memref<8x32x128xf32, #tpu.memory_space<vmem>> -> memref<1x32x128xf32, #tpu.memory_space<vmem>>
      %dma_start3A_1144 = tpu.memref_squeeze %dma_start3A_1143 : memref<1x32x128xf32, #tpu.memory_space<vmem>> -> memref<32x128xf32, #tpu.memory_space<vmem>>
      %dma_start3A_1145 = arith.constant 0 : i32
      %dma_start3A_1146 = tpu.memref_slice %arg5[%dma_start3A_1145, %multiple_of3A_1130] : memref<32x1000000xf32, #tpu.memory_space<hbm>> -> memref<32x128xf32, #tpu.memory_space<hbm>>
      tpu.enqueue_dma source(%dma_start3A_1146 : memref<32x128xf32, #tpu.memory_space<hbm>>) target(%dma_start3A_1144 : memref<32x128xf32, #tpu.memory_space<vmem>>) target_semaphore(%dma_start3A_1140 : memref<!tpu.dma_semaphore, #tpu.memory_space<semaphore_mem>>)
      %slice3A_1147 = vector.extract_strided_slice %get3A_909 {offsets = [2], sizes = [1], strides = [1]} : vector<16xi32> to vector<1xi32>
      %squeeze3A_1148 = vector.extract %slice3A_1147[0] : i32 from vector<1xi32>
      %and3A_1149 = arith.constant -128 : i32
      %and3A_1150 = arith.andi %squeeze3A_1148, %and3A_1149 : i32
      %slice3A_1151 = vector.extract_strided_slice %get3A_913 {offsets = [2], sizes = [1], strides = [1]} : vector<16xi32> to vector<1xi32>
      %squeeze3A_1152 = vector.extract %slice3A_1151[0] : i32 from vector<1xi32>
      %and3A_1153 = arith.constant -128 : i32
      %and3A_1154 = arith.andi %squeeze3A_1152, %and3A_1153 : i32
      %multiple_of3A_1155 = tpu.assume_multiple %and3A_1150, 128 : i32
      %dma_wait3A_1156 = arith.constant 2 : i32
      %dma_wait3A_1157 = arith.constant 2 : i32
      %dma_wait3A_1158 = arith.constant 0 : i32
      %dma_wait3A_1159 = arith.constant 0 : i32
      %dma_wait3A_1160 = tpu.memref_slice %arg9[%dma_wait3A_1156, %dma_wait3A_1158, %dma_wait3A_1159] : memref<8x32x128xf32, #tpu.memory_space<vmem>> -> memref<1x32x128xf32, #tpu.memory_space<vmem>>
      %dma_wait3A_1161 = tpu.memref_squeeze %dma_wait3A_1160 : memref<1x32x128xf32, #tpu.memory_space<vmem>> -> memref<32x128xf32, #tpu.memory_space<vmem>>
      %dma_wait3A_1162 = arith.constant 0 : i32
      %dma_wait3A_1163 = tpu.memref_slice %arg4[%dma_wait3A_1162, %multiple_of3A_1155] : memref<32x1000000xf32, #tpu.memory_space<hbm>> -> memref<32x128xf32, #tpu.memory_space<hbm>>
      %dma_wait3A_1164 = tpu.memref_slice %arg12[%dma_wait3A_1157] : memref<8x!tpu.dma_semaphore, #tpu.memory_space<semaphore_mem>> -> memref<1x!tpu.dma_semaphore, #tpu.memory_space<semaphore_mem>>
      %dma_wait3A_1165 = tpu.memref_squeeze %dma_wait3A_1164 : memref<1x!tpu.dma_semaphore, #tpu.memory_space<semaphore_mem>> -> memref<!tpu.dma_semaphore, #tpu.memory_space<semaphore_mem>>
      %dma_wait3A_1166 = arith.constant 0 : i32
      %dma_wait3A_1167 = arith.constant 0 : i32
      %dma_wait3A_1168 = tpu.memref_slice %arg9[%dma_wait3A_1156, %dma_wait3A_1166, %dma_wait3A_1167] : memref<8x32x128xf32, #tpu.memory_space<vmem>> -> memref<1x32x128xf32, #tpu.memory_space<vmem>>
      %dma_wait3A_1169 = tpu.memref_squeeze %dma_wait3A_1168 : memref<1x32x128xf32, #tpu.memory_space<vmem>> -> memref<32x128xf32, #tpu.memory_space<vmem>>
      %dma_wait3A_1170 = arith.constant 0 : i32
      %dma_wait3A_1171 = tpu.memref_slice %arg4[%dma_wait3A_1170, %multiple_of3A_1155] : memref<32x1000000xf32, #tpu.memory_space<hbm>> -> memref<32x128xf32, #tpu.memory_space<hbm>>
      tpu.wait_dma2 semaphore(%dma_wait3A_1165 : memref<!tpu.dma_semaphore, #tpu.memory_space<semaphore_mem>>) src(%dma_wait3A_1171 : memref<32x128xf32, #tpu.memory_space<hbm>>) dst(%dma_wait3A_1169 : memref<32x128xf32, #tpu.memory_space<vmem>>)
      %multiple_of3A_1172 = tpu.assume_multiple %and3A_1154, 128 : i32
      %dma_wait3A_1173 = arith.constant 2 : i32
      %dma_wait3A_1174 = arith.constant 2 : i32
      %dma_wait3A_1175 = arith.constant 0 : i32
      %dma_wait3A_1176 = arith.constant 0 : i32
      %dma_wait3A_1177 = tpu.memref_slice %arg10[%dma_wait3A_1173, %dma_wait3A_1175, %dma_wait3A_1176] : memref<8x32x128xf32, #tpu.memory_space<vmem>> -> memref<1x32x128xf32, #tpu.memory_space<vmem>>
      %dma_wait3A_1178 = tpu.memref_squeeze %dma_wait3A_1177 : memref<1x32x128xf32, #tpu.memory_space<vmem>> -> memref<32x128xf32, #tpu.memory_space<vmem>>
      %dma_wait3A_1179 = arith.constant 0 : i32
      %dma_wait3A_1180 = tpu.memref_slice %arg5[%dma_wait3A_1179, %multiple_of3A_1172] : memref<32x1000000xf32, #tpu.memory_space<hbm>> -> memref<32x128xf32, #tpu.memory_space<hbm>>
      %dma_wait3A_1181 = tpu.memref_slice %arg12[%dma_wait3A_1174] : memref<8x!tpu.dma_semaphore, #tpu.memory_space<semaphore_mem>> -> memref<1x!tpu.dma_semaphore, #tpu.memory_space<semaphore_mem>>
      %dma_wait3A_1182 = tpu.memref_squeeze %dma_wait3A_1181 : memref<1x!tpu.dma_semaphore, #tpu.memory_space<semaphore_mem>> -> memref<!tpu.dma_semaphore, #tpu.memory_space<semaphore_mem>>
      %dma_wait3A_1183 = arith.constant 0 : i32
      %dma_wait3A_1184 = arith.constant 0 : i32
      %dma_wait3A_1185 = tpu.memref_slice %arg10[%dma_wait3A_1173, %dma_wait3A_1183, %dma_wait3A_1184] : memref<8x32x128xf32, #tpu.memory_space<vmem>> -> memref<1x32x128xf32, #tpu.memory_space<vmem>>
      %dma_wait3A_1186 = tpu.memref_squeeze %dma_wait3A_1185 : memref<1x32x128xf32, #tpu.memory_space<vmem>> -> memref<32x128xf32, #tpu.memory_space<vmem>>
      %dma_wait3A_1187 = arith.constant 0 : i32
      %dma_wait3A_1188 = tpu.memref_slice %arg5[%dma_wait3A_1187, %multiple_of3A_1172] : memref<32x1000000xf32, #tpu.memory_space<hbm>> -> memref<32x128xf32, #tpu.memory_space<hbm>>
      tpu.wait_dma2 semaphore(%dma_wait3A_1182 : memref<!tpu.dma_semaphore, #tpu.memory_space<semaphore_mem>>) src(%dma_wait3A_1188 : memref<32x128xf32, #tpu.memory_space<hbm>>) dst(%dma_wait3A_1186 : memref<32x128xf32, #tpu.memory_space<vmem>>)
      %broadcast_in_dim3A_1189 = arith.constant 2 : i32
      %broadcast_in_dim3A_1190 = vector.broadcast %broadcast_in_dim3A_1189 : i32 to vector<16xi32>
      %slice3A_1191 = vector.extract_strided_slice %get3A_909 {offsets = [2], sizes = [1], strides = [1]} : vector<16xi32> to vector<1xi32>
      %squeeze3A_1192 = vector.extract %slice3A_1191[0] : i32 from vector<1xi32>
      %and3A_1193 = arith.constant 127 : i32
      %and3A_1194 = arith.andi %squeeze3A_1192, %and3A_1193 : i32
      %broadcast_in_dim3A_1195 = vector.broadcast %and3A_1194 : i32 to vector<16xi32>
      %slice3A_1196 = vector.extract_strided_slice %get3A_913 {offsets = [2], sizes = [1], strides = [1]} : vector<16xi32> to vector<1xi32>
      %squeeze3A_1197 = vector.extract %slice3A_1196[0] : i32 from vector<1xi32>
      %and3A_1198 = arith.constant 127 : i32
      %and3A_1199 = arith.andi %squeeze3A_1197, %and3A_1198 : i32
      %broadcast_in_dim3A_1200 = vector.broadcast %and3A_1199 : i32 to vector<16xi32>
      %gather3A_1201 = tpu.vector_load_idx %arg9[%broadcast_in_dim3A_1190, %iota3A, %broadcast_in_dim3A_1195] : memref<8x32x128xf32, #tpu.memory_space<vmem>>[vector<16xi32>, vector<16xi32>, vector<16xi32>], vector<16xf32>,
      %gather3A_1202 = tpu.vector_load_idx %arg10[%broadcast_in_dim3A_1190, %iota3A, %broadcast_in_dim3A_1200] : memref<8x32x128xf32, #tpu.memory_space<vmem>>[vector<16xi32>, vector<16xi32>, vector<16xi32>], vector<16xf32>,
      %mul3A_1203 = arith.mulf %gather3A_1201, %gather3A_1202 : vector<16xf32>
      %gather3A_1204 = tpu.vector_load_idx %arg9[%broadcast_in_dim3A_1190, %add3A_5, %broadcast_in_dim3A_1195] : memref<8x32x128xf32, #tpu.memory_space<vmem>>[vector<16xi32>, vector<16xi32>, vector<16xi32>], vector<16xf32>,
      %gather3A_1205 = tpu.vector_load_idx %arg10[%broadcast_in_dim3A_1190, %add3A_5, %broadcast_in_dim3A_1200] : memref<8x32x128xf32, #tpu.memory_space<vmem>>[vector<16xi32>, vector<16xi32>, vector<16xi32>], vector<16xf32>,
      %mul3A_1206 = arith.mulf %gather3A_1204, %gather3A_1205 : vector<16xf32>
      %add3A_1207 = arith.addf %mul3A_1203, %mul3A_1206 : vector<16xf32>
      %reduce_sum3A_1208 = arith.constant true
      %reduce_sum3A_1209 = vector.broadcast %reduce_sum3A_1208 : i1 to vector<16xi1>
      %reduce_sum3A_1210 = tpu.scan <sum>, %add3A_1207 masked %reduce_sum3A_1209 : vector<16xf32>, vector<16xi1> -> vector<16xf32>
      %reduce_sum3A_1211 = vector.extract %reduce_sum3A_1210[15] : f32 from vector<16xf32>
      %eq3A_1212 = arith.constant 2 : i32
      %eq3A_1213 = vector.broadcast %eq3A_1212 : i32 to vector<16xi32>
      %eq3A_1214 = arith.cmpi eq, %iota3A, %eq3A_1213 : vector<16xi32>
      %broadcast_in_dim3A_1215 = vector.broadcast %reduce_sum3A_1211 : f32 to vector<16xf32>
      %select_n3A_1216 = arith.select %eq3A_1214, %broadcast_in_dim3A_1215, %select_n3A_1104 : vector<16xi1>, vector<16xf32>
      %slice3A_1217 = vector.extract_strided_slice %get3A_909 {offsets = [10], sizes = [1], strides = [1]} : vector<16xi32> to vector<1xi32>
      %squeeze3A_1218 = vector.extract %slice3A_1217[0] : i32 from vector<1xi32>
      %and3A_1219 = arith.constant -128 : i32
      %and3A_1220 = arith.andi %squeeze3A_1218, %and3A_1219 : i32
      %slice3A_1221 = vector.extract_strided_slice %get3A_913 {offsets = [10], sizes = [1], strides = [1]} : vector<16xi32> to vector<1xi32>
      %squeeze3A_1222 = vector.extract %slice3A_1221[0] : i32 from vector<1xi32>
      %and3A_1223 = arith.constant -128 : i32
      %and3A_1224 = arith.andi %squeeze3A_1222, %and3A_1223 : i32
      %multiple_of3A_1225 = tpu.assume_multiple %and3A_1220, 128 : i32
      %dma_start3A_1226 = arith.constant 2 : i32
      %dma_start3A_1227 = arith.constant 2 : i32
      %dma_start3A_1228 = arith.constant 0 : i32
      %dma_start3A_1229 = arith.constant 0 : i32
      %dma_start3A_1230 = tpu.memref_slice %arg9[%dma_start3A_1226, %dma_start3A_1228, %dma_start3A_1229] : memref<8x32x128xf32, #tpu.memory_space<vmem>> -> memref<1x32x128xf32, #tpu.memory_space<vmem>>
      %dma_start3A_1231 = tpu.memref_squeeze %dma_start3A_1230 : memref<1x32x128xf32, #tpu.memory_space<vmem>> -> memref<32x128xf32, #tpu.memory_space<vmem>>
      %dma_start3A_1232 = arith.constant 0 : i32
      %dma_start3A_1233 = tpu.memref_slice %arg4[%dma_start3A_1232, %multiple_of3A_1225] : memref<32x1000000xf32, #tpu.memory_space<hbm>> -> memref<32x128xf32, #tpu.memory_space<hbm>>
      %dma_start3A_1234 = tpu.memref_slice %arg12[%dma_start3A_1227] : memref<8x!tpu.dma_semaphore, #tpu.memory_space<semaphore_mem>> -> memref<1x!tpu.dma_semaphore, #tpu.memory_space<semaphore_mem>>
      %dma_start3A_1235 = tpu.memref_squeeze %dma_start3A_1234 : memref<1x!tpu.dma_semaphore, #tpu.memory_space<semaphore_mem>> -> memref<!tpu.dma_semaphore, #tpu.memory_space<semaphore_mem>>
      %dma_start3A_1236 = arith.constant 0 : i32
      %dma_start3A_1237 = arith.constant 0 : i32
      %dma_start3A_1238 = tpu.memref_slice %arg9[%dma_start3A_1226, %dma_start3A_1236, %dma_start3A_1237] : memref<8x32x128xf32, #tpu.memory_space<vmem>> -> memref<1x32x128xf32, #tpu.memory_space<vmem>>
      %dma_start3A_1239 = tpu.memref_squeeze %dma_start3A_1238 : memref<1x32x128xf32, #tpu.memory_space<vmem>> -> memref<32x128xf32, #tpu.memory_space<vmem>>
      %dma_start3A_1240 = arith.constant 0 : i32
      %dma_start3A_1241 = tpu.memref_slice %arg4[%dma_start3A_1240, %multiple_of3A_1225] : memref<32x1000000xf32, #tpu.memory_space<hbm>> -> memref<32x128xf32, #tpu.memory_space<hbm>>
      tpu.enqueue_dma source(%dma_start3A_1241 : memref<32x128xf32, #tpu.memory_space<hbm>>) target(%dma_start3A_1239 : memref<32x128xf32, #tpu.memory_space<vmem>>) target_semaphore(%dma_start3A_1235 : memref<!tpu.dma_semaphore, #tpu.memory_space<semaphore_mem>>)
      %multiple_of3A_1242 = tpu.assume_multiple %and3A_1224, 128 : i32
      %dma_start3A_1243 = arith.constant 2 : i32
      %dma_start3A_1244 = arith.constant 2 : i32
      %dma_start3A_1245 = arith.constant 0 : i32
      %dma_start3A_1246 = arith.constant 0 : i32
      %dma_start3A_1247 = tpu.memref_slice %arg10[%dma_start3A_1243, %dma_start3A_1245, %dma_start3A_1246] : memref<8x32x128xf32, #tpu.memory_space<vmem>> -> memref<1x32x128xf32, #tpu.memory_space<vmem>>
      %dma_start3A_1248 = tpu.memref_squeeze %dma_start3A_1247 : memref<1x32x128xf32, #tpu.memory_space<vmem>> -> memref<32x128xf32, #tpu.memory_space<vmem>>
      %dma_start3A_1249 = arith.constant 0 : i32
      %dma_start3A_1250 = tpu.memref_slice %arg5[%dma_start3A_1249, %multiple_of3A_1242] : memref<32x1000000xf32, #tpu.memory_space<hbm>> -> memref<32x128xf32, #tpu.memory_space<hbm>>
      %dma_start3A_1251 = tpu.memref_slice %arg12[%dma_start3A_1244] : memref<8x!tpu.dma_semaphore, #tpu.memory_space<semaphore_mem>> -> memref<1x!tpu.dma_semaphore, #tpu.memory_space<semaphore_mem>>
      %dma_start3A_1252 = tpu.memref_squeeze %dma_start3A_1251 : memref<1x!tpu.dma_semaphore, #tpu.memory_space<semaphore_mem>> -> memref<!tpu.dma_semaphore, #tpu.memory_space<semaphore_mem>>
      %dma_start3A_1253 = arith.constant 0 : i32
      %dma_start3A_1254 = arith.constant 0 : i32
      %dma_start3A_1255 = tpu.memref_slice %arg10[%dma_start3A_1243, %dma_start3A_1253, %dma_start3A_1254] : memref<8x32x128xf32, #tpu.memory_space<vmem>> -> memref<1x32x128xf32, #tpu.memory_space<vmem>>
      %dma_start3A_1256 = tpu.memref_squeeze %dma_start3A_1255 : memref<1x32x128xf32, #tpu.memory_space<vmem>> -> memref<32x128xf32, #tpu.memory_space<vmem>>
      %dma_start3A_1257 = arith.constant 0 : i32
      %dma_start3A_1258 = tpu.memref_slice %arg5[%dma_start3A_1257, %multiple_of3A_1242] : memref<32x1000000xf32, #tpu.memory_space<hbm>> -> memref<32x128xf32, #tpu.memory_space<hbm>>
      tpu.enqueue_dma source(%dma_start3A_1258 : memref<32x128xf32, #tpu.memory_space<hbm>>) target(%dma_start3A_1256 : memref<32x128xf32, #tpu.memory_space<vmem>>) target_semaphore(%dma_start3A_1252 : memref<!tpu.dma_semaphore, #tpu.memory_space<semaphore_mem>>)
      %slice3A_1259 = vector.extract_strided_slice %get3A_909 {offsets = [3], sizes = [1], strides = [1]} : vector<16xi32> to vector<1xi32>
      %squeeze3A_1260 = vector.extract %slice3A_1259[0] : i32 from vector<1xi32>
      %and3A_1261 = arith.constant -128 : i32
      %and3A_1262 = arith.andi %squeeze3A_1260, %and3A_1261 : i32
      %slice3A_1263 = vector.extract_strided_slice %get3A_913 {offsets = [3], sizes = [1], strides = [1]} : vector<16xi32> to vector<1xi32>
      %squeeze3A_1264 = vector.extract %slice3A_1263[0] : i32 from vector<1xi32>
      %and3A_1265 = arith.constant -128 : i32
      %and3A_1266 = arith.andi %squeeze3A_1264, %and3A_1265 : i32
      %multiple_of3A_1267 = tpu.assume_multiple %and3A_1262, 128 : i32
      %dma_wait3A_1268 = arith.constant 3 : i32
      %dma_wait3A_1269 = arith.constant 3 : i32
      %dma_wait3A_1270 = arith.constant 0 : i32
      %dma_wait3A_1271 = arith.constant 0 : i32
      %dma_wait3A_1272 = tpu.memref_slice %arg9[%dma_wait3A_1268, %dma_wait3A_1270, %dma_wait3A_1271] : memref<8x32x128xf32, #tpu.memory_space<vmem>> -> memref<1x32x128xf32, #tpu.memory_space<vmem>>
      %dma_wait3A_1273 = tpu.memref_squeeze %dma_wait3A_1272 : memref<1x32x128xf32, #tpu.memory_space<vmem>> -> memref<32x128xf32, #tpu.memory_space<vmem>>
      %dma_wait3A_1274 = arith.constant 0 : i32
      %dma_wait3A_1275 = tpu.memref_slice %arg4[%dma_wait3A_1274, %multiple_of3A_1267] : memref<32x1000000xf32, #tpu.memory_space<hbm>> -> memref<32x128xf32, #tpu.memory_space<hbm>>
      %dma_wait3A_1276 = tpu.memref_slice %arg12[%dma_wait3A_1269] : memref<8x!tpu.dma_semaphore, #tpu.memory_space<semaphore_mem>> -> memref<1x!tpu.dma_semaphore, #tpu.memory_space<semaphore_mem>>
      %dma_wait3A_1277 = tpu.memref_squeeze %dma_wait3A_1276 : memref<1x!tpu.dma_semaphore, #tpu.memory_space<semaphore_mem>> -> memref<!tpu.dma_semaphore, #tpu.memory_space<semaphore_mem>>
      %dma_wait3A_1278 = arith.constant 0 : i32
      %dma_wait3A_1279 = arith.constant 0 : i32
      %dma_wait3A_1280 = tpu.memref_slice %arg9[%dma_wait3A_1268, %dma_wait3A_1278, %dma_wait3A_1279] : memref<8x32x128xf32, #tpu.memory_space<vmem>> -> memref<1x32x128xf32, #tpu.memory_space<vmem>>
      %dma_wait3A_1281 = tpu.memref_squeeze %dma_wait3A_1280 : memref<1x32x128xf32, #tpu.memory_space<vmem>> -> memref<32x128xf32, #tpu.memory_space<vmem>>
      %dma_wait3A_1282 = arith.constant 0 : i32
      %dma_wait3A_1283 = tpu.memref_slice %arg4[%dma_wait3A_1282, %multiple_of3A_1267] : memref<32x1000000xf32, #tpu.memory_space<hbm>> -> memref<32x128xf32, #tpu.memory_space<hbm>>
      tpu.wait_dma2 semaphore(%dma_wait3A_1277 : memref<!tpu.dma_semaphore, #tpu.memory_space<semaphore_mem>>) src(%dma_wait3A_1283 : memref<32x128xf32, #tpu.memory_space<hbm>>) dst(%dma_wait3A_1281 : memref<32x128xf32, #tpu.memory_space<vmem>>)
      %multiple_of3A_1284 = tpu.assume_multiple %and3A_1266, 128 : i32
      %dma_wait3A_1285 = arith.constant 3 : i32
      %dma_wait3A_1286 = arith.constant 3 : i32
      %dma_wait3A_1287 = arith.constant 0 : i32
      %dma_wait3A_1288 = arith.constant 0 : i32
      %dma_wait3A_1289 = tpu.memref_slice %arg10[%dma_wait3A_1285, %dma_wait3A_1287, %dma_wait3A_1288] : memref<8x32x128xf32, #tpu.memory_space<vmem>> -> memref<1x32x128xf32, #tpu.memory_space<vmem>>
      %dma_wait3A_1290 = tpu.memref_squeeze %dma_wait3A_1289 : memref<1x32x128xf32, #tpu.memory_space<vmem>> -> memref<32x128xf32, #tpu.memory_space<vmem>>
      %dma_wait3A_1291 = arith.constant 0 : i32
      %dma_wait3A_1292 = tpu.memref_slice %arg5[%dma_wait3A_1291, %multiple_of3A_1284] : memref<32x1000000xf32, #tpu.memory_space<hbm>> -> memref<32x128xf32, #tpu.memory_space<hbm>>
      %dma_wait3A_1293 = tpu.memref_slice %arg12[%dma_wait3A_1286] : memref<8x!tpu.dma_semaphore, #tpu.memory_space<semaphore_mem>> -> memref<1x!tpu.dma_semaphore, #tpu.memory_space<semaphore_mem>>
      %dma_wait3A_1294 = tpu.memref_squeeze %dma_wait3A_1293 : memref<1x!tpu.dma_semaphore, #tpu.memory_space<semaphore_mem>> -> memref<!tpu.dma_semaphore, #tpu.memory_space<semaphore_mem>>
      %dma_wait3A_1295 = arith.constant 0 : i32
      %dma_wait3A_1296 = arith.constant 0 : i32
      %dma_wait3A_1297 = tpu.memref_slice %arg10[%dma_wait3A_1285, %dma_wait3A_1295, %dma_wait3A_1296] : memref<8x32x128xf32, #tpu.memory_space<vmem>> -> memref<1x32x128xf32, #tpu.memory_space<vmem>>
      %dma_wait3A_1298 = tpu.memref_squeeze %dma_wait3A_1297 : memref<1x32x128xf32, #tpu.memory_space<vmem>> -> memref<32x128xf32, #tpu.memory_space<vmem>>
      %dma_wait3A_1299 = arith.constant 0 : i32
      %dma_wait3A_1300 = tpu.memref_slice %arg5[%dma_wait3A_1299, %multiple_of3A_1284] : memref<32x1000000xf32, #tpu.memory_space<hbm>> -> memref<32x128xf32, #tpu.memory_space<hbm>>
      tpu.wait_dma2 semaphore(%dma_wait3A_1294 : memref<!tpu.dma_semaphore, #tpu.memory_space<semaphore_mem>>) src(%dma_wait3A_1300 : memref<32x128xf32, #tpu.memory_space<hbm>>) dst(%dma_wait3A_1298 : memref<32x128xf32, #tpu.memory_space<vmem>>)
      %broadcast_in_dim3A_1301 = arith.constant 3 : i32
      %broadcast_in_dim3A_1302 = vector.broadcast %broadcast_in_dim3A_1301 : i32 to vector<16xi32>
      %slice3A_1303 = vector.extract_strided_slice %get3A_909 {offsets = [3], sizes = [1], strides = [1]} : vector<16xi32> to vector<1xi32>
      %squeeze3A_1304 = vector.extract %slice3A_1303[0] : i32 from vector<1xi32>
      %and3A_1305 = arith.constant 127 : i32
      %and3A_1306 = arith.andi %squeeze3A_1304, %and3A_1305 : i32
      %broadcast_in_dim3A_1307 = vector.broadcast %and3A_1306 : i32 to vector<16xi32>
      %slice3A_1308 = vector.extract_strided_slice %get3A_913 {offsets = [3], sizes = [1], strides = [1]} : vector<16xi32> to vector<1xi32>
      %squeeze3A_1309 = vector.extract %slice3A_1308[0] : i32 from vector<1xi32>
      %and3A_1310 = arith.constant 127 : i32
      %and3A_1311 = arith.andi %squeeze3A_1309, %and3A_1310 : i32
      %broadcast_in_dim3A_1312 = vector.broadcast %and3A_1311 : i32 to vector<16xi32>
      %gather3A_1313 = tpu.vector_load_idx %arg9[%broadcast_in_dim3A_1302, %iota3A, %broadcast_in_dim3A_1307] : memref<8x32x128xf32, #tpu.memory_space<vmem>>[vector<16xi32>, vector<16xi32>, vector<16xi32>], vector<16xf32>,
      %gather3A_1314 = tpu.vector_load_idx %arg10[%broadcast_in_dim3A_1302, %iota3A, %broadcast_in_dim3A_1312] : memref<8x32x128xf32, #tpu.memory_space<vmem>>[vector<16xi32>, vector<16xi32>, vector<16xi32>], vector<16xf32>,
      %mul3A_1315 = arith.mulf %gather3A_1313, %gather3A_1314 : vector<16xf32>
      %gather3A_1316 = tpu.vector_load_idx %arg9[%broadcast_in_dim3A_1302, %add3A_5, %broadcast_in_dim3A_1307] : memref<8x32x128xf32, #tpu.memory_space<vmem>>[vector<16xi32>, vector<16xi32>, vector<16xi32>], vector<16xf32>,
      %gather3A_1317 = tpu.vector_load_idx %arg10[%broadcast_in_dim3A_1302, %add3A_5, %broadcast_in_dim3A_1312] : memref<8x32x128xf32, #tpu.memory_space<vmem>>[vector<16xi32>, vector<16xi32>, vector<16xi32>], vector<16xf32>,
      %mul3A_1318 = arith.mulf %gather3A_1316, %gather3A_1317 : vector<16xf32>
      %add3A_1319 = arith.addf %mul3A_1315, %mul3A_1318 : vector<16xf32>
      %reduce_sum3A_1320 = arith.constant true
      %reduce_sum3A_1321 = vector.broadcast %reduce_sum3A_1320 : i1 to vector<16xi1>
      %reduce_sum3A_1322 = tpu.scan <sum>, %add3A_1319 masked %reduce_sum3A_1321 : vector<16xf32>, vector<16xi1> -> vector<16xf32>
      %reduce_sum3A_1323 = vector.extract %reduce_sum3A_1322[15] : f32 from vector<16xf32>
      %eq3A_1324 = arith.constant 3 : i32
      %eq3A_1325 = vector.broadcast %eq3A_1324 : i32 to vector<16xi32>
      %eq3A_1326 = arith.cmpi eq, %iota3A, %eq3A_1325 : vector<16xi32>
      %broadcast_in_dim3A_1327 = vector.broadcast %reduce_sum3A_1323 : f32 to vector<16xf32>
      %select_n3A_1328 = arith.select %eq3A_1326, %broadcast_in_dim3A_1327, %select_n3A_1216 : vector<16xi1>, vector<16xf32>
      %slice3A_1329 = vector.extract_strided_slice %get3A_909 {offsets = [11], sizes = [1], strides = [1]} : vector<16xi32> to vector<1xi32>
      %squeeze3A_1330 = vector.extract %slice3A_1329[0] : i32 from vector<1xi32>
      %and3A_1331 = arith.constant -128 : i32
      %and3A_1332 = arith.andi %squeeze3A_1330, %and3A_1331 : i32
      %slice3A_1333 = vector.extract_strided_slice %get3A_913 {offsets = [11], sizes = [1], strides = [1]} : vector<16xi32> to vector<1xi32>
      %squeeze3A_1334 = vector.extract %slice3A_1333[0] : i32 from vector<1xi32>
      %and3A_1335 = arith.constant -128 : i32
      %and3A_1336 = arith.andi %squeeze3A_1334, %and3A_1335 : i32
      %multiple_of3A_1337 = tpu.assume_multiple %and3A_1332, 128 : i32
      %dma_start3A_1338 = arith.constant 3 : i32
      %dma_start3A_1339 = arith.constant 3 : i32
      %dma_start3A_1340 = arith.constant 0 : i32
      %dma_start3A_1341 = arith.constant 0 : i32
      %dma_start3A_1342 = tpu.memref_slice %arg9[%dma_start3A_1338, %dma_start3A_1340, %dma_start3A_1341] : memref<8x32x128xf32, #tpu.memory_space<vmem>> -> memref<1x32x128xf32, #tpu.memory_space<vmem>>
      %dma_start3A_1343 = tpu.memref_squeeze %dma_start3A_1342 : memref<1x32x128xf32, #tpu.memory_space<vmem>> -> memref<32x128xf32, #tpu.memory_space<vmem>>
      %dma_start3A_1344 = arith.constant 0 : i32
      %dma_start3A_1345 = tpu.memref_slice %arg4[%dma_start3A_1344, %multiple_of3A_1337] : memref<32x1000000xf32, #tpu.memory_space<hbm>> -> memref<32x128xf32, #tpu.memory_space<hbm>>
      %dma_start3A_1346 = tpu.memref_slice %arg12[%dma_start3A_1339] : memref<8x!tpu.dma_semaphore, #tpu.memory_space<semaphore_mem>> -> memref<1x!tpu.dma_semaphore, #tpu.memory_space<semaphore_mem>>
      %dma_start3A_1347 = tpu.memref_squeeze %dma_start3A_1346 : memref<1x!tpu.dma_semaphore, #tpu.memory_space<semaphore_mem>> -> memref<!tpu.dma_semaphore, #tpu.memory_space<semaphore_mem>>
      %dma_start3A_1348 = arith.constant 0 : i32
      %dma_start3A_1349 = arith.constant 0 : i32
      %dma_start3A_1350 = tpu.memref_slice %arg9[%dma_start3A_1338, %dma_start3A_1348, %dma_start3A_1349] : memref<8x32x128xf32, #tpu.memory_space<vmem>> -> memref<1x32x128xf32, #tpu.memory_space<vmem>>
      %dma_start3A_1351 = tpu.memref_squeeze %dma_start3A_1350 : memref<1x32x128xf32, #tpu.memory_space<vmem>> -> memref<32x128xf32, #tpu.memory_space<vmem>>
      %dma_start3A_1352 = arith.constant 0 : i32
      %dma_start3A_1353 = tpu.memref_slice %arg4[%dma_start3A_1352, %multiple_of3A_1337] : memref<32x1000000xf32, #tpu.memory_space<hbm>> -> memref<32x128xf32, #tpu.memory_space<hbm>>
      tpu.enqueue_dma source(%dma_start3A_1353 : memref<32x128xf32, #tpu.memory_space<hbm>>) target(%dma_start3A_1351 : memref<32x128xf32, #tpu.memory_space<vmem>>) target_semaphore(%dma_start3A_1347 : memref<!tpu.dma_semaphore, #tpu.memory_space<semaphore_mem>>)
      %multiple_of3A_1354 = tpu.assume_multiple %and3A_1336, 128 : i32
      %dma_start3A_1355 = arith.constant 3 : i32
      %dma_start3A_1356 = arith.constant 3 : i32
      %dma_start3A_1357 = arith.constant 0 : i32
      %dma_start3A_1358 = arith.constant 0 : i32
      %dma_start3A_1359 = tpu.memref_slice %arg10[%dma_start3A_1355, %dma_start3A_1357, %dma_start3A_1358] : memref<8x32x128xf32, #tpu.memory_space<vmem>> -> memref<1x32x128xf32, #tpu.memory_space<vmem>>
      %dma_start3A_1360 = tpu.memref_squeeze %dma_start3A_1359 : memref<1x32x128xf32, #tpu.memory_space<vmem>> -> memref<32x128xf32, #tpu.memory_space<vmem>>
      %dma_start3A_1361 = arith.constant 0 : i32
      %dma_start3A_1362 = tpu.memref_slice %arg5[%dma_start3A_1361, %multiple_of3A_1354] : memref<32x1000000xf32, #tpu.memory_space<hbm>> -> memref<32x128xf32, #tpu.memory_space<hbm>>
      %dma_start3A_1363 = tpu.memref_slice %arg12[%dma_start3A_1356] : memref<8x!tpu.dma_semaphore, #tpu.memory_space<semaphore_mem>> -> memref<1x!tpu.dma_semaphore, #tpu.memory_space<semaphore_mem>>
      %dma_start3A_1364 = tpu.memref_squeeze %dma_start3A_1363 : memref<1x!tpu.dma_semaphore, #tpu.memory_space<semaphore_mem>> -> memref<!tpu.dma_semaphore, #tpu.memory_space<semaphore_mem>>
      %dma_start3A_1365 = arith.constant 0 : i32
      %dma_start3A_1366 = arith.constant 0 : i32
      %dma_start3A_1367 = tpu.memref_slice %arg10[%dma_start3A_1355, %dma_start3A_1365, %dma_start3A_1366] : memref<8x32x128xf32, #tpu.memory_space<vmem>> -> memref<1x32x128xf32, #tpu.memory_space<vmem>>
      %dma_start3A_1368 = tpu.memref_squeeze %dma_start3A_1367 : memref<1x32x128xf32, #tpu.memory_space<vmem>> -> memref<32x128xf32, #tpu.memory_space<vmem>>
      %dma_start3A_1369 = arith.constant 0 : i32
      %dma_start3A_1370 = tpu.memref_slice %arg5[%dma_start3A_1369, %multiple_of3A_1354] : memref<32x1000000xf32, #tpu.memory_space<hbm>> -> memref<32x128xf32, #tpu.memory_space<hbm>>
      tpu.enqueue_dma source(%dma_start3A_1370 : memref<32x128xf32, #tpu.memory_space<hbm>>) target(%dma_start3A_1368 : memref<32x128xf32, #tpu.memory_space<vmem>>) target_semaphore(%dma_start3A_1364 : memref<!tpu.dma_semaphore, #tpu.memory_space<semaphore_mem>>)
      %slice3A_1371 = vector.extract_strided_slice %get3A_909 {offsets = [4], sizes = [1], strides = [1]} : vector<16xi32> to vector<1xi32>
      %squeeze3A_1372 = vector.extract %slice3A_1371[0] : i32 from vector<1xi32>
      %and3A_1373 = arith.constant -128 : i32
      %and3A_1374 = arith.andi %squeeze3A_1372, %and3A_1373 : i32
      %slice3A_1375 = vector.extract_strided_slice %get3A_913 {offsets = [4], sizes = [1], strides = [1]} : vector<16xi32> to vector<1xi32>
      %squeeze3A_1376 = vector.extract %slice3A_1375[0] : i32 from vector<1xi32>
      %and3A_1377 = arith.constant -128 : i32
      %and3A_1378 = arith.andi %squeeze3A_1376, %and3A_1377 : i32
      %multiple_of3A_1379 = tpu.assume_multiple %and3A_1374, 128 : i32
      %dma_wait3A_1380 = arith.constant 4 : i32
      %dma_wait3A_1381 = arith.constant 4 : i32
      %dma_wait3A_1382 = arith.constant 0 : i32
      %dma_wait3A_1383 = arith.constant 0 : i32
      %dma_wait3A_1384 = tpu.memref_slice %arg9[%dma_wait3A_1380, %dma_wait3A_1382, %dma_wait3A_1383] : memref<8x32x128xf32, #tpu.memory_space<vmem>> -> memref<1x32x128xf32, #tpu.memory_space<vmem>>
      %dma_wait3A_1385 = tpu.memref_squeeze %dma_wait3A_1384 : memref<1x32x128xf32, #tpu.memory_space<vmem>> -> memref<32x128xf32, #tpu.memory_space<vmem>>
      %dma_wait3A_1386 = arith.constant 0 : i32
      %dma_wait3A_1387 = tpu.memref_slice %arg4[%dma_wait3A_1386, %multiple_of3A_1379] : memref<32x1000000xf32, #tpu.memory_space<hbm>> -> memref<32x128xf32, #tpu.memory_space<hbm>>
      %dma_wait3A_1388 = tpu.memref_slice %arg12[%dma_wait3A_1381] : memref<8x!tpu.dma_semaphore, #tpu.memory_space<semaphore_mem>> -> memref<1x!tpu.dma_semaphore, #tpu.memory_space<semaphore_mem>>
      %dma_wait3A_1389 = tpu.memref_squeeze %dma_wait3A_1388 : memref<1x!tpu.dma_semaphore, #tpu.memory_space<semaphore_mem>> -> memref<!tpu.dma_semaphore, #tpu.memory_space<semaphore_mem>>
      %dma_wait3A_1390 = arith.constant 0 : i32
      %dma_wait3A_1391 = arith.constant 0 : i32
      %dma_wait3A_1392 = tpu.memref_slice %arg9[%dma_wait3A_1380, %dma_wait3A_1390, %dma_wait3A_1391] : memref<8x32x128xf32, #tpu.memory_space<vmem>> -> memref<1x32x128xf32, #tpu.memory_space<vmem>>
      %dma_wait3A_1393 = tpu.memref_squeeze %dma_wait3A_1392 : memref<1x32x128xf32, #tpu.memory_space<vmem>> -> memref<32x128xf32, #tpu.memory_space<vmem>>
      %dma_wait3A_1394 = arith.constant 0 : i32
      %dma_wait3A_1395 = tpu.memref_slice %arg4[%dma_wait3A_1394, %multiple_of3A_1379] : memref<32x1000000xf32, #tpu.memory_space<hbm>> -> memref<32x128xf32, #tpu.memory_space<hbm>>
      tpu.wait_dma2 semaphore(%dma_wait3A_1389 : memref<!tpu.dma_semaphore, #tpu.memory_space<semaphore_mem>>) src(%dma_wait3A_1395 : memref<32x128xf32, #tpu.memory_space<hbm>>) dst(%dma_wait3A_1393 : memref<32x128xf32, #tpu.memory_space<vmem>>)
      %multiple_of3A_1396 = tpu.assume_multiple %and3A_1378, 128 : i32
      %dma_wait3A_1397 = arith.constant 4 : i32
      %dma_wait3A_1398 = arith.constant 4 : i32
      %dma_wait3A_1399 = arith.constant 0 : i32
      %dma_wait3A_1400 = arith.constant 0 : i32
      %dma_wait3A_1401 = tpu.memref_slice %arg10[%dma_wait3A_1397, %dma_wait3A_1399, %dma_wait3A_1400] : memref<8x32x128xf32, #tpu.memory_space<vmem>> -> memref<1x32x128xf32, #tpu.memory_space<vmem>>
      %dma_wait3A_1402 = tpu.memref_squeeze %dma_wait3A_1401 : memref<1x32x128xf32, #tpu.memory_space<vmem>> -> memref<32x128xf32, #tpu.memory_space<vmem>>
      %dma_wait3A_1403 = arith.constant 0 : i32
      %dma_wait3A_1404 = tpu.memref_slice %arg5[%dma_wait3A_1403, %multiple_of3A_1396] : memref<32x1000000xf32, #tpu.memory_space<hbm>> -> memref<32x128xf32, #tpu.memory_space<hbm>>
      %dma_wait3A_1405 = tpu.memref_slice %arg12[%dma_wait3A_1398] : memref<8x!tpu.dma_semaphore, #tpu.memory_space<semaphore_mem>> -> memref<1x!tpu.dma_semaphore, #tpu.memory_space<semaphore_mem>>
      %dma_wait3A_1406 = tpu.memref_squeeze %dma_wait3A_1405 : memref<1x!tpu.dma_semaphore, #tpu.memory_space<semaphore_mem>> -> memref<!tpu.dma_semaphore, #tpu.memory_space<semaphore_mem>>
      %dma_wait3A_1407 = arith.constant 0 : i32
      %dma_wait3A_1408 = arith.constant 0 : i32
      %dma_wait3A_1409 = tpu.memref_slice %arg10[%dma_wait3A_1397, %dma_wait3A_1407, %dma_wait3A_1408] : memref<8x32x128xf32, #tpu.memory_space<vmem>> -> memref<1x32x128xf32, #tpu.memory_space<vmem>>
      %dma_wait3A_1410 = tpu.memref_squeeze %dma_wait3A_1409 : memref<1x32x128xf32, #tpu.memory_space<vmem>> -> memref<32x128xf32, #tpu.memory_space<vmem>>
      %dma_wait3A_1411 = arith.constant 0 : i32
      %dma_wait3A_1412 = tpu.memref_slice %arg5[%dma_wait3A_1411, %multiple_of3A_1396] : memref<32x1000000xf32, #tpu.memory_space<hbm>> -> memref<32x128xf32, #tpu.memory_space<hbm>>
      tpu.wait_dma2 semaphore(%dma_wait3A_1406 : memref<!tpu.dma_semaphore, #tpu.memory_space<semaphore_mem>>) src(%dma_wait3A_1412 : memref<32x128xf32, #tpu.memory_space<hbm>>) dst(%dma_wait3A_1410 : memref<32x128xf32, #tpu.memory_space<vmem>>)
      %broadcast_in_dim3A_1413 = arith.constant 4 : i32
      %broadcast_in_dim3A_1414 = vector.broadcast %broadcast_in_dim3A_1413 : i32 to vector<16xi32>
      %slice3A_1415 = vector.extract_strided_slice %get3A_909 {offsets = [4], sizes = [1], strides = [1]} : vector<16xi32> to vector<1xi32>
      %squeeze3A_1416 = vector.extract %slice3A_1415[0] : i32 from vector<1xi32>
      %and3A_1417 = arith.constant 127 : i32
      %and3A_1418 = arith.andi %squeeze3A_1416, %and3A_1417 : i32
      %broadcast_in_dim3A_1419 = vector.broadcast %and3A_1418 : i32 to vector<16xi32>
      %slice3A_1420 = vector.extract_strided_slice %get3A_913 {offsets = [4], sizes = [1], strides = [1]} : vector<16xi32> to vector<1xi32>
      %squeeze3A_1421 = vector.extract %slice3A_1420[0] : i32 from vector<1xi32>
      %and3A_1422 = arith.constant 127 : i32
      %and3A_1423 = arith.andi %squeeze3A_1421, %and3A_1422 : i32
      %broadcast_in_dim3A_1424 = vector.broadcast %and3A_1423 : i32 to vector<16xi32>
      %gather3A_1425 = tpu.vector_load_idx %arg9[%broadcast_in_dim3A_1414, %iota3A, %broadcast_in_dim3A_1419] : memref<8x32x128xf32, #tpu.memory_space<vmem>>[vector<16xi32>, vector<16xi32>, vector<16xi32>], vector<16xf32>,
      %gather3A_1426 = tpu.vector_load_idx %arg10[%broadcast_in_dim3A_1414, %iota3A, %broadcast_in_dim3A_1424] : memref<8x32x128xf32, #tpu.memory_space<vmem>>[vector<16xi32>, vector<16xi32>, vector<16xi32>], vector<16xf32>,
      %mul3A_1427 = arith.mulf %gather3A_1425, %gather3A_1426 : vector<16xf32>
      %gather3A_1428 = tpu.vector_load_idx %arg9[%broadcast_in_dim3A_1414, %add3A_5, %broadcast_in_dim3A_1419] : memref<8x32x128xf32, #tpu.memory_space<vmem>>[vector<16xi32>, vector<16xi32>, vector<16xi32>], vector<16xf32>,
      %gather3A_1429 = tpu.vector_load_idx %arg10[%broadcast_in_dim3A_1414, %add3A_5, %broadcast_in_dim3A_1424] : memref<8x32x128xf32, #tpu.memory_space<vmem>>[vector<16xi32>, vector<16xi32>, vector<16xi32>], vector<16xf32>,
      %mul3A_1430 = arith.mulf %gather3A_1428, %gather3A_1429 : vector<16xf32>
      %add3A_1431 = arith.addf %mul3A_1427, %mul3A_1430 : vector<16xf32>
      %reduce_sum3A_1432 = arith.constant true
      %reduce_sum3A_1433 = vector.broadcast %reduce_sum3A_1432 : i1 to vector<16xi1>
      %reduce_sum3A_1434 = tpu.scan <sum>, %add3A_1431 masked %reduce_sum3A_1433 : vector<16xf32>, vector<16xi1> -> vector<16xf32>
      %reduce_sum3A_1435 = vector.extract %reduce_sum3A_1434[15] : f32 from vector<16xf32>
      %eq3A_1436 = arith.constant 4 : i32
      %eq3A_1437 = vector.broadcast %eq3A_1436 : i32 to vector<16xi32>
      %eq3A_1438 = arith.cmpi eq, %iota3A, %eq3A_1437 : vector<16xi32>
      %broadcast_in_dim3A_1439 = vector.broadcast %reduce_sum3A_1435 : f32 to vector<16xf32>
      %select_n3A_1440 = arith.select %eq3A_1438, %broadcast_in_dim3A_1439, %select_n3A_1328 : vector<16xi1>, vector<16xf32>
      %slice3A_1441 = vector.extract_strided_slice %get3A_909 {offsets = [12], sizes = [1], strides = [1]} : vector<16xi32> to vector<1xi32>
      %squeeze3A_1442 = vector.extract %slice3A_1441[0] : i32 from vector<1xi32>
      %and3A_1443 = arith.constant -128 : i32
      %and3A_1444 = arith.andi %squeeze3A_1442, %and3A_1443 : i32
      %slice3A_1445 = vector.extract_strided_slice %get3A_913 {offsets = [12], sizes = [1], strides = [1]} : vector<16xi32> to vector<1xi32>
      %squeeze3A_1446 = vector.extract %slice3A_1445[0] : i32 from vector<1xi32>
      %and3A_1447 = arith.constant -128 : i32
      %and3A_1448 = arith.andi %squeeze3A_1446, %and3A_1447 : i32
      %multiple_of3A_1449 = tpu.assume_multiple %and3A_1444, 128 : i32
      %dma_start3A_1450 = arith.constant 4 : i32
      %dma_start3A_1451 = arith.constant 4 : i32
      %dma_start3A_1452 = arith.constant 0 : i32
      %dma_start3A_1453 = arith.constant 0 : i32
      %dma_start3A_1454 = tpu.memref_slice %arg9[%dma_start3A_1450, %dma_start3A_1452, %dma_start3A_1453] : memref<8x32x128xf32, #tpu.memory_space<vmem>> -> memref<1x32x128xf32, #tpu.memory_space<vmem>>
      %dma_start3A_1455 = tpu.memref_squeeze %dma_start3A_1454 : memref<1x32x128xf32, #tpu.memory_space<vmem>> -> memref<32x128xf32, #tpu.memory_space<vmem>>
      %dma_start3A_1456 = arith.constant 0 : i32
      %dma_start3A_1457 = tpu.memref_slice %arg4[%dma_start3A_1456, %multiple_of3A_1449] : memref<32x1000000xf32, #tpu.memory_space<hbm>> -> memref<32x128xf32, #tpu.memory_space<hbm>>
      %dma_start3A_1458 = tpu.memref_slice %arg12[%dma_start3A_1451] : memref<8x!tpu.dma_semaphore, #tpu.memory_space<semaphore_mem>> -> memref<1x!tpu.dma_semaphore, #tpu.memory_space<semaphore_mem>>
      %dma_start3A_1459 = tpu.memref_squeeze %dma_start3A_1458 : memref<1x!tpu.dma_semaphore, #tpu.memory_space<semaphore_mem>> -> memref<!tpu.dma_semaphore, #tpu.memory_space<semaphore_mem>>
      %dma_start3A_1460 = arith.constant 0 : i32
      %dma_start3A_1461 = arith.constant 0 : i32
      %dma_start3A_1462 = tpu.memref_slice %arg9[%dma_start3A_1450, %dma_start3A_1460, %dma_start3A_1461] : memref<8x32x128xf32, #tpu.memory_space<vmem>> -> memref<1x32x128xf32, #tpu.memory_space<vmem>>
      %dma_start3A_1463 = tpu.memref_squeeze %dma_start3A_1462 : memref<1x32x128xf32, #tpu.memory_space<vmem>> -> memref<32x128xf32, #tpu.memory_space<vmem>>
      %dma_start3A_1464 = arith.constant 0 : i32
      %dma_start3A_1465 = tpu.memref_slice %arg4[%dma_start3A_1464, %multiple_of3A_1449] : memref<32x1000000xf32, #tpu.memory_space<hbm>> -> memref<32x128xf32, #tpu.memory_space<hbm>>
      tpu.enqueue_dma source(%dma_start3A_1465 : memref<32x128xf32, #tpu.memory_space<hbm>>) target(%dma_start3A_1463 : memref<32x128xf32, #tpu.memory_space<vmem>>) target_semaphore(%dma_start3A_1459 : memref<!tpu.dma_semaphore, #tpu.memory_space<semaphore_mem>>)
      %multiple_of3A_1466 = tpu.assume_multiple %and3A_1448, 128 : i32
      %dma_start3A_1467 = arith.constant 4 : i32
      %dma_start3A_1468 = arith.constant 4 : i32
      %dma_start3A_1469 = arith.constant 0 : i32
      %dma_start3A_1470 = arith.constant 0 : i32
      %dma_start3A_1471 = tpu.memref_slice %arg10[%dma_start3A_1467, %dma_start3A_1469, %dma_start3A_1470] : memref<8x32x128xf32, #tpu.memory_space<vmem>> -> memref<1x32x128xf32, #tpu.memory_space<vmem>>
      %dma_start3A_1472 = tpu.memref_squeeze %dma_start3A_1471 : memref<1x32x128xf32, #tpu.memory_space<vmem>> -> memref<32x128xf32, #tpu.memory_space<vmem>>
      %dma_start3A_1473 = arith.constant 0 : i32
      %dma_start3A_1474 = tpu.memref_slice %arg5[%dma_start3A_1473, %multiple_of3A_1466] : memref<32x1000000xf32, #tpu.memory_space<hbm>> -> memref<32x128xf32, #tpu.memory_space<hbm>>
      %dma_start3A_1475 = tpu.memref_slice %arg12[%dma_start3A_1468] : memref<8x!tpu.dma_semaphore, #tpu.memory_space<semaphore_mem>> -> memref<1x!tpu.dma_semaphore, #tpu.memory_space<semaphore_mem>>
      %dma_start3A_1476 = tpu.memref_squeeze %dma_start3A_1475 : memref<1x!tpu.dma_semaphore, #tpu.memory_space<semaphore_mem>> -> memref<!tpu.dma_semaphore, #tpu.memory_space<semaphore_mem>>
      %dma_start3A_1477 = arith.constant 0 : i32
      %dma_start3A_1478 = arith.constant 0 : i32
      %dma_start3A_1479 = tpu.memref_slice %arg10[%dma_start3A_1467, %dma_start3A_1477, %dma_start3A_1478] : memref<8x32x128xf32, #tpu.memory_space<vmem>> -> memref<1x32x128xf32, #tpu.memory_space<vmem>>
      %dma_start3A_1480 = tpu.memref_squeeze %dma_start3A_1479 : memref<1x32x128xf32, #tpu.memory_space<vmem>> -> memref<32x128xf32, #tpu.memory_space<vmem>>
      %dma_start3A_1481 = arith.constant 0 : i32
      %dma_start3A_1482 = tpu.memref_slice %arg5[%dma_start3A_1481, %multiple_of3A_1466] : memref<32x1000000xf32, #tpu.memory_space<hbm>> -> memref<32x128xf32, #tpu.memory_space<hbm>>
      tpu.enqueue_dma source(%dma_start3A_1482 : memref<32x128xf32, #tpu.memory_space<hbm>>) target(%dma_start3A_1480 : memref<32x128xf32, #tpu.memory_space<vmem>>) target_semaphore(%dma_start3A_1476 : memref<!tpu.dma_semaphore, #tpu.memory_space<semaphore_mem>>)
      %slice3A_1483 = vector.extract_strided_slice %get3A_909 {offsets = [5], sizes = [1], strides = [1]} : vector<16xi32> to vector<1xi32>
      %squeeze3A_1484 = vector.extract %slice3A_1483[0] : i32 from vector<1xi32>
      %and3A_1485 = arith.constant -128 : i32
      %and3A_1486 = arith.andi %squeeze3A_1484, %and3A_1485 : i32
      %slice3A_1487 = vector.extract_strided_slice %get3A_913 {offsets = [5], sizes = [1], strides = [1]} : vector<16xi32> to vector<1xi32>
      %squeeze3A_1488 = vector.extract %slice3A_1487[0] : i32 from vector<1xi32>
      %and3A_1489 = arith.constant -128 : i32
      %and3A_1490 = arith.andi %squeeze3A_1488, %and3A_1489 : i32
      %multiple_of3A_1491 = tpu.assume_multiple %and3A_1486, 128 : i32
      %dma_wait3A_1492 = arith.constant 5 : i32
      %dma_wait3A_1493 = arith.constant 5 : i32
      %dma_wait3A_1494 = arith.constant 0 : i32
      %dma_wait3A_1495 = arith.constant 0 : i32
      %dma_wait3A_1496 = tpu.memref_slice %arg9[%dma_wait3A_1492, %dma_wait3A_1494, %dma_wait3A_1495] : memref<8x32x128xf32, #tpu.memory_space<vmem>> -> memref<1x32x128xf32, #tpu.memory_space<vmem>>
      %dma_wait3A_1497 = tpu.memref_squeeze %dma_wait3A_1496 : memref<1x32x128xf32, #tpu.memory_space<vmem>> -> memref<32x128xf32, #tpu.memory_space<vmem>>
      %dma_wait3A_1498 = arith.constant 0 : i32
      %dma_wait3A_1499 = tpu.memref_slice %arg4[%dma_wait3A_1498, %multiple_of3A_1491] : memref<32x1000000xf32, #tpu.memory_space<hbm>> -> memref<32x128xf32, #tpu.memory_space<hbm>>
      %dma_wait3A_1500 = tpu.memref_slice %arg12[%dma_wait3A_1493] : memref<8x!tpu.dma_semaphore, #tpu.memory_space<semaphore_mem>> -> memref<1x!tpu.dma_semaphore, #tpu.memory_space<semaphore_mem>>
      %dma_wait3A_1501 = tpu.memref_squeeze %dma_wait3A_1500 : memref<1x!tpu.dma_semaphore, #tpu.memory_space<semaphore_mem>> -> memref<!tpu.dma_semaphore, #tpu.memory_space<semaphore_mem>>
      %dma_wait3A_1502 = arith.constant 0 : i32
      %dma_wait3A_1503 = arith.constant 0 : i32
      %dma_wait3A_1504 = tpu.memref_slice %arg9[%dma_wait3A_1492, %dma_wait3A_1502, %dma_wait3A_1503] : memref<8x32x128xf32, #tpu.memory_space<vmem>> -> memref<1x32x128xf32, #tpu.memory_space<vmem>>
      %dma_wait3A_1505 = tpu.memref_squeeze %dma_wait3A_1504 : memref<1x32x128xf32, #tpu.memory_space<vmem>> -> memref<32x128xf32, #tpu.memory_space<vmem>>
      %dma_wait3A_1506 = arith.constant 0 : i32
      %dma_wait3A_1507 = tpu.memref_slice %arg4[%dma_wait3A_1506, %multiple_of3A_1491] : memref<32x1000000xf32, #tpu.memory_space<hbm>> -> memref<32x128xf32, #tpu.memory_space<hbm>>
      tpu.wait_dma2 semaphore(%dma_wait3A_1501 : memref<!tpu.dma_semaphore, #tpu.memory_space<semaphore_mem>>) src(%dma_wait3A_1507 : memref<32x128xf32, #tpu.memory_space<hbm>>) dst(%dma_wait3A_1505 : memref<32x128xf32, #tpu.memory_space<vmem>>)
      %multiple_of3A_1508 = tpu.assume_multiple %and3A_1490, 128 : i32
      %dma_wait3A_1509 = arith.constant 5 : i32
      %dma_wait3A_1510 = arith.constant 5 : i32
      %dma_wait3A_1511 = arith.constant 0 : i32
      %dma_wait3A_1512 = arith.constant 0 : i32
      %dma_wait3A_1513 = tpu.memref_slice %arg10[%dma_wait3A_1509, %dma_wait3A_1511, %dma_wait3A_1512] : memref<8x32x128xf32, #tpu.memory_space<vmem>> -> memref<1x32x128xf32, #tpu.memory_space<vmem>>
      %dma_wait3A_1514 = tpu.memref_squeeze %dma_wait3A_1513 : memref<1x32x128xf32, #tpu.memory_space<vmem>> -> memref<32x128xf32, #tpu.memory_space<vmem>>
      %dma_wait3A_1515 = arith.constant 0 : i32
      %dma_wait3A_1516 = tpu.memref_slice %arg5[%dma_wait3A_1515, %multiple_of3A_1508] : memref<32x1000000xf32, #tpu.memory_space<hbm>> -> memref<32x128xf32, #tpu.memory_space<hbm>>
      %dma_wait3A_1517 = tpu.memref_slice %arg12[%dma_wait3A_1510] : memref<8x!tpu.dma_semaphore, #tpu.memory_space<semaphore_mem>> -> memref<1x!tpu.dma_semaphore, #tpu.memory_space<semaphore_mem>>
      %dma_wait3A_1518 = tpu.memref_squeeze %dma_wait3A_1517 : memref<1x!tpu.dma_semaphore, #tpu.memory_space<semaphore_mem>> -> memref<!tpu.dma_semaphore, #tpu.memory_space<semaphore_mem>>
      %dma_wait3A_1519 = arith.constant 0 : i32
      %dma_wait3A_1520 = arith.constant 0 : i32
      %dma_wait3A_1521 = tpu.memref_slice %arg10[%dma_wait3A_1509, %dma_wait3A_1519, %dma_wait3A_1520] : memref<8x32x128xf32, #tpu.memory_space<vmem>> -> memref<1x32x128xf32, #tpu.memory_space<vmem>>
      %dma_wait3A_1522 = tpu.memref_squeeze %dma_wait3A_1521 : memref<1x32x128xf32, #tpu.memory_space<vmem>> -> memref<32x128xf32, #tpu.memory_space<vmem>>
      %dma_wait3A_1523 = arith.constant 0 : i32
      %dma_wait3A_1524 = tpu.memref_slice %arg5[%dma_wait3A_1523, %multiple_of3A_1508] : memref<32x1000000xf32, #tpu.memory_space<hbm>> -> memref<32x128xf32, #tpu.memory_space<hbm>>
      tpu.wait_dma2 semaphore(%dma_wait3A_1518 : memref<!tpu.dma_semaphore, #tpu.memory_space<semaphore_mem>>) src(%dma_wait3A_1524 : memref<32x128xf32, #tpu.memory_space<hbm>>) dst(%dma_wait3A_1522 : memref<32x128xf32, #tpu.memory_space<vmem>>)
      %broadcast_in_dim3A_1525 = arith.constant 5 : i32
      %broadcast_in_dim3A_1526 = vector.broadcast %broadcast_in_dim3A_1525 : i32 to vector<16xi32>
      %slice3A_1527 = vector.extract_strided_slice %get3A_909 {offsets = [5], sizes = [1], strides = [1]} : vector<16xi32> to vector<1xi32>
      %squeeze3A_1528 = vector.extract %slice3A_1527[0] : i32 from vector<1xi32>
      %and3A_1529 = arith.constant 127 : i32
      %and3A_1530 = arith.andi %squeeze3A_1528, %and3A_1529 : i32
      %broadcast_in_dim3A_1531 = vector.broadcast %and3A_1530 : i32 to vector<16xi32>
      %slice3A_1532 = vector.extract_strided_slice %get3A_913 {offsets = [5], sizes = [1], strides = [1]} : vector<16xi32> to vector<1xi32>
      %squeeze3A_1533 = vector.extract %slice3A_1532[0] : i32 from vector<1xi32>
      %and3A_1534 = arith.constant 127 : i32
      %and3A_1535 = arith.andi %squeeze3A_1533, %and3A_1534 : i32
      %broadcast_in_dim3A_1536 = vector.broadcast %and3A_1535 : i32 to vector<16xi32>
      %gather3A_1537 = tpu.vector_load_idx %arg9[%broadcast_in_dim3A_1526, %iota3A, %broadcast_in_dim3A_1531] : memref<8x32x128xf32, #tpu.memory_space<vmem>>[vector<16xi32>, vector<16xi32>, vector<16xi32>], vector<16xf32>,
      %gather3A_1538 = tpu.vector_load_idx %arg10[%broadcast_in_dim3A_1526, %iota3A, %broadcast_in_dim3A_1536] : memref<8x32x128xf32, #tpu.memory_space<vmem>>[vector<16xi32>, vector<16xi32>, vector<16xi32>], vector<16xf32>,
      %mul3A_1539 = arith.mulf %gather3A_1537, %gather3A_1538 : vector<16xf32>
      %gather3A_1540 = tpu.vector_load_idx %arg9[%broadcast_in_dim3A_1526, %add3A_5, %broadcast_in_dim3A_1531] : memref<8x32x128xf32, #tpu.memory_space<vmem>>[vector<16xi32>, vector<16xi32>, vector<16xi32>], vector<16xf32>,
      %gather3A_1541 = tpu.vector_load_idx %arg10[%broadcast_in_dim3A_1526, %add3A_5, %broadcast_in_dim3A_1536] : memref<8x32x128xf32, #tpu.memory_space<vmem>>[vector<16xi32>, vector<16xi32>, vector<16xi32>], vector<16xf32>,
      %mul3A_1542 = arith.mulf %gather3A_1540, %gather3A_1541 : vector<16xf32>
      %add3A_1543 = arith.addf %mul3A_1539, %mul3A_1542 : vector<16xf32>
      %reduce_sum3A_1544 = arith.constant true
      %reduce_sum3A_1545 = vector.broadcast %reduce_sum3A_1544 : i1 to vector<16xi1>
      %reduce_sum3A_1546 = tpu.scan <sum>, %add3A_1543 masked %reduce_sum3A_1545 : vector<16xf32>, vector<16xi1> -> vector<16xf32>
      %reduce_sum3A_1547 = vector.extract %reduce_sum3A_1546[15] : f32 from vector<16xf32>
      %eq3A_1548 = arith.constant 5 : i32
      %eq3A_1549 = vector.broadcast %eq3A_1548 : i32 to vector<16xi32>
      %eq3A_1550 = arith.cmpi eq, %iota3A, %eq3A_1549 : vector<16xi32>
      %broadcast_in_dim3A_1551 = vector.broadcast %reduce_sum3A_1547 : f32 to vector<16xf32>
      %select_n3A_1552 = arith.select %eq3A_1550, %broadcast_in_dim3A_1551, %select_n3A_1440 : vector<16xi1>, vector<16xf32>
      %slice3A_1553 = vector.extract_strided_slice %get3A_909 {offsets = [13], sizes = [1], strides = [1]} : vector<16xi32> to vector<1xi32>
      %squeeze3A_1554 = vector.extract %slice3A_1553[0] : i32 from vector<1xi32>
      %and3A_1555 = arith.constant -128 : i32
      %and3A_1556 = arith.andi %squeeze3A_1554, %and3A_1555 : i32
      %slice3A_1557 = vector.extract_strided_slice %get3A_913 {offsets = [13], sizes = [1], strides = [1]} : vector<16xi32> to vector<1xi32>
      %squeeze3A_1558 = vector.extract %slice3A_1557[0] : i32 from vector<1xi32>
      %and3A_1559 = arith.constant -128 : i32
      %and3A_1560 = arith.andi %squeeze3A_1558, %and3A_1559 : i32
      %multiple_of3A_1561 = tpu.assume_multiple %and3A_1556, 128 : i32
      %dma_start3A_1562 = arith.constant 5 : i32
      %dma_start3A_1563 = arith.constant 5 : i32
      %dma_start3A_1564 = arith.constant 0 : i32
      %dma_start3A_1565 = arith.constant 0 : i32
      %dma_start3A_1566 = tpu.memref_slice %arg9[%dma_start3A_1562, %dma_start3A_1564, %dma_start3A_1565] : memref<8x32x128xf32, #tpu.memory_space<vmem>> -> memref<1x32x128xf32, #tpu.memory_space<vmem>>
      %dma_start3A_1567 = tpu.memref_squeeze %dma_start3A_1566 : memref<1x32x128xf32, #tpu.memory_space<vmem>> -> memref<32x128xf32, #tpu.memory_space<vmem>>
      %dma_start3A_1568 = arith.constant 0 : i32
      %dma_start3A_1569 = tpu.memref_slice %arg4[%dma_start3A_1568, %multiple_of3A_1561] : memref<32x1000000xf32, #tpu.memory_space<hbm>> -> memref<32x128xf32, #tpu.memory_space<hbm>>
      %dma_start3A_1570 = tpu.memref_slice %arg12[%dma_start3A_1563] : memref<8x!tpu.dma_semaphore, #tpu.memory_space<semaphore_mem>> -> memref<1x!tpu.dma_semaphore, #tpu.memory_space<semaphore_mem>>
      %dma_start3A_1571 = tpu.memref_squeeze %dma_start3A_1570 : memref<1x!tpu.dma_semaphore, #tpu.memory_space<semaphore_mem>> -> memref<!tpu.dma_semaphore, #tpu.memory_space<semaphore_mem>>
      %dma_start3A_1572 = arith.constant 0 : i32
      %dma_start3A_1573 = arith.constant 0 : i32
      %dma_start3A_1574 = tpu.memref_slice %arg9[%dma_start3A_1562, %dma_start3A_1572, %dma_start3A_1573] : memref<8x32x128xf32, #tpu.memory_space<vmem>> -> memref<1x32x128xf32, #tpu.memory_space<vmem>>
      %dma_start3A_1575 = tpu.memref_squeeze %dma_start3A_1574 : memref<1x32x128xf32, #tpu.memory_space<vmem>> -> memref<32x128xf32, #tpu.memory_space<vmem>>
      %dma_start3A_1576 = arith.constant 0 : i32
      %dma_start3A_1577 = tpu.memref_slice %arg4[%dma_start3A_1576, %multiple_of3A_1561] : memref<32x1000000xf32, #tpu.memory_space<hbm>> -> memref<32x128xf32, #tpu.memory_space<hbm>>
      tpu.enqueue_dma source(%dma_start3A_1577 : memref<32x128xf32, #tpu.memory_space<hbm>>) target(%dma_start3A_1575 : memref<32x128xf32, #tpu.memory_space<vmem>>) target_semaphore(%dma_start3A_1571 : memref<!tpu.dma_semaphore, #tpu.memory_space<semaphore_mem>>)
      %multiple_of3A_1578 = tpu.assume_multiple %and3A_1560, 128 : i32
      %dma_start3A_1579 = arith.constant 5 : i32
      %dma_start3A_1580 = arith.constant 5 : i32
      %dma_start3A_1581 = arith.constant 0 : i32
      %dma_start3A_1582 = arith.constant 0 : i32
      %dma_start3A_1583 = tpu.memref_slice %arg10[%dma_start3A_1579, %dma_start3A_1581, %dma_start3A_1582] : memref<8x32x128xf32, #tpu.memory_space<vmem>> -> memref<1x32x128xf32, #tpu.memory_space<vmem>>
      %dma_start3A_1584 = tpu.memref_squeeze %dma_start3A_1583 : memref<1x32x128xf32, #tpu.memory_space<vmem>> -> memref<32x128xf32, #tpu.memory_space<vmem>>
      %dma_start3A_1585 = arith.constant 0 : i32
      %dma_start3A_1586 = tpu.memref_slice %arg5[%dma_start3A_1585, %multiple_of3A_1578] : memref<32x1000000xf32, #tpu.memory_space<hbm>> -> memref<32x128xf32, #tpu.memory_space<hbm>>
      %dma_start3A_1587 = tpu.memref_slice %arg12[%dma_start3A_1580] : memref<8x!tpu.dma_semaphore, #tpu.memory_space<semaphore_mem>> -> memref<1x!tpu.dma_semaphore, #tpu.memory_space<semaphore_mem>>
      %dma_start3A_1588 = tpu.memref_squeeze %dma_start3A_1587 : memref<1x!tpu.dma_semaphore, #tpu.memory_space<semaphore_mem>> -> memref<!tpu.dma_semaphore, #tpu.memory_space<semaphore_mem>>
      %dma_start3A_1589 = arith.constant 0 : i32
      %dma_start3A_1590 = arith.constant 0 : i32
      %dma_start3A_1591 = tpu.memref_slice %arg10[%dma_start3A_1579, %dma_start3A_1589, %dma_start3A_1590] : memref<8x32x128xf32, #tpu.memory_space<vmem>> -> memref<1x32x128xf32, #tpu.memory_space<vmem>>
      %dma_start3A_1592 = tpu.memref_squeeze %dma_start3A_1591 : memref<1x32x128xf32, #tpu.memory_space<vmem>> -> memref<32x128xf32, #tpu.memory_space<vmem>>
      %dma_start3A_1593 = arith.constant 0 : i32
      %dma_start3A_1594 = tpu.memref_slice %arg5[%dma_start3A_1593, %multiple_of3A_1578] : memref<32x1000000xf32, #tpu.memory_space<hbm>> -> memref<32x128xf32, #tpu.memory_space<hbm>>
      tpu.enqueue_dma source(%dma_start3A_1594 : memref<32x128xf32, #tpu.memory_space<hbm>>) target(%dma_start3A_1592 : memref<32x128xf32, #tpu.memory_space<vmem>>) target_semaphore(%dma_start3A_1588 : memref<!tpu.dma_semaphore, #tpu.memory_space<semaphore_mem>>)
      %slice3A_1595 = vector.extract_strided_slice %get3A_909 {offsets = [6], sizes = [1], strides = [1]} : vector<16xi32> to vector<1xi32>
      %squeeze3A_1596 = vector.extract %slice3A_1595[0] : i32 from vector<1xi32>
      %and3A_1597 = arith.constant -128 : i32
      %and3A_1598 = arith.andi %squeeze3A_1596, %and3A_1597 : i32
      %slice3A_1599 = vector.extract_strided_slice %get3A_913 {offsets = [6], sizes = [1], strides = [1]} : vector<16xi32> to vector<1xi32>
      %squeeze3A_1600 = vector.extract %slice3A_1599[0] : i32 from vector<1xi32>
      %and3A_1601 = arith.constant -128 : i32
      %and3A_1602 = arith.andi %squeeze3A_1600, %and3A_1601 : i32
      %multiple_of3A_1603 = tpu.assume_multiple %and3A_1598, 128 : i32
      %dma_wait3A_1604 = arith.constant 6 : i32
      %dma_wait3A_1605 = arith.constant 6 : i32
      %dma_wait3A_1606 = arith.constant 0 : i32
      %dma_wait3A_1607 = arith.constant 0 : i32
      %dma_wait3A_1608 = tpu.memref_slice %arg9[%dma_wait3A_1604, %dma_wait3A_1606, %dma_wait3A_1607] : memref<8x32x128xf32, #tpu.memory_space<vmem>> -> memref<1x32x128xf32, #tpu.memory_space<vmem>>
      %dma_wait3A_1609 = tpu.memref_squeeze %dma_wait3A_1608 : memref<1x32x128xf32, #tpu.memory_space<vmem>> -> memref<32x128xf32, #tpu.memory_space<vmem>>
      %dma_wait3A_1610 = arith.constant 0 : i32
      %dma_wait3A_1611 = tpu.memref_slice %arg4[%dma_wait3A_1610, %multiple_of3A_1603] : memref<32x1000000xf32, #tpu.memory_space<hbm>> -> memref<32x128xf32, #tpu.memory_space<hbm>>
      %dma_wait3A_1612 = tpu.memref_slice %arg12[%dma_wait3A_1605] : memref<8x!tpu.dma_semaphore, #tpu.memory_space<semaphore_mem>> -> memref<1x!tpu.dma_semaphore, #tpu.memory_space<semaphore_mem>>
      %dma_wait3A_1613 = tpu.memref_squeeze %dma_wait3A_1612 : memref<1x!tpu.dma_semaphore, #tpu.memory_space<semaphore_mem>> -> memref<!tpu.dma_semaphore, #tpu.memory_space<semaphore_mem>>
      %dma_wait3A_1614 = arith.constant 0 : i32
      %dma_wait3A_1615 = arith.constant 0 : i32
      %dma_wait3A_1616 = tpu.memref_slice %arg9[%dma_wait3A_1604, %dma_wait3A_1614, %dma_wait3A_1615] : memref<8x32x128xf32, #tpu.memory_space<vmem>> -> memref<1x32x128xf32, #tpu.memory_space<vmem>>
      %dma_wait3A_1617 = tpu.memref_squeeze %dma_wait3A_1616 : memref<1x32x128xf32, #tpu.memory_space<vmem>> -> memref<32x128xf32, #tpu.memory_space<vmem>>
      %dma_wait3A_1618 = arith.constant 0 : i32
      %dma_wait3A_1619 = tpu.memref_slice %arg4[%dma_wait3A_1618, %multiple_of3A_1603] : memref<32x1000000xf32, #tpu.memory_space<hbm>> -> memref<32x128xf32, #tpu.memory_space<hbm>>
      tpu.wait_dma2 semaphore(%dma_wait3A_1613 : memref<!tpu.dma_semaphore, #tpu.memory_space<semaphore_mem>>) src(%dma_wait3A_1619 : memref<32x128xf32, #tpu.memory_space<hbm>>) dst(%dma_wait3A_1617 : memref<32x128xf32, #tpu.memory_space<vmem>>)
      %multiple_of3A_1620 = tpu.assume_multiple %and3A_1602, 128 : i32
      %dma_wait3A_1621 = arith.constant 6 : i32
      %dma_wait3A_1622 = arith.constant 6 : i32
      %dma_wait3A_1623 = arith.constant 0 : i32
      %dma_wait3A_1624 = arith.constant 0 : i32
      %dma_wait3A_1625 = tpu.memref_slice %arg10[%dma_wait3A_1621, %dma_wait3A_1623, %dma_wait3A_1624] : memref<8x32x128xf32, #tpu.memory_space<vmem>> -> memref<1x32x128xf32, #tpu.memory_space<vmem>>
      %dma_wait3A_1626 = tpu.memref_squeeze %dma_wait3A_1625 : memref<1x32x128xf32, #tpu.memory_space<vmem>> -> memref<32x128xf32, #tpu.memory_space<vmem>>
      %dma_wait3A_1627 = arith.constant 0 : i32
      %dma_wait3A_1628 = tpu.memref_slice %arg5[%dma_wait3A_1627, %multiple_of3A_1620] : memref<32x1000000xf32, #tpu.memory_space<hbm>> -> memref<32x128xf32, #tpu.memory_space<hbm>>
      %dma_wait3A_1629 = tpu.memref_slice %arg12[%dma_wait3A_1622] : memref<8x!tpu.dma_semaphore, #tpu.memory_space<semaphore_mem>> -> memref<1x!tpu.dma_semaphore, #tpu.memory_space<semaphore_mem>>
      %dma_wait3A_1630 = tpu.memref_squeeze %dma_wait3A_1629 : memref<1x!tpu.dma_semaphore, #tpu.memory_space<semaphore_mem>> -> memref<!tpu.dma_semaphore, #tpu.memory_space<semaphore_mem>>
      %dma_wait3A_1631 = arith.constant 0 : i32
      %dma_wait3A_1632 = arith.constant 0 : i32
      %dma_wait3A_1633 = tpu.memref_slice %arg10[%dma_wait3A_1621, %dma_wait3A_1631, %dma_wait3A_1632] : memref<8x32x128xf32, #tpu.memory_space<vmem>> -> memref<1x32x128xf32, #tpu.memory_space<vmem>>
      %dma_wait3A_1634 = tpu.memref_squeeze %dma_wait3A_1633 : memref<1x32x128xf32, #tpu.memory_space<vmem>> -> memref<32x128xf32, #tpu.memory_space<vmem>>
      %dma_wait3A_1635 = arith.constant 0 : i32
      %dma_wait3A_1636 = tpu.memref_slice %arg5[%dma_wait3A_1635, %multiple_of3A_1620] : memref<32x1000000xf32, #tpu.memory_space<hbm>> -> memref<32x128xf32, #tpu.memory_space<hbm>>
      tpu.wait_dma2 semaphore(%dma_wait3A_1630 : memref<!tpu.dma_semaphore, #tpu.memory_space<semaphore_mem>>) src(%dma_wait3A_1636 : memref<32x128xf32, #tpu.memory_space<hbm>>) dst(%dma_wait3A_1634 : memref<32x128xf32, #tpu.memory_space<vmem>>)
      %broadcast_in_dim3A_1637 = arith.constant 6 : i32
      %broadcast_in_dim3A_1638 = vector.broadcast %broadcast_in_dim3A_1637 : i32 to vector<16xi32>
      %slice3A_1639 = vector.extract_strided_slice %get3A_909 {offsets = [6], sizes = [1], strides = [1]} : vector<16xi32> to vector<1xi32>
      %squeeze3A_1640 = vector.extract %slice3A_1639[0] : i32 from vector<1xi32>
      %and3A_1641 = arith.constant 127 : i32
      %and3A_1642 = arith.andi %squeeze3A_1640, %and3A_1641 : i32
      %broadcast_in_dim3A_1643 = vector.broadcast %and3A_1642 : i32 to vector<16xi32>
      %slice3A_1644 = vector.extract_strided_slice %get3A_913 {offsets = [6], sizes = [1], strides = [1]} : vector<16xi32> to vector<1xi32>
      %squeeze3A_1645 = vector.extract %slice3A_1644[0] : i32 from vector<1xi32>
      %and3A_1646 = arith.constant 127 : i32
      %and3A_1647 = arith.andi %squeeze3A_1645, %and3A_1646 : i32
      %broadcast_in_dim3A_1648 = vector.broadcast %and3A_1647 : i32 to vector<16xi32>
      %gather3A_1649 = tpu.vector_load_idx %arg9[%broadcast_in_dim3A_1638, %iota3A, %broadcast_in_dim3A_1643] : memref<8x32x128xf32, #tpu.memory_space<vmem>>[vector<16xi32>, vector<16xi32>, vector<16xi32>], vector<16xf32>,
      %gather3A_1650 = tpu.vector_load_idx %arg10[%broadcast_in_dim3A_1638, %iota3A, %broadcast_in_dim3A_1648] : memref<8x32x128xf32, #tpu.memory_space<vmem>>[vector<16xi32>, vector<16xi32>, vector<16xi32>], vector<16xf32>,
      %mul3A_1651 = arith.mulf %gather3A_1649, %gather3A_1650 : vector<16xf32>
      %gather3A_1652 = tpu.vector_load_idx %arg9[%broadcast_in_dim3A_1638, %add3A_5, %broadcast_in_dim3A_1643] : memref<8x32x128xf32, #tpu.memory_space<vmem>>[vector<16xi32>, vector<16xi32>, vector<16xi32>], vector<16xf32>,
      %gather3A_1653 = tpu.vector_load_idx %arg10[%broadcast_in_dim3A_1638, %add3A_5, %broadcast_in_dim3A_1648] : memref<8x32x128xf32, #tpu.memory_space<vmem>>[vector<16xi32>, vector<16xi32>, vector<16xi32>], vector<16xf32>,
      %mul3A_1654 = arith.mulf %gather3A_1652, %gather3A_1653 : vector<16xf32>
      %add3A_1655 = arith.addf %mul3A_1651, %mul3A_1654 : vector<16xf32>
      %reduce_sum3A_1656 = arith.constant true
      %reduce_sum3A_1657 = vector.broadcast %reduce_sum3A_1656 : i1 to vector<16xi1>
      %reduce_sum3A_1658 = tpu.scan <sum>, %add3A_1655 masked %reduce_sum3A_1657 : vector<16xf32>, vector<16xi1> -> vector<16xf32>
      %reduce_sum3A_1659 = vector.extract %reduce_sum3A_1658[15] : f32 from vector<16xf32>
      %eq3A_1660 = arith.constant 6 : i32
      %eq3A_1661 = vector.broadcast %eq3A_1660 : i32 to vector<16xi32>
      %eq3A_1662 = arith.cmpi eq, %iota3A, %eq3A_1661 : vector<16xi32>
      %broadcast_in_dim3A_1663 = vector.broadcast %reduce_sum3A_1659 : f32 to vector<16xf32>
      %select_n3A_1664 = arith.select %eq3A_1662, %broadcast_in_dim3A_1663, %select_n3A_1552 : vector<16xi1>, vector<16xf32>
      %slice3A_1665 = vector.extract_strided_slice %get3A_909 {offsets = [14], sizes = [1], strides = [1]} : vector<16xi32> to vector<1xi32>
      %squeeze3A_1666 = vector.extract %slice3A_1665[0] : i32 from vector<1xi32>
      %and3A_1667 = arith.constant -128 : i32
      %and3A_1668 = arith.andi %squeeze3A_1666, %and3A_1667 : i32
      %slice3A_1669 = vector.extract_strided_slice %get3A_913 {offsets = [14], sizes = [1], strides = [1]} : vector<16xi32> to vector<1xi32>
      %squeeze3A_1670 = vector.extract %slice3A_1669[0] : i32 from vector<1xi32>
      %and3A_1671 = arith.constant -128 : i32
      %and3A_1672 = arith.andi %squeeze3A_1670, %and3A_1671 : i32
      %multiple_of3A_1673 = tpu.assume_multiple %and3A_1668, 128 : i32
      %dma_start3A_1674 = arith.constant 6 : i32
      %dma_start3A_1675 = arith.constant 6 : i32
      %dma_start3A_1676 = arith.constant 0 : i32
      %dma_start3A_1677 = arith.constant 0 : i32
      %dma_start3A_1678 = tpu.memref_slice %arg9[%dma_start3A_1674, %dma_start3A_1676, %dma_start3A_1677] : memref<8x32x128xf32, #tpu.memory_space<vmem>> -> memref<1x32x128xf32, #tpu.memory_space<vmem>>
      %dma_start3A_1679 = tpu.memref_squeeze %dma_start3A_1678 : memref<1x32x128xf32, #tpu.memory_space<vmem>> -> memref<32x128xf32, #tpu.memory_space<vmem>>
      %dma_start3A_1680 = arith.constant 0 : i32
      %dma_start3A_1681 = tpu.memref_slice %arg4[%dma_start3A_1680, %multiple_of3A_1673] : memref<32x1000000xf32, #tpu.memory_space<hbm>> -> memref<32x128xf32, #tpu.memory_space<hbm>>
      %dma_start3A_1682 = tpu.memref_slice %arg12[%dma_start3A_1675] : memref<8x!tpu.dma_semaphore, #tpu.memory_space<semaphore_mem>> -> memref<1x!tpu.dma_semaphore, #tpu.memory_space<semaphore_mem>>
      %dma_start3A_1683 = tpu.memref_squeeze %dma_start3A_1682 : memref<1x!tpu.dma_semaphore, #tpu.memory_space<semaphore_mem>> -> memref<!tpu.dma_semaphore, #tpu.memory_space<semaphore_mem>>
      %dma_start3A_1684 = arith.constant 0 : i32
      %dma_start3A_1685 = arith.constant 0 : i32
      %dma_start3A_1686 = tpu.memref_slice %arg9[%dma_start3A_1674, %dma_start3A_1684, %dma_start3A_1685] : memref<8x32x128xf32, #tpu.memory_space<vmem>> -> memref<1x32x128xf32, #tpu.memory_space<vmem>>
      %dma_start3A_1687 = tpu.memref_squeeze %dma_start3A_1686 : memref<1x32x128xf32, #tpu.memory_space<vmem>> -> memref<32x128xf32, #tpu.memory_space<vmem>>
      %dma_start3A_1688 = arith.constant 0 : i32
      %dma_start3A_1689 = tpu.memref_slice %arg4[%dma_start3A_1688, %multiple_of3A_1673] : memref<32x1000000xf32, #tpu.memory_space<hbm>> -> memref<32x128xf32, #tpu.memory_space<hbm>>
      tpu.enqueue_dma source(%dma_start3A_1689 : memref<32x128xf32, #tpu.memory_space<hbm>>) target(%dma_start3A_1687 : memref<32x128xf32, #tpu.memory_space<vmem>>) target_semaphore(%dma_start3A_1683 : memref<!tpu.dma_semaphore, #tpu.memory_space<semaphore_mem>>)
      %multiple_of3A_1690 = tpu.assume_multiple %and3A_1672, 128 : i32
      %dma_start3A_1691 = arith.constant 6 : i32
      %dma_start3A_1692 = arith.constant 6 : i32
      %dma_start3A_1693 = arith.constant 0 : i32
      %dma_start3A_1694 = arith.constant 0 : i32
      %dma_start3A_1695 = tpu.memref_slice %arg10[%dma_start3A_1691, %dma_start3A_1693, %dma_start3A_1694] : memref<8x32x128xf32, #tpu.memory_space<vmem>> -> memref<1x32x128xf32, #tpu.memory_space<vmem>>
      %dma_start3A_1696 = tpu.memref_squeeze %dma_start3A_1695 : memref<1x32x128xf32, #tpu.memory_space<vmem>> -> memref<32x128xf32, #tpu.memory_space<vmem>>
      %dma_start3A_1697 = arith.constant 0 : i32
      %dma_start3A_1698 = tpu.memref_slice %arg5[%dma_start3A_1697, %multiple_of3A_1690] : memref<32x1000000xf32, #tpu.memory_space<hbm>> -> memref<32x128xf32, #tpu.memory_space<hbm>>
      %dma_start3A_1699 = tpu.memref_slice %arg12[%dma_start3A_1692] : memref<8x!tpu.dma_semaphore, #tpu.memory_space<semaphore_mem>> -> memref<1x!tpu.dma_semaphore, #tpu.memory_space<semaphore_mem>>
      %dma_start3A_1700 = tpu.memref_squeeze %dma_start3A_1699 : memref<1x!tpu.dma_semaphore, #tpu.memory_space<semaphore_mem>> -> memref<!tpu.dma_semaphore, #tpu.memory_space<semaphore_mem>>
      %dma_start3A_1701 = arith.constant 0 : i32
      %dma_start3A_1702 = arith.constant 0 : i32
      %dma_start3A_1703 = tpu.memref_slice %arg10[%dma_start3A_1691, %dma_start3A_1701, %dma_start3A_1702] : memref<8x32x128xf32, #tpu.memory_space<vmem>> -> memref<1x32x128xf32, #tpu.memory_space<vmem>>
      %dma_start3A_1704 = tpu.memref_squeeze %dma_start3A_1703 : memref<1x32x128xf32, #tpu.memory_space<vmem>> -> memref<32x128xf32, #tpu.memory_space<vmem>>
      %dma_start3A_1705 = arith.constant 0 : i32
      %dma_start3A_1706 = tpu.memref_slice %arg5[%dma_start3A_1705, %multiple_of3A_1690] : memref<32x1000000xf32, #tpu.memory_space<hbm>> -> memref<32x128xf32, #tpu.memory_space<hbm>>
      tpu.enqueue_dma source(%dma_start3A_1706 : memref<32x128xf32, #tpu.memory_space<hbm>>) target(%dma_start3A_1704 : memref<32x128xf32, #tpu.memory_space<vmem>>) target_semaphore(%dma_start3A_1700 : memref<!tpu.dma_semaphore, #tpu.memory_space<semaphore_mem>>)
      %slice3A_1707 = vector.extract_strided_slice %get3A_909 {offsets = [7], sizes = [1], strides = [1]} : vector<16xi32> to vector<1xi32>
      %squeeze3A_1708 = vector.extract %slice3A_1707[0] : i32 from vector<1xi32>
      %and3A_1709 = arith.constant -128 : i32
      %and3A_1710 = arith.andi %squeeze3A_1708, %and3A_1709 : i32
      %slice3A_1711 = vector.extract_strided_slice %get3A_913 {offsets = [7], sizes = [1], strides = [1]} : vector<16xi32> to vector<1xi32>
      %squeeze3A_1712 = vector.extract %slice3A_1711[0] : i32 from vector<1xi32>
      %and3A_1713 = arith.constant -128 : i32
      %and3A_1714 = arith.andi %squeeze3A_1712, %and3A_1713 : i32
      %multiple_of3A_1715 = tpu.assume_multiple %and3A_1710, 128 : i32
      %dma_wait3A_1716 = arith.constant 7 : i32
      %dma_wait3A_1717 = arith.constant 7 : i32
      %dma_wait3A_1718 = arith.constant 0 : i32
      %dma_wait3A_1719 = arith.constant 0 : i32
      %dma_wait3A_1720 = tpu.memref_slice %arg9[%dma_wait3A_1716, %dma_wait3A_1718, %dma_wait3A_1719] : memref<8x32x128xf32, #tpu.memory_space<vmem>> -> memref<1x32x128xf32, #tpu.memory_space<vmem>>
      %dma_wait3A_1721 = tpu.memref_squeeze %dma_wait3A_1720 : memref<1x32x128xf32, #tpu.memory_space<vmem>> -> memref<32x128xf32, #tpu.memory_space<vmem>>
      %dma_wait3A_1722 = arith.constant 0 : i32
      %dma_wait3A_1723 = tpu.memref_slice %arg4[%dma_wait3A_1722, %multiple_of3A_1715] : memref<32x1000000xf32, #tpu.memory_space<hbm>> -> memref<32x128xf32, #tpu.memory_space<hbm>>
      %dma_wait3A_1724 = tpu.memref_slice %arg12[%dma_wait3A_1717] : memref<8x!tpu.dma_semaphore, #tpu.memory_space<semaphore_mem>> -> memref<1x!tpu.dma_semaphore, #tpu.memory_space<semaphore_mem>>
      %dma_wait3A_1725 = tpu.memref_squeeze %dma_wait3A_1724 : memref<1x!tpu.dma_semaphore, #tpu.memory_space<semaphore_mem>> -> memref<!tpu.dma_semaphore, #tpu.memory_space<semaphore_mem>>
      %dma_wait3A_1726 = arith.constant 0 : i32
      %dma_wait3A_1727 = arith.constant 0 : i32
      %dma_wait3A_1728 = tpu.memref_slice %arg9[%dma_wait3A_1716, %dma_wait3A_1726, %dma_wait3A_1727] : memref<8x32x128xf32, #tpu.memory_space<vmem>> -> memref<1x32x128xf32, #tpu.memory_space<vmem>>
      %dma_wait3A_1729 = tpu.memref_squeeze %dma_wait3A_1728 : memref<1x32x128xf32, #tpu.memory_space<vmem>> -> memref<32x128xf32, #tpu.memory_space<vmem>>
      %dma_wait3A_1730 = arith.constant 0 : i32
      %dma_wait3A_1731 = tpu.memref_slice %arg4[%dma_wait3A_1730, %multiple_of3A_1715] : memref<32x1000000xf32, #tpu.memory_space<hbm>> -> memref<32x128xf32, #tpu.memory_space<hbm>>
      tpu.wait_dma2 semaphore(%dma_wait3A_1725 : memref<!tpu.dma_semaphore, #tpu.memory_space<semaphore_mem>>) src(%dma_wait3A_1731 : memref<32x128xf32, #tpu.memory_space<hbm>>) dst(%dma_wait3A_1729 : memref<32x128xf32, #tpu.memory_space<vmem>>)
      %multiple_of3A_1732 = tpu.assume_multiple %and3A_1714, 128 : i32
      %dma_wait3A_1733 = arith.constant 7 : i32
      %dma_wait3A_1734 = arith.constant 7 : i32
      %dma_wait3A_1735 = arith.constant 0 : i32
      %dma_wait3A_1736 = arith.constant 0 : i32
      %dma_wait3A_1737 = tpu.memref_slice %arg10[%dma_wait3A_1733, %dma_wait3A_1735, %dma_wait3A_1736] : memref<8x32x128xf32, #tpu.memory_space<vmem>> -> memref<1x32x128xf32, #tpu.memory_space<vmem>>
      %dma_wait3A_1738 = tpu.memref_squeeze %dma_wait3A_1737 : memref<1x32x128xf32, #tpu.memory_space<vmem>> -> memref<32x128xf32, #tpu.memory_space<vmem>>
      %dma_wait3A_1739 = arith.constant 0 : i32
      %dma_wait3A_1740 = tpu.memref_slice %arg5[%dma_wait3A_1739, %multiple_of3A_1732] : memref<32x1000000xf32, #tpu.memory_space<hbm>> -> memref<32x128xf32, #tpu.memory_space<hbm>>
      %dma_wait3A_1741 = tpu.memref_slice %arg12[%dma_wait3A_1734] : memref<8x!tpu.dma_semaphore, #tpu.memory_space<semaphore_mem>> -> memref<1x!tpu.dma_semaphore, #tpu.memory_space<semaphore_mem>>
      %dma_wait3A_1742 = tpu.memref_squeeze %dma_wait3A_1741 : memref<1x!tpu.dma_semaphore, #tpu.memory_space<semaphore_mem>> -> memref<!tpu.dma_semaphore, #tpu.memory_space<semaphore_mem>>
      %dma_wait3A_1743 = arith.constant 0 : i32
      %dma_wait3A_1744 = arith.constant 0 : i32
      %dma_wait3A_1745 = tpu.memref_slice %arg10[%dma_wait3A_1733, %dma_wait3A_1743, %dma_wait3A_1744] : memref<8x32x128xf32, #tpu.memory_space<vmem>> -> memref<1x32x128xf32, #tpu.memory_space<vmem>>
      %dma_wait3A_1746 = tpu.memref_squeeze %dma_wait3A_1745 : memref<1x32x128xf32, #tpu.memory_space<vmem>> -> memref<32x128xf32, #tpu.memory_space<vmem>>
      %dma_wait3A_1747 = arith.constant 0 : i32
      %dma_wait3A_1748 = tpu.memref_slice %arg5[%dma_wait3A_1747, %multiple_of3A_1732] : memref<32x1000000xf32, #tpu.memory_space<hbm>> -> memref<32x128xf32, #tpu.memory_space<hbm>>
      tpu.wait_dma2 semaphore(%dma_wait3A_1742 : memref<!tpu.dma_semaphore, #tpu.memory_space<semaphore_mem>>) src(%dma_wait3A_1748 : memref<32x128xf32, #tpu.memory_space<hbm>>) dst(%dma_wait3A_1746 : memref<32x128xf32, #tpu.memory_space<vmem>>)
      %broadcast_in_dim3A_1749 = arith.constant 7 : i32
      %broadcast_in_dim3A_1750 = vector.broadcast %broadcast_in_dim3A_1749 : i32 to vector<16xi32>
      %slice3A_1751 = vector.extract_strided_slice %get3A_909 {offsets = [7], sizes = [1], strides = [1]} : vector<16xi32> to vector<1xi32>
      %squeeze3A_1752 = vector.extract %slice3A_1751[0] : i32 from vector<1xi32>
      %and3A_1753 = arith.constant 127 : i32
      %and3A_1754 = arith.andi %squeeze3A_1752, %and3A_1753 : i32
      %broadcast_in_dim3A_1755 = vector.broadcast %and3A_1754 : i32 to vector<16xi32>
      %slice3A_1756 = vector.extract_strided_slice %get3A_913 {offsets = [7], sizes = [1], strides = [1]} : vector<16xi32> to vector<1xi32>
      %squeeze3A_1757 = vector.extract %slice3A_1756[0] : i32 from vector<1xi32>
      %and3A_1758 = arith.constant 127 : i32
      %and3A_1759 = arith.andi %squeeze3A_1757, %and3A_1758 : i32
      %broadcast_in_dim3A_1760 = vector.broadcast %and3A_1759 : i32 to vector<16xi32>
      %gather3A_1761 = tpu.vector_load_idx %arg9[%broadcast_in_dim3A_1750, %iota3A, %broadcast_in_dim3A_1755] : memref<8x32x128xf32, #tpu.memory_space<vmem>>[vector<16xi32>, vector<16xi32>, vector<16xi32>], vector<16xf32>,
      %gather3A_1762 = tpu.vector_load_idx %arg10[%broadcast_in_dim3A_1750, %iota3A, %broadcast_in_dim3A_1760] : memref<8x32x128xf32, #tpu.memory_space<vmem>>[vector<16xi32>, vector<16xi32>, vector<16xi32>], vector<16xf32>,
      %mul3A_1763 = arith.mulf %gather3A_1761, %gather3A_1762 : vector<16xf32>
      %gather3A_1764 = tpu.vector_load_idx %arg9[%broadcast_in_dim3A_1750, %add3A_5, %broadcast_in_dim3A_1755] : memref<8x32x128xf32, #tpu.memory_space<vmem>>[vector<16xi32>, vector<16xi32>, vector<16xi32>], vector<16xf32>,
      %gather3A_1765 = tpu.vector_load_idx %arg10[%broadcast_in_dim3A_1750, %add3A_5, %broadcast_in_dim3A_1760] : memref<8x32x128xf32, #tpu.memory_space<vmem>>[vector<16xi32>, vector<16xi32>, vector<16xi32>], vector<16xf32>,
      %mul3A_1766 = arith.mulf %gather3A_1764, %gather3A_1765 : vector<16xf32>
      %add3A_1767 = arith.addf %mul3A_1763, %mul3A_1766 : vector<16xf32>
      %reduce_sum3A_1768 = arith.constant true
      %reduce_sum3A_1769 = vector.broadcast %reduce_sum3A_1768 : i1 to vector<16xi1>
      %reduce_sum3A_1770 = tpu.scan <sum>, %add3A_1767 masked %reduce_sum3A_1769 : vector<16xf32>, vector<16xi1> -> vector<16xf32>
      %reduce_sum3A_1771 = vector.extract %reduce_sum3A_1770[15] : f32 from vector<16xf32>
      %eq3A_1772 = arith.constant 7 : i32
      %eq3A_1773 = vector.broadcast %eq3A_1772 : i32 to vector<16xi32>
      %eq3A_1774 = arith.cmpi eq, %iota3A, %eq3A_1773 : vector<16xi32>
      %broadcast_in_dim3A_1775 = vector.broadcast %reduce_sum3A_1771 : f32 to vector<16xf32>
      %select_n3A_1776 = arith.select %eq3A_1774, %broadcast_in_dim3A_1775, %select_n3A_1664 : vector<16xi1>, vector<16xf32>
      %slice3A_1777 = vector.extract_strided_slice %get3A_909 {offsets = [15], sizes = [1], strides = [1]} : vector<16xi32> to vector<1xi32>
      %squeeze3A_1778 = vector.extract %slice3A_1777[0] : i32 from vector<1xi32>
      %and3A_1779 = arith.constant -128 : i32
      %and3A_1780 = arith.andi %squeeze3A_1778, %and3A_1779 : i32
      %slice3A_1781 = vector.extract_strided_slice %get3A_913 {offsets = [15], sizes = [1], strides = [1]} : vector<16xi32> to vector<1xi32>
      %squeeze3A_1782 = vector.extract %slice3A_1781[0] : i32 from vector<1xi32>
      %and3A_1783 = arith.constant -128 : i32
      %and3A_1784 = arith.andi %squeeze3A_1782, %and3A_1783 : i32
      %multiple_of3A_1785 = tpu.assume_multiple %and3A_1780, 128 : i32
      %dma_start3A_1786 = arith.constant 7 : i32
      %dma_start3A_1787 = arith.constant 7 : i32
      %dma_start3A_1788 = arith.constant 0 : i32
      %dma_start3A_1789 = arith.constant 0 : i32
      %dma_start3A_1790 = tpu.memref_slice %arg9[%dma_start3A_1786, %dma_start3A_1788, %dma_start3A_1789] : memref<8x32x128xf32, #tpu.memory_space<vmem>> -> memref<1x32x128xf32, #tpu.memory_space<vmem>>
      %dma_start3A_1791 = tpu.memref_squeeze %dma_start3A_1790 : memref<1x32x128xf32, #tpu.memory_space<vmem>> -> memref<32x128xf32, #tpu.memory_space<vmem>>
      %dma_start3A_1792 = arith.constant 0 : i32
      %dma_start3A_1793 = tpu.memref_slice %arg4[%dma_start3A_1792, %multiple_of3A_1785] : memref<32x1000000xf32, #tpu.memory_space<hbm>> -> memref<32x128xf32, #tpu.memory_space<hbm>>
      %dma_start3A_1794 = tpu.memref_slice %arg12[%dma_start3A_1787] : memref<8x!tpu.dma_semaphore, #tpu.memory_space<semaphore_mem>> -> memref<1x!tpu.dma_semaphore, #tpu.memory_space<semaphore_mem>>
      %dma_start3A_1795 = tpu.memref_squeeze %dma_start3A_1794 : memref<1x!tpu.dma_semaphore, #tpu.memory_space<semaphore_mem>> -> memref<!tpu.dma_semaphore, #tpu.memory_space<semaphore_mem>>
      %dma_start3A_1796 = arith.constant 0 : i32
      %dma_start3A_1797 = arith.constant 0 : i32
      %dma_start3A_1798 = tpu.memref_slice %arg9[%dma_start3A_1786, %dma_start3A_1796, %dma_start3A_1797] : memref<8x32x128xf32, #tpu.memory_space<vmem>> -> memref<1x32x128xf32, #tpu.memory_space<vmem>>
      %dma_start3A_1799 = tpu.memref_squeeze %dma_start3A_1798 : memref<1x32x128xf32, #tpu.memory_space<vmem>> -> memref<32x128xf32, #tpu.memory_space<vmem>>
      %dma_start3A_1800 = arith.constant 0 : i32
      %dma_start3A_1801 = tpu.memref_slice %arg4[%dma_start3A_1800, %multiple_of3A_1785] : memref<32x1000000xf32, #tpu.memory_space<hbm>> -> memref<32x128xf32, #tpu.memory_space<hbm>>
      tpu.enqueue_dma source(%dma_start3A_1801 : memref<32x128xf32, #tpu.memory_space<hbm>>) target(%dma_start3A_1799 : memref<32x128xf32, #tpu.memory_space<vmem>>) target_semaphore(%dma_start3A_1795 : memref<!tpu.dma_semaphore, #tpu.memory_space<semaphore_mem>>)
      %multiple_of3A_1802 = tpu.assume_multiple %and3A_1784, 128 : i32
      %dma_start3A_1803 = arith.constant 7 : i32
      %dma_start3A_1804 = arith.constant 7 : i32
      %dma_start3A_1805 = arith.constant 0 : i32
      %dma_start3A_1806 = arith.constant 0 : i32
      %dma_start3A_1807 = tpu.memref_slice %arg10[%dma_start3A_1803, %dma_start3A_1805, %dma_start3A_1806] : memref<8x32x128xf32, #tpu.memory_space<vmem>> -> memref<1x32x128xf32, #tpu.memory_space<vmem>>
      %dma_start3A_1808 = tpu.memref_squeeze %dma_start3A_1807 : memref<1x32x128xf32, #tpu.memory_space<vmem>> -> memref<32x128xf32, #tpu.memory_space<vmem>>
      %dma_start3A_1809 = arith.constant 0 : i32
      %dma_start3A_1810 = tpu.memref_slice %arg5[%dma_start3A_1809, %multiple_of3A_1802] : memref<32x1000000xf32, #tpu.memory_space<hbm>> -> memref<32x128xf32, #tpu.memory_space<hbm>>
      %dma_start3A_1811 = tpu.memref_slice %arg12[%dma_start3A_1804] : memref<8x!tpu.dma_semaphore, #tpu.memory_space<semaphore_mem>> -> memref<1x!tpu.dma_semaphore, #tpu.memory_space<semaphore_mem>>
      %dma_start3A_1812 = tpu.memref_squeeze %dma_start3A_1811 : memref<1x!tpu.dma_semaphore, #tpu.memory_space<semaphore_mem>> -> memref<!tpu.dma_semaphore, #tpu.memory_space<semaphore_mem>>
      %dma_start3A_1813 = arith.constant 0 : i32
      %dma_start3A_1814 = arith.constant 0 : i32
      %dma_start3A_1815 = tpu.memref_slice %arg10[%dma_start3A_1803, %dma_start3A_1813, %dma_start3A_1814] : memref<8x32x128xf32, #tpu.memory_space<vmem>> -> memref<1x32x128xf32, #tpu.memory_space<vmem>>
      %dma_start3A_1816 = tpu.memref_squeeze %dma_start3A_1815 : memref<1x32x128xf32, #tpu.memory_space<vmem>> -> memref<32x128xf32, #tpu.memory_space<vmem>>
      %dma_start3A_1817 = arith.constant 0 : i32
      %dma_start3A_1818 = tpu.memref_slice %arg5[%dma_start3A_1817, %multiple_of3A_1802] : memref<32x1000000xf32, #tpu.memory_space<hbm>> -> memref<32x128xf32, #tpu.memory_space<hbm>>
      tpu.enqueue_dma source(%dma_start3A_1818 : memref<32x128xf32, #tpu.memory_space<hbm>>) target(%dma_start3A_1816 : memref<32x128xf32, #tpu.memory_space<vmem>>) target_semaphore(%dma_start3A_1812 : memref<!tpu.dma_semaphore, #tpu.memory_space<semaphore_mem>>)
      scf.yield %get3A_909, %get3A_913, %select_n3A_1776 : vector<16xi32>, vector<16xi32>, vector<16xf32>
    }
    %scan3A_345 = arith.constant 32 : i32
    %slice3A_346 = vector.extract_strided_slice %scan3A_344#0 {offsets = [8], sizes = [1], strides = [1]} : vector<16xi32> to vector<1xi32>
    %squeeze3A_347 = vector.extract %slice3A_346[0] : i32 from vector<1xi32>
    %and3A_348 = arith.constant -128 : i32
    %and3A_349 = arith.andi %squeeze3A_347, %and3A_348 : i32
    %slice3A_350 = vector.extract_strided_slice %scan3A_344#1 {offsets = [8], sizes = [1], strides = [1]} : vector<16xi32> to vector<1xi32>
    %squeeze3A_351 = vector.extract %slice3A_350[0] : i32 from vector<1xi32>
    %and3A_352 = arith.constant -128 : i32
    %and3A_353 = arith.andi %squeeze3A_351, %and3A_352 : i32
    %multiple_of3A_354 = tpu.assume_multiple %and3A_349, 128 : i32
    %dma_wait3A = arith.constant 0 : i32
    %dma_wait3A_355 = arith.constant 0 : i32
    %dma_wait3A_356 = arith.constant 0 : i32
    %dma_wait3A_357 = arith.constant 0 : i32
    %dma_wait3A_358 = tpu.memref_slice %arg9[%dma_wait3A, %dma_wait3A_356, %dma_wait3A_357] : memref<8x32x128xf32, #tpu.memory_space<vmem>> -> memref<1x32x128xf32, #tpu.memory_space<vmem>>
    %dma_wait3A_359 = tpu.memref_squeeze %dma_wait3A_358 : memref<1x32x128xf32, #tpu.memory_space<vmem>> -> memref<32x128xf32, #tpu.memory_space<vmem>>
    %dma_wait3A_360 = arith.constant 0 : i32
    %dma_wait3A_361 = tpu.memref_slice %arg4[%dma_wait3A_360, %multiple_of3A_354] : memref<32x1000000xf32, #tpu.memory_space<hbm>> -> memref<32x128xf32, #tpu.memory_space<hbm>>
    %dma_wait3A_362 = tpu.memref_slice %arg12[%dma_wait3A_355] : memref<8x!tpu.dma_semaphore, #tpu.memory_space<semaphore_mem>> -> memref<1x!tpu.dma_semaphore, #tpu.memory_space<semaphore_mem>>
    %dma_wait3A_363 = tpu.memref_squeeze %dma_wait3A_362 : memref<1x!tpu.dma_semaphore, #tpu.memory_space<semaphore_mem>> -> memref<!tpu.dma_semaphore, #tpu.memory_space<semaphore_mem>>
    %dma_wait3A_364 = arith.constant 0 : i32
    %dma_wait3A_365 = arith.constant 0 : i32
    %dma_wait3A_366 = tpu.memref_slice %arg9[%dma_wait3A, %dma_wait3A_364, %dma_wait3A_365] : memref<8x32x128xf32, #tpu.memory_space<vmem>> -> memref<1x32x128xf32, #tpu.memory_space<vmem>>
    %dma_wait3A_367 = tpu.memref_squeeze %dma_wait3A_366 : memref<1x32x128xf32, #tpu.memory_space<vmem>> -> memref<32x128xf32, #tpu.memory_space<vmem>>
    %dma_wait3A_368 = arith.constant 0 : i32
    %dma_wait3A_369 = tpu.memref_slice %arg4[%dma_wait3A_368, %multiple_of3A_354] : memref<32x1000000xf32, #tpu.memory_space<hbm>> -> memref<32x128xf32, #tpu.memory_space<hbm>>
    tpu.wait_dma2 semaphore(%dma_wait3A_363 : memref<!tpu.dma_semaphore, #tpu.memory_space<semaphore_mem>>) src(%dma_wait3A_369 : memref<32x128xf32, #tpu.memory_space<hbm>>) dst(%dma_wait3A_367 : memref<32x128xf32, #tpu.memory_space<vmem>>)
    %multiple_of3A_370 = tpu.assume_multiple %and3A_353, 128 : i32
    %dma_wait3A_371 = arith.constant 0 : i32
    %dma_wait3A_372 = arith.constant 0 : i32
    %dma_wait3A_373 = arith.constant 0 : i32
    %dma_wait3A_374 = arith.constant 0 : i32
    %dma_wait3A_375 = tpu.memref_slice %arg10[%dma_wait3A_371, %dma_wait3A_373, %dma_wait3A_374] : memref<8x32x128xf32, #tpu.memory_space<vmem>> -> memref<1x32x128xf32, #tpu.memory_space<vmem>>
    %dma_wait3A_376 = tpu.memref_squeeze %dma_wait3A_375 : memref<1x32x128xf32, #tpu.memory_space<vmem>> -> memref<32x128xf32, #tpu.memory_space<vmem>>
    %dma_wait3A_377 = arith.constant 0 : i32
    %dma_wait3A_378 = tpu.memref_slice %arg5[%dma_wait3A_377, %multiple_of3A_370] : memref<32x1000000xf32, #tpu.memory_space<hbm>> -> memref<32x128xf32, #tpu.memory_space<hbm>>
    %dma_wait3A_379 = tpu.memref_slice %arg12[%dma_wait3A_372] : memref<8x!tpu.dma_semaphore, #tpu.memory_space<semaphore_mem>> -> memref<1x!tpu.dma_semaphore, #tpu.memory_space<semaphore_mem>>
    %dma_wait3A_380 = tpu.memref_squeeze %dma_wait3A_379 : memref<1x!tpu.dma_semaphore, #tpu.memory_space<semaphore_mem>> -> memref<!tpu.dma_semaphore, #tpu.memory_space<semaphore_mem>>
    %dma_wait3A_381 = arith.constant 0 : i32
    %dma_wait3A_382 = arith.constant 0 : i32
    %dma_wait3A_383 = tpu.memref_slice %arg10[%dma_wait3A_371, %dma_wait3A_381, %dma_wait3A_382] : memref<8x32x128xf32, #tpu.memory_space<vmem>> -> memref<1x32x128xf32, #tpu.memory_space<vmem>>
    %dma_wait3A_384 = tpu.memref_squeeze %dma_wait3A_383 : memref<1x32x128xf32, #tpu.memory_space<vmem>> -> memref<32x128xf32, #tpu.memory_space<vmem>>
    %dma_wait3A_385 = arith.constant 0 : i32
    %dma_wait3A_386 = tpu.memref_slice %arg5[%dma_wait3A_385, %multiple_of3A_370] : memref<32x1000000xf32, #tpu.memory_space<hbm>> -> memref<32x128xf32, #tpu.memory_space<hbm>>
    tpu.wait_dma2 semaphore(%dma_wait3A_380 : memref<!tpu.dma_semaphore, #tpu.memory_space<semaphore_mem>>) src(%dma_wait3A_386 : memref<32x128xf32, #tpu.memory_space<hbm>>) dst(%dma_wait3A_384 : memref<32x128xf32, #tpu.memory_space<vmem>>)
    %broadcast_in_dim3A_387 = arith.constant 0 : i32
    %broadcast_in_dim3A_388 = vector.broadcast %broadcast_in_dim3A_387 : i32 to vector<16xi32>
    %slice3A_389 = vector.extract_strided_slice %scan3A_344#0 {offsets = [8], sizes = [1], strides = [1]} : vector<16xi32> to vector<1xi32>
    %squeeze3A_390 = vector.extract %slice3A_389[0] : i32 from vector<1xi32>
    %and3A_391 = arith.constant 127 : i32
    %and3A_392 = arith.andi %squeeze3A_390, %and3A_391 : i32
    %broadcast_in_dim3A_393 = vector.broadcast %and3A_392 : i32 to vector<16xi32>
    %slice3A_394 = vector.extract_strided_slice %scan3A_344#1 {offsets = [8], sizes = [1], strides = [1]} : vector<16xi32> to vector<1xi32>
    %squeeze3A_395 = vector.extract %slice3A_394[0] : i32 from vector<1xi32>
    %and3A_396 = arith.constant 127 : i32
    %and3A_397 = arith.andi %squeeze3A_395, %and3A_396 : i32
    %broadcast_in_dim3A_398 = vector.broadcast %and3A_397 : i32 to vector<16xi32>
    %gather3A = tpu.vector_load_idx %arg9[%broadcast_in_dim3A_388, %iota3A, %broadcast_in_dim3A_393] : memref<8x32x128xf32, #tpu.memory_space<vmem>>[vector<16xi32>, vector<16xi32>, vector<16xi32>], vector<16xf32>,
    %gather3A_399 = tpu.vector_load_idx %arg10[%broadcast_in_dim3A_388, %iota3A, %broadcast_in_dim3A_398] : memref<8x32x128xf32, #tpu.memory_space<vmem>>[vector<16xi32>, vector<16xi32>, vector<16xi32>], vector<16xf32>,
    %mul3A_400 = arith.mulf %gather3A, %gather3A_399 : vector<16xf32>
    %gather3A_401 = tpu.vector_load_idx %arg9[%broadcast_in_dim3A_388, %add3A_5, %broadcast_in_dim3A_393] : memref<8x32x128xf32, #tpu.memory_space<vmem>>[vector<16xi32>, vector<16xi32>, vector<16xi32>], vector<16xf32>,
    %gather3A_402 = tpu.vector_load_idx %arg10[%broadcast_in_dim3A_388, %add3A_5, %broadcast_in_dim3A_398] : memref<8x32x128xf32, #tpu.memory_space<vmem>>[vector<16xi32>, vector<16xi32>, vector<16xi32>], vector<16xf32>,
    %mul3A_403 = arith.mulf %gather3A_401, %gather3A_402 : vector<16xf32>
    %add3A_404 = arith.addf %mul3A_400, %mul3A_403 : vector<16xf32>
    %reduce_sum3A = arith.constant true
    %reduce_sum3A_405 = vector.broadcast %reduce_sum3A : i1 to vector<16xi1>
    %reduce_sum3A_406 = tpu.scan <sum>, %add3A_404 masked %reduce_sum3A_405 : vector<16xf32>, vector<16xi1> -> vector<16xf32>
    %reduce_sum3A_407 = vector.extract %reduce_sum3A_406[15] : f32 from vector<16xf32>
    %eq3A = arith.constant 8 : i32
    %eq3A_408 = vector.broadcast %eq3A : i32 to vector<16xi32>
    %eq3A_409 = arith.cmpi eq, %iota3A, %eq3A_408 : vector<16xi32>
    %broadcast_in_dim3A_410 = vector.broadcast %reduce_sum3A_407 : f32 to vector<16xf32>
    %select_n3A = arith.select %eq3A_409, %broadcast_in_dim3A_410, %scan3A_344#2 : vector<16xi1>, vector<16xf32>
    %slice3A_411 = vector.extract_strided_slice %scan3A_344#0 {offsets = [9], sizes = [1], strides = [1]} : vector<16xi32> to vector<1xi32>
    %squeeze3A_412 = vector.extract %slice3A_411[0] : i32 from vector<1xi32>
    %and3A_413 = arith.constant -128 : i32
    %and3A_414 = arith.andi %squeeze3A_412, %and3A_413 : i32
    %slice3A_415 = vector.extract_strided_slice %scan3A_344#1 {offsets = [9], sizes = [1], strides = [1]} : vector<16xi32> to vector<1xi32>
    %squeeze3A_416 = vector.extract %slice3A_415[0] : i32 from vector<1xi32>
    %and3A_417 = arith.constant -128 : i32
    %and3A_418 = arith.andi %squeeze3A_416, %and3A_417 : i32
    %multiple_of3A_419 = tpu.assume_multiple %and3A_414, 128 : i32
    %dma_wait3A_420 = arith.constant 1 : i32
    %dma_wait3A_421 = arith.constant 1 : i32
    %dma_wait3A_422 = arith.constant 0 : i32
    %dma_wait3A_423 = arith.constant 0 : i32
    %dma_wait3A_424 = tpu.memref_slice %arg9[%dma_wait3A_420, %dma_wait3A_422, %dma_wait3A_423] : memref<8x32x128xf32, #tpu.memory_space<vmem>> -> memref<1x32x128xf32, #tpu.memory_space<vmem>>
    %dma_wait3A_425 = tpu.memref_squeeze %dma_wait3A_424 : memref<1x32x128xf32, #tpu.memory_space<vmem>> -> memref<32x128xf32, #tpu.memory_space<vmem>>
    %dma_wait3A_426 = arith.constant 0 : i32
    %dma_wait3A_427 = tpu.memref_slice %arg4[%dma_wait3A_426, %multiple_of3A_419] : memref<32x1000000xf32, #tpu.memory_space<hbm>> -> memref<32x128xf32, #tpu.memory_space<hbm>>
    %dma_wait3A_428 = tpu.memref_slice %arg12[%dma_wait3A_421] : memref<8x!tpu.dma_semaphore, #tpu.memory_space<semaphore_mem>> -> memref<1x!tpu.dma_semaphore, #tpu.memory_space<semaphore_mem>>
    %dma_wait3A_429 = tpu.memref_squeeze %dma_wait3A_428 : memref<1x!tpu.dma_semaphore, #tpu.memory_space<semaphore_mem>> -> memref<!tpu.dma_semaphore, #tpu.memory_space<semaphore_mem>>
    %dma_wait3A_430 = arith.constant 0 : i32
    %dma_wait3A_431 = arith.constant 0 : i32
    %dma_wait3A_432 = tpu.memref_slice %arg9[%dma_wait3A_420, %dma_wait3A_430, %dma_wait3A_431] : memref<8x32x128xf32, #tpu.memory_space<vmem>> -> memref<1x32x128xf32, #tpu.memory_space<vmem>>
    %dma_wait3A_433 = tpu.memref_squeeze %dma_wait3A_432 : memref<1x32x128xf32, #tpu.memory_space<vmem>> -> memref<32x128xf32, #tpu.memory_space<vmem>>
    %dma_wait3A_434 = arith.constant 0 : i32
    %dma_wait3A_435 = tpu.memref_slice %arg4[%dma_wait3A_434, %multiple_of3A_419] : memref<32x1000000xf32, #tpu.memory_space<hbm>> -> memref<32x128xf32, #tpu.memory_space<hbm>>
    tpu.wait_dma2 semaphore(%dma_wait3A_429 : memref<!tpu.dma_semaphore, #tpu.memory_space<semaphore_mem>>) src(%dma_wait3A_435 : memref<32x128xf32, #tpu.memory_space<hbm>>) dst(%dma_wait3A_433 : memref<32x128xf32, #tpu.memory_space<vmem>>)
    %multiple_of3A_436 = tpu.assume_multiple %and3A_418, 128 : i32
    %dma_wait3A_437 = arith.constant 1 : i32
    %dma_wait3A_438 = arith.constant 1 : i32
    %dma_wait3A_439 = arith.constant 0 : i32
    %dma_wait3A_440 = arith.constant 0 : i32
    %dma_wait3A_441 = tpu.memref_slice %arg10[%dma_wait3A_437, %dma_wait3A_439, %dma_wait3A_440] : memref<8x32x128xf32, #tpu.memory_space<vmem>> -> memref<1x32x128xf32, #tpu.memory_space<vmem>>
    %dma_wait3A_442 = tpu.memref_squeeze %dma_wait3A_441 : memref<1x32x128xf32, #tpu.memory_space<vmem>> -> memref<32x128xf32, #tpu.memory_space<vmem>>
    %dma_wait3A_443 = arith.constant 0 : i32
    %dma_wait3A_444 = tpu.memref_slice %arg5[%dma_wait3A_443, %multiple_of3A_436] : memref<32x1000000xf32, #tpu.memory_space<hbm>> -> memref<32x128xf32, #tpu.memory_space<hbm>>
    %dma_wait3A_445 = tpu.memref_slice %arg12[%dma_wait3A_438] : memref<8x!tpu.dma_semaphore, #tpu.memory_space<semaphore_mem>> -> memref<1x!tpu.dma_semaphore, #tpu.memory_space<semaphore_mem>>
    %dma_wait3A_446 = tpu.memref_squeeze %dma_wait3A_445 : memref<1x!tpu.dma_semaphore, #tpu.memory_space<semaphore_mem>> -> memref<!tpu.dma_semaphore, #tpu.memory_space<semaphore_mem>>
    %dma_wait3A_447 = arith.constant 0 : i32
    %dma_wait3A_448 = arith.constant 0 : i32
    %dma_wait3A_449 = tpu.memref_slice %arg10[%dma_wait3A_437, %dma_wait3A_447, %dma_wait3A_448] : memref<8x32x128xf32, #tpu.memory_space<vmem>> -> memref<1x32x128xf32, #tpu.memory_space<vmem>>
    %dma_wait3A_450 = tpu.memref_squeeze %dma_wait3A_449 : memref<1x32x128xf32, #tpu.memory_space<vmem>> -> memref<32x128xf32, #tpu.memory_space<vmem>>
    %dma_wait3A_451 = arith.constant 0 : i32
    %dma_wait3A_452 = tpu.memref_slice %arg5[%dma_wait3A_451, %multiple_of3A_436] : memref<32x1000000xf32, #tpu.memory_space<hbm>> -> memref<32x128xf32, #tpu.memory_space<hbm>>
    tpu.wait_dma2 semaphore(%dma_wait3A_446 : memref<!tpu.dma_semaphore, #tpu.memory_space<semaphore_mem>>) src(%dma_wait3A_452 : memref<32x128xf32, #tpu.memory_space<hbm>>) dst(%dma_wait3A_450 : memref<32x128xf32, #tpu.memory_space<vmem>>)
    %broadcast_in_dim3A_453 = arith.constant 1 : i32
    %broadcast_in_dim3A_454 = vector.broadcast %broadcast_in_dim3A_453 : i32 to vector<16xi32>
    %slice3A_455 = vector.extract_strided_slice %scan3A_344#0 {offsets = [9], sizes = [1], strides = [1]} : vector<16xi32> to vector<1xi32>
    %squeeze3A_456 = vector.extract %slice3A_455[0] : i32 from vector<1xi32>
    %and3A_457 = arith.constant 127 : i32
    %and3A_458 = arith.andi %squeeze3A_456, %and3A_457 : i32
    %broadcast_in_dim3A_459 = vector.broadcast %and3A_458 : i32 to vector<16xi32>
    %slice3A_460 = vector.extract_strided_slice %scan3A_344#1 {offsets = [9], sizes = [1], strides = [1]} : vector<16xi32> to vector<1xi32>
    %squeeze3A_461 = vector.extract %slice3A_460[0] : i32 from vector<1xi32>
    %and3A_462 = arith.constant 127 : i32
    %and3A_463 = arith.andi %squeeze3A_461, %and3A_462 : i32
    %broadcast_in_dim3A_464 = vector.broadcast %and3A_463 : i32 to vector<16xi32>
    %gather3A_465 = tpu.vector_load_idx %arg9[%broadcast_in_dim3A_454, %iota3A, %broadcast_in_dim3A_459] : memref<8x32x128xf32, #tpu.memory_space<vmem>>[vector<16xi32>, vector<16xi32>, vector<16xi32>], vector<16xf32>,
    %gather3A_466 = tpu.vector_load_idx %arg10[%broadcast_in_dim3A_454, %iota3A, %broadcast_in_dim3A_464] : memref<8x32x128xf32, #tpu.memory_space<vmem>>[vector<16xi32>, vector<16xi32>, vector<16xi32>], vector<16xf32>,
    %mul3A_467 = arith.mulf %gather3A_465, %gather3A_466 : vector<16xf32>
    %gather3A_468 = tpu.vector_load_idx %arg9[%broadcast_in_dim3A_454, %add3A_5, %broadcast_in_dim3A_459] : memref<8x32x128xf32, #tpu.memory_space<vmem>>[vector<16xi32>, vector<16xi32>, vector<16xi32>], vector<16xf32>,
    %gather3A_469 = tpu.vector_load_idx %arg10[%broadcast_in_dim3A_454, %add3A_5, %broadcast_in_dim3A_464] : memref<8x32x128xf32, #tpu.memory_space<vmem>>[vector<16xi32>, vector<16xi32>, vector<16xi32>], vector<16xf32>,
    %mul3A_470 = arith.mulf %gather3A_468, %gather3A_469 : vector<16xf32>
    %add3A_471 = arith.addf %mul3A_467, %mul3A_470 : vector<16xf32>
    %reduce_sum3A_472 = arith.constant true
    %reduce_sum3A_473 = vector.broadcast %reduce_sum3A_472 : i1 to vector<16xi1>
    %reduce_sum3A_474 = tpu.scan <sum>, %add3A_471 masked %reduce_sum3A_473 : vector<16xf32>, vector<16xi1> -> vector<16xf32>
    %reduce_sum3A_475 = vector.extract %reduce_sum3A_474[15] : f32 from vector<16xf32>
    %eq3A_476 = arith.constant 9 : i32
    %eq3A_477 = vector.broadcast %eq3A_476 : i32 to vector<16xi32>
    %eq3A_478 = arith.cmpi eq, %iota3A, %eq3A_477 : vector<16xi32>
    %broadcast_in_dim3A_479 = vector.broadcast %reduce_sum3A_475 : f32 to vector<16xf32>
    %select_n3A_480 = arith.select %eq3A_478, %broadcast_in_dim3A_479, %select_n3A : vector<16xi1>, vector<16xf32>
    %slice3A_481 = vector.extract_strided_slice %scan3A_344#0 {offsets = [10], sizes = [1], strides = [1]} : vector<16xi32> to vector<1xi32>
    %squeeze3A_482 = vector.extract %slice3A_481[0] : i32 from vector<1xi32>
    %and3A_483 = arith.constant -128 : i32
    %and3A_484 = arith.andi %squeeze3A_482, %and3A_483 : i32
    %slice3A_485 = vector.extract_strided_slice %scan3A_344#1 {offsets = [10], sizes = [1], strides = [1]} : vector<16xi32> to vector<1xi32>
    %squeeze3A_486 = vector.extract %slice3A_485[0] : i32 from vector<1xi32>
    %and3A_487 = arith.constant -128 : i32
    %and3A_488 = arith.andi %squeeze3A_486, %and3A_487 : i32
    %multiple_of3A_489 = tpu.assume_multiple %and3A_484, 128 : i32
    %dma_wait3A_490 = arith.constant 2 : i32
    %dma_wait3A_491 = arith.constant 2 : i32
    %dma_wait3A_492 = arith.constant 0 : i32
    %dma_wait3A_493 = arith.constant 0 : i32
    %dma_wait3A_494 = tpu.memref_slice %arg9[%dma_wait3A_490, %dma_wait3A_492, %dma_wait3A_493] : memref<8x32x128xf32, #tpu.memory_space<vmem>> -> memref<1x32x128xf32, #tpu.memory_space<vmem>>
    %dma_wait3A_495 = tpu.memref_squeeze %dma_wait3A_494 : memref<1x32x128xf32, #tpu.memory_space<vmem>> -> memref<32x128xf32, #tpu.memory_space<vmem>>
    %dma_wait3A_496 = arith.constant 0 : i32
    %dma_wait3A_497 = tpu.memref_slice %arg4[%dma_wait3A_496, %multiple_of3A_489] : memref<32x1000000xf32, #tpu.memory_space<hbm>> -> memref<32x128xf32, #tpu.memory_space<hbm>>
    %dma_wait3A_498 = tpu.memref_slice %arg12[%dma_wait3A_491] : memref<8x!tpu.dma_semaphore, #tpu.memory_space<semaphore_mem>> -> memref<1x!tpu.dma_semaphore, #tpu.memory_space<semaphore_mem>>
    %dma_wait3A_499 = tpu.memref_squeeze %dma_wait3A_498 : memref<1x!tpu.dma_semaphore, #tpu.memory_space<semaphore_mem>> -> memref<!tpu.dma_semaphore, #tpu.memory_space<semaphore_mem>>
    %dma_wait3A_500 = arith.constant 0 : i32
    %dma_wait3A_501 = arith.constant 0 : i32
    %dma_wait3A_502 = tpu.memref_slice %arg9[%dma_wait3A_490, %dma_wait3A_500, %dma_wait3A_501] : memref<8x32x128xf32, #tpu.memory_space<vmem>> -> memref<1x32x128xf32, #tpu.memory_space<vmem>>
    %dma_wait3A_503 = tpu.memref_squeeze %dma_wait3A_502 : memref<1x32x128xf32, #tpu.memory_space<vmem>> -> memref<32x128xf32, #tpu.memory_space<vmem>>
    %dma_wait3A_504 = arith.constant 0 : i32
    %dma_wait3A_505 = tpu.memref_slice %arg4[%dma_wait3A_504, %multiple_of3A_489] : memref<32x1000000xf32, #tpu.memory_space<hbm>> -> memref<32x128xf32, #tpu.memory_space<hbm>>
    tpu.wait_dma2 semaphore(%dma_wait3A_499 : memref<!tpu.dma_semaphore, #tpu.memory_space<semaphore_mem>>) src(%dma_wait3A_505 : memref<32x128xf32, #tpu.memory_space<hbm>>) dst(%dma_wait3A_503 : memref<32x128xf32, #tpu.memory_space<vmem>>)
    %multiple_of3A_506 = tpu.assume_multiple %and3A_488, 128 : i32
    %dma_wait3A_507 = arith.constant 2 : i32
    %dma_wait3A_508 = arith.constant 2 : i32
    %dma_wait3A_509 = arith.constant 0 : i32
    %dma_wait3A_510 = arith.constant 0 : i32
    %dma_wait3A_511 = tpu.memref_slice %arg10[%dma_wait3A_507, %dma_wait3A_509, %dma_wait3A_510] : memref<8x32x128xf32, #tpu.memory_space<vmem>> -> memref<1x32x128xf32, #tpu.memory_space<vmem>>
    %dma_wait3A_512 = tpu.memref_squeeze %dma_wait3A_511 : memref<1x32x128xf32, #tpu.memory_space<vmem>> -> memref<32x128xf32, #tpu.memory_space<vmem>>
    %dma_wait3A_513 = arith.constant 0 : i32
    %dma_wait3A_514 = tpu.memref_slice %arg5[%dma_wait3A_513, %multiple_of3A_506] : memref<32x1000000xf32, #tpu.memory_space<hbm>> -> memref<32x128xf32, #tpu.memory_space<hbm>>
    %dma_wait3A_515 = tpu.memref_slice %arg12[%dma_wait3A_508] : memref<8x!tpu.dma_semaphore, #tpu.memory_space<semaphore_mem>> -> memref<1x!tpu.dma_semaphore, #tpu.memory_space<semaphore_mem>>
    %dma_wait3A_516 = tpu.memref_squeeze %dma_wait3A_515 : memref<1x!tpu.dma_semaphore, #tpu.memory_space<semaphore_mem>> -> memref<!tpu.dma_semaphore, #tpu.memory_space<semaphore_mem>>
    %dma_wait3A_517 = arith.constant 0 : i32
    %dma_wait3A_518 = arith.constant 0 : i32
    %dma_wait3A_519 = tpu.memref_slice %arg10[%dma_wait3A_507, %dma_wait3A_517, %dma_wait3A_518] : memref<8x32x128xf32, #tpu.memory_space<vmem>> -> memref<1x32x128xf32, #tpu.memory_space<vmem>>
    %dma_wait3A_520 = tpu.memref_squeeze %dma_wait3A_519 : memref<1x32x128xf32, #tpu.memory_space<vmem>> -> memref<32x128xf32, #tpu.memory_space<vmem>>
    %dma_wait3A_521 = arith.constant 0 : i32
    %dma_wait3A_522 = tpu.memref_slice %arg5[%dma_wait3A_521, %multiple_of3A_506] : memref<32x1000000xf32, #tpu.memory_space<hbm>> -> memref<32x128xf32, #tpu.memory_space<hbm>>
    tpu.wait_dma2 semaphore(%dma_wait3A_516 : memref<!tpu.dma_semaphore, #tpu.memory_space<semaphore_mem>>) src(%dma_wait3A_522 : memref<32x128xf32, #tpu.memory_space<hbm>>) dst(%dma_wait3A_520 : memref<32x128xf32, #tpu.memory_space<vmem>>)
    %broadcast_in_dim3A_523 = arith.constant 2 : i32
    %broadcast_in_dim3A_524 = vector.broadcast %broadcast_in_dim3A_523 : i32 to vector<16xi32>
    %slice3A_525 = vector.extract_strided_slice %scan3A_344#0 {offsets = [10], sizes = [1], strides = [1]} : vector<16xi32> to vector<1xi32>
    %squeeze3A_526 = vector.extract %slice3A_525[0] : i32 from vector<1xi32>
    %and3A_527 = arith.constant 127 : i32
    %and3A_528 = arith.andi %squeeze3A_526, %and3A_527 : i32
    %broadcast_in_dim3A_529 = vector.broadcast %and3A_528 : i32 to vector<16xi32>
    %slice3A_530 = vector.extract_strided_slice %scan3A_344#1 {offsets = [10], sizes = [1], strides = [1]} : vector<16xi32> to vector<1xi32>
    %squeeze3A_531 = vector.extract %slice3A_530[0] : i32 from vector<1xi32>
    %and3A_532 = arith.constant 127 : i32
    %and3A_533 = arith.andi %squeeze3A_531, %and3A_532 : i32
    %broadcast_in_dim3A_534 = vector.broadcast %and3A_533 : i32 to vector<16xi32>
    %gather3A_535 = tpu.vector_load_idx %arg9[%broadcast_in_dim3A_524, %iota3A, %broadcast_in_dim3A_529] : memref<8x32x128xf32, #tpu.memory_space<vmem>>[vector<16xi32>, vector<16xi32>, vector<16xi32>], vector<16xf32>,
    %gather3A_536 = tpu.vector_load_idx %arg10[%broadcast_in_dim3A_524, %iota3A, %broadcast_in_dim3A_534] : memref<8x32x128xf32, #tpu.memory_space<vmem>>[vector<16xi32>, vector<16xi32>, vector<16xi32>], vector<16xf32>,
    %mul3A_537 = arith.mulf %gather3A_535, %gather3A_536 : vector<16xf32>
    %gather3A_538 = tpu.vector_load_idx %arg9[%broadcast_in_dim3A_524, %add3A_5, %broadcast_in_dim3A_529] : memref<8x32x128xf32, #tpu.memory_space<vmem>>[vector<16xi32>, vector<16xi32>, vector<16xi32>], vector<16xf32>,
    %gather3A_539 = tpu.vector_load_idx %arg10[%broadcast_in_dim3A_524, %add3A_5, %broadcast_in_dim3A_534] : memref<8x32x128xf32, #tpu.memory_space<vmem>>[vector<16xi32>, vector<16xi32>, vector<16xi32>], vector<16xf32>,
    %mul3A_540 = arith.mulf %gather3A_538, %gather3A_539 : vector<16xf32>
    %add3A_541 = arith.addf %mul3A_537, %mul3A_540 : vector<16xf32>
    %reduce_sum3A_542 = arith.constant true
    %reduce_sum3A_543 = vector.broadcast %reduce_sum3A_542 : i1 to vector<16xi1>
    %reduce_sum3A_544 = tpu.scan <sum>, %add3A_541 masked %reduce_sum3A_543 : vector<16xf32>, vector<16xi1> -> vector<16xf32>
    %reduce_sum3A_545 = vector.extract %reduce_sum3A_544[15] : f32 from vector<16xf32>
    %eq3A_546 = arith.constant 10 : i32
    %eq3A_547 = vector.broadcast %eq3A_546 : i32 to vector<16xi32>
    %eq3A_548 = arith.cmpi eq, %iota3A, %eq3A_547 : vector<16xi32>
    %broadcast_in_dim3A_549 = vector.broadcast %reduce_sum3A_545 : f32 to vector<16xf32>
    %select_n3A_550 = arith.select %eq3A_548, %broadcast_in_dim3A_549, %select_n3A_480 : vector<16xi1>, vector<16xf32>
    %slice3A_551 = vector.extract_strided_slice %scan3A_344#0 {offsets = [11], sizes = [1], strides = [1]} : vector<16xi32> to vector<1xi32>
    %squeeze3A_552 = vector.extract %slice3A_551[0] : i32 from vector<1xi32>
    %and3A_553 = arith.constant -128 : i32
    %and3A_554 = arith.andi %squeeze3A_552, %and3A_553 : i32
    %slice3A_555 = vector.extract_strided_slice %scan3A_344#1 {offsets = [11], sizes = [1], strides = [1]} : vector<16xi32> to vector<1xi32>
    %squeeze3A_556 = vector.extract %slice3A_555[0] : i32 from vector<1xi32>
    %and3A_557 = arith.constant -128 : i32
    %and3A_558 = arith.andi %squeeze3A_556, %and3A_557 : i32
    %multiple_of3A_559 = tpu.assume_multiple %and3A_554, 128 : i32
    %dma_wait3A_560 = arith.constant 3 : i32
    %dma_wait3A_561 = arith.constant 3 : i32
    %dma_wait3A_562 = arith.constant 0 : i32
    %dma_wait3A_563 = arith.constant 0 : i32
    %dma_wait3A_564 = tpu.memref_slice %arg9[%dma_wait3A_560, %dma_wait3A_562, %dma_wait3A_563] : memref<8x32x128xf32, #tpu.memory_space<vmem>> -> memref<1x32x128xf32, #tpu.memory_space<vmem>>
    %dma_wait3A_565 = tpu.memref_squeeze %dma_wait3A_564 : memref<1x32x128xf32, #tpu.memory_space<vmem>> -> memref<32x128xf32, #tpu.memory_space<vmem>>
    %dma_wait3A_566 = arith.constant 0 : i32
    %dma_wait3A_567 = tpu.memref_slice %arg4[%dma_wait3A_566, %multiple_of3A_559] : memref<32x1000000xf32, #tpu.memory_space<hbm>> -> memref<32x128xf32, #tpu.memory_space<hbm>>
    %dma_wait3A_568 = tpu.memref_slice %arg12[%dma_wait3A_561] : memref<8x!tpu.dma_semaphore, #tpu.memory_space<semaphore_mem>> -> memref<1x!tpu.dma_semaphore, #tpu.memory_space<semaphore_mem>>
    %dma_wait3A_569 = tpu.memref_squeeze %dma_wait3A_568 : memref<1x!tpu.dma_semaphore, #tpu.memory_space<semaphore_mem>> -> memref<!tpu.dma_semaphore, #tpu.memory_space<semaphore_mem>>
    %dma_wait3A_570 = arith.constant 0 : i32
    %dma_wait3A_571 = arith.constant 0 : i32
    %dma_wait3A_572 = tpu.memref_slice %arg9[%dma_wait3A_560, %dma_wait3A_570, %dma_wait3A_571] : memref<8x32x128xf32, #tpu.memory_space<vmem>> -> memref<1x32x128xf32, #tpu.memory_space<vmem>>
    %dma_wait3A_573 = tpu.memref_squeeze %dma_wait3A_572 : memref<1x32x128xf32, #tpu.memory_space<vmem>> -> memref<32x128xf32, #tpu.memory_space<vmem>>
    %dma_wait3A_574 = arith.constant 0 : i32
    %dma_wait3A_575 = tpu.memref_slice %arg4[%dma_wait3A_574, %multiple_of3A_559] : memref<32x1000000xf32, #tpu.memory_space<hbm>> -> memref<32x128xf32, #tpu.memory_space<hbm>>
    tpu.wait_dma2 semaphore(%dma_wait3A_569 : memref<!tpu.dma_semaphore, #tpu.memory_space<semaphore_mem>>) src(%dma_wait3A_575 : memref<32x128xf32, #tpu.memory_space<hbm>>) dst(%dma_wait3A_573 : memref<32x128xf32, #tpu.memory_space<vmem>>)
    %multiple_of3A_576 = tpu.assume_multiple %and3A_558, 128 : i32
    %dma_wait3A_577 = arith.constant 3 : i32
    %dma_wait3A_578 = arith.constant 3 : i32
    %dma_wait3A_579 = arith.constant 0 : i32
    %dma_wait3A_580 = arith.constant 0 : i32
    %dma_wait3A_581 = tpu.memref_slice %arg10[%dma_wait3A_577, %dma_wait3A_579, %dma_wait3A_580] : memref<8x32x128xf32, #tpu.memory_space<vmem>> -> memref<1x32x128xf32, #tpu.memory_space<vmem>>
    %dma_wait3A_582 = tpu.memref_squeeze %dma_wait3A_581 : memref<1x32x128xf32, #tpu.memory_space<vmem>> -> memref<32x128xf32, #tpu.memory_space<vmem>>
    %dma_wait3A_583 = arith.constant 0 : i32
    %dma_wait3A_584 = tpu.memref_slice %arg5[%dma_wait3A_583, %multiple_of3A_576] : memref<32x1000000xf32, #tpu.memory_space<hbm>> -> memref<32x128xf32, #tpu.memory_space<hbm>>
    %dma_wait3A_585 = tpu.memref_slice %arg12[%dma_wait3A_578] : memref<8x!tpu.dma_semaphore, #tpu.memory_space<semaphore_mem>> -> memref<1x!tpu.dma_semaphore, #tpu.memory_space<semaphore_mem>>
    %dma_wait3A_586 = tpu.memref_squeeze %dma_wait3A_585 : memref<1x!tpu.dma_semaphore, #tpu.memory_space<semaphore_mem>> -> memref<!tpu.dma_semaphore, #tpu.memory_space<semaphore_mem>>
    %dma_wait3A_587 = arith.constant 0 : i32
    %dma_wait3A_588 = arith.constant 0 : i32
    %dma_wait3A_589 = tpu.memref_slice %arg10[%dma_wait3A_577, %dma_wait3A_587, %dma_wait3A_588] : memref<8x32x128xf32, #tpu.memory_space<vmem>> -> memref<1x32x128xf32, #tpu.memory_space<vmem>>
    %dma_wait3A_590 = tpu.memref_squeeze %dma_wait3A_589 : memref<1x32x128xf32, #tpu.memory_space<vmem>> -> memref<32x128xf32, #tpu.memory_space<vmem>>
    %dma_wait3A_591 = arith.constant 0 : i32
    %dma_wait3A_592 = tpu.memref_slice %arg5[%dma_wait3A_591, %multiple_of3A_576] : memref<32x1000000xf32, #tpu.memory_space<hbm>> -> memref<32x128xf32, #tpu.memory_space<hbm>>
    tpu.wait_dma2 semaphore(%dma_wait3A_586 : memref<!tpu.dma_semaphore, #tpu.memory_space<semaphore_mem>>) src(%dma_wait3A_592 : memref<32x128xf32, #tpu.memory_space<hbm>>) dst(%dma_wait3A_590 : memref<32x128xf32, #tpu.memory_space<vmem>>)
    %broadcast_in_dim3A_593 = arith.constant 3 : i32
    %broadcast_in_dim3A_594 = vector.broadcast %broadcast_in_dim3A_593 : i32 to vector<16xi32>
    %slice3A_595 = vector.extract_strided_slice %scan3A_344#0 {offsets = [11], sizes = [1], strides = [1]} : vector<16xi32> to vector<1xi32>
    %squeeze3A_596 = vector.extract %slice3A_595[0] : i32 from vector<1xi32>
    %and3A_597 = arith.constant 127 : i32
    %and3A_598 = arith.andi %squeeze3A_596, %and3A_597 : i32
    %broadcast_in_dim3A_599 = vector.broadcast %and3A_598 : i32 to vector<16xi32>
    %slice3A_600 = vector.extract_strided_slice %scan3A_344#1 {offsets = [11], sizes = [1], strides = [1]} : vector<16xi32> to vector<1xi32>
    %squeeze3A_601 = vector.extract %slice3A_600[0] : i32 from vector<1xi32>
    %and3A_602 = arith.constant 127 : i32
    %and3A_603 = arith.andi %squeeze3A_601, %and3A_602 : i32
    %broadcast_in_dim3A_604 = vector.broadcast %and3A_603 : i32 to vector<16xi32>
    %gather3A_605 = tpu.vector_load_idx %arg9[%broadcast_in_dim3A_594, %iota3A, %broadcast_in_dim3A_599] : memref<8x32x128xf32, #tpu.memory_space<vmem>>[vector<16xi32>, vector<16xi32>, vector<16xi32>], vector<16xf32>,
    %gather3A_606 = tpu.vector_load_idx %arg10[%broadcast_in_dim3A_594, %iota3A, %broadcast_in_dim3A_604] : memref<8x32x128xf32, #tpu.memory_space<vmem>>[vector<16xi32>, vector<16xi32>, vector<16xi32>], vector<16xf32>,
    %mul3A_607 = arith.mulf %gather3A_605, %gather3A_606 : vector<16xf32>
    %gather3A_608 = tpu.vector_load_idx %arg9[%broadcast_in_dim3A_594, %add3A_5, %broadcast_in_dim3A_599] : memref<8x32x128xf32, #tpu.memory_space<vmem>>[vector<16xi32>, vector<16xi32>, vector<16xi32>], vector<16xf32>,
    %gather3A_609 = tpu.vector_load_idx %arg10[%broadcast_in_dim3A_594, %add3A_5, %broadcast_in_dim3A_604] : memref<8x32x128xf32, #tpu.memory_space<vmem>>[vector<16xi32>, vector<16xi32>, vector<16xi32>], vector<16xf32>,
    %mul3A_610 = arith.mulf %gather3A_608, %gather3A_609 : vector<16xf32>
    %add3A_611 = arith.addf %mul3A_607, %mul3A_610 : vector<16xf32>
    %reduce_sum3A_612 = arith.constant true
    %reduce_sum3A_613 = vector.broadcast %reduce_sum3A_612 : i1 to vector<16xi1>
    %reduce_sum3A_614 = tpu.scan <sum>, %add3A_611 masked %reduce_sum3A_613 : vector<16xf32>, vector<16xi1> -> vector<16xf32>
    %reduce_sum3A_615 = vector.extract %reduce_sum3A_614[15] : f32 from vector<16xf32>
    %eq3A_616 = arith.constant 11 : i32
    %eq3A_617 = vector.broadcast %eq3A_616 : i32 to vector<16xi32>
    %eq3A_618 = arith.cmpi eq, %iota3A, %eq3A_617 : vector<16xi32>
    %broadcast_in_dim3A_619 = vector.broadcast %reduce_sum3A_615 : f32 to vector<16xf32>
    %select_n3A_620 = arith.select %eq3A_618, %broadcast_in_dim3A_619, %select_n3A_550 : vector<16xi1>, vector<16xf32>
    %slice3A_621 = vector.extract_strided_slice %scan3A_344#0 {offsets = [12], sizes = [1], strides = [1]} : vector<16xi32> to vector<1xi32>
    %squeeze3A_622 = vector.extract %slice3A_621[0] : i32 from vector<1xi32>
    %and3A_623 = arith.constant -128 : i32
    %and3A_624 = arith.andi %squeeze3A_622, %and3A_623 : i32
    %slice3A_625 = vector.extract_strided_slice %scan3A_344#1 {offsets = [12], sizes = [1], strides = [1]} : vector<16xi32> to vector<1xi32>
    %squeeze3A_626 = vector.extract %slice3A_625[0] : i32 from vector<1xi32>
    %and3A_627 = arith.constant -128 : i32
    %and3A_628 = arith.andi %squeeze3A_626, %and3A_627 : i32
    %multiple_of3A_629 = tpu.assume_multiple %and3A_624, 128 : i32
    %dma_wait3A_630 = arith.constant 4 : i32
    %dma_wait3A_631 = arith.constant 4 : i32
    %dma_wait3A_632 = arith.constant 0 : i32
    %dma_wait3A_633 = arith.constant 0 : i32
    %dma_wait3A_634 = tpu.memref_slice %arg9[%dma_wait3A_630, %dma_wait3A_632, %dma_wait3A_633] : memref<8x32x128xf32, #tpu.memory_space<vmem>> -> memref<1x32x128xf32, #tpu.memory_space<vmem>>
    %dma_wait3A_635 = tpu.memref_squeeze %dma_wait3A_634 : memref<1x32x128xf32, #tpu.memory_space<vmem>> -> memref<32x128xf32, #tpu.memory_space<vmem>>
    %dma_wait3A_636 = arith.constant 0 : i32
    %dma_wait3A_637 = tpu.memref_slice %arg4[%dma_wait3A_636, %multiple_of3A_629] : memref<32x1000000xf32, #tpu.memory_space<hbm>> -> memref<32x128xf32, #tpu.memory_space<hbm>>
    %dma_wait3A_638 = tpu.memref_slice %arg12[%dma_wait3A_631] : memref<8x!tpu.dma_semaphore, #tpu.memory_space<semaphore_mem>> -> memref<1x!tpu.dma_semaphore, #tpu.memory_space<semaphore_mem>>
    %dma_wait3A_639 = tpu.memref_squeeze %dma_wait3A_638 : memref<1x!tpu.dma_semaphore, #tpu.memory_space<semaphore_mem>> -> memref<!tpu.dma_semaphore, #tpu.memory_space<semaphore_mem>>
    %dma_wait3A_640 = arith.constant 0 : i32
    %dma_wait3A_641 = arith.constant 0 : i32
    %dma_wait3A_642 = tpu.memref_slice %arg9[%dma_wait3A_630, %dma_wait3A_640, %dma_wait3A_641] : memref<8x32x128xf32, #tpu.memory_space<vmem>> -> memref<1x32x128xf32, #tpu.memory_space<vmem>>
    %dma_wait3A_643 = tpu.memref_squeeze %dma_wait3A_642 : memref<1x32x128xf32, #tpu.memory_space<vmem>> -> memref<32x128xf32, #tpu.memory_space<vmem>>
    %dma_wait3A_644 = arith.constant 0 : i32
    %dma_wait3A_645 = tpu.memref_slice %arg4[%dma_wait3A_644, %multiple_of3A_629] : memref<32x1000000xf32, #tpu.memory_space<hbm>> -> memref<32x128xf32, #tpu.memory_space<hbm>>
    tpu.wait_dma2 semaphore(%dma_wait3A_639 : memref<!tpu.dma_semaphore, #tpu.memory_space<semaphore_mem>>) src(%dma_wait3A_645 : memref<32x128xf32, #tpu.memory_space<hbm>>) dst(%dma_wait3A_643 : memref<32x128xf32, #tpu.memory_space<vmem>>)
    %multiple_of3A_646 = tpu.assume_multiple %and3A_628, 128 : i32
    %dma_wait3A_647 = arith.constant 4 : i32
    %dma_wait3A_648 = arith.constant 4 : i32
    %dma_wait3A_649 = arith.constant 0 : i32
    %dma_wait3A_650 = arith.constant 0 : i32
    %dma_wait3A_651 = tpu.memref_slice %arg10[%dma_wait3A_647, %dma_wait3A_649, %dma_wait3A_650] : memref<8x32x128xf32, #tpu.memory_space<vmem>> -> memref<1x32x128xf32, #tpu.memory_space<vmem>>
    %dma_wait3A_652 = tpu.memref_squeeze %dma_wait3A_651 : memref<1x32x128xf32, #tpu.memory_space<vmem>> -> memref<32x128xf32, #tpu.memory_space<vmem>>
    %dma_wait3A_653 = arith.constant 0 : i32
    %dma_wait3A_654 = tpu.memref_slice %arg5[%dma_wait3A_653, %multiple_of3A_646] : memref<32x1000000xf32, #tpu.memory_space<hbm>> -> memref<32x128xf32, #tpu.memory_space<hbm>>
    %dma_wait3A_655 = tpu.memref_slice %arg12[%dma_wait3A_648] : memref<8x!tpu.dma_semaphore, #tpu.memory_space<semaphore_mem>> -> memref<1x!tpu.dma_semaphore, #tpu.memory_space<semaphore_mem>>
    %dma_wait3A_656 = tpu.memref_squeeze %dma_wait3A_655 : memref<1x!tpu.dma_semaphore, #tpu.memory_space<semaphore_mem>> -> memref<!tpu.dma_semaphore, #tpu.memory_space<semaphore_mem>>
    %dma_wait3A_657 = arith.constant 0 : i32
    %dma_wait3A_658 = arith.constant 0 : i32
    %dma_wait3A_659 = tpu.memref_slice %arg10[%dma_wait3A_647, %dma_wait3A_657, %dma_wait3A_658] : memref<8x32x128xf32, #tpu.memory_space<vmem>> -> memref<1x32x128xf32, #tpu.memory_space<vmem>>
    %dma_wait3A_660 = tpu.memref_squeeze %dma_wait3A_659 : memref<1x32x128xf32, #tpu.memory_space<vmem>> -> memref<32x128xf32, #tpu.memory_space<vmem>>
    %dma_wait3A_661 = arith.constant 0 : i32
    %dma_wait3A_662 = tpu.memref_slice %arg5[%dma_wait3A_661, %multiple_of3A_646] : memref<32x1000000xf32, #tpu.memory_space<hbm>> -> memref<32x128xf32, #tpu.memory_space<hbm>>
    tpu.wait_dma2 semaphore(%dma_wait3A_656 : memref<!tpu.dma_semaphore, #tpu.memory_space<semaphore_mem>>) src(%dma_wait3A_662 : memref<32x128xf32, #tpu.memory_space<hbm>>) dst(%dma_wait3A_660 : memref<32x128xf32, #tpu.memory_space<vmem>>)
    %broadcast_in_dim3A_663 = arith.constant 4 : i32
    %broadcast_in_dim3A_664 = vector.broadcast %broadcast_in_dim3A_663 : i32 to vector<16xi32>
    %slice3A_665 = vector.extract_strided_slice %scan3A_344#0 {offsets = [12], sizes = [1], strides = [1]} : vector<16xi32> to vector<1xi32>
    %squeeze3A_666 = vector.extract %slice3A_665[0] : i32 from vector<1xi32>
    %and3A_667 = arith.constant 127 : i32
    %and3A_668 = arith.andi %squeeze3A_666, %and3A_667 : i32
    %broadcast_in_dim3A_669 = vector.broadcast %and3A_668 : i32 to vector<16xi32>
    %slice3A_670 = vector.extract_strided_slice %scan3A_344#1 {offsets = [12], sizes = [1], strides = [1]} : vector<16xi32> to vector<1xi32>
    %squeeze3A_671 = vector.extract %slice3A_670[0] : i32 from vector<1xi32>
    %and3A_672 = arith.constant 127 : i32
    %and3A_673 = arith.andi %squeeze3A_671, %and3A_672 : i32
    %broadcast_in_dim3A_674 = vector.broadcast %and3A_673 : i32 to vector<16xi32>
    %gather3A_675 = tpu.vector_load_idx %arg9[%broadcast_in_dim3A_664, %iota3A, %broadcast_in_dim3A_669] : memref<8x32x128xf32, #tpu.memory_space<vmem>>[vector<16xi32>, vector<16xi32>, vector<16xi32>], vector<16xf32>,
    %gather3A_676 = tpu.vector_load_idx %arg10[%broadcast_in_dim3A_664, %iota3A, %broadcast_in_dim3A_674] : memref<8x32x128xf32, #tpu.memory_space<vmem>>[vector<16xi32>, vector<16xi32>, vector<16xi32>], vector<16xf32>,
    %mul3A_677 = arith.mulf %gather3A_675, %gather3A_676 : vector<16xf32>
    %gather3A_678 = tpu.vector_load_idx %arg9[%broadcast_in_dim3A_664, %add3A_5, %broadcast_in_dim3A_669] : memref<8x32x128xf32, #tpu.memory_space<vmem>>[vector<16xi32>, vector<16xi32>, vector<16xi32>], vector<16xf32>,
    %gather3A_679 = tpu.vector_load_idx %arg10[%broadcast_in_dim3A_664, %add3A_5, %broadcast_in_dim3A_674] : memref<8x32x128xf32, #tpu.memory_space<vmem>>[vector<16xi32>, vector<16xi32>, vector<16xi32>], vector<16xf32>,
    %mul3A_680 = arith.mulf %gather3A_678, %gather3A_679 : vector<16xf32>
    %add3A_681 = arith.addf %mul3A_677, %mul3A_680 : vector<16xf32>
    %reduce_sum3A_682 = arith.constant true
    %reduce_sum3A_683 = vector.broadcast %reduce_sum3A_682 : i1 to vector<16xi1>
    %reduce_sum3A_684 = tpu.scan <sum>, %add3A_681 masked %reduce_sum3A_683 : vector<16xf32>, vector<16xi1> -> vector<16xf32>
    %reduce_sum3A_685 = vector.extract %reduce_sum3A_684[15] : f32 from vector<16xf32>
    %eq3A_686 = arith.constant 12 : i32
    %eq3A_687 = vector.broadcast %eq3A_686 : i32 to vector<16xi32>
    %eq3A_688 = arith.cmpi eq, %iota3A, %eq3A_687 : vector<16xi32>
    %broadcast_in_dim3A_689 = vector.broadcast %reduce_sum3A_685 : f32 to vector<16xf32>
    %select_n3A_690 = arith.select %eq3A_688, %broadcast_in_dim3A_689, %select_n3A_620 : vector<16xi1>, vector<16xf32>
    %slice3A_691 = vector.extract_strided_slice %scan3A_344#0 {offsets = [13], sizes = [1], strides = [1]} : vector<16xi32> to vector<1xi32>
    %squeeze3A_692 = vector.extract %slice3A_691[0] : i32 from vector<1xi32>
    %and3A_693 = arith.constant -128 : i32
    %and3A_694 = arith.andi %squeeze3A_692, %and3A_693 : i32
    %slice3A_695 = vector.extract_strided_slice %scan3A_344#1 {offsets = [13], sizes = [1], strides = [1]} : vector<16xi32> to vector<1xi32>
    %squeeze3A_696 = vector.extract %slice3A_695[0] : i32 from vector<1xi32>
    %and3A_697 = arith.constant -128 : i32
    %and3A_698 = arith.andi %squeeze3A_696, %and3A_697 : i32
    %multiple_of3A_699 = tpu.assume_multiple %and3A_694, 128 : i32
    %dma_wait3A_700 = arith.constant 5 : i32
    %dma_wait3A_701 = arith.constant 5 : i32
    %dma_wait3A_702 = arith.constant 0 : i32
    %dma_wait3A_703 = arith.constant 0 : i32
    %dma_wait3A_704 = tpu.memref_slice %arg9[%dma_wait3A_700, %dma_wait3A_702, %dma_wait3A_703] : memref<8x32x128xf32, #tpu.memory_space<vmem>> -> memref<1x32x128xf32, #tpu.memory_space<vmem>>
    %dma_wait3A_705 = tpu.memref_squeeze %dma_wait3A_704 : memref<1x32x128xf32, #tpu.memory_space<vmem>> -> memref<32x128xf32, #tpu.memory_space<vmem>>
    %dma_wait3A_706 = arith.constant 0 : i32
    %dma_wait3A_707 = tpu.memref_slice %arg4[%dma_wait3A_706, %multiple_of3A_699] : memref<32x1000000xf32, #tpu.memory_space<hbm>> -> memref<32x128xf32, #tpu.memory_space<hbm>>
    %dma_wait3A_708 = tpu.memref_slice %arg12[%dma_wait3A_701] : memref<8x!tpu.dma_semaphore, #tpu.memory_space<semaphore_mem>> -> memref<1x!tpu.dma_semaphore, #tpu.memory_space<semaphore_mem>>
    %dma_wait3A_709 = tpu.memref_squeeze %dma_wait3A_708 : memref<1x!tpu.dma_semaphore, #tpu.memory_space<semaphore_mem>> -> memref<!tpu.dma_semaphore, #tpu.memory_space<semaphore_mem>>
    %dma_wait3A_710 = arith.constant 0 : i32
    %dma_wait3A_711 = arith.constant 0 : i32
    %dma_wait3A_712 = tpu.memref_slice %arg9[%dma_wait3A_700, %dma_wait3A_710, %dma_wait3A_711] : memref<8x32x128xf32, #tpu.memory_space<vmem>> -> memref<1x32x128xf32, #tpu.memory_space<vmem>>
    %dma_wait3A_713 = tpu.memref_squeeze %dma_wait3A_712 : memref<1x32x128xf32, #tpu.memory_space<vmem>> -> memref<32x128xf32, #tpu.memory_space<vmem>>
    %dma_wait3A_714 = arith.constant 0 : i32
    %dma_wait3A_715 = tpu.memref_slice %arg4[%dma_wait3A_714, %multiple_of3A_699] : memref<32x1000000xf32, #tpu.memory_space<hbm>> -> memref<32x128xf32, #tpu.memory_space<hbm>>
    tpu.wait_dma2 semaphore(%dma_wait3A_709 : memref<!tpu.dma_semaphore, #tpu.memory_space<semaphore_mem>>) src(%dma_wait3A_715 : memref<32x128xf32, #tpu.memory_space<hbm>>) dst(%dma_wait3A_713 : memref<32x128xf32, #tpu.memory_space<vmem>>)
    %multiple_of3A_716 = tpu.assume_multiple %and3A_698, 128 : i32
    %dma_wait3A_717 = arith.constant 5 : i32
    %dma_wait3A_718 = arith.constant 5 : i32
    %dma_wait3A_719 = arith.constant 0 : i32
    %dma_wait3A_720 = arith.constant 0 : i32
    %dma_wait3A_721 = tpu.memref_slice %arg10[%dma_wait3A_717, %dma_wait3A_719, %dma_wait3A_720] : memref<8x32x128xf32, #tpu.memory_space<vmem>> -> memref<1x32x128xf32, #tpu.memory_space<vmem>>
    %dma_wait3A_722 = tpu.memref_squeeze %dma_wait3A_721 : memref<1x32x128xf32, #tpu.memory_space<vmem>> -> memref<32x128xf32, #tpu.memory_space<vmem>>
    %dma_wait3A_723 = arith.constant 0 : i32
    %dma_wait3A_724 = tpu.memref_slice %arg5[%dma_wait3A_723, %multiple_of3A_716] : memref<32x1000000xf32, #tpu.memory_space<hbm>> -> memref<32x128xf32, #tpu.memory_space<hbm>>
    %dma_wait3A_725 = tpu.memref_slice %arg12[%dma_wait3A_718] : memref<8x!tpu.dma_semaphore, #tpu.memory_space<semaphore_mem>> -> memref<1x!tpu.dma_semaphore, #tpu.memory_space<semaphore_mem>>
    %dma_wait3A_726 = tpu.memref_squeeze %dma_wait3A_725 : memref<1x!tpu.dma_semaphore, #tpu.memory_space<semaphore_mem>> -> memref<!tpu.dma_semaphore, #tpu.memory_space<semaphore_mem>>
    %dma_wait3A_727 = arith.constant 0 : i32
    %dma_wait3A_728 = arith.constant 0 : i32
    %dma_wait3A_729 = tpu.memref_slice %arg10[%dma_wait3A_717, %dma_wait3A_727, %dma_wait3A_728] : memref<8x32x128xf32, #tpu.memory_space<vmem>> -> memref<1x32x128xf32, #tpu.memory_space<vmem>>
    %dma_wait3A_730 = tpu.memref_squeeze %dma_wait3A_729 : memref<1x32x128xf32, #tpu.memory_space<vmem>> -> memref<32x128xf32, #tpu.memory_space<vmem>>
    %dma_wait3A_731 = arith.constant 0 : i32
    %dma_wait3A_732 = tpu.memref_slice %arg5[%dma_wait3A_731, %multiple_of3A_716] : memref<32x1000000xf32, #tpu.memory_space<hbm>> -> memref<32x128xf32, #tpu.memory_space<hbm>>
    tpu.wait_dma2 semaphore(%dma_wait3A_726 : memref<!tpu.dma_semaphore, #tpu.memory_space<semaphore_mem>>) src(%dma_wait3A_732 : memref<32x128xf32, #tpu.memory_space<hbm>>) dst(%dma_wait3A_730 : memref<32x128xf32, #tpu.memory_space<vmem>>)
    %broadcast_in_dim3A_733 = arith.constant 5 : i32
    %broadcast_in_dim3A_734 = vector.broadcast %broadcast_in_dim3A_733 : i32 to vector<16xi32>
    %slice3A_735 = vector.extract_strided_slice %scan3A_344#0 {offsets = [13], sizes = [1], strides = [1]} : vector<16xi32> to vector<1xi32>
    %squeeze3A_736 = vector.extract %slice3A_735[0] : i32 from vector<1xi32>
    %and3A_737 = arith.constant 127 : i32
    %and3A_738 = arith.andi %squeeze3A_736, %and3A_737 : i32
    %broadcast_in_dim3A_739 = vector.broadcast %and3A_738 : i32 to vector<16xi32>
    %slice3A_740 = vector.extract_strided_slice %scan3A_344#1 {offsets = [13], sizes = [1], strides = [1]} : vector<16xi32> to vector<1xi32>
    %squeeze3A_741 = vector.extract %slice3A_740[0] : i32 from vector<1xi32>
    %and3A_742 = arith.constant 127 : i32
    %and3A_743 = arith.andi %squeeze3A_741, %and3A_742 : i32
    %broadcast_in_dim3A_744 = vector.broadcast %and3A_743 : i32 to vector<16xi32>
    %gather3A_745 = tpu.vector_load_idx %arg9[%broadcast_in_dim3A_734, %iota3A, %broadcast_in_dim3A_739] : memref<8x32x128xf32, #tpu.memory_space<vmem>>[vector<16xi32>, vector<16xi32>, vector<16xi32>], vector<16xf32>,
    %gather3A_746 = tpu.vector_load_idx %arg10[%broadcast_in_dim3A_734, %iota3A, %broadcast_in_dim3A_744] : memref<8x32x128xf32, #tpu.memory_space<vmem>>[vector<16xi32>, vector<16xi32>, vector<16xi32>], vector<16xf32>,
    %mul3A_747 = arith.mulf %gather3A_745, %gather3A_746 : vector<16xf32>
    %gather3A_748 = tpu.vector_load_idx %arg9[%broadcast_in_dim3A_734, %add3A_5, %broadcast_in_dim3A_739] : memref<8x32x128xf32, #tpu.memory_space<vmem>>[vector<16xi32>, vector<16xi32>, vector<16xi32>], vector<16xf32>,
    %gather3A_749 = tpu.vector_load_idx %arg10[%broadcast_in_dim3A_734, %add3A_5, %broadcast_in_dim3A_744] : memref<8x32x128xf32, #tpu.memory_space<vmem>>[vector<16xi32>, vector<16xi32>, vector<16xi32>], vector<16xf32>,
    %mul3A_750 = arith.mulf %gather3A_748, %gather3A_749 : vector<16xf32>
    %add3A_751 = arith.addf %mul3A_747, %mul3A_750 : vector<16xf32>
    %reduce_sum3A_752 = arith.constant true
    %reduce_sum3A_753 = vector.broadcast %reduce_sum3A_752 : i1 to vector<16xi1>
    %reduce_sum3A_754 = tpu.scan <sum>, %add3A_751 masked %reduce_sum3A_753 : vector<16xf32>, vector<16xi1> -> vector<16xf32>
    %reduce_sum3A_755 = vector.extract %reduce_sum3A_754[15] : f32 from vector<16xf32>
    %eq3A_756 = arith.constant 13 : i32
    %eq3A_757 = vector.broadcast %eq3A_756 : i32 to vector<16xi32>
    %eq3A_758 = arith.cmpi eq, %iota3A, %eq3A_757 : vector<16xi32>
    %broadcast_in_dim3A_759 = vector.broadcast %reduce_sum3A_755 : f32 to vector<16xf32>
    %select_n3A_760 = arith.select %eq3A_758, %broadcast_in_dim3A_759, %select_n3A_690 : vector<16xi1>, vector<16xf32>
    %slice3A_761 = vector.extract_strided_slice %scan3A_344#0 {offsets = [14], sizes = [1], strides = [1]} : vector<16xi32> to vector<1xi32>
    %squeeze3A_762 = vector.extract %slice3A_761[0] : i32 from vector<1xi32>
    %and3A_763 = arith.constant -128 : i32
    %and3A_764 = arith.andi %squeeze3A_762, %and3A_763 : i32
    %slice3A_765 = vector.extract_strided_slice %scan3A_344#1 {offsets = [14], sizes = [1], strides = [1]} : vector<16xi32> to vector<1xi32>
    %squeeze3A_766 = vector.extract %slice3A_765[0] : i32 from vector<1xi32>
    %and3A_767 = arith.constant -128 : i32
    %and3A_768 = arith.andi %squeeze3A_766, %and3A_767 : i32
    %multiple_of3A_769 = tpu.assume_multiple %and3A_764, 128 : i32
    %dma_wait3A_770 = arith.constant 6 : i32
    %dma_wait3A_771 = arith.constant 6 : i32
    %dma_wait3A_772 = arith.constant 0 : i32
    %dma_wait3A_773 = arith.constant 0 : i32
    %dma_wait3A_774 = tpu.memref_slice %arg9[%dma_wait3A_770, %dma_wait3A_772, %dma_wait3A_773] : memref<8x32x128xf32, #tpu.memory_space<vmem>> -> memref<1x32x128xf32, #tpu.memory_space<vmem>>
    %dma_wait3A_775 = tpu.memref_squeeze %dma_wait3A_774 : memref<1x32x128xf32, #tpu.memory_space<vmem>> -> memref<32x128xf32, #tpu.memory_space<vmem>>
    %dma_wait3A_776 = arith.constant 0 : i32
    %dma_wait3A_777 = tpu.memref_slice %arg4[%dma_wait3A_776, %multiple_of3A_769] : memref<32x1000000xf32, #tpu.memory_space<hbm>> -> memref<32x128xf32, #tpu.memory_space<hbm>>
    %dma_wait3A_778 = tpu.memref_slice %arg12[%dma_wait3A_771] : memref<8x!tpu.dma_semaphore, #tpu.memory_space<semaphore_mem>> -> memref<1x!tpu.dma_semaphore, #tpu.memory_space<semaphore_mem>>
    %dma_wait3A_779 = tpu.memref_squeeze %dma_wait3A_778 : memref<1x!tpu.dma_semaphore, #tpu.memory_space<semaphore_mem>> -> memref<!tpu.dma_semaphore, #tpu.memory_space<semaphore_mem>>
    %dma_wait3A_780 = arith.constant 0 : i32
    %dma_wait3A_781 = arith.constant 0 : i32
    %dma_wait3A_782 = tpu.memref_slice %arg9[%dma_wait3A_770, %dma_wait3A_780, %dma_wait3A_781] : memref<8x32x128xf32, #tpu.memory_space<vmem>> -> memref<1x32x128xf32, #tpu.memory_space<vmem>>
    %dma_wait3A_783 = tpu.memref_squeeze %dma_wait3A_782 : memref<1x32x128xf32, #tpu.memory_space<vmem>> -> memref<32x128xf32, #tpu.memory_space<vmem>>
    %dma_wait3A_784 = arith.constant 0 : i32
    %dma_wait3A_785 = tpu.memref_slice %arg4[%dma_wait3A_784, %multiple_of3A_769] : memref<32x1000000xf32, #tpu.memory_space<hbm>> -> memref<32x128xf32, #tpu.memory_space<hbm>>
    tpu.wait_dma2 semaphore(%dma_wait3A_779 : memref<!tpu.dma_semaphore, #tpu.memory_space<semaphore_mem>>) src(%dma_wait3A_785 : memref<32x128xf32, #tpu.memory_space<hbm>>) dst(%dma_wait3A_783 : memref<32x128xf32, #tpu.memory_space<vmem>>)
    %multiple_of3A_786 = tpu.assume_multiple %and3A_768, 128 : i32
    %dma_wait3A_787 = arith.constant 6 : i32
    %dma_wait3A_788 = arith.constant 6 : i32
    %dma_wait3A_789 = arith.constant 0 : i32
    %dma_wait3A_790 = arith.constant 0 : i32
    %dma_wait3A_791 = tpu.memref_slice %arg10[%dma_wait3A_787, %dma_wait3A_789, %dma_wait3A_790] : memref<8x32x128xf32, #tpu.memory_space<vmem>> -> memref<1x32x128xf32, #tpu.memory_space<vmem>>
    %dma_wait3A_792 = tpu.memref_squeeze %dma_wait3A_791 : memref<1x32x128xf32, #tpu.memory_space<vmem>> -> memref<32x128xf32, #tpu.memory_space<vmem>>
    %dma_wait3A_793 = arith.constant 0 : i32
    %dma_wait3A_794 = tpu.memref_slice %arg5[%dma_wait3A_793, %multiple_of3A_786] : memref<32x1000000xf32, #tpu.memory_space<hbm>> -> memref<32x128xf32, #tpu.memory_space<hbm>>
    %dma_wait3A_795 = tpu.memref_slice %arg12[%dma_wait3A_788] : memref<8x!tpu.dma_semaphore, #tpu.memory_space<semaphore_mem>> -> memref<1x!tpu.dma_semaphore, #tpu.memory_space<semaphore_mem>>
    %dma_wait3A_796 = tpu.memref_squeeze %dma_wait3A_795 : memref<1x!tpu.dma_semaphore, #tpu.memory_space<semaphore_mem>> -> memref<!tpu.dma_semaphore, #tpu.memory_space<semaphore_mem>>
    %dma_wait3A_797 = arith.constant 0 : i32
    %dma_wait3A_798 = arith.constant 0 : i32
    %dma_wait3A_799 = tpu.memref_slice %arg10[%dma_wait3A_787, %dma_wait3A_797, %dma_wait3A_798] : memref<8x32x128xf32, #tpu.memory_space<vmem>> -> memref<1x32x128xf32, #tpu.memory_space<vmem>>
    %dma_wait3A_800 = tpu.memref_squeeze %dma_wait3A_799 : memref<1x32x128xf32, #tpu.memory_space<vmem>> -> memref<32x128xf32, #tpu.memory_space<vmem>>
    %dma_wait3A_801 = arith.constant 0 : i32
    %dma_wait3A_802 = tpu.memref_slice %arg5[%dma_wait3A_801, %multiple_of3A_786] : memref<32x1000000xf32, #tpu.memory_space<hbm>> -> memref<32x128xf32, #tpu.memory_space<hbm>>
    tpu.wait_dma2 semaphore(%dma_wait3A_796 : memref<!tpu.dma_semaphore, #tpu.memory_space<semaphore_mem>>) src(%dma_wait3A_802 : memref<32x128xf32, #tpu.memory_space<hbm>>) dst(%dma_wait3A_800 : memref<32x128xf32, #tpu.memory_space<vmem>>)
    %broadcast_in_dim3A_803 = arith.constant 6 : i32
    %broadcast_in_dim3A_804 = vector.broadcast %broadcast_in_dim3A_803 : i32 to vector<16xi32>
    %slice3A_805 = vector.extract_strided_slice %scan3A_344#0 {offsets = [14], sizes = [1], strides = [1]} : vector<16xi32> to vector<1xi32>
    %squeeze3A_806 = vector.extract %slice3A_805[0] : i32 from vector<1xi32>
    %and3A_807 = arith.constant 127 : i32
    %and3A_808 = arith.andi %squeeze3A_806, %and3A_807 : i32
    %broadcast_in_dim3A_809 = vector.broadcast %and3A_808 : i32 to vector<16xi32>
    %slice3A_810 = vector.extract_strided_slice %scan3A_344#1 {offsets = [14], sizes = [1], strides = [1]} : vector<16xi32> to vector<1xi32>
    %squeeze3A_811 = vector.extract %slice3A_810[0] : i32 from vector<1xi32>
    %and3A_812 = arith.constant 127 : i32
    %and3A_813 = arith.andi %squeeze3A_811, %and3A_812 : i32
    %broadcast_in_dim3A_814 = vector.broadcast %and3A_813 : i32 to vector<16xi32>
    %gather3A_815 = tpu.vector_load_idx %arg9[%broadcast_in_dim3A_804, %iota3A, %broadcast_in_dim3A_809] : memref<8x32x128xf32, #tpu.memory_space<vmem>>[vector<16xi32>, vector<16xi32>, vector<16xi32>], vector<16xf32>,
    %gather3A_816 = tpu.vector_load_idx %arg10[%broadcast_in_dim3A_804, %iota3A, %broadcast_in_dim3A_814] : memref<8x32x128xf32, #tpu.memory_space<vmem>>[vector<16xi32>, vector<16xi32>, vector<16xi32>], vector<16xf32>,
    %mul3A_817 = arith.mulf %gather3A_815, %gather3A_816 : vector<16xf32>
    %gather3A_818 = tpu.vector_load_idx %arg9[%broadcast_in_dim3A_804, %add3A_5, %broadcast_in_dim3A_809] : memref<8x32x128xf32, #tpu.memory_space<vmem>>[vector<16xi32>, vector<16xi32>, vector<16xi32>], vector<16xf32>,
    %gather3A_819 = tpu.vector_load_idx %arg10[%broadcast_in_dim3A_804, %add3A_5, %broadcast_in_dim3A_814] : memref<8x32x128xf32, #tpu.memory_space<vmem>>[vector<16xi32>, vector<16xi32>, vector<16xi32>], vector<16xf32>,
    %mul3A_820 = arith.mulf %gather3A_818, %gather3A_819 : vector<16xf32>
    %add3A_821 = arith.addf %mul3A_817, %mul3A_820 : vector<16xf32>
    %reduce_sum3A_822 = arith.constant true
    %reduce_sum3A_823 = vector.broadcast %reduce_sum3A_822 : i1 to vector<16xi1>
    %reduce_sum3A_824 = tpu.scan <sum>, %add3A_821 masked %reduce_sum3A_823 : vector<16xf32>, vector<16xi1> -> vector<16xf32>
    %reduce_sum3A_825 = vector.extract %reduce_sum3A_824[15] : f32 from vector<16xf32>
    %eq3A_826 = arith.constant 14 : i32
    %eq3A_827 = vector.broadcast %eq3A_826 : i32 to vector<16xi32>
    %eq3A_828 = arith.cmpi eq, %iota3A, %eq3A_827 : vector<16xi32>
    %broadcast_in_dim3A_829 = vector.broadcast %reduce_sum3A_825 : f32 to vector<16xf32>
    %select_n3A_830 = arith.select %eq3A_828, %broadcast_in_dim3A_829, %select_n3A_760 : vector<16xi1>, vector<16xf32>
    %slice3A_831 = vector.extract_strided_slice %scan3A_344#0 {offsets = [15], sizes = [1], strides = [1]} : vector<16xi32> to vector<1xi32>
    %squeeze3A_832 = vector.extract %slice3A_831[0] : i32 from vector<1xi32>
    %and3A_833 = arith.constant -128 : i32
    %and3A_834 = arith.andi %squeeze3A_832, %and3A_833 : i32
    %slice3A_835 = vector.extract_strided_slice %scan3A_344#1 {offsets = [15], sizes = [1], strides = [1]} : vector<16xi32> to vector<1xi32>
    %squeeze3A_836 = vector.extract %slice3A_835[0] : i32 from vector<1xi32>
    %and3A_837 = arith.constant -128 : i32
    %and3A_838 = arith.andi %squeeze3A_836, %and3A_837 : i32
    %multiple_of3A_839 = tpu.assume_multiple %and3A_834, 128 : i32
    %dma_wait3A_840 = arith.constant 7 : i32
    %dma_wait3A_841 = arith.constant 7 : i32
    %dma_wait3A_842 = arith.constant 0 : i32
    %dma_wait3A_843 = arith.constant 0 : i32
    %dma_wait3A_844 = tpu.memref_slice %arg9[%dma_wait3A_840, %dma_wait3A_842, %dma_wait3A_843] : memref<8x32x128xf32, #tpu.memory_space<vmem>> -> memref<1x32x128xf32, #tpu.memory_space<vmem>>
    %dma_wait3A_845 = tpu.memref_squeeze %dma_wait3A_844 : memref<1x32x128xf32, #tpu.memory_space<vmem>> -> memref<32x128xf32, #tpu.memory_space<vmem>>
    %dma_wait3A_846 = arith.constant 0 : i32
    %dma_wait3A_847 = tpu.memref_slice %arg4[%dma_wait3A_846, %multiple_of3A_839] : memref<32x1000000xf32, #tpu.memory_space<hbm>> -> memref<32x128xf32, #tpu.memory_space<hbm>>
    %dma_wait3A_848 = tpu.memref_slice %arg12[%dma_wait3A_841] : memref<8x!tpu.dma_semaphore, #tpu.memory_space<semaphore_mem>> -> memref<1x!tpu.dma_semaphore, #tpu.memory_space<semaphore_mem>>
    %dma_wait3A_849 = tpu.memref_squeeze %dma_wait3A_848 : memref<1x!tpu.dma_semaphore, #tpu.memory_space<semaphore_mem>> -> memref<!tpu.dma_semaphore, #tpu.memory_space<semaphore_mem>>
    %dma_wait3A_850 = arith.constant 0 : i32
    %dma_wait3A_851 = arith.constant 0 : i32
    %dma_wait3A_852 = tpu.memref_slice %arg9[%dma_wait3A_840, %dma_wait3A_850, %dma_wait3A_851] : memref<8x32x128xf32, #tpu.memory_space<vmem>> -> memref<1x32x128xf32, #tpu.memory_space<vmem>>
    %dma_wait3A_853 = tpu.memref_squeeze %dma_wait3A_852 : memref<1x32x128xf32, #tpu.memory_space<vmem>> -> memref<32x128xf32, #tpu.memory_space<vmem>>
    %dma_wait3A_854 = arith.constant 0 : i32
    %dma_wait3A_855 = tpu.memref_slice %arg4[%dma_wait3A_854, %multiple_of3A_839] : memref<32x1000000xf32, #tpu.memory_space<hbm>> -> memref<32x128xf32, #tpu.memory_space<hbm>>
    tpu.wait_dma2 semaphore(%dma_wait3A_849 : memref<!tpu.dma_semaphore, #tpu.memory_space<semaphore_mem>>) src(%dma_wait3A_855 : memref<32x128xf32, #tpu.memory_space<hbm>>) dst(%dma_wait3A_853 : memref<32x128xf32, #tpu.memory_space<vmem>>)
    %multiple_of3A_856 = tpu.assume_multiple %and3A_838, 128 : i32
    %dma_wait3A_857 = arith.constant 7 : i32
    %dma_wait3A_858 = arith.constant 7 : i32
    %dma_wait3A_859 = arith.constant 0 : i32
    %dma_wait3A_860 = arith.constant 0 : i32
    %dma_wait3A_861 = tpu.memref_slice %arg10[%dma_wait3A_857, %dma_wait3A_859, %dma_wait3A_860] : memref<8x32x128xf32, #tpu.memory_space<vmem>> -> memref<1x32x128xf32, #tpu.memory_space<vmem>>
    %dma_wait3A_862 = tpu.memref_squeeze %dma_wait3A_861 : memref<1x32x128xf32, #tpu.memory_space<vmem>> -> memref<32x128xf32, #tpu.memory_space<vmem>>
    %dma_wait3A_863 = arith.constant 0 : i32
    %dma_wait3A_864 = tpu.memref_slice %arg5[%dma_wait3A_863, %multiple_of3A_856] : memref<32x1000000xf32, #tpu.memory_space<hbm>> -> memref<32x128xf32, #tpu.memory_space<hbm>>
    %dma_wait3A_865 = tpu.memref_slice %arg12[%dma_wait3A_858] : memref<8x!tpu.dma_semaphore, #tpu.memory_space<semaphore_mem>> -> memref<1x!tpu.dma_semaphore, #tpu.memory_space<semaphore_mem>>
    %dma_wait3A_866 = tpu.memref_squeeze %dma_wait3A_865 : memref<1x!tpu.dma_semaphore, #tpu.memory_space<semaphore_mem>> -> memref<!tpu.dma_semaphore, #tpu.memory_space<semaphore_mem>>
    %dma_wait3A_867 = arith.constant 0 : i32
    %dma_wait3A_868 = arith.constant 0 : i32
    %dma_wait3A_869 = tpu.memref_slice %arg10[%dma_wait3A_857, %dma_wait3A_867, %dma_wait3A_868] : memref<8x32x128xf32, #tpu.memory_space<vmem>> -> memref<1x32x128xf32, #tpu.memory_space<vmem>>
    %dma_wait3A_870 = tpu.memref_squeeze %dma_wait3A_869 : memref<1x32x128xf32, #tpu.memory_space<vmem>> -> memref<32x128xf32, #tpu.memory_space<vmem>>
    %dma_wait3A_871 = arith.constant 0 : i32
    %dma_wait3A_872 = tpu.memref_slice %arg5[%dma_wait3A_871, %multiple_of3A_856] : memref<32x1000000xf32, #tpu.memory_space<hbm>> -> memref<32x128xf32, #tpu.memory_space<hbm>>
    tpu.wait_dma2 semaphore(%dma_wait3A_866 : memref<!tpu.dma_semaphore, #tpu.memory_space<semaphore_mem>>) src(%dma_wait3A_872 : memref<32x128xf32, #tpu.memory_space<hbm>>) dst(%dma_wait3A_870 : memref<32x128xf32, #tpu.memory_space<vmem>>)
    %broadcast_in_dim3A_873 = arith.constant 7 : i32
    %broadcast_in_dim3A_874 = vector.broadcast %broadcast_in_dim3A_873 : i32 to vector<16xi32>
    %slice3A_875 = vector.extract_strided_slice %scan3A_344#0 {offsets = [15], sizes = [1], strides = [1]} : vector<16xi32> to vector<1xi32>
    %squeeze3A_876 = vector.extract %slice3A_875[0] : i32 from vector<1xi32>
    %and3A_877 = arith.constant 127 : i32
    %and3A_878 = arith.andi %squeeze3A_876, %and3A_877 : i32
    %broadcast_in_dim3A_879 = vector.broadcast %and3A_878 : i32 to vector<16xi32>
    %slice3A_880 = vector.extract_strided_slice %scan3A_344#1 {offsets = [15], sizes = [1], strides = [1]} : vector<16xi32> to vector<1xi32>
    %squeeze3A_881 = vector.extract %slice3A_880[0] : i32 from vector<1xi32>
    %and3A_882 = arith.constant 127 : i32
    %and3A_883 = arith.andi %squeeze3A_881, %and3A_882 : i32
    %broadcast_in_dim3A_884 = vector.broadcast %and3A_883 : i32 to vector<16xi32>
    %gather3A_885 = tpu.vector_load_idx %arg9[%broadcast_in_dim3A_874, %iota3A, %broadcast_in_dim3A_879] : memref<8x32x128xf32, #tpu.memory_space<vmem>>[vector<16xi32>, vector<16xi32>, vector<16xi32>], vector<16xf32>,
    %gather3A_886 = tpu.vector_load_idx %arg10[%broadcast_in_dim3A_874, %iota3A, %broadcast_in_dim3A_884] : memref<8x32x128xf32, #tpu.memory_space<vmem>>[vector<16xi32>, vector<16xi32>, vector<16xi32>], vector<16xf32>,
    %mul3A_887 = arith.mulf %gather3A_885, %gather3A_886 : vector<16xf32>
    %gather3A_888 = tpu.vector_load_idx %arg9[%broadcast_in_dim3A_874, %add3A_5, %broadcast_in_dim3A_879] : memref<8x32x128xf32, #tpu.memory_space<vmem>>[vector<16xi32>, vector<16xi32>, vector<16xi32>], vector<16xf32>,
    %gather3A_889 = tpu.vector_load_idx %arg10[%broadcast_in_dim3A_874, %add3A_5, %broadcast_in_dim3A_884] : memref<8x32x128xf32, #tpu.memory_space<vmem>>[vector<16xi32>, vector<16xi32>, vector<16xi32>], vector<16xf32>,
    %mul3A_890 = arith.mulf %gather3A_888, %gather3A_889 : vector<16xf32>
    %add3A_891 = arith.addf %mul3A_887, %mul3A_890 : vector<16xf32>
    %reduce_sum3A_892 = arith.constant true
    %reduce_sum3A_893 = vector.broadcast %reduce_sum3A_892 : i1 to vector<16xi1>
    %reduce_sum3A_894 = tpu.scan <sum>, %add3A_891 masked %reduce_sum3A_893 : vector<16xf32>, vector<16xi1> -> vector<16xf32>
    %reduce_sum3A_895 = vector.extract %reduce_sum3A_894[15] : f32 from vector<16xf32>
    %eq3A_896 = arith.constant 15 : i32
    %eq3A_897 = vector.broadcast %eq3A_896 : i32 to vector<16xi32>
    %eq3A_898 = arith.cmpi eq, %iota3A, %eq3A_897 : vector<16xi32>
    %broadcast_in_dim3A_899 = vector.broadcast %reduce_sum3A_895 : f32 to vector<16xf32>
    %select_n3A_900 = arith.select %eq3A_898, %broadcast_in_dim3A_899, %select_n3A_830 : vector<16xi1>, vector<16xf32>
    %swap3A = arith.constant 496 : index
    %swap3A_901 = tpu.vector_load %arg11[%swap3A] {strides = array<i32>} : memref<512xf32, #tpu.memory_space<vmem>>, vector<16xf32>,
    tpu.vector_store %arg11[%swap3A], %select_n3A_900 {strides = array<i32>} : memref<512xf32, #tpu.memory_space<vmem>>, vector<16xf32>,
    "tpu.region"() ({
      %run_scoped3A = tpu.sem_alloc : memref<!tpu.dma_semaphore, #tpu.memory_space<semaphore_mem>>
      %dma_start3A_902 = tpu.memref_slice %arg6[%mul3A_2] : memref<16384xf32, #tpu.memory_space<hbm>> -> memref<512xf32, #tpu.memory_space<hbm>>
      %dma_start3A_903 = tpu.memref_slice %arg6[%mul3A_2] : memref<16384xf32, #tpu.memory_space<hbm>> -> memref<512xf32, #tpu.memory_space<hbm>>
      tpu.enqueue_dma source(%arg11 : memref<512xf32, #tpu.memory_space<vmem>>) target(%dma_start3A_903 : memref<512xf32, #tpu.memory_space<hbm>>) target_semaphore(%run_scoped3A : memref<!tpu.dma_semaphore, #tpu.memory_space<semaphore_mem>>)
      %dma_wait3A_904 = tpu.memref_slice %arg6[%mul3A_2] : memref<16384xf32, #tpu.memory_space<hbm>> -> memref<512xf32, #tpu.memory_space<hbm>>
      %dma_wait3A_905 = tpu.memref_slice %arg6[%mul3A_2] : memref<16384xf32, #tpu.memory_space<hbm>> -> memref<512xf32, #tpu.memory_space<hbm>>
      tpu.wait_dma2 semaphore(%run_scoped3A : memref<!tpu.dma_semaphore, #tpu.memory_space<semaphore_mem>>) src(%arg11 : memref<512xf32, #tpu.memory_space<vmem>>) dst(%dma_wait3A_905 : memref<512xf32, #tpu.memory_space<hbm>>)
      tpu.yield
    }) : () -> ()
    return
  }
}

</mosaic_0001>

<sc_bundles>
// kernel: kernel.3.cloned.1.call-start
scs
__scs_entry_jumppad:
0x0: {  	(pc) =	sbr.rel $0x88, $3  }
0x1: {  	(tag) =	ssettag $0x0;
	lr =	simm.s32 $0x1  }
0x2: {  	[smem:$0x3F9D] =	sst lr;
	_ =	strace $0xD0000000  }
0x3: {  	_ = 	snop  }
0x4: {  	_ = 	snop  }
0x5: {  	_ = 	snop  }
0x6: {  	_ = 	snop  }
0x7: {  	_ = 	snop  }
__scs_overlays_trampoline_lowered:
0x8: {  	[smem:$0x3FAC] =	sst s0  }
0x9: {  	[smem:$0x3FAD] =	sst s1  }
0xa: {  	[smem:$0x3FAE] =	sst s2  }
0xb: {  	[smem:$0x3FAF] =	sst s3  }
0xc: {  	[smem:$0x3FB0] =	sst s4  }
0xd: {  	[smem:$0x3FB1] =	sst s5  }
0xe: {  	[smem:$0x3FB2] =	sst s6  }
0xf: {  	[smem:$0x3FB3] =	sst s7  }
0x10: {  	[smem:$0x3FB4] =	sst s8  }
0x11: {  	[smem:$0x3FB5] =	sst s9;
	s0 =	simm.s32 @!p0 $0x0  }
0x12: {  	s1 =	sld [smem:$0x3F9B];
	s0 =	simm.s32 @p0 $0x1  }
0x13: {  	[smem:$0x3FB6] =	sst s0;
	s0 =	simm.s32 @!p1 $0x0  }
0x14: {  	s2 =	sld [smem:$0x3F9A];
	s0 =	simm.s32 @p1 $0x1  }
0x15: {  	[smem:$0x3FB7] =	sst s0;
	s0 =	simm.s32 @!p2 $0x0  }
0x16: {  	s3 =	sld [smem:$0x3FDB];
	s0 =	simm.s32 @p2 $0x1  }
0x17: {  	s4 =	simm.s32 $0x1BF5;
	[smem:$0x3FB9] =	sst s0  }
0x18: {  	s0 =	sld [smem:$0x3F9C];
	_ =	swait.ge [sflag:s4], $0x0  }
0x19: {  	s7 =	sld [smem:$0x3F9D]  }
0x1a: {  	s8 =	sadd.s32 $0xFFFFE003, lr  }
0x1b: {  	s9 =	sadd.s32 $0xFFFFFEF7, lr;
	s5 =	simm.s32 $0xFFFFFFFF;
	p2 =	slt.u32 s8, $0xFFFFF086  }
0x1c: {  	p1 =	slt.u32 s9, $0xF7A;
	s5 =	simm.s32 @!p2 $0x0  }
0x1d: {  	s5 =	simm.s32 @p1 $0x1;
	p0 =	seq.s32 s7, s2  }
0x1e: {  	s7 =	smul.u32 @!p0 $0xF7A, s2;
	p2 =	seq.s32 @!p0 s5, $0x0  }
0x1f: {  	s9 =	smul.u32 $0xF7A, s1;
	s8 =	simm.s32 @!p0 $0x1BF5;
	p2 =	por !p2, p0  }
0x20: {  	[sflag:s8] =	ssyncset.s32 @!p0 $0xFFFFF086;
	s6 =	sadd.s32 @!p0 s3, s7;
	s7 =	simm.s32 @!p0 $0x108  }
0x21: {  	s3 =	sadd.s32 s3, s9;
	s6 =	sadd.s32 @!p0 $0x88, s6;
	s7 =	simm.s32 @p2 $0x1082  }
0x22: {  	[simem:s7], [sflag:s8] =	dma.local @!p0 [hbm:s6], $0xF7A  }
0x23: {  	s9 =	sor.u32 $0xD0000000, s2;
	s6 =	simm.s32 $0x108;
	_ =	swait.ge @!p0 [sflag:s8], $0x0  }
0x24: {  	s3 =	sadd.s32 $0x88, s3;
	s6 =	simm.s32 @!p1 $0x1082;
	[sflag:s4] =	ssyncset.s32 $0xFFFFF086  }
0x25: {  	[simem:s6], [sflag:s4] =	dma.local [hbm:s3], $0xF7A  }
0x26: {  	[smem:$0x3F9D] =	sst s1;
	(tag) =	ssettag s2;
	_ =	strace s9  }
0x27: {  	s1 =	sld [smem:$0x3FAD]  }
0x28: {  	s2 =	sld [smem:$0x3FAE]  }
0x29: {  	s4 =	sld [smem:$0x3FB0]  }
0x2a: {  	p0 =	seq.s32 s5, $0x0;
	s5 =	sld [smem:$0x3FB1]  }
0x2b: {  	s6 =	sld [smem:$0x3FB2]  }
0x2c: {  	s7 =	sld [smem:$0x3FB3]  }
0x2d: {  	s3 =	simm.s32 $0x108;
	s8 =	sld [smem:$0x3FB4]  }
0x2e: {  	s3 =	simm.s32 @!p0 $0x1082;
	s9 =	sld [smem:$0x3FB5]  }
0x2f: {  	lr =	sadd.s32 s0, s3;
	s0 =	sld [smem:$0x3FAC]  }
0x30: {  	s3 =	sld [smem:$0x3FAF]  }
0x31: {  	[smem:$0x3FB8] =	sst s10  }
0x32: {  	s10 =	sld [smem:$0x3FB6];
	_ =	sdelay $0x3  }
0x33: {  	p0 =	seq.s32 s10, $0x1;
	s10 =	sld [smem:$0x3FB8];
	_ =	sdelay $0x3  }
0x34: {  	[smem:$0x3FB8] =	sst s10  }
0x35: {  	s10 =	sld [smem:$0x3FB7];
	_ =	sdelay $0x3  }
0x36: {  	p1 =	seq.s32 s10, $0x1;
	s10 =	sld [smem:$0x3FB8];
	_ =	sdelay $0x3  }
0x37: {  	[smem:$0x3FB8] =	sst s10  }
0x38: {  	s10 =	sld [smem:$0x3FB9]  }
0x39: {  	_ = 	snop;
	(pc) =	sbr.ind lr, $3  }
0x3a: {  	_ = 	snop  }
0x3b: {  	_ = 	snop  }
0x3c: {  	p2 =	seq.s32 s10, $0x1;
	s10 =	sld [smem:$0x3FB8]  }
0x3d: {  	_ =	shalt  }
0x3e: {  	_ =	shalt  }
0x3f: {  	_ =	shalt  }
0x40: {  	_ =	shalt  }
0x41: {  	_ =	shalt  }
0x42: {  	_ =	shalt  }
0x43: {  	_ =	shalt  }
0x44: {  	_ =	shalt  }
0x45: {  	_ =	shalt  }
0x46: {  	_ =	shalt  }
0x47: {  	_ =	shalt  }
0x48: {  	_ =	shalt  }
0x49: {  	_ =	shalt  }
0x4a: {  	_ =	shalt  }
0x4b: {  	_ =	shalt  }
0x4c: {  	_ =	shalt  }
0x4d: {  	_ =	shalt  }
0x4e: {  	_ =	shalt  }
0x4f: {  	_ =	shalt  }
0x50: {  	_ =	shalt  }
0x51: {  	_ =	shalt  }
0x52: {  	_ =	shalt  }
0x53: {  	_ =	shalt  }
0x54: {  	_ =	shalt  }
0x55: {  	_ =	shalt  }
0x56: {  	_ =	shalt  }
0x57: {  	_ =	shalt  }
0x58: {  	_ =	shalt  }
0x59: {  	_ =	shalt  }
0x5a: {  	_ =	shalt  }
0x5b: {  	_ =	shalt  }
0x5c: {  	_ =	shalt  }
0x5d: {  	_ =	shalt  }
0x5e: {  	_ =	shalt  }
0x5f: {  	_ =	shalt  }
0x60: {  	_ =	shalt  }
0x61: {  	_ =	shalt  }
0x62: {  	_ =	shalt  }
0x63: {  	_ =	shalt  }
0x64: {  	_ =	shalt  }
0x65: {  	_ =	shalt  }
0x66: {  	_ =	shalt  }
0x67: {  	_ =	shalt  }
0x68: {  	_ =	shalt  }
0x69: {  	_ =	shalt  }
0x6a: {  	_ =	shalt  }
0x6b: {  	_ =	shalt  }
0x6c: {  	_ =	shalt  }
0x6d: {  	_ =	shalt  }
0x6e: {  	_ =	shalt  }
0x6f: {  	_ =	shalt  }
0x70: {  	_ =	shalt  }
0x71: {  	_ =	shalt  }
0x72: {  	_ =	shalt  }
0x73: {  	_ =	shalt  }
0x74: {  	_ =	shalt  }
0x75: {  	_ =	shalt  }
0x76: {  	_ =	shalt  }
0x77: {  	_ =	shalt  }
0x78: {  	_ =	shalt  }
0x79: {  	_ =	shalt  }
0x7a: {  	_ =	shalt  }
0x7b: {  	_ =	shalt  }
0x7c: {  	_ =	shalt  }
0x7d: {  	_ =	shalt  }
0x7e: {  	_ =	shalt  }
0x7f: {  	_ =	shalt  }
0x80: {  	_ =	shalt  }
0x81: {  	_ =	shalt  }
0x82: {  	_ =	shalt  }
0x83: {  	_ =	shalt  }
0x84: {  	_ =	shalt  }
0x85: {  	_ =	shalt  }
0x86: {  	_ =	shalt  }
0x87: {  	_ =	shalt  }
.Lfunc_end0:
.L_simem_size_0:
called_computation_lowered:
.L_overlay_start_0:
0x88: {  	s2 =	sld [smem:$0x3FD9]  }
0x89: {  	s3 =	sld [smem:$0x3FFE];
	_ =	sdelay $0x1  }
0x8a: {  	s1 =	srdreg.scid  }
0x8b: {  	s0 =	sand.u32 $0x1, s1  }
0x8c: {  	s18 =	sshll.u32 s0, $0xA;
	s2 =	sadd.s32 s3, s2  }
0x8d: {  	s2 =	sadd.s32 s2, s18  }
0x8e: {  	[smem:$0x3FC4] =	sst s2  }
0x8f: {  	_ = 	snop  }
0x90: {  	s2 =	sld [smem:$0x3FC9]  }
0x91: {  	s19 =	sld [smem:$0x3FC8]  }
0x92: {  	s4 =	sld [smem:$0x3FC7]  }
0x93: {  	s5 =	sld [smem:$0x3FC6]  }
0x94: {  	s6 =	sld [smem:$0x3FD0];
	(tm) =	ssettm $0x1  }
0x95: {  	s7 =	sld [smem:$0x3FFB];
	_ =	sdelay $0x3  }
0x96: {  	_ =	strace s7  }
0x97: {  	s7 =	sld [smem:$0x3FFC];
	_ =	sdelay $0x3  }
0x98: {  	_ =	strace s7  }
0x99: {  	s7 =	sld [smem:$0x3FFD];
	_ =	sdelay $0x3  }
0x9a: {  	_ =	strace s7  }
0x9b: {  	_ =	strace $0x8FFFFFFF  }
0x9c: {  	s20 =	sld [smem:$0x3FDB];
	_ =	sdelay $0x1  }
0x9d: {  	s8 =	simm.s32 $_scs_section_size  }
0x9e: {  	s9 =	simm.s32 $_size__tile_overlayer_lowered;
	s10 =	simm.s32 $_tile_overlayer_lowered  }
0x9f: {  	s23 =	simm.s32 $0x1BFF;
	s22 =	sshll.u32 s10, $0x1;
	s7 =	sadd.s32 s8, s20  }
0xa0: {  	s11 =	simm.s32 $0x0;
	s21 =	sshll.u32 s9, $0x1;
	s9 =	sadd.s32 s22, s7  }
0xa1: {  	[timem:s11], [sflag:s23] =	dma.local [hbm:s9], s21  }
0xa2: {  	_ =	swait.ge [sflag:s23], s21  }
0xa3: {  	s8 =	ssub.s32 $0x0, s21;
	[sflag:s23] =	ssyncset.done $0x0  }
0xa4: {  	[sflag:s23] =	ssyncadd.s32 s8;
	_ =	sdelay $0x1  }
0xa5: {  	s24 =	simm.s32 $0x1B8B  }
0xa6: {  	_ =	swait.ge [sflag:s24], $0x1  }
0xa7: {  	[sflag:s24] =	ssyncset.done $0x0  }
0xa8: {  	s25 =	simm.s32 $0x1B8E;
	[sflag:s24] =	ssyncadd.s32 $0xFFFFFFFF  }
0xa9: {  	s26 =	simm.s32 $execute0_lowered;
	[smem:$0x3FD2] =	sst s25  }
0xaa: {  	s8 =	sshll.u32 s26, $0x1;
	_ =	strace $0x80000046;
	[dreg:$0x1] =	wrdreg $0xFFFFFFFF  }
0xab: {  	s28 =	simm.s32 $_size_execute0_lowered;
	s7 =	sadd.s32 s7, s8;
	[dreg:$0x0] =	wrdreg $0x0  }
0xac: {  	s8 =	sshll.u32 s28, $0x1;
	[dreg:$0x2] =	wrdreg s7  }
0xad: {  	[dreg:$0x3] =	wrdreg s8  }
0xae: {  	[dreg:$0x4] =	wrdreg $0xC0  }
0xaf: {  	_ =	task [dreg:s11], $0x5FFFF  }
0xb0: {  	[dreg:$0x1] =	wrdreg $0xFFFFFFFF  }
0xb1: {  	[dreg:$0x0] =	wrdreg $0x60  }
0xb2: {  	[dreg:$0x2] =	wrdreg s2  }
0xb3: {  	[dreg:$0x3] =	wrdreg s19  }
0xb4: {  	[dreg:$0x4] =	wrdreg s4  }
0xb5: {  	[dreg:$0x5] =	wrdreg s5  }
0xb6: {  	[dreg:$0x6] =	wrdreg s6  }
0xb7: {  	[dreg:$0x7] =	wrdreg $0x9  }
0xb8: {  	_ =	task.clear_ibuf [dreg:s11], $0x8FFFF;
	_ =	strace $0x90000046  }
0xb9: {  	s29 =	simm.s32 $0x9;
	_ =	strace $0x80000048  }
0xba: {  	_ =	swait.ge [sflag:s29], $0x1  }
0xbb: {  	[sflag:s29] =	ssyncadd.s32 $0xFFFFFFFF  }
0xbc: {  	_ =	strace $0x90000048  }
0xbd: {  	_ =	sfence  }
0xbe: {  	s30 =	sld [smem:$0x0];
	_ =	sdelay $0x2  }
0xbf: {  	s31 =	sshll.u32 s1, $0xD;
	s1 =	sshrl.u32 s1, $0x2  }
0xc0: {  	s3 =	sand.u32 $0x4000, s31;
	s1 =	sadd.s32 s1, s30  }
0xc1: {  	s0 =	sor.u32 s3, s0;
	s1 =	sshll.u32 s1, $0x11  }
0xc2: {  	s0 =	sor.u32 s1, s0  }
0xc3: {  	s0 =	sadd.s32 $0x8F2B, s0  }
0xc4: {  	[sflag:s0] =	ssyncadd.remote.s32 $0x1  }
0xc5: {  	_ =	sfence.sel $0xFFFF  }
0xc6: {  	[dreg:$0x0] =	wrdreg $0xFFFFFFFF;
	(pc) =	sbr.abs _section_cstart, $3  }
0xc7: {  	[dreg:$0x1] =	wrdreg $0xFFFFFFFF  }
0xc8: {  	_ =	task.clear_ibuf [dreg:s11], $0x2FFFF;
	_ =	strace $0x9FFFFFFF  }
0xc9: {  	(tm) =	ssettm $0x7FFFFFFF  }
tec
execute0_lowered:
.L_overlay_start_1:
0x0: {  	(tag) =	ssettag $0x1  }
0x1: {  	s0 =	rddreg [dreg:$0x0]  }
0x2: {  	s3 =	rddreg [dreg:$0x1]  }
0x3: {  	s1 =	rddreg [dreg:$0x2]  }
0x4: {  	s2 =	rddreg [dreg:$0x3]  }
0x5: {  	s4 =	rddreg [dreg:$0x4];
	s5 =	srdreg.scid  }
0x6: {  	s9 =	simm.s32 $0x0;
	s8 =	stileid.u32;
	s10 =	simm.s32 $0x7A1400  }
0x7: {  	s12 =	simm.s32 $0x400;
	s13 =	simm.s32 $0x8400;
	s14 =	simm.s32 $0x1400  }
0x8: {  	v0 =	vlaneseq.u32;
	vm0 =	vmmov $0x1;
	vm1 =	vcmask $0x320;
	s28 =	simm.s32 $0x9400;
	s29 =	simm.s32 $0x2400;
	s30 =	simm.s32 $0xA400  }
0x9: {  	vm2 =	vcmask $0x720;
	vm3 =	vcmask $0xB20;
	s11 =	simm.s32 $0x4400;
	vm4 =	vcmask $0xF20;
	s31 =	simm.s32 $0xD400;
	s15 =	simm.s32 $0x6400  }
0xa: {  	s16 =	simm.s32 $0xE400;
	vm5 =	vcmask $0x1320;
	vm6 =	vcmask $0x1720;
	s17 =	simm.s32 $0x7400;
	s18 =	simm.s32 $0xF400;
	vm7 =	vcmask $0x1B20  }
0xb: {  	vm8 =	vcmask $0x2320;
	vm9 =	vmmov $0x1ff;
	vm10 =	vmmov $0x3ff;
	s5 =	sand.u32 $0x1, s5;
	[smem:$0x7FF] =	sst s9;
	s8 =	sshll.u32 s8, $0x7  }
0xc: {  	vm11 =	vmmov $0x7ff;
	vm12 =	vmmov $0xfff;
	v0 =	vmul.u32 $0x80, v0;
	s6 =	ssub.s32 $0x2, s5;
	s5 =	sshll.u32 s5, $0x6;
	_ =	strace $0x80000047  }
0xd: {  	vm13 =	vmmov $0x1fff;
	vm14 =	vmmov $0x3fff;
	vm15 =	vmmov $0x7fff;
	s7 =	sshrl.u32 s6, $0x1;
	s5 =	sor.u32 s5, s8;
	s8 =	simm.s32 $0x0  }
.Ltmp0:
0xe: {  	v1 =	vor.u32 $0x800, v0;
	v2 =	vor.u32 $0x1000, v0;
	v3 =	vor.u32 $0x1800, v0;
	s6 =	ssub.s32 s6, s7;
	s0 =	sadd.s32 s0, s5;
	(pc) =	sbr.rel .LBB2_1-.Ltmp0, $4  }
0xf: {  	v4 =	vor.u32 $0x2000, v0;
	v5 =	vor.u32 $0x2800, v0;
	v6 =	vor.u32 $0x3000, v0;
	s24 =	sadd.s32 s3, s5;
	s25 =	sadd.s32 s4, s5;
	[dreg:$0x6] =	wrdreg s0  }
0x10: {  	v7 =	vor.u32 $0x3800, v0;
	v8 =	vor.u32 $0x4000, v0;
	v9 =	vor.u32 $0x4800, v0;
	s7 =	simm.s32 $0x9;
	s3 =	simm.s32 $0xB400;
	[dreg:$0x7] =	wrdreg s24  }
0x11: {  	v10 =	vor.u32 $0x5000, v0;
	v11 =	vor.u32 $0x5800, v0;
	v12 =	vor.u32 $0x6000, v0;
	s5 =	simm.s32 $0xC400;
	[dreg:$0x8] =	wrdreg s25;
	s26 =	smax.u32 s6, $0x1  }
0x12: {  	v13 =	vor.u32 $0x6800, v0;
	v14 =	vor.u32 $0x7000, v0;
	v15 =	vor.u32 $0x7800, v0;
	s0 =	simm.s32 $0x3400;
	s6 =	simm.s32 $0x5400;
	[dreg:$0x9] =	wrdreg s26  }
.LBB2_6:
0x13: {  	s8 =	simm.s32 $0x1  }
0x14: {  	s4 =	sand.u32 $0x7F, s4;
	_ =	swait.ge [sflag:s8], $0x1000  }
0x15: {  	s9 =	sand.u32 $0x7F, s9;
	v16 =	vor.u32 s4, v0;
	[sflag:s8] =	ssyncset.done $0x0  }
0x16: {  	v17 =	vor.u32 s9, v0;
	[sflag:s8] =	ssyncadd.s32 $0xFFFFF000  }
0x17: {  	v19 =	vor.u32 s4, v1;
	_ =	swait.ge [sflag:s8], $0x1000  }
0x18: {  	v20 =	vor.u32 s9, v1;
	[sflag:s8] =	ssyncset.done $0x0  }
0x19: {  	[sflag:s8] =	ssyncadd.s32 $0xFFFFF000  }
0x1a: {  	v16 =	vld.idx.msk [tilespmem:v16+s12+$0x0], $0xffff  }
0x1b: {  	v17 =	vld.idx.msk [tilespmem:v17+s13+$0x0], $0xffff  }
0x1c: {  	v19 =	vld.idx.msk [tilespmem:v19+s12+$0x0], $0xffff  }
0x1d: {  	v20 =	vld.idx.msk [tilespmem:v20+s13+$0x0], $0xffff;
	_ =	sdelay $0x4  }
0x1e: {  	v16 =	vmul.f32 v17, v16;
	v17 =	vmul.f32 v20, v19;
	_ =	sdelay $0x1  }
0x1f: {  	v16 =	vadd.f32 v17, v16;
	_ =	sdelay $0x1  }
0x20: {  	(xrf2) =	vadd.scan.msk.f32 $0xffff, v16;
	_ =	sdelay $0x9  }
0x21: {  	s9 =	simm.s32 $0x2;
	v16, _, _ =	vpop (xrf2)  }
0x22: {  	s10 =	sand.u32 $0x7F, s7;
	_ =	swait.ge [sflag:s9], $0x1000  }
0x23: {  	s14 =	sand.u32 $0x7F, s14;
	v17 =	vor.u32 s10, v2;
	[sflag:s9] =	ssyncset.done $0x0  }
0x24: {  	v34 =	vor.u32 s14, v2;
	[sflag:s9] =	ssyncadd.s32 $0xFFFFF000  }
0x25: {  	v35 =	vor.u32 s10, v3;
	_ =	swait.ge [sflag:s9], $0x1000  }
0x26: {  	v21 =	vor.u32 s14, v3;
	[sflag:s9] =	ssyncset.done $0x0  }
0x27: {  	[sflag:s9] =	ssyncadd.s32 $0xFFFFF000  }
0x28: {  	v17 =	vld.idx.msk [tilespmem:v17+s12+$0x0], $0xffff  }
0x29: {  	v19 =	vld.idx.msk [tilespmem:v34+s13+$0x0], $0xffff  }
0x2a: {  	v20 =	vld.idx.msk [tilespmem:v35+s12+$0x0], $0xffff  }
0x2b: {  	v21 =	vld.idx.msk [tilespmem:v21+s13+$0x0], $0xffff;
	_ =	sdelay $0x4  }
0x2c: {  	v17 =	vmul.f32 v19, v17;
	v36 =	vmul.f32 v21, v20;
	_ =	sdelay $0x1  }
0x2d: {  	v17 =	vadd.f32 v36, v17;
	_ =	sdelay $0x1  }
0x2e: {  	(xrf2) =	vadd.scan.msk.f32 $0xffff, v17;
	_ =	sdelay $0x9  }
0x2f: {  	s9 =	simm.s32 $0x3;
	v17, _, _ =	vpop (xrf2)  }
0x30: {  	s10 =	sand.u32 $0x7F, s16;
	_ =	swait.ge [sflag:s9], $0x1000  }
0x31: {  	s14 =	sand.u32 $0x7F, s17;
	v37 =	vor.u32 s10, v4;
	[sflag:s9] =	ssyncset.done $0x0  }
0x32: {  	v38 =	vor.u32 s14, v4;
	[sflag:s9] =	ssyncadd.s32 $0xFFFFF000  }
0x33: {  	v39 =	vor.u32 s10, v5;
	_ =	swait.ge [sflag:s9], $0x1000  }
0x34: {  	v22 =	vor.u32 s14, v5;
	[sflag:s9] =	ssyncset.done $0x0  }
0x35: {  	[sflag:s9] =	ssyncadd.s32 $0xFFFFF000  }
0x36: {  	v19 =	vld.idx.msk [tilespmem:v37+s12+$0x0], $0xffff  }
0x37: {  	v20 =	vld.idx.msk [tilespmem:v38+s13+$0x0], $0xffff  }
0x38: {  	v21 =	vld.idx.msk [tilespmem:v39+s12+$0x0], $0xffff  }
0x39: {  	v22 =	vld.idx.msk [tilespmem:v22+s13+$0x0], $0xffff;
	_ =	sdelay $0x4  }
0x3a: {  	v19 =	vmul.f32 v20, v19;
	v40 =	vmul.f32 v22, v21;
	_ =	sdelay $0x1  }
0x3b: {  	v19 =	vadd.f32 v40, v19;
	_ =	sdelay $0x1  }
0x3c: {  	(xrf2) =	vadd.scan.msk.f32 $0xffff, v19;
	_ =	sdelay $0x9  }
0x3d: {  	s16 =	simm.s32 $0x4;
	v19, _, _ =	vpop (xrf2)  }
0x3e: {  	s17 =	sand.u32 $0x7F, s19;
	_ =	swait.ge [sflag:s16], $0x1000  }
0x3f: {  	s19 =	sand.u32 $0x7F, s20;
	v41 =	vor.u32 s17, v6;
	[sflag:s16] =	ssyncset.done $0x0  }
0x40: {  	v42 =	vor.u32 s19, v6;
	[sflag:s16] =	ssyncadd.s32 $0xFFFFF000  }
0x41: {  	v43 =	vor.u32 s17, v7;
	_ =	swait.ge [sflag:s16], $0x1000  }
0x42: {  	v23 =	vor.u32 s19, v7;
	[sflag:s16] =	ssyncset.done $0x0  }
0x43: {  	[sflag:s16] =	ssyncadd.s32 $0xFFFFF000  }
0x44: {  	v20 =	vld.idx.msk [tilespmem:v41+s12+$0x0], $0xffff  }
0x45: {  	v21 =	vld.idx.msk [tilespmem:v42+s13+$0x0], $0xffff  }
0x46: {  	v22 =	vld.idx.msk [tilespmem:v43+s12+$0x0], $0xffff  }
0x47: {  	v23 =	vld.idx.msk [tilespmem:v23+s13+$0x0], $0xffff;
	_ =	sdelay $0x4  }
0x48: {  	v20 =	vmul.f32 v21, v20;
	v44 =	vmul.f32 v23, v22;
	_ =	sdelay $0x1  }
0x49: {  	v20 =	vadd.f32 v44, v20;
	_ =	sdelay $0x1  }
0x4a: {  	(xrf2) =	vadd.scan.msk.f32 $0xffff, v20;
	_ =	sdelay $0x9  }
0x4b: {  	s20 =	simm.s32 $0x5;
	v20, _, _ =	vpop (xrf2)  }
0x4c: {  	s22 =	sand.u32 $0x7F, s22;
	_ =	swait.ge [sflag:s20], $0x1000  }
0x4d: {  	s23 =	sand.u32 $0x7F, s23;
	v45 =	vor.u32 s22, v8;
	[sflag:s20] =	ssyncset.done $0x0  }
0x4e: {  	v46 =	vor.u32 s23, v8;
	[sflag:s20] =	ssyncadd.s32 $0xFFFFF000  }
0x4f: {  	v47 =	vor.u32 s22, v9;
	_ =	swait.ge [sflag:s20], $0x1000  }
0x50: {  	v24 =	vor.u32 s23, v9;
	[sflag:s20] =	ssyncset.done $0x0  }
0x51: {  	[sflag:s20] =	ssyncadd.s32 $0xFFFFF000  }
0x52: {  	v21 =	vld.idx.msk [tilespmem:v45+s12+$0x0], $0xffff  }
0x53: {  	v22 =	vld.idx.msk [tilespmem:v46+s13+$0x0], $0xffff  }
0x54: {  	v23 =	vld.idx.msk [tilespmem:v47+s12+$0x0], $0xffff  }
0x55: {  	v24 =	vld.idx.msk [tilespmem:v24+s13+$0x0], $0xffff;
	_ =	sdelay $0x4  }
0x56: {  	v21 =	vmul.f32 v22, v21;
	v48 =	vmul.f32 v24, v23;
	_ =	sdelay $0x1  }
0x57: {  	v21 =	vadd.f32 v48, v21;
	_ =	sdelay $0x1  }
0x58: {  	(xrf2) =	vadd.scan.msk.f32 $0xffff, v21;
	_ =	sdelay $0x9  }
0x59: {  	s9 =	simm.s32 $0x6;
	v21, _, _ =	vpop (xrf2)  }
0x5a: {  	s10 =	sand.u32 $0x7F, s25;
	_ =	swait.ge [sflag:s9], $0x1000  }
0x5b: {  	s14 =	sand.u32 $0x7F, s26;
	v49 =	vor.u32 s10, v10;
	[sflag:s9] =	ssyncset.done $0x0  }
0x5c: {  	v50 =	vor.u32 s14, v10;
	[sflag:s9] =	ssyncadd.s32 $0xFFFFF000  }
0x5d: {  	v51 =	vor.u32 s10, v11;
	_ =	swait.ge [sflag:s9], $0x1000  }
0x5e: {  	v25 =	vor.u32 s14, v11;
	[sflag:s9] =	ssyncset.done $0x0  }
0x5f: {  	[sflag:s9] =	ssyncadd.s32 $0xFFFFF000  }
0x60: {  	v22 =	vld.idx.msk [tilespmem:v49+s12+$0x0], $0xffff  }
0x61: {  	v23 =	vld.idx.msk [tilespmem:v50+s13+$0x0], $0xffff  }
0x62: {  	v24 =	vld.idx.msk [tilespmem:v51+s12+$0x0], $0xffff  }
0x63: {  	v25 =	vld.idx.msk [tilespmem:v25+s13+$0x0], $0xffff;
	_ =	sdelay $0x4  }
0x64: {  	v22 =	vmul.f32 v23, v22;
	v52 =	vmul.f32 v25, v24;
	_ =	sdelay $0x1  }
0x65: {  	v22 =	vadd.f32 v52, v22;
	_ =	sdelay $0x1  }
0x66: {  	(xrf2) =	vadd.scan.msk.f32 $0xffff, v22;
	_ =	sdelay $0x9  }
0x67: {  	s16 =	simm.s32 $0x7;
	v22, _, _ =	vpop (xrf2)  }
0x68: {  	s17 =	sand.u32 $0x7F, s21;
	_ =	swait.ge [sflag:s16], $0x1000  }
0x69: {  	s19 =	sand.u32 $0x7F, s24;
	v53 =	vor.u32 s17, v12;
	[sflag:s16] =	ssyncset.done $0x0  }
0x6a: {  	v54 =	vor.u32 s19, v12;
	[sflag:s16] =	ssyncadd.s32 $0xFFFFF000  }
0x6b: {  	v55 =	vor.u32 s17, v13;
	_ =	swait.ge [sflag:s16], $0x1000  }
0x6c: {  	v26 =	vor.u32 s19, v13;
	[sflag:s16] =	ssyncset.done $0x0  }
0x6d: {  	[sflag:s16] =	ssyncadd.s32 $0xFFFFF000  }
0x6e: {  	v23 =	vld.idx.msk [tilespmem:v53+s12+$0x0], $0xffff  }
0x6f: {  	v24 =	vld.idx.msk [tilespmem:v54+s13+$0x0], $0xffff  }
0x70: {  	v25 =	vld.idx.msk [tilespmem:v55+s12+$0x0], $0xffff  }
0x71: {  	v26 =	vld.idx.msk [tilespmem:v26+s13+$0x0], $0xffff;
	_ =	sdelay $0x4  }
0x72: {  	v23 =	vmul.f32 v24, v23;
	v56 =	vmul.f32 v26, v25;
	_ =	sdelay $0x1  }
0x73: {  	v23 =	vadd.f32 v56, v23;
	_ =	sdelay $0x1  }
0x74: {  	(xrf2) =	vadd.scan.msk.f32 $0xffff, v23;
	_ =	sdelay $0x9  }
0x75: {  	s20 =	simm.s32 $0x8;
	v23, _, _ =	vpop (xrf2)  }
0x76: {  	s21 =	sand.u32 $0x7F, s15;
	_ =	swait.ge [sflag:s20], $0x1000  }
0x77: {  	s22 =	sand.u32 $0x7F, s18;
	v57 =	vor.u32 s21, v14;
	[sflag:s20] =	ssyncset.done $0x0  }
0x78: {  	v58 =	vor.u32 s22, v14;
	[sflag:s20] =	ssyncadd.s32 $0xFFFFF000  }
0x79: {  	v59 =	vor.u32 s21, v15;
	_ =	swait.ge [sflag:s20], $0x1000  }
0x7a: {  	v27 =	vor.u32 s22, v15;
	[sflag:s20] =	ssyncset.done $0x0  }
0x7b: {  	[sflag:s20] =	ssyncadd.s32 $0xFFFFF000  }
0x7c: {  	v24 =	vld.idx.msk [tilespmem:v57+s12+$0x0], $0xffff  }
0x7d: {  	v25 =	vld.idx.msk [tilespmem:v58+s13+$0x0], $0xffff  }
0x7e: {  	v26 =	vld.idx.msk [tilespmem:v59+s12+$0x0], $0xffff  }
0x7f: {  	v27 =	vld.idx.msk [tilespmem:v27+s13+$0x0], $0xffff;
	_ =	sdelay $0x4  }
0x80: {  	v24 =	vmul.f32 v25, v24;
	v60 =	vmul.f32 v27, v26;
	_ =	sdelay $0x1  }
0x81: {  	v24 =	vadd.f32 v60, v24;
	_ =	sdelay $0x1  }
0x82: {  	(xrf2) =	vadd.scan.msk.f32 $0xffff, v24  }
0x83: {  	v16 =	vbroadcast v16, $0xF  }
0x84: {  	v17 =	vbroadcast v17, $0xF  }
0x85: {  	v16 =	vsel vm8, v16, v18;
	v61 =	vbroadcast v19, $0xF  }
0x86: {  	v16 =	vsel vm9, v16, v17;
	v17 =	vbroadcast v20, $0xF  }
0x87: {  	v16 =	vsel vm10, v16, v61  }
0x88: {  	v16 =	vsel vm11, v16, v17;
	v62 =	vbroadcast v21, $0xF;
	v17 =	vbroadcast v22, $0xF;
	_ =	sdelay $0x1  }
0x89: {  	v16 =	vsel vm12, v16, v62;
	v63 =	vbroadcast v23, $0xF  }
0x8a: {  	v16 =	vsel vm13, v16, v17  }
0x8b: {  	v16 =	vsel vm14, v16, v63;
	v17, _, _ =	vpop (xrf2)  }
0x8c: {  	s7 =	simm.s32 $0x9;
	v16 =	vsel vm15, v16, v17  }
0x8d: {  	s24 =	simm.s32 $0x10400;
	s9 =	simm.s32 $0x0;
	s23 =	rddreg [dreg:$0x8];
	[tilespmem:$0x105F0] =	vst v16  }
0x8e: {  	[hbm4b:s23+s9] =	stream.linear.scatter [tilespmem:s24], [sflag:$0x9], $0x200, $0x38;
	[tilespmem:$0x10600] =	vst v63  }
0x8f: {  	_ =	swait.ge [sflag:s7], $0x200  }
0x90: {  	s25 =	rddreg [dreg:$0xa]  }
0x91: {  	s26 =	rddreg [dreg:$0x9];
	s8 =	sadd.s32 $0x1, s25  }
0x92: {  	p0 =	sne.s32 s8, s26  }
.Ltmp1:
0x93: {  	_ = 	snop;
	(pc) =	sbr.rel @!p0 .LBB2_7-.Ltmp1, $4  }
0x94: {  	_ = 	snop  }
0x95: {  	s18 =	simm.s32 $0xF400;
	s15 =	simm.s32 $0x6400  }
0x96: {  	s14 =	simm.s32 $0x1400;
	s17 =	simm.s32 $0x7400;
	[sflag:s7] =	ssyncset.done $0x0  }
0x97: {  	s10 =	simm.s32 $0x7A1400;
	s16 =	simm.s32 $0xE400;
	[sflag:s7] =	ssyncadd.s32 $0xFFFFFE00  }
.LBB2_1:
0x98: {  	[dreg:$0xa] =	wrdreg s8  }
0x99: {  	s4 =	rddreg [dreg:$0x6]  }
0x9a: {  	[tilespmem:s9], [sflag:$0x9] =	stream.linear.gather [hbm4b:s4+s9], $0x200, $0x38;
	[tilespmem:$0x10600] =	vst v63  }
0x9b: {  	_ =	swait.ge [sflag:s7], $0x200  }
0x9c: {  	[sflag:s7] =	ssyncset.done $0x0  }
0x9d: {  	s26 =	simm.s32 $0x200;
	s25 =	rddreg [dreg:$0x7];
	[sflag:s7] =	ssyncadd.s32 $0xFFFFFE00  }
0x9e: {  	[tilespmem:s26], [sflag:$0x9] =	stream.linear.gather [hbm4b:s25+s9], $0x200, $0x38;
	[tilespmem:$0x10600] =	vst v63  }
0x9f: {  	_ =	swait.ge [sflag:s7], $0x200  }
0xa0: {  	[sflag:s7] =	ssyncset.done $0x0  }
0xa1: {  	[sflag:s7] =	ssyncadd.s32 $0xFFFFFE00  }
0xa2: {  	v20 =	vld [tilespmem:$0x0];
	_ =	sdelay $0x1  }
0xa3: {  	v19 =	vld [tilespmem:$0x200];
	_ =	sdelay $0x2  }
0xa4: {  	(v2sf) =	vpush v20, $0x0;
	_ =	sdelay $0x1  }
0xa5: {  	(v2sf) =	vpush v19, $0x0;
	_ =	sdelay $0x2  }
0xa6: {  	(v2sf) =	vpush v20, $0x1;
	_ =	sdelay $0x5  }
0xa7: {  	(v2sf) =	vpush v19, $0x1;
	_ =	sdelay $0x3  }
0xa8: {  	s7 =	spop (v2sf);
	(v2sf) =	vpush v20, $0x2;
	_ =	sdelay $0x1  }
0xa9: {  	s4 =	sand.u32 $0xFFFFF80, s7;
	s8 =	spop (v2sf);
	(v2sf) =	vpush v19, $0x2  }
0xaa: {  	s4 =	sadd.s32 s1, s4  }
0xab: {  	[tilespmem:s12], [sflag:$0x1] =	stream.strided.gather [hbm4b:s4+s12], $0x1000, s10, s12, $0x38;
	[tilespmem:$0x10600] =	vst v63  }
0xac: {  	s9 =	spop (v2sf);
	(v2sf) =	vpush v20, $0x3;
	s4 =	sand.u32 $0xFFFFF80, s8  }
0xad: {  	s4 =	sadd.s32 s2, s4  }
0xae: {  	[tilespmem:s13], [sflag:$0x1] =	stream.strided.gather [hbm4b:s4+s12], $0x1000, s10, s12, $0x38;
	[tilespmem:$0x10600] =	vst v63  }
0xaf: {  	s4 =	sand.u32 $0xFFFFF80, s9  }
0xb0: {  	s4 =	sadd.s32 s1, s4  }
0xb1: {  	[tilespmem:s14], [sflag:$0x2] =	stream.strided.gather [hbm4b:s4+s12], $0x1000, s10, s12, $0x38;
	[tilespmem:$0x10600] =	vst v63  }
0xb2: {  	s14 =	spop (v2sf);
	(v2sf) =	vpush v19, $0x3;
	_ =	sdelay $0x3  }
0xb3: {  	s19 =	spop (v2sf);
	(v2sf) =	vpush v20, $0x4;
	_ =	sdelay $0x1  }
0xb4: {  	s4 =	sand.u32 $0xFFFFF80, s14;
	s20 =	spop (v2sf);
	(v2sf) =	vpush v19, $0x4  }
0xb5: {  	s4 =	sadd.s32 s2, s4  }
0xb6: {  	[tilespmem:s28], [sflag:$0x2] =	stream.strided.gather [hbm4b:s4+s12], $0x1000, s10, s12, $0x38;
	[tilespmem:$0x10600] =	vst v63  }
0xb7: {  	s4 =	sand.u32 $0xFFFFF80, s19;
	s21 =	spop (v2sf);
	(v2sf) =	vpush v20, $0x5  }
0xb8: {  	s4 =	sadd.s32 s1, s4  }
0xb9: {  	[tilespmem:s29], [sflag:$0x3] =	stream.strided.gather [hbm4b:s4+s12], $0x1000, s10, s12, $0x38;
	[tilespmem:$0x10600] =	vst v63  }
0xba: {  	s4 =	sand.u32 $0xFFFFF80, s20  }
0xbb: {  	s4 =	sadd.s32 s2, s4  }
0xbc: {  	[tilespmem:s30], [sflag:$0x3] =	stream.strided.gather [hbm4b:s4+s12], $0x1000, s10, s12, $0x38;
	[tilespmem:$0x10600] =	vst v63  }
0xbd: {  	s4 =	sand.u32 $0xFFFFF80, s21;
	s22 =	spop (v2sf);
	(v2sf) =	vpush v19, $0x5  }
0xbe: {  	s4 =	sadd.s32 s1, s4  }
0xbf: {  	[tilespmem:s0], [sflag:$0x4] =	stream.strided.gather [hbm4b:s4+s12], $0x1000, s10, s12, $0x38;
	[tilespmem:$0x10600] =	vst v63  }
0xc0: {  	s4 =	sand.u32 $0xFFFFF80, s22  }
0xc1: {  	s4 =	sadd.s32 s2, s4;
	s23 =	spop (v2sf);
	(v2sf) =	vpush v20, $0x6  }
0xc2: {  	[tilespmem:s3], [sflag:$0x4] =	stream.strided.gather [hbm4b:s4+s12], $0x1000, s10, s12, $0x38;
	[tilespmem:$0x10600] =	vst v63  }
0xc3: {  	s4 =	sand.u32 $0xFFFFF80, s23;
	s24 =	spop (v2sf);
	(v2sf) =	vpush v19, $0x6  }
0xc4: {  	s4 =	sadd.s32 s1, s4  }
0xc5: {  	[tilespmem:s11], [sflag:$0x5] =	stream.strided.gather [hbm4b:s4+s12], $0x1000, s10, s12, $0x38;
	[tilespmem:$0x10600] =	vst v63  }
0xc6: {  	s25 =	spop (v2sf);
	(v2sf) =	vpush v20, $0x7;
	s4 =	sand.u32 $0xFFFFF80, s24  }
0xc7: {  	s4 =	sadd.s32 s2, s4  }
0xc8: {  	[tilespmem:s5], [sflag:$0x5] =	stream.strided.gather [hbm4b:s4+s12], $0x1000, s10, s12, $0x38;
	[tilespmem:$0x10600] =	vst v63  }
0xc9: {  	s4 =	sand.u32 $0xFFFFF80, s25  }
0xca: {  	s4 =	sadd.s32 s1, s4  }
0xcb: {  	[tilespmem:s6], [sflag:$0x6] =	stream.strided.gather [hbm4b:s4+s12], $0x1000, s10, s12, $0x38;
	[tilespmem:$0x10600] =	vst v63  }
0xcc: {  	s26 =	spop (v2sf);
	(v2sf) =	vpush v19, $0x7  }
0xcd: {  	s4 =	sand.u32 $0xFFFFF80, s26  }
0xce: {  	s4 =	sadd.s32 s2, s4  }
0xcf: {  	[tilespmem:s31], [sflag:$0x6] =	stream.strided.gather [hbm4b:s4+s12], $0x1000, s10, s12, $0x38;
	[tilespmem:$0x10600] =	vst v63  }
0xd0: {  	s28 =	spop (v2sf)  }
0xd1: {  	s4 =	sand.u32 $0xFFFFF80, s28  }
0xd2: {  	s29 =	spop (v2sf);
	s4 =	sadd.s32 s1, s4  }
0xd3: {  	[tilespmem:s15], [sflag:$0x7] =	stream.strided.gather [hbm4b:s4+s12], $0x1000, s10, s12, $0x38;
	[tilespmem:$0x10600] =	vst v63  }
0xd4: {  	s4 =	sand.u32 $0xFFFFF80, s29  }
0xd5: {  	s30 =	spop (v2sf);
	s4 =	sadd.s32 s2, s4  }
0xd6: {  	[tilespmem:s16], [sflag:$0x7] =	stream.strided.gather [hbm4b:s4+s12], $0x1000, s10, s12, $0x38;
	[tilespmem:$0x10600] =	vst v63  }
0xd7: {  	s4 =	sand.u32 $0xFFFFF80, s30  }
0xd8: {  	s4 =	sadd.s32 s1, s4  }
0xd9: {  	[tilespmem:s17], [sflag:$0x8] =	stream.strided.gather [hbm4b:s4+s12], $0x1000, s10, s12, $0x38;
	[tilespmem:$0x10600] =	vst v63  }
.Ltmp2:
0xda: {  	_ = 	snop;
	(pc) =	sbr.rel .LBB2_2-.Ltmp2, $4  }
0xdb: {  	s31 =	spop (v2sf)  }
0xdc: {  	s4 =	sand.u32 $0xFFFFF80, s31  }
0xdd: {  	s8 =	simm.s32 $0x0;
	s4 =	sadd.s32 s2, s4  }
0xde: {  	v18 =	vimm.f32 $0.0e+00;
	[tilespmem:s18], [sflag:$0x8] =	stream.strided.gather [hbm4b:s4+s12], $0x1000, s10, s12, $0x38;
	[tilespmem:$0x10600] =	vst v63  }
.LBB2_4:
0xdf: {  	(v2sf) =	vpush v20, $0x8  }
0xe0: {  	(v2sf) =	vpush v19, $0x8;
	_ =	sdelay $0xd  }
0xe1: {  	s7 =	spop (v2sf)  }
0xe2: {  	s0 =	simm.s32 $0x1;
	s9 =	spop (v2sf)  }
0xe3: {  	s7 =	sand.u32 $0x7F, s7;
	_ =	swait.ge [sflag:s0], $0x1000  }
0xe4: {  	s9 =	sand.u32 $0x7F, s9;
	v21 =	vor.u32 s7, v0;
	[sflag:s0] =	ssyncset.done $0x0  }
0xe5: {  	v22 =	vor.u32 s9, v0;
	[sflag:s0] =	ssyncadd.s32 $0xFFFFF000  }
0xe6: {  	v23 =	vor.u32 s7, v1;
	_ =	swait.ge [sflag:s0], $0x1000  }
0xe7: {  	v24 =	vor.u32 s9, v1;
	[sflag:s0] =	ssyncset.done $0x0  }
0xe8: {  	[sflag:s0] =	ssyncadd.s32 $0xFFFFF000  }
0xe9: {  	v21 =	vld.idx.msk [tilespmem:v21+s12+$0x0], $0xffff  }
0xea: {  	v22 =	vld.idx.msk [tilespmem:v22+s13+$0x0], $0xffff  }
0xeb: {  	v23 =	vld.idx.msk [tilespmem:v23+s12+$0x0], $0xffff  }
0xec: {  	v24 =	vld.idx.msk [tilespmem:v24+s13+$0x0], $0xffff;
	_ =	sdelay $0x2  }
0xed: {  	(v2sf) =	vpush v20, $0x9  }
0xee: {  	(v2sf) =	vpush v19, $0x9  }
0xef: {  	v21 =	vmul.f32 v22, v21;
	v28 =	vmul.f32 v24, v23;
	_ =	sdelay $0x1  }
0xf0: {  	v21 =	vadd.f32 v28, v21;
	_ =	sdelay $0x1  }
0xf1: {  	(xrf2) =	vadd.scan.msk.f32 $0xffff, v21;
	_ =	sdelay $0x8  }
0xf2: {  	s25 =	spop (v2sf)  }
0xf3: {  	s24 =	simm.s32 $0x2;
	s26 =	spop (v2sf);
	v21, _, _ =	vpop (xrf2)  }
0xf4: {  	s7 =	sand.u32 $0x7F, s25;
	_ =	swait.ge [sflag:s24], $0x1000  }
0xf5: {  	s9 =	sand.u32 $0x7F, s26;
	v29 =	vor.u32 s7, v2;
	[sflag:s24] =	ssyncset.done $0x0  }
0xf6: {  	v30 =	vor.u32 s9, v2;
	[sflag:s24] =	ssyncadd.s32 $0xFFFFF000  }
0xf7: {  	v31 =	vor.u32 s7, v3;
	_ =	swait.ge [sflag:s24], $0x1000  }
0xf8: {  	v25 =	vor.u32 s9, v3;
	[sflag:s24] =	ssyncset.done $0x0  }
0xf9: {  	[sflag:s24] =	ssyncadd.s32 $0xFFFFF000  }
0xfa: {  	v22 =	vld.idx.msk [tilespmem:v29+s12+$0x0], $0xffff  }
0xfb: {  	v23 =	vld.idx.msk [tilespmem:v30+s13+$0x0], $0xffff  }
0xfc: {  	v24 =	vld.idx.msk [tilespmem:v31+s12+$0x0], $0xffff  }
0xfd: {  	v25 =	vld.idx.msk [tilespmem:v25+s13+$0x0], $0xffff;
	_ =	sdelay $0x2  }
0xfe: {  	(v2sf) =	vpush v20, $0xA  }
0xff: {  	(v2sf) =	vpush v19, $0xA  }
0x100: {  	v22 =	vmul.f32 v23, v22;
	v32 =	vmul.f32 v25, v24;
	_ =	sdelay $0x1  }
0x101: {  	v22 =	vadd.f32 v32, v22;
	_ =	sdelay $0x1  }
0x102: {  	(xrf2) =	vadd.scan.msk.f32 $0xffff, v22;
	_ =	sdelay $0x8  }
0x103: {  	s0 =	spop (v2sf)  }
0x104: {  	s21 =	simm.s32 $0x3;
	s3 =	spop (v2sf);
	v22, _, _ =	vpop (xrf2)  }
0x105: {  	s7 =	sand.u32 $0x7F, s0;
	_ =	swait.ge [sflag:s21], $0x1000  }
0x106: {  	s9 =	sand.u32 $0x7F, s3;
	v33 =	vor.u32 s7, v4;
	[sflag:s21] =	ssyncset.done $0x0  }
0x107: {  	v34 =	vor.u32 s9, v4;
	[sflag:s21] =	ssyncadd.s32 $0xFFFFF000  }
0x108: {  	v35 =	vor.u32 s7, v5;
	_ =	swait.ge [sflag:s21], $0x1000  }
0x109: {  	v26 =	vor.u32 s9, v5;
	[sflag:s21] =	ssyncset.done $0x0  }
0x10a: {  	[sflag:s21] =	ssyncadd.s32 $0xFFFFF000  }
0x10b: {  	v23 =	vld.idx.msk [tilespmem:v33+s12+$0x0], $0xffff  }
0x10c: {  	v24 =	vld.idx.msk [tilespmem:v34+s13+$0x0], $0xffff  }
0x10d: {  	v25 =	vld.idx.msk [tilespmem:v35+s12+$0x0], $0xffff  }
0x10e: {  	v26 =	vld.idx.msk [tilespmem:v26+s13+$0x0], $0xffff;
	_ =	sdelay $0x2  }
0x10f: {  	(v2sf) =	vpush v20, $0xB  }
0x110: {  	(v2sf) =	vpush v19, $0xB  }
0x111: {  	v23 =	vmul.f32 v24, v23;
	v36 =	vmul.f32 v26, v25;
	_ =	sdelay $0x1  }
0x112: {  	v23 =	vadd.f32 v36, v23;
	_ =	sdelay $0x1  }
0x113: {  	(xrf2) =	vadd.scan.msk.f32 $0xffff, v23;
	_ =	sdelay $0x8  }
0x114: {  	s5 =	spop (v2sf)  }
0x115: {  	s25 =	simm.s32 $0x4;
	s6 =	spop (v2sf);
	v23, _, _ =	vpop (xrf2)  }
0x116: {  	s7 =	sand.u32 $0x7F, s5;
	_ =	swait.ge [sflag:s25], $0x1000  }
0x117: {  	s9 =	sand.u32 $0x7F, s6;
	v37 =	vor.u32 s7, v6;
	[sflag:s25] =	ssyncset.done $0x0  }
0x118: {  	v38 =	vor.u32 s9, v6;
	[sflag:s25] =	ssyncadd.s32 $0xFFFFF000  }
0x119: {  	v39 =	vor.u32 s7, v7;
	_ =	swait.ge [sflag:s25], $0x1000  }
0x11a: {  	v27 =	vor.u32 s9, v7;
	[sflag:s25] =	ssyncset.done $0x0  }
0x11b: {  	[sflag:s25] =	ssyncadd.s32 $0xFFFFF000  }
0x11c: {  	v24 =	vld.idx.msk [tilespmem:v37+s12+$0x0], $0xffff  }
0x11d: {  	v25 =	vld.idx.msk [tilespmem:v38+s13+$0x0], $0xffff  }
0x11e: {  	v26 =	vld.idx.msk [tilespmem:v39+s12+$0x0], $0xffff  }
0x11f: {  	v27 =	vld.idx.msk [tilespmem:v27+s13+$0x0], $0xffff;
	_ =	sdelay $0x2  }
0x120: {  	(v2sf) =	vpush v20, $0xC  }
0x121: {  	(v2sf) =	vpush v19, $0xC  }
0x122: {  	v24 =	vmul.f32 v25, v24;
	v40 =	vmul.f32 v27, v26;
	_ =	sdelay $0x1  }
0x123: {  	v24 =	vadd.f32 v40, v24;
	_ =	sdelay $0x1  }
0x124: {  	(xrf2) =	vadd.scan.msk.f32 $0xffff, v24;
	_ =	sdelay $0x8  }
0x125: {  	s9 =	spop (v2sf)  }
0x126: {  	s26 =	simm.s32 $0x5;
	s10 =	spop (v2sf);
	v24, _, _ =	vpop (xrf2)  }
0x127: {  	s7 =	sand.u32 $0x7F, s9;
	_ =	swait.ge [sflag:s26], $0x1000  }
0x128: {  	s9 =	sand.u32 $0x7F, s10;
	v41 =	vor.u32 s7, v8;
	[sflag:s26] =	ssyncset.done $0x0  }
0x129: {  	v42 =	vor.u32 s9, v8;
	[sflag:s26] =	ssyncadd.s32 $0xFFFFF000  }
0x12a: {  	v43 =	vor.u32 s7, v9;
	_ =	swait.ge [sflag:s26], $0x1000  }
0x12b: {  	v28 =	vor.u32 s9, v9;
	[sflag:s26] =	ssyncset.done $0x0  }
0x12c: {  	[sflag:s26] =	ssyncadd.s32 $0xFFFFF000  }
0x12d: {  	v25 =	vld.idx.msk [tilespmem:v41+s12+$0x0], $0xffff  }
0x12e: {  	v26 =	vld.idx.msk [tilespmem:v42+s13+$0x0], $0xffff  }
0x12f: {  	v27 =	vld.idx.msk [tilespmem:v43+s12+$0x0], $0xffff  }
0x130: {  	v28 =	vld.idx.msk [tilespmem:v28+s13+$0x0], $0xffff;
	_ =	sdelay $0x2  }
0x131: {  	(v2sf) =	vpush v20, $0xD  }
0x132: {  	(v2sf) =	vpush v19, $0xD  }
0x133: {  	v25 =	vmul.f32 v26, v25;
	v44 =	vmul.f32 v28, v27;
	_ =	sdelay $0x1  }
0x134: {  	v25 =	vadd.f32 v44, v25;
	_ =	sdelay $0x1  }
0x135: {  	(xrf2) =	vadd.scan.msk.f32 $0xffff, v25;
	_ =	sdelay $0x8  }
0x136: {  	s11 =	spop (v2sf)  }
0x137: {  	s5 =	simm.s32 $0x6;
	s14 =	spop (v2sf);
	v25, _, _ =	vpop (xrf2)  }
0x138: {  	s7 =	sand.u32 $0x7F, s11;
	_ =	swait.ge [sflag:s5], $0x1000  }
0x139: {  	s9 =	sand.u32 $0x7F, s14;
	v45 =	vor.u32 s7, v10;
	[sflag:s5] =	ssyncset.done $0x0  }
0x13a: {  	v46 =	vor.u32 s9, v10;
	[sflag:s5] =	ssyncadd.s32 $0xFFFFF000  }
0x13b: {  	v47 =	vor.u32 s7, v11;
	_ =	swait.ge [sflag:s5], $0x1000  }
0x13c: {  	v29 =	vor.u32 s9, v11;
	[sflag:s5] =	ssyncset.done $0x0  }
0x13d: {  	[sflag:s5] =	ssyncadd.s32 $0xFFFFF000  }
0x13e: {  	v26 =	vld.idx.msk [tilespmem:v45+s12+$0x0], $0xffff  }
0x13f: {  	v27 =	vld.idx.msk [tilespmem:v46+s13+$0x0], $0xffff  }
0x140: {  	v28 =	vld.idx.msk [tilespmem:v47+s12+$0x0], $0xffff  }
0x141: {  	v29 =	vld.idx.msk [tilespmem:v29+s13+$0x0], $0xffff;
	_ =	sdelay $0x2  }
0x142: {  	(v2sf) =	vpush v20, $0xE  }
0x143: {  	(v2sf) =	vpush v19, $0xE  }
0x144: {  	v26 =	vmul.f32 v27, v26;
	v48 =	vmul.f32 v29, v28;
	_ =	sdelay $0x1  }
0x145: {  	v26 =	vadd.f32 v48, v26;
	_ =	sdelay $0x1  }
0x146: {  	(xrf2) =	vadd.scan.msk.f32 $0xffff, v26;
	_ =	sdelay $0x8  }
0x147: {  	s15 =	spop (v2sf)  }
0x148: {  	s6 =	simm.s32 $0x7;
	s16 =	spop (v2sf);
	v26, _, _ =	vpop (xrf2)  }
0x149: {  	s7 =	sand.u32 $0x7F, s15;
	_ =	swait.ge [sflag:s6], $0x1000  }
0x14a: {  	s9 =	sand.u32 $0x7F, s16;
	v49 =	vor.u32 s7, v12;
	[sflag:s6] =	ssyncset.done $0x0  }
0x14b: {  	v50 =	vor.u32 s9, v12;
	[sflag:s6] =	ssyncadd.s32 $0xFFFFF000  }
0x14c: {  	v51 =	vor.u32 s7, v13;
	_ =	swait.ge [sflag:s6], $0x1000  }
0x14d: {  	v30 =	vor.u32 s9, v13;
	[sflag:s6] =	ssyncset.done $0x0  }
0x14e: {  	[sflag:s6] =	ssyncadd.s32 $0xFFFFF000  }
0x14f: {  	v27 =	vld.idx.msk [tilespmem:v49+s12+$0x0], $0xffff  }
0x150: {  	v28 =	vld.idx.msk [tilespmem:v50+s13+$0x0], $0xffff  }
0x151: {  	v29 =	vld.idx.msk [tilespmem:v51+s12+$0x0], $0xffff  }
0x152: {  	v30 =	vld.idx.msk [tilespmem:v30+s13+$0x0], $0xffff;
	_ =	sdelay $0x2  }
0x153: {  	(v2sf) =	vpush v20, $0xF  }
0x154: {  	(v2sf) =	vpush v19, $0xF  }
0x155: {  	v19 =	vmul.f32 v28, v27;
	v52 =	vmul.f32 v30, v29;
	_ =	sdelay $0x1  }
0x156: {  	v19 =	vadd.f32 v52, v19;
	_ =	sdelay $0x1  }
0x157: {  	(xrf2) =	vadd.scan.msk.f32 $0xffff, v19;
	_ =	sdelay $0x8  }
0x158: {  	s17 =	spop (v2sf)  }
0x159: {  	s10 =	simm.s32 $0x8;
	s18 =	spop (v2sf);
	v19, _, _ =	vpop (xrf2)  }
0x15a: {  	s7 =	sand.u32 $0x7F, s17;
	_ =	swait.ge [sflag:s10], $0x1000  }
0x15b: {  	s9 =	sand.u32 $0x7F, s18;
	v53 =	vor.u32 s7, v14;
	[sflag:s10] =	ssyncset.done $0x0  }
0x15c: {  	v54 =	vor.u32 s9, v14;
	[sflag:s10] =	ssyncadd.s32 $0xFFFFF000  }
0x15d: {  	v55 =	vor.u32 s7, v15;
	_ =	swait.ge [sflag:s10], $0x1000  }
0x15e: {  	v56 =	vor.u32 s9, v15;
	[sflag:s10] =	ssyncset.done $0x0  }
0x15f: {  	[sflag:s10] =	ssyncadd.s32 $0xFFFFF000  }
0x160: {  	v20 =	vld.idx.msk [tilespmem:v53+s12+$0x0], $0xffff  }
0x161: {  	v27 =	vld.idx.msk [tilespmem:v54+s13+$0x0], $0xffff  }
0x162: {  	v28 =	vld.idx.msk [tilespmem:v55+s12+$0x0], $0xffff  }
0x163: {  	v29 =	vld.idx.msk [tilespmem:v56+s13+$0x0], $0xffff;
	_ =	sdelay $0x3  }
0x164: {  	(v2sf) =	vpush v16, $0x0  }
0x165: {  	v20 =	vmul.f32 v27, v20;
	v57 =	vmul.f32 v29, v28  }
0x166: {  	(v2sf) =	vpush v17, $0x0  }
0x167: {  	v20 =	vadd.f32 v57, v20;
	_ =	sdelay $0x1  }
0x168: {  	(xrf2) =	vadd.scan.msk.f32 $0xffff, v20  }
0x169: {  	v58 =	vbroadcast v21, $0xF  }
0x16a: {  	v59 =	vbroadcast v22, $0xF;
	(v2sf) =	vpush v16, $0x1  }
0x16b: {  	v18 =	vsel vm8, v58, v18;
	v60 =	vbroadcast v23, $0xF  }
0x16c: {  	v18 =	vsel vm9, v18, v59  }
0x16d: {  	v18 =	vsel vm10, v18, v60;
	v61 =	vbroadcast v24, $0xF  }
0x16e: {  	v62 =	vbroadcast v25, $0xF;
	v19 =	vbroadcast v19, $0xF;
	(v2sf) =	vpush v17, $0x1  }
0x16f: {  	v18 =	vsel vm11, v18, v61;
	v63 =	vbroadcast v26, $0xF  }
0x170: {  	v18 =	vsel vm12, v18, v62;
	(v2sf) =	vpush v16, $0x2  }
0x171: {  	v18 =	vsel vm13, v18, v63  }
0x172: {  	v18 =	vsel vm14, v18, v19;
	s9 =	spop (v2sf);
	v19, _, _ =	vpop (xrf2)  }
0x173: {  	(v2sf) =	vpush v17, $0x2;
	s19 =	sand.u32 $0xFFFFF80, s9;
	v18 =	vsel vm15, v18, v19  }
0x174: {  	s3 =	simm.s32 $0x7A1400;
	s20 =	sadd.s32 s1, s19;
	[tilespmem:s4+$0x103F0] =	vst v18;
	s4 =	spop (v2sf)  }
0x175: {  	[tilespmem:s12], [sflag:$0x1] =	stream.strided.gather [hbm4b:s20+s12], $0x1000, s3, s12, $0x38;
	[tilespmem:$0x10600] =	vst v63  }
0x176: {  	s22 =	sand.u32 $0xFFFFF80, s4  }
0x177: {  	s7 =	sadd.s32 s2, s22  }
0x178: {  	[tilespmem:s13], [sflag:$0x1] =	stream.strided.gather [hbm4b:s7+s12], $0x1000, s3, s12, $0x38;
	[tilespmem:$0x10600] =	vst v63  }
0x179: {  	(v2sf) =	vpush v16, $0x3;
	s7 =	spop (v2sf)  }
0x17a: {  	s14 =	sand.u32 $0xFFFFF80, s7  }
0x17b: {  	s29 =	simm.s32 $0x1400;
	s14 =	sadd.s32 s1, s14  }
0x17c: {  	[tilespmem:s29], [sflag:$0x2] =	stream.strided.gather [hbm4b:s14+s12], $0x1000, s3, s12, $0x38;
	[tilespmem:$0x10600] =	vst v63  }
0x17d: {  	s14 =	spop (v2sf);
	(v2sf) =	vpush v17, $0x3;
	_ =	sdelay $0x1  }
0x17e: {  	s16 =	spop (v2sf);
	(v2sf) =	vpush v16, $0x4;
	_ =	sdelay $0x1  }
0x17f: {  	s30 =	simm.s32 $0x9400;
	s15 =	sand.u32 $0xFFFFF80, s14  }
0x180: {  	s15 =	sadd.s32 s2, s15;
	s23 =	sand.u32 $0xFFFFF80, s16;
	s17 =	spop (v2sf);
	(v2sf) =	vpush v17, $0x4  }
0x181: {  	[tilespmem:s30], [sflag:$0x2] =	stream.strided.gather [hbm4b:s15+s12], $0x1000, s3, s12, $0x38;
	[tilespmem:$0x10600] =	vst v63  }
0x182: {  	s31 =	simm.s32 $0x2400;
	s15 =	sadd.s32 s1, s23;
	s0 =	sand.u32 $0xFFFFF80, s17  }
0x183: {  	[tilespmem:s31], [sflag:$0x3] =	stream.strided.gather [hbm4b:s15+s12], $0x1000, s3, s12, $0x38;
	[tilespmem:$0x10600] =	vst v63  }
0x184: {  	s15 =	sadd.s32 s2, s0;
	s0 =	simm.s32 $0xA400  }
0x185: {  	(v2sf) =	vpush v16, $0x5;
	[tilespmem:s0], [sflag:$0x3] =	stream.strided.gather [hbm4b:s15+s12], $0x1000, s3, s12, $0x38;
	[tilespmem:$0x10600] =	vst v63  }
0x186: {  	s19 =	spop (v2sf)  }
0x187: {  	(v2sf) =	vpush v17, $0x5;
	s11 =	sand.u32 $0xFFFFF80, s19  }
0x188: {  	s22 =	simm.s32 $0x3400;
	s15 =	sadd.s32 s1, s11  }
0x189: {  	[tilespmem:s22], [sflag:$0x4] =	stream.strided.gather [hbm4b:s15+s12], $0x1000, s3, s12, $0x38;
	[tilespmem:$0x10600] =	vst v63  }
0x18a: {  	s20 =	spop (v2sf)  }
0x18b: {  	s18 =	sand.u32 $0xFFFFF80, s20  }
0x18c: {  	s11 =	simm.s32 $0xB400;
	(v2sf) =	vpush v16, $0x6;
	s23 =	spop (v2sf);
	s15 =	sadd.s32 s2, s18  }
0x18d: {  	[tilespmem:s11], [sflag:$0x4] =	stream.strided.gather [hbm4b:s15+s12], $0x1000, s3, s12, $0x38;
	[tilespmem:$0x10600] =	vst v63  }
0x18e: {  	(v2sf) =	vpush v17, $0x6;
	[dreg:$0x10] =	wrdreg s23;
	s15 =	sand.u32 $0xFFFFF80, s23  }
0x18f: {  	s18 =	simm.s32 $0x4400;
	s23 =	spop (v2sf);
	s15 =	sadd.s32 s1, s15  }
0x190: {  	[tilespmem:s18], [sflag:$0x5] =	stream.strided.gather [hbm4b:s15+s12], $0x1000, s3, s12, $0x38;
	[tilespmem:$0x10600] =	vst v63  }
0x191: {  	(v2sf) =	vpush v16, $0x7;
	s18 =	sand.u32 $0xFFFFF80, s23  }
0x192: {  	s15 =	sadd.s32 s2, s18;
	s18 =	simm.s32 $0xC400  }
0x193: {  	[tilespmem:s18], [sflag:$0x5] =	stream.strided.gather [hbm4b:s15+s12], $0x1000, s3, s12, $0x38;
	[tilespmem:$0x10600] =	vst v63  }
0x194: {  	s18 =	spop (v2sf)  }
0x195: {  	[dreg:$0xe] =	wrdreg s18;
	s15 =	sand.u32 $0xFFFFF80, s18  }
0x196: {  	(v2sf) =	vpush v17, $0x7;
	s18 =	simm.s32 $0x5400;
	s28 =	spop (v2sf);
	s15 =	sadd.s32 s1, s15  }
0x197: {  	[tilespmem:s18], [sflag:$0x6] =	stream.strided.gather [hbm4b:s15+s12], $0x1000, s3, s12, $0x38;
	[tilespmem:$0x10600] =	vst v63  }
0x198: {  	s15 =	sand.u32 $0xFFFFF80, s28  }
0x199: {  	[dreg:$0xf] =	wrdreg s28;
	s28 =	simm.s32 $0xD400;
	s15 =	sadd.s32 s2, s15  }
0x19a: {  	[tilespmem:s28], [sflag:$0x6] =	stream.strided.gather [hbm4b:s15+s12], $0x1000, s3, s12, $0x38;
	[tilespmem:$0x10600] =	vst v63  }
0x19b: {  	s18 =	spop (v2sf)  }
0x19c: {  	[dreg:$0xc] =	wrdreg s18;
	s18 =	sand.u32 $0xFFFFF80, s18  }
0x19d: {  	s28 =	spop (v2sf);
	s15 =	sadd.s32 s1, s18;
	s18 =	simm.s32 $0x6400  }
0x19e: {  	[tilespmem:s18], [sflag:$0x7] =	stream.strided.gather [hbm4b:s15+s12], $0x1000, s3, s12, $0x38;
	[tilespmem:$0x10600] =	vst v63  }
0x19f: {  	[dreg:$0xd] =	wrdreg s28;
	s18 =	sand.u32 $0xFFFFF80, s28  }
0x1a0: {  	s15 =	spop (v2sf);
	s28 =	simm.s32 $0xE400;
	s18 =	sadd.s32 s2, s18  }
0x1a1: {  	[tilespmem:s28], [sflag:$0x7] =	stream.strided.gather [hbm4b:s18+s12], $0x1000, s3, s12, $0x38;
	[tilespmem:$0x10600] =	vst v63  }
0x1a2: {  	s18 =	sand.u32 $0xFFFFF80, s15  }
0x1a3: {  	s28 =	simm.s32 $0x7400;
	s18 =	sadd.s32 s1, s18  }
0x1a4: {  	[tilespmem:s28], [sflag:$0x8] =	stream.strided.gather [hbm4b:s18+s12], $0x1000, s3, s12, $0x38;
	[tilespmem:$0x10600] =	vst v63  }
0x1a5: {  	s18 =	spop (v2sf)  }
0x1a6: {  	s28 =	sand.u32 $0xFFFFF80, s18  }
0x1a7: {  	[dreg:$0xb] =	wrdreg s18;
	s18 =	simm.s32 $0xF400;
	s28 =	sadd.s32 s2, s28  }
0x1a8: {  	[tilespmem:s18], [sflag:$0x8] =	stream.strided.gather [hbm4b:s28+s12], $0x1000, s3, s12, $0x38;
	[tilespmem:$0x10600] =	vst v63  }
0x1a9: {  	s18 =	smov.u32 s15;
	s15 =	simm.s32 $0xE400;
	s28 =	simm.s32 $0x1  }
.LBB2_5:
0x1aa: {  	_ =	swait.ge [sflag:s28], $0x1000;
	s9 =	sand.u32 $0x7F, s9  }
0x1ab: {  	s4 =	sand.u32 $0x7F, s4;
	[sflag:s28] =	ssyncset.done $0x0;
	v18 =	vor.u32 s9, v0  }
0x1ac: {  	v19 =	vor.u32 s4, v0;
	[sflag:s28] =	ssyncadd.s32 $0xFFFFF000  }
0x1ad: {  	v20 =	vor.u32 s9, v1;
	_ =	swait.ge [sflag:s28], $0x1000  }
0x1ae: {  	v21 =	vor.u32 s4, v1;
	[sflag:s28] =	ssyncset.done $0x0  }
0x1af: {  	[sflag:s28] =	ssyncadd.s32 $0xFFFFF000  }
0x1b0: {  	(v2sf) =	vpush v16, $0x8;
	v18 =	vld.idx.msk [tilespmem:v18+s12+$0x0], $0xffff  }
0x1b1: {  	v19 =	vld.idx.msk [tilespmem:v19+s13+$0x0], $0xffff  }
0x1b2: {  	v20 =	vld.idx.msk [tilespmem:v20+s12+$0x0], $0xffff  }
0x1b3: {  	v21 =	vld.idx.msk [tilespmem:v21+s13+$0x0], $0xffff  }
0x1b4: {  	(v2sf) =	vpush v17, $0x8;
	_ =	sdelay $0x3  }
0x1b5: {  	v18 =	vmul.f32 v19, v18;
	v19 =	vmul.f32 v21, v20;
	_ =	sdelay $0x1  }
0x1b6: {  	v18 =	vadd.f32 v19, v18;
	_ =	sdelay $0x1  }
0x1b7: {  	(xrf2) =	vadd.scan.msk.f32 $0xffff, v18;
	_ =	sdelay $0x2  }
0x1b8: {  	s4 =	spop (v2sf)  }
0x1b9: {  	s9 =	sand.u32 $0xFFFFF80, s4  }
0x1ba: {  	s9 =	sadd.s32 s1, s9  }
0x1bb: {  	[tilespmem:s12], [sflag:$0x1] =	stream.strided.gather [hbm4b:s9+s12], $0x1000, s3, s12, $0x38;
	[tilespmem:$0x10600] =	vst v63  }
0x1bc: {  	s9 =	spop (v2sf)  }
0x1bd: {  	s28 =	sand.u32 $0xFFFFF80, s9  }
0x1be: {  	s28 =	sadd.s32 s2, s28  }
0x1bf: {  	v18, _, _ =	vpop (xrf2);
	[tilespmem:s13], [sflag:$0x1] =	stream.strided.gather [hbm4b:s28+s12], $0x1000, s3, s12, $0x38;
	[tilespmem:$0x10600] =	vst v63  }
0x1c0: {  	s7 =	sand.u32 $0x7F, s7;
	_ =	swait.ge [sflag:s24], $0x1000  }
0x1c1: {  	s14 =	sand.u32 $0x7F, s14;
	v19 =	vor.u32 s7, v2;
	[sflag:s24] =	ssyncset.done $0x0  }
0x1c2: {  	v20 =	vor.u32 s14, v2;
	[sflag:s24] =	ssyncadd.s32 $0xFFFFF000  }
0x1c3: {  	v21 =	vor.u32 s7, v3;
	_ =	swait.ge [sflag:s24], $0x1000  }
0x1c4: {  	v22 =	vor.u32 s14, v3;
	[sflag:s24] =	ssyncset.done $0x0  }
0x1c5: {  	[sflag:s24] =	ssyncadd.s32 $0xFFFFF000  }
0x1c6: {  	(v2sf) =	vpush v16, $0x9;
	v19 =	vld.idx.msk [tilespmem:v19+s12+$0x0], $0xffff  }
0x1c7: {  	v20 =	vld.idx.msk [tilespmem:v20+s13+$0x0], $0xffff  }
0x1c8: {  	v21 =	vld.idx.msk [tilespmem:v21+s12+$0x0], $0xffff  }
0x1c9: {  	v22 =	vld.idx.msk [tilespmem:v22+s13+$0x0], $0xffff  }
0x1ca: {  	(v2sf) =	vpush v17, $0x9;
	_ =	sdelay $0x3  }
0x1cb: {  	v19 =	vmul.f32 v20, v19;
	v20 =	vmul.f32 v22, v21;
	_ =	sdelay $0x1  }
0x1cc: {  	v19 =	vadd.f32 v20, v19;
	_ =	sdelay $0x1  }
0x1cd: {  	(xrf2) =	vadd.scan.msk.f32 $0xffff, v19;
	_ =	sdelay $0x2  }
0x1ce: {  	s7 =	spop (v2sf)  }
0x1cf: {  	s24 =	sand.u32 $0xFFFFF80, s7  }
0x1d0: {  	s14 =	sadd.s32 s1, s24  }
0x1d1: {  	[tilespmem:s29], [sflag:$0x2] =	stream.strided.gather [hbm4b:s14+s12], $0x1000, s3, s12, $0x38;
	[tilespmem:$0x10600] =	vst v63  }
0x1d2: {  	s14 =	spop (v2sf)  }
0x1d3: {  	s28 =	sand.u32 $0xFFFFF80, s14  }
0x1d4: {  	s28 =	sadd.s32 s2, s28  }
0x1d5: {  	v19, _, _ =	vpop (xrf2);
	[tilespmem:s30], [sflag:$0x2] =	stream.strided.gather [hbm4b:s28+s12], $0x1000, s3, s12, $0x38;
	[tilespmem:$0x10600] =	vst v63  }
0x1d6: {  	s16 =	sand.u32 $0x7F, s16;
	_ =	swait.ge [sflag:s21], $0x1000  }
0x1d7: {  	s17 =	sand.u32 $0x7F, s17;
	v20 =	vor.u32 s16, v4;
	[sflag:s21] =	ssyncset.done $0x0  }
0x1d8: {  	v21 =	vor.u32 s17, v4;
	[sflag:s21] =	ssyncadd.s32 $0xFFFFF000  }
0x1d9: {  	v22 =	vor.u32 s16, v5;
	_ =	swait.ge [sflag:s21], $0x1000  }
0x1da: {  	v23 =	vor.u32 s17, v5;
	[sflag:s21] =	ssyncset.done $0x0  }
0x1db: {  	[sflag:s21] =	ssyncadd.s32 $0xFFFFF000  }
0x1dc: {  	(v2sf) =	vpush v16, $0xA;
	v20 =	vld.idx.msk [tilespmem:v20+s12+$0x0], $0xffff  }
0x1dd: {  	v21 =	vld.idx.msk [tilespmem:v21+s13+$0x0], $0xffff  }
0x1de: {  	v22 =	vld.idx.msk [tilespmem:v22+s12+$0x0], $0xffff  }
0x1df: {  	v23 =	vld.idx.msk [tilespmem:v23+s13+$0x0], $0xffff  }
0x1e0: {  	(v2sf) =	vpush v17, $0xA;
	_ =	sdelay $0x3  }
0x1e1: {  	v20 =	vmul.f32 v21, v20;
	v21 =	vmul.f32 v23, v22;
	_ =	sdelay $0x1  }
0x1e2: {  	v20 =	vadd.f32 v21, v20;
	_ =	sdelay $0x1  }
0x1e3: {  	(xrf2) =	vadd.scan.msk.f32 $0xffff, v20;
	_ =	sdelay $0x2  }
0x1e4: {  	s16 =	spop (v2sf)  }
0x1e5: {  	s24 =	sand.u32 $0xFFFFF80, s16  }
0x1e6: {  	s17 =	sadd.s32 s1, s24  }
0x1e7: {  	[tilespmem:s31], [sflag:$0x3] =	stream.strided.gather [hbm4b:s17+s12], $0x1000, s3, s12, $0x38;
	[tilespmem:$0x10600] =	vst v63  }
0x1e8: {  	s17 =	spop (v2sf)  }
0x1e9: {  	s28 =	sand.u32 $0xFFFFF80, s17  }
0x1ea: {  	s28 =	sadd.s32 s2, s28  }
0x1eb: {  	v20, _, _ =	vpop (xrf2);
	[tilespmem:s0], [sflag:$0x3] =	stream.strided.gather [hbm4b:s28+s12], $0x1000, s3, s12, $0x38;
	[tilespmem:$0x10600] =	vst v63  }
0x1ec: {  	s19 =	sand.u32 $0x7F, s19;
	_ =	swait.ge [sflag:s25], $0x1000  }
0x1ed: {  	s20 =	sand.u32 $0x7F, s20;
	v21 =	vor.u32 s19, v6;
	[sflag:s25] =	ssyncset.done $0x0  }
0x1ee: {  	v22 =	vor.u32 s20, v6;
	[sflag:s25] =	ssyncadd.s32 $0xFFFFF000  }
0x1ef: {  	v23 =	vor.u32 s19, v7;
	_ =	swait.ge [sflag:s25], $0x1000  }
0x1f0: {  	v24 =	vor.u32 s20, v7;
	[sflag:s25] =	ssyncset.done $0x0  }
0x1f1: {  	[sflag:s25] =	ssyncadd.s32 $0xFFFFF000  }
0x1f2: {  	(v2sf) =	vpush v16, $0xB;
	v21 =	vld.idx.msk [tilespmem:v21+s12+$0x0], $0xffff  }
0x1f3: {  	v22 =	vld.idx.msk [tilespmem:v22+s13+$0x0], $0xffff  }
0x1f4: {  	v23 =	vld.idx.msk [tilespmem:v23+s12+$0x0], $0xffff  }
0x1f5: {  	v24 =	vld.idx.msk [tilespmem:v24+s13+$0x0], $0xffff  }
0x1f6: {  	(v2sf) =	vpush v17, $0xB;
	_ =	sdelay $0x3  }
0x1f7: {  	v21 =	vmul.f32 v22, v21;
	v22 =	vmul.f32 v24, v23;
	_ =	sdelay $0x1  }
0x1f8: {  	v21 =	vadd.f32 v22, v21;
	_ =	sdelay $0x1  }
0x1f9: {  	(xrf2) =	vadd.scan.msk.f32 $0xffff, v21;
	_ =	sdelay $0x2  }
0x1fa: {  	s19 =	spop (v2sf)  }
0x1fb: {  	s21 =	sand.u32 $0xFFFFF80, s19  }
0x1fc: {  	s20 =	sadd.s32 s1, s21  }
0x1fd: {  	[tilespmem:s22], [sflag:$0x4] =	stream.strided.gather [hbm4b:s20+s12], $0x1000, s3, s12, $0x38;
	[tilespmem:$0x10600] =	vst v63  }
0x1fe: {  	s20 =	spop (v2sf)  }
0x1ff: {  	s28 =	sand.u32 $0xFFFFF80, s20  }
0x200: {  	s28 =	sadd.s32 s2, s28  }
0x201: {  	v21, _, _ =	vpop (xrf2);
	[tilespmem:s11], [sflag:$0x4] =	stream.strided.gather [hbm4b:s28+s12], $0x1000, s3, s12, $0x38;
	[tilespmem:$0x10600] =	vst v63  }
0x202: {  	s23 =	sand.u32 $0x7F, s23;
	_ =	swait.ge [sflag:s26], $0x1000  }
0x203: {  	v23 =	vor.u32 s23, v8;
	s22 =	rddreg [dreg:$0x10];
	[sflag:s26] =	ssyncset.done $0x0  }
0x204: {  	v25 =	vor.u32 s23, v9;
	s24 =	sand.u32 $0x7F, s22;
	[sflag:s26] =	ssyncadd.s32 $0xFFFFF000  }
0x205: {  	v22 =	vor.u32 s24, v8;
	_ =	swait.ge [sflag:s26], $0x1000  }
0x206: {  	v52 =	vor.u32 s24, v9;
	[sflag:s26] =	ssyncset.done $0x0  }
0x207: {  	[sflag:s26] =	ssyncadd.s32 $0xFFFFF000  }
0x208: {  	(v2sf) =	vpush v16, $0xC;
	v23 =	vld.idx.msk [tilespmem:v23+s13+$0x0], $0xffff  }
0x209: {  	v25 =	vld.idx.msk [tilespmem:v25+s13+$0x0], $0xffff  }
0x20a: {  	v22 =	vld.idx.msk [tilespmem:v22+s12+$0x0], $0xffff  }
0x20b: {  	v24 =	vld.idx.msk [tilespmem:v52+s12+$0x0], $0xffff  }
0x20c: {  	(v2sf) =	vpush v17, $0xC;
	_ =	sdelay $0x3  }
0x20d: {  	v22 =	vmul.f32 v23, v22;
	v23 =	vmul.f32 v25, v24;
	_ =	sdelay $0x1  }
0x20e: {  	v22 =	vadd.f32 v23, v22;
	_ =	sdelay $0x1  }
0x20f: {  	(xrf2) =	vadd.scan.msk.f32 $0xffff, v22;
	_ =	sdelay $0x2  }
0x210: {  	s22 =	spop (v2sf)  }
0x211: {  	s25 =	sand.u32 $0xFFFFF80, s22  }
0x212: {  	s26 =	simm.s32 $0x4400;
	s23 =	sadd.s32 s1, s25  }
0x213: {  	[tilespmem:s26], [sflag:$0x5] =	stream.strided.gather [hbm4b:s23+s12], $0x1000, s3, s12, $0x38;
	[tilespmem:$0x10600] =	vst v63  }
0x214: {  	s23 =	spop (v2sf)  }
0x215: {  	s28 =	sand.u32 $0xFFFFF80, s23  }
0x216: {  	s11 =	simm.s32 $0xC400;
	s28 =	sadd.s32 s2, s28  }
0x217: {  	[tilespmem:s11], [sflag:$0x5] =	stream.strided.gather [hbm4b:s28+s12], $0x1000, s3, s12, $0x38;
	v22, _, _ =	vpop (xrf2);
	[tilespmem:$0x10600] =	vst v63  }
0x218: {  	_ =	swait.ge [sflag:s5], $0x1000  }
0x219: {  	s21 =	rddreg [dreg:$0xe]  }
0x21a: {  	s26 =	rddreg [dreg:$0xf];
	s24 =	sand.u32 $0x7F, s21  }
0x21b: {  	[sflag:s5] =	ssyncset.done $0x0;
	s0 =	sand.u32 $0x7F, s26;
	v23 =	vor.u32 s24, v10  }
0x21c: {  	[sflag:s5] =	ssyncadd.s32 $0xFFFFF000;
	v53 =	vor.u32 s0, v10  }
0x21d: {  	_ =	swait.ge [sflag:s5], $0x1000;
	v54 =	vor.u32 s24, v11  }
0x21e: {  	v26 =	vor.u32 s0, v11;
	[sflag:s5] =	ssyncset.done $0x0  }
0x21f: {  	[sflag:s5] =	ssyncadd.s32 $0xFFFFF000  }
0x220: {  	(v2sf) =	vpush v16, $0xD;
	v23 =	vld.idx.msk [tilespmem:v23+s12+$0x0], $0xffff  }
0x221: {  	v24 =	vld.idx.msk [tilespmem:v53+s13+$0x0], $0xffff  }
0x222: {  	v25 =	vld.idx.msk [tilespmem:v54+s12+$0x0], $0xffff  }
0x223: {  	v26 =	vld.idx.msk [tilespmem:v26+s13+$0x0], $0xffff  }
0x224: {  	(v2sf) =	vpush v17, $0xD;
	_ =	sdelay $0x3  }
0x225: {  	v23 =	vmul.f32 v24, v23;
	v55 =	vmul.f32 v26, v25;
	_ =	sdelay $0x1  }
0x226: {  	v23 =	vadd.f32 v55, v23;
	_ =	sdelay $0x1  }
0x227: {  	(xrf2) =	vadd.scan.msk.f32 $0xffff, v23;
	_ =	sdelay $0x2  }
0x228: {  	s25 =	spop (v2sf)  }
0x229: {  	s11 =	sand.u32 $0xFFFFF80, s25  }
0x22a: {  	s21 =	simm.s32 $0x5400;
	s26 =	sadd.s32 s1, s11  }
0x22b: {  	[tilespmem:s21], [sflag:$0x6] =	stream.strided.gather [hbm4b:s26+s12], $0x1000, s3, s12, $0x38;
	[tilespmem:$0x10600] =	vst v63  }
0x22c: {  	s26 =	spop (v2sf)  }
0x22d: {  	s28 =	sand.u32 $0xFFFFF80, s26  }
0x22e: {  	s24 =	simm.s32 $0xD400;
	s28 =	sadd.s32 s2, s28  }
0x22f: {  	[tilespmem:s24], [sflag:$0x6] =	stream.strided.gather [hbm4b:s28+s12], $0x1000, s3, s12, $0x38;
	v23, _, _ =	vpop (xrf2);
	[tilespmem:$0x10600] =	vst v63  }
0x230: {  	_ =	swait.ge [sflag:s6], $0x1000  }
0x231: {  	s5 =	rddreg [dreg:$0xc]  }
0x232: {  	s24 =	rddreg [dreg:$0xd];
	s11 =	sand.u32 $0x7F, s5  }
0x233: {  	[sflag:s6] =	ssyncset.done $0x0;
	s0 =	sand.u32 $0x7F, s24;
	v56 =	vor.u32 s11, v12  }
0x234: {  	[sflag:s6] =	ssyncadd.s32 $0xFFFFF000;
	v57 =	vor.u32 s0, v12  }
0x235: {  	_ =	swait.ge [sflag:s6], $0x1000;
	v58 =	vor.u32 s11, v13  }
0x236: {  	v27 =	vor.u32 s0, v13;
	[sflag:s6] =	ssyncset.done $0x0  }
0x237: {  	[sflag:s6] =	ssyncadd.s32 $0xFFFFF000  }
0x238: {  	(v2sf) =	vpush v16, $0xE;
	v24 =	vld.idx.msk [tilespmem:v56+s12+$0x0], $0xffff  }
0x239: {  	v25 =	vld.idx.msk [tilespmem:v57+s13+$0x0], $0xffff  }
0x23a: {  	v26 =	vld.idx.msk [tilespmem:v58+s12+$0x0], $0xffff  }
0x23b: {  	v27 =	vld.idx.msk [tilespmem:v27+s13+$0x0], $0xffff  }
0x23c: {  	(v2sf) =	vpush v17, $0xE;
	_ =	sdelay $0x3  }
0x23d: {  	v24 =	vmul.f32 v25, v24;
	v59 =	vmul.f32 v27, v26;
	_ =	sdelay $0x1  }
0x23e: {  	v24 =	vadd.f32 v59, v24;
	_ =	sdelay $0x1  }
0x23f: {  	(xrf2) =	vadd.scan.msk.f32 $0xffff, v24;
	_ =	sdelay $0x2  }
0x240: {  	s21 =	spop (v2sf)  }
0x241: {  	s5 =	sand.u32 $0xFFFFF80, s21  }
0x242: {  	s6 =	simm.s32 $0x6400;
	s24 =	sadd.s32 s1, s5  }
0x243: {  	[tilespmem:s6], [sflag:$0x7] =	stream.strided.gather [hbm4b:s24+s12], $0x1000, s3, s12, $0x38;
	[tilespmem:$0x10600] =	vst v63  }
0x244: {  	s24 =	spop (v2sf)  }
0x245: {  	s28 =	sand.u32 $0xFFFFF80, s24  }
0x246: {  	s28 =	sadd.s32 s2, s28  }
0x247: {  	[tilespmem:s15], [sflag:$0x7] =	stream.strided.gather [hbm4b:s28+s12], $0x1000, s3, s12, $0x38;
	v24, _, _ =	vpop (xrf2);
	[tilespmem:$0x10600] =	vst v63  }
0x248: {  	s11 =	sand.u32 $0x7F, s18;
	_ =	swait.ge [sflag:s10], $0x1000  }
0x249: {  	v60 =	vor.u32 s11, v14;
	[sflag:s10] =	ssyncset.done $0x0;
	s18 =	rddreg [dreg:$0xb]  }
0x24a: {  	v62 =	vor.u32 s11, v15;
	s5 =	sand.u32 $0x7F, s18;
	[sflag:s10] =	ssyncadd.s32 $0xFFFFF000  }
0x24b: {  	v61 =	vor.u32 s5, v14;
	_ =	swait.ge [sflag:s10], $0x1000  }
0x24c: {  	v28 =	vor.u32 s5, v15;
	[sflag:s10] =	ssyncset.done $0x0  }
0x24d: {  	[sflag:s10] =	ssyncadd.s32 $0xFFFFF000  }
0x24e: {  	v25 =	vld.idx.msk [tilespmem:v60+s12+$0x0], $0xffff  }
0x24f: {  	v27 =	vld.idx.msk [tilespmem:v62+s12+$0x0], $0xffff  }
0x250: {  	v26 =	vld.idx.msk [tilespmem:v61+s13+$0x0], $0xffff  }
0x251: {  	v28 =	vld.idx.msk [tilespmem:v28+s13+$0x0], $0xffff  }
0x252: {  	(v2sf) =	vpush v16, $0xF;
	_ =	sdelay $0x3  }
0x253: {  	(v2sf) =	vpush v17, $0xF;
	v25 =	vmul.f32 v26, v25;
	v63 =	vmul.f32 v28, v27;
	_ =	sdelay $0x1  }
0x254: {  	v25 =	vadd.f32 v63, v25;
	_ =	sdelay $0x1  }
0x255: {  	(xrf2) =	vadd.scan.msk.f32 $0xffff, v25;
	_ =	sdelay $0x3  }
0x256: {  	v18 =	vbroadcast v18, $0xF  }
0x257: {  	v19 =	vbroadcast v19, $0xF  }
0x258: {  	v18 =	vnsel vm0, $0x0, v18;
	v20 =	vbroadcast v20, $0xF  }
0x259: {  	s8 =	sadd.s32 $0x40, s8;
	v18 =	vsel vm1, v18, v19;
	v19 =	vbroadcast v21, $0xF;
	s15 =	spop (v2sf)  }
0x25a: {  	p0 =	sne.s32 s8, $0x800;
	s29 =	simm.s32 $0x2400;
	v18 =	vsel vm2, v18, v20;
	v20 =	vbroadcast v22, $0xF;
	s6 =	sand.u32 $0xFFFFF80, s15  }
0x25b: {  	s30 =	simm.s32 $0xA400;
	v18 =	vsel vm3, v18, v19;
	v19 =	vbroadcast v23, $0xF;
	s10 =	simm.s32 $0x7400;
	s18 =	sadd.s32 s1, s6  }
0x25c: {  	v18 =	vsel vm4, v18, v20;
	[tilespmem:s10], [sflag:$0x8] =	stream.strided.gather [hbm4b:s18+s12], $0x1000, s3, s12, $0x38;
	v21, _, _ =	vpop (xrf2);
	[tilespmem:$0x10600] =	vst v63  }
.Ltmp3:
0x25d: {  	s31 =	simm.s32 $0xD400;
	v18 =	vsel vm5, v18, v19;
	v20 =	vbroadcast v24, $0xF;
	s18 =	spop (v2sf);
	v19 =	vbroadcast v21, $0xF;
	(pc) =	sbr.rel @!p0 .LBB2_6-.Ltmp3, $4  }
0x25e: {  	s0 =	simm.s32 $0x3400;
	s11 =	simm.s32 $0xF400;
	s28 =	sand.u32 $0xFFFFF80, s18  }
0x25f: {  	s5 =	simm.s32 $0xC400;
	s6 =	simm.s32 $0x5400;
	s28 =	sadd.s32 s2, s28  }
0x260: {  	v18 =	vsel vm6, v18, v20;
	[tilespmem:s11], [sflag:$0x8] =	stream.strided.gather [hbm4b:s28+s12], $0x1000, s3, s12, $0x38;
	[tilespmem:$0x10600] =	vst v63  }
0x261: {  	v20 =	vmov v16;
	s28 =	simm.s32 $0x9400;
	s3 =	simm.s32 $0xB400;
	s11 =	simm.s32 $0x4400;
	v18 =	vsel vm7, v18, v19;
	v19 =	vmov v17  }
.LBB2_2:
0x262: {  	p0 =	sne.s32 s8, $0x0  }
.Ltmp4:
0x263: {  	_ = 	snop;
	(pc) =	sbr.rel @p0 .LBB2_4-.Ltmp4, $4  }
0x264: {  	_ = 	snop  }
0x265: {  	s4 =	sshra.s32 s8, $0x2  }
0x266: {  	v16 =	vld [tilespmem:s4+$0x0]  }
0x267: {  	v17 =	vld [tilespmem:s4+$0x200]  }
0x268: {  	_ =	sdelay $0x2  }
0x269: {  	(v2sf) =	vpush v16, $0x0  }
0x26a: {  	(v2sf) =	vpush v17, $0x0  }
0x26b: {  	(v2sf) =	vpush v16, $0x1  }
0x26c: {  	(v2sf) =	vpush v17, $0x1  }
0x26d: {  	(v2sf) =	vpush v16, $0x2  }
0x26e: {  	(v2sf) =	vpush v17, $0x2  }
0x26f: {  	(v2sf) =	vpush v16, $0x3  }
0x270: {  	(v2sf) =	vpush v17, $0x3  }
0x271: {  	(v2sf) =	vpush v16, $0x4  }
0x272: {  	(v2sf) =	vpush v17, $0x4  }
0x273: {  	(v2sf) =	vpush v16, $0x5  }
0x274: {  	(v2sf) =	vpush v17, $0x5  }
0x275: {  	(v2sf) =	vpush v16, $0x6  }
0x276: {  	(v2sf) =	vpush v17, $0x6  }
0x277: {  	(v2sf) =	vpush v16, $0x7  }
0x278: {  	s9 =	spop (v2sf);
	(v2sf) =	vpush v17, $0x7  }
0x279: {  	s4 =	spop (v2sf)  }
0x27a: {  	s7 =	spop (v2sf)  }
0x27b: {  	s14 =	spop (v2sf)  }
0x27c: {  	s16 =	spop (v2sf)  }
0x27d: {  	s17 =	spop (v2sf)  }
0x27e: {  	s29 =	simm.s32 $0x1400;
	s30 =	simm.s32 $0x9400;
	s19 =	spop (v2sf)  }
0x27f: {  	s31 =	simm.s32 $0x2400;
	s11 =	simm.s32 $0xB400;
	s20 =	spop (v2sf)  }
0x280: {  	s15 =	simm.s32 $0xE400;
	s28 =	simm.s32 $0x1;
	s0 =	spop (v2sf)  }
0x281: {  	s5 =	simm.s32 $0x6;
	s6 =	simm.s32 $0x7;
	s23 =	spop (v2sf)  }
0x282: {  	s10 =	simm.s32 $0x8;
	[dreg:$0x10] =	wrdreg s0;
	s21 =	spop (v2sf)  }
0x283: {  	s3 =	simm.s32 $0x7A1400;
	[dreg:$0xe] =	wrdreg s21;
	s22 =	spop (v2sf)  }
.Ltmp5:
0x284: {  	s0 =	simm.s32 $0xA400;
	s24 =	spop (v2sf);
	(pc) =	sbr.rel .LBB2_5-.Ltmp5, $4  }
0x285: {  	s21 =	simm.s32 $0x3;
	[dreg:$0xf] =	wrdreg s22;
	s25 =	spop (v2sf)  }
0x286: {  	s22 =	simm.s32 $0x3400;
	[dreg:$0xc] =	wrdreg s24;
	s18 =	spop (v2sf)  }
0x287: {  	s24 =	simm.s32 $0x2;
	[dreg:$0xd] =	wrdreg s25;
	s26 =	spop (v2sf)  }
0x288: {  	s25 =	simm.s32 $0x4;
	[dreg:$0xb] =	wrdreg s26;
	s26 =	simm.s32 $0x5  }
.LBB2_7:
0x289: {  	_ =	sfence.sel $0x180000  }
0x28a: {  	[bflag:$0x0] =	sbarrier.arrive $0xFFFF  }
0x28b: {  	_ =	strace $0x90000047  }
0x28c: {  	s0 =	stileid.u32;
	[bflag:$0x2] =	sbarrier.arrive $0xFFFF  }
0x28d: {  	p0 =	sne.s32 s0, $0x0;
	s0 =	rddreg [dreg:$0x5]  }
0x28e: {  	s0 =	sadd.s32 @!p0 $0x100000, s0  }
0x28f: {  	[sflag:s0] =	ssyncadd.tile.s32 @!p0 $0x1;
	_ =	shalt  }
.Lfunc_end2:
_tile_overlayer_lowered:
.L_overlay_start_2:
0x290: {  	(tag) =	ssettag $0x2  }
0x291: {  	s0 =	rddreg [dreg:$0x0];
	s2 =	stileid.u32  }
0x292: {  	s1 =	rddreg [dreg:$0x1];
	p0 =	sne.s32 s2, $0x0  }
0x293: {  	s3 =	rddreg [dreg:$0x2];
	[bflag:$0x3] =	sbarrier.arrive $0xFFFF;
	s2 =	simm.s32 @!p0 $0x1C09  }
0x294: {  	[timem:s3], [sflag:s2] =	dma.local @!p0 [hbm:s0], s1  }
0x295: {  	s0 =	simm.s32 @!p0 $0x9  }
0x296: {  	_ =	swait.ge @!p0 [sflag:s0], s1  }
0x297: {  	s1 =	ssub.s32 @!p0 $0x0, s1;
	[sflag:s0] =	ssyncset.done @!p0 $0x0  }
0x298: {  	[sflag:s0] =	ssyncadd.s32 @!p0 s1  }
0x299: {  	[bflag:$0x3] =	sbarrier.arrive $0xFFFF  }
0x29a: {  	_ =	shalt  }

</sc_bundles>
